<compile_context>
chip_gen: v7x
topology: tpu7x:2x2x1
jax: 0.10.2.dev20260603
libtpu: 0.0.44.dev20260713+nightly
codegen_flags: <defaults>
</compile_context>

<pallas_src>
import functools

import jax
import jax.numpy as jnp
from jax import lax
from jax.experimental import pallas as pl
from jax.experimental.pallas import tpu as pltpu
from jax.experimental.pallas import tpu_sc as plsc

N = 50000
E = 800000
IN_DIM = 128
HS = 64
HOUT = 64

NC = 2
NS = 16
NW = NC * NS

N_PAD = 50176
RPT = N_PAD // NS
E_PAD = 819200
EPT = E_PAD // NW
IRPT = EPT // 128

CHUNK = 512
IDXR = CHUNK // 128
NCH = EPT // CHUNK
TOTCH = E_PAD // CHUNK // NS

K1_C0 = 76
K2_C0 = 84

CH2 = 512
IDXR2 = CH2 // 128
TOTCH2 = E_PAD // CH2 // NS
K2C0 = 84

_f32 = jnp.float32
_i32 = jnp.int32
_mesh = plsc.VectorSubcoreMesh(core_axis_name="c", subcore_axis_name="s",
                               num_cores=NC, num_subcores=NS)


def _mT(a, w):
    return lax.dot_general(a, w, (((1,), (1,)), ((), ())),
                           preferred_element_type=_f32)


@functools.partial(
    pl.kernel,
    out_type=jax.ShapeDtypeStruct((4, NC, N_PAD, 32), _f32),
    mesh=_mesh,
    compiler_params=pltpu.CompilerParams(use_tc_tiling_on_sc=False),
    scratch_types=[
        pltpu.VMEM_SHARED((N_PAD, 32), _f32),
        pltpu.VMEM((IDXR, 128), _i32),
        pltpu.VMEM((IDXR, 128), _i32),
        pltpu.VMEM((CHUNK, 32), _f32),
        pltpu.SemaphoreType.DMA,
    ],
)
def _k1(x0, x1, x2, x3, srci, dsti, zrs, out, acc, sidx, didx, rows, sem):
    c = lax.axis_index("c")
    s = lax.axis_index("s")
    row0 = s * RPT
    nch = jnp.where(c == 0, K1_C0, TOTCH - K1_C0)
    e0 = c * NS * K1_C0 * CHUNK + s * nch * CHUNK
    irow0 = e0 // 128
    xs = (x0, x1, x2, x3)
    for p in range(4):
        pltpu.sync_copy(zrs, acc.at[pl.ds(row0, RPT)])
        plsc.subcore_barrier()

        def chunk(i, carry, p=p):
            rb = irow0 + i * IDXR
            pltpu.sync_copy(srci.at[pl.ds(rb, IDXR)], sidx)
            pltpu.sync_copy(dsti.at[pl.ds(rb, IDXR)], didx)
            cps = [
                pltpu.async_copy(xs[p].at[sidx.at[j]],
                                 rows.at[pl.ds(j * 128, 128)], sem)
                for j in range(IDXR)
            ]
            for cp in cps:
                cp.wait()
            for j in range(IDXR):
                pltpu.sync_copy(rows.at[pl.ds(j * 128, 128)],
                                acc.at[didx.at[j]], add=True)
            return carry

        lax.fori_loop(0, nch, chunk, 0)
        plsc.subcore_barrier()
        pltpu.sync_copy(acc.at[pl.ds(row0, RPT)],
                        out.at[p, c, pl.ds(row0, RPT)])


@functools.partial(
    pl.kernel,
    out_type=(
        jax.ShapeDtypeStruct((E_PAD, 128), _f32),
        jax.ShapeDtypeStruct((E_PAD, 64), _f32),
    ),
    mesh=_mesh,
    compiler_params=pltpu.CompilerParams(use_tc_tiling_on_sc=False),
    scratch_types=[
        pltpu.VMEM((IDXR2, 128), _i32),
        pltpu.VMEM((IDXR2, 128), _i32),
        pltpu.VMEM((CH2, 128), _f32),
        pltpu.VMEM((CH2, 64), _f32),
        pltpu.SemaphoreType.DMA,
    ],
)
def _k2(t1, t2, srci, dsti, gout, aout, sidx, didx, gbuf, abuf, sem):
    c = lax.axis_index("c")
    s = lax.axis_index("s")
    nch = jnp.where(c == 0, K2C0, TOTCH2 - K2C0)
    e0 = c * NS * K2C0 * CH2 + s * nch * CH2
    irow0 = e0 // 128

    def chunk(i, carry):
        rb = irow0 + i * IDXR2
        eb = e0 + i * CH2
        pltpu.sync_copy(srci.at[pl.ds(rb, IDXR2)], sidx)
        pltpu.sync_copy(dsti.at[pl.ds(rb, IDXR2)], didx)
        cps = [
            pltpu.async_copy(t1.at[sidx.at[j]],
                             gbuf.at[pl.ds(j * 128, 128)], sem)
            for j in range(IDXR2)
        ]
        cps += [
            pltpu.async_copy(t2.at[didx.at[j]],
                             abuf.at[pl.ds(j * 128, 128)], sem)
            for j in range(IDXR2)
        ]
        for cp in cps:
            cp.wait()
        pltpu.sync_copy(gbuf, gout.at[pl.ds(eb, CH2)])
        pltpu.sync_copy(abuf, aout.at[pl.ds(eb, CH2)])
        return carry

    lax.fori_loop(0, nch, chunk, 0)


@functools.partial(
    pl.kernel,
    out_type=jax.ShapeDtypeStruct((2, NC, N_PAD, 32), _f32),
    mesh=_mesh,
    compiler_params=pltpu.CompilerParams(use_tc_tiling_on_sc=False),
    scratch_types=[
        pltpu.VMEM_SHARED((N_PAD, 32), _f32),
        pltpu.VMEM((IDXR, 128), _i32),
        pltpu.VMEM((CHUNK, 32), _f32),
    ],
)
def _k3(m0, m1, dsti, zrs, out, acc, didx, rows):
    c = lax.axis_index("c")
    s = lax.axis_index("s")
    w = c * NS + s
    row0 = s * RPT
    irow0 = w * IRPT
    e0 = w * EPT
    ms = (m0, m1)
    for p in range(2):
        pltpu.sync_copy(zrs, acc.at[pl.ds(row0, RPT)])
        plsc.subcore_barrier()

        def chunk(i, carry, p=p):
            rb = irow0 + i * IDXR
            eb = e0 + i * CHUNK
            pltpu.sync_copy(dsti.at[pl.ds(rb, IDXR)], didx)
            pltpu.sync_copy(ms[p].at[pl.ds(eb, CHUNK)], rows)
            for j in range(IDXR):
                pltpu.sync_copy(rows.at[pl.ds(j * 128, 128)],
                                acc.at[didx.at[j]], add=True)
            return carry

        lax.fori_loop(0, NCH, chunk, 0)
        plsc.subcore_barrier()
        pltpu.sync_copy(acc.at[pl.ds(row0, RPT)],
                        out.at[p, c, pl.ds(row0, RPT)])


_TC1_BM = 512


def _tc1_body(sp_ref, x_ref, encKW, KW1, Kb1, KW2, Kb2, KW3, Kb3,
              Wa, ba1, Wb, ba2, DW2, gsrc_ref, a2_ref, dagg_ref):
    sp = sp_ref[...]
    ssum = sp[:, 0] + sp[:, 1]
    S = jnp.concatenate([ssum[0], ssum[1], ssum[2], ssum[3]], axis=1)
    x = x_ref[...]
    q = x[:, :HS]
    h1 = _mT(S[:, HS:], encKW[...])
    t = jnp.tanh(_mT(h1, KW1[...]) + Kb1[...])
    r = jnp.maximum(_mT(t, KW2[...]) + Kb2[...], 0.0)
    nodeE = _mT(r, KW3[...]) + Kb3[...]
    a1 = _mT(q, Wa[...]) + ba1[...]
    a2 = _mT(q, Wb[...]) + ba2[...]
    gsrc_ref[...] = jnp.concatenate([a1, nodeE], axis=1)
    a2_ref[...] = a2
    dagg_ref[...] = _mT(S, DW2[...])


def _full(shape):
    return pl.BlockSpec(shape, lambda i: (0,) * len(shape))


_tc1 = pl.pallas_call(
    _tc1_body,
    grid=(N_PAD // _TC1_BM,),
    in_specs=[
        pl.BlockSpec((4, NC, _TC1_BM, 32), lambda i: (0, 0, i, 0)),
        pl.BlockSpec((_TC1_BM, IN_DIM), lambda i: (i, 0)),
        _full((HS, HS)),
        _full((HOUT, HS)), _full((1, HOUT)),
        _full((HOUT, HOUT)), _full((1, HOUT)),
        _full((HOUT, HOUT)), _full((1, HOUT)),
        _full((HOUT, HS)), _full((1, HOUT)),
        _full((HOUT, HS)), _full((1, HOUT)),
        _full((HS, IN_DIM)),
    ],
    out_specs=[
        pl.BlockSpec((_TC1_BM, IN_DIM), lambda i: (i, 0)),
        pl.BlockSpec((_TC1_BM, HOUT), lambda i: (i, 0)),
        pl.BlockSpec((_TC1_BM, HOUT), lambda i: (i, 0)),
    ],
    out_shape=[
        jax.ShapeDtypeStruct((N_PAD, IN_DIM), _f32),
        jax.ShapeDtypeStruct((N_PAD, HOUT), _f32),
        jax.ShapeDtypeStruct((N_PAD, HOUT), _f32),
    ],
)


_TC2_BM = 4096


def _tc2_body(g_ref, a2_ref, UW2, Ub2, UW3, Ub3, m0_ref, m1_ref):
    g = g_ref[...]
    t = jnp.tanh(g[:, :HS] + a2_ref[...])
    h = jnp.maximum(_mT(t, UW2[...]) + Ub2[...], 0.0)
    ee = _mT(h, UW3[...]) + Ub3[...]
    msg = g[:, HS:] * ee
    m0_ref[...] = msg[:, :32]
    m1_ref[...] = msg[:, 32:]


_tc2 = pl.pallas_call(
    _tc2_body,
    grid=(E_PAD // _TC2_BM,),
    in_specs=[
        pl.BlockSpec((_TC2_BM, 128), lambda i: (i, 0)),
        pl.BlockSpec((_TC2_BM, 64), lambda i: (i, 0)),
        _full((HOUT, HOUT)), _full((1, HOUT)),
        _full((HOUT, HOUT)), _full((1, HOUT)),
    ],
    out_specs=[
        pl.BlockSpec((_TC2_BM, 32), lambda i: (i, 0)),
        pl.BlockSpec((_TC2_BM, 32), lambda i: (i, 0)),
    ],
    out_shape=[
        jax.ShapeDtypeStruct((E_PAD, 32), _f32),
        jax.ShapeDtypeStruct((E_PAD, 32), _f32),
    ],
)


_TC3_BM = 512


def _tc3_body(ep_ref, dagg_ref, HW, Hb, out_ref):
    ep = ep_ref[...]
    en = ep[:, 0] + ep[:, 1]
    E_new = jnp.concatenate([en[0], en[1]], axis=1)
    dH = _mT(E_new, HW[...]) + Hb[...]
    out_ref[...] = jnp.concatenate(
        [dH[:, HS:], -dH[:, :HS] - dagg_ref[...]], axis=1)


_tc3 = pl.pallas_call(
    _tc3_body,
    grid=(pl.cdiv(N, _TC3_BM),),
    in_specs=[
        pl.BlockSpec((2, NC, _TC3_BM, 32), lambda i: (0, 0, i, 0)),
        pl.BlockSpec((_TC3_BM, HOUT), lambda i: (i, 0)),
        _full((IN_DIM, HOUT)),
        _full((1, IN_DIM)),
    ],
    out_specs=pl.BlockSpec((_TC3_BM, IN_DIM), lambda i: (i, 0)),
    out_shape=jax.ShapeDtypeStruct((N, IN_DIM), _f32),
)


def kernel(x, edge_index, encK_W, encK_b, encP1_W, encP1_b, encP2_W, encP2_b,
           K_W1, K_b1, K_W2, K_b2, K_W3, K_b3,
           U_W1, U_b1, U_W2, U_b2, U_W3, U_b3,
           H_W, H_b, D_W, D_b):
    x = x.astype(_f32)
    src = edge_index[0].astype(_i32)
    dst = edge_index[1].astype(_i32)
    pad_id = N_PAD - 1
    srcp = jnp.full((E_PAD,), pad_id, _i32).at[:E].set(src)
    dstp = jnp.full((E_PAD,), pad_id, _i32).at[:E].set(dst)
    srcp = srcp.reshape(E_PAD // 128, 128)
    dstp = dstp.reshape(E_PAD // 128, 128)
    x_pad = jnp.zeros((N_PAD, IN_DIM), _f32).at[:N].set(x)
    xcols = [jnp.asarray(x_pad[:, 32 * p:32 * (p + 1)]) for p in range(4)]
    zrs = jnp.zeros((RPT, 32), _f32)

    Wa = U_W1 @ encP1_W
    Wb = U_W1 @ encP2_W
    ba1 = (encP1_b @ U_W1.T + U_b1).reshape(1, HOUT)
    ba2 = (encP2_b @ U_W1.T).reshape(1, HOUT)
    DW2 = D_W[HS:, :]

    Sp = _k1(xcols[0], xcols[1], xcols[2], xcols[3], srcp, dstp, zrs)
    gsrc, a2n, dagg = _tc1(
        Sp, x_pad, encK_W,
        K_W1, K_b1.reshape(1, HOUT), K_W2, K_b2.reshape(1, HOUT),
        K_W3, K_b3.reshape(1, HOUT), Wa, ba1, Wb, ba2, DW2)
    ge, a2e = _k2(gsrc, a2n, srcp, dstp)
    m0, m1 = _tc2(ge, a2e, U_W2, U_b2.reshape(1, HOUT),
                  U_W3, U_b3.reshape(1, HOUT))
    Ep = _k3(m0, m1, dstp, zrs)
    out = _tc3(Ep, dagg, H_W, H_b.reshape(1, IN_DIM))
    return out

# --- scband reference (transcript-rebuilt; emitter-appended) ---
"""Pipeline reference for scband-port-hnn-split-dgl-43379169689803 (READ-ONLY COPY).

The authoritative reference and input builder live on the scoring server;
editing this copy changes nothing except your own understanding.
"""

import jax, jax.numpy as jnp
import numpy as np

N = 50000
E = 800000
IN_DIM = 128
HS = IN_DIM // 2  # 64
HOUT = 64


def _lin(h, W, b):
    # torch nn.Linear: y = h @ W.T + b, W has shape [out, in]
    return h @ W.T + b


def _mlp(h, W1, b1, W2, b2, W3, b3):
    # Seq(Linear, Tanh, Linear, ReLU, Linear)
    h = jnp.tanh(_lin(h, W1, b1))
    h = jax.nn.relu(_lin(h, W2, b2))
    return _lin(h, W3, b3)


def _forward(x, edge_index, params):
    (encK_W, encK_b, encP1_W, encP1_b, encP2_W, encP2_b,
     K_W1, K_b1, K_W2, K_b2, K_W3, K_b3,
     U_W1, U_b1, U_W2, U_b2, U_W3, U_b3,
     H_W, H_b, D_W, D_b) = params
    src = edge_index[0]
    dst = edge_index[1]
    q = x[:, :HS]
    p = x[:, HS:]
    # getK: encK(p) -> copy_u/sum scatter -> Kfun
    h1 = _lin(p, encK_W, encK_b)
    h1 = jax.ops.segment_sum(h1[src], dst, num_segments=N)
    nodeE = _mlp(h1, K_W1, K_b1, K_W2, K_b2, K_W3, K_b3)
    # getU: u_add_v on edges -> Ufun
    h21 = _lin(q, encP1_W, encP1_b)
    h22 = _lin(q, encP2_W, encP2_b)
    eout = h21[src] + h22[dst]
    edgeE = _mlp(eout, U_W1, U_b1, U_W2, U_b2, U_W3, U_b3)
    # getH: u_mul_e then sum to dst
    msg = nodeE[src] * edgeE
    E_new = jax.ops.segment_sum(msg, dst, num_segments=N)
    # dHdx
    dH = _lin(E_new, H_W, H_b)
    # get_D: D applied to x, take second half, copy_u/sum scatter
    D_dHdx = _lin(x, D_W, D_b)
    d_half = D_dHdx[:, HS:]
    d_agg = jax.ops.segment_sum(d_half[src], dst, num_segments=N)
    d = jnp.concatenate([jnp.zeros((N, HS), dtype=x.dtype), d_agg], axis=-1)
    # J matrix
    M = jnp.eye(IN_DIM, dtype=x.dtype)
    J = jnp.concatenate([M[IN_DIM // 2:], -M[:IN_DIM // 2]], axis=0)
    return dH @ J.T - d


def setup_inputs(seed: int = 0):
    key = jax.random.key(seed)
    ks = jax.random.split(key, 32)
    init_w = 0.1

    def w(i, shape):
        return init_w * jax.random.normal(ks[i], shape, dtype=jnp.float32)

    inp = {
        "x": jax.random.normal(ks[0], (N, IN_DIM), dtype=jnp.float32),
        "edge_index": jax.random.randint(ks[1], (2, E), 0, N),
        "encK_W": w(2, (HS, HS)), "encK_b": jnp.zeros((HS,), jnp.float32),
        "encP1_W": w(3, (HS, HS)), "encP1_b": jnp.zeros((HS,), jnp.float32),
        "encP2_W": w(4, (HS, HS)), "encP2_b": jnp.zeros((HS,), jnp.float32),
        "K_W1": w(5, (HOUT, HS)), "K_b1": jnp.zeros((HOUT,), jnp.float32),
        "K_W2": w(6, (HOUT, HOUT)), "K_b2": jnp.zeros((HOUT,), jnp.float32),
        "K_W3": w(7, (HOUT, HOUT)), "K_b3": jnp.zeros((HOUT,), jnp.float32),
        "U_W1": w(8, (HOUT, HS)), "U_b1": jnp.zeros((HOUT,), jnp.float32),
        "U_W2": w(9, (HOUT, HOUT)), "U_b2": jnp.zeros((HOUT,), jnp.float32),
        "U_W3": w(10, (HOUT, HOUT)), "U_b3": jnp.zeros((HOUT,), jnp.float32),
        "H_W": w(11, (IN_DIM, HOUT)), "H_b": jnp.zeros((IN_DIM,), jnp.float32),
        "D_W": w(12, (IN_DIM, IN_DIM)), "D_b": jnp.zeros((IN_DIM,), jnp.float32),
    }
    return inp


def reference(x, edge_index, encK_W, encK_b, encP1_W, encP1_b, encP2_W, encP2_b,
              K_W1, K_b1, K_W2, K_b2, K_W3, K_b3,
              U_W1, U_b1, U_W2, U_b2, U_W3, U_b3,
              H_W, H_b, D_W, D_b):
    params = (encK_W, encK_b, encP1_W, encP1_b, encP2_W, encP2_b,
              K_W1, K_b1, K_W2, K_b2, K_W3, K_b3,
              U_W1, U_b1, U_W2, U_b2, U_W3, U_b3,
              H_W, H_b, D_W, D_b)
    return _forward(x, edge_index, params)

if __name__ == "__main__":
    import jax
    _d = setup_inputs()
    print(jax.jit(kernel)(*tuple(_d.values())))

</pallas_src>

<mosaic_0001>
#map = affine_map<(d0, d1) -> (0, 0)>
#map1 = affine_map<(d0, d1) -> (0, 0, 0, 0)>
module attributes {stable_mosaic.version = 14 : i64} {
  func.func @_k3(%arg0: i32, %arg1: i32, %arg2: memref<819200x32xf32, #tpu.memory_space<hbm>>, %arg3: memref<819200x32xf32, #tpu.memory_space<hbm>>, %arg4: memref<6400x128xi32, #tpu.memory_space<hbm>>, %arg5: memref<3136x32xf32, #tpu.memory_space<hbm>>, %arg6: memref<2x2x50176x32xf32, #tpu.memory_space<hbm>>, %arg7: memref<50176x32xf32, #tpu.memory_space<vmem_shared>>, %arg8: memref<4x128xi32, #tpu.memory_space<vmem>>, %arg9: memref<512x32xf32, #tpu.memory_space<vmem>>) attributes {dimension_semantics = [#tpu.dimension_semantics<core_parallel>, #tpu.dimension_semantics<subcore_parallel>], iteration_bounds = array<i64: 2, 16>, scalar_prefetch = 0 : i64, scratch_operands = 3 : i64, tpu.core_type = #tpu.core_type<sc_vector_subcore>, window_params = [{transform_indices = #map}, {transform_indices = #map}, {transform_indices = #map}, {transform_indices = #map}, {transform_indices = #map1}]} {
    %mul3A = arith.constant 16 : i32
    %mul3A_0 = arith.muli %arg0, %mul3A : i32
    %add3A = arith.addi %mul3A_0, %arg1 : i32
    %mul3A_1 = arith.constant 3136 : i32
    %mul3A_2 = arith.muli %arg1, %mul3A_1 : i32
    %mul3A_3 = arith.constant 200 : i32
    %mul3A_4 = arith.muli %add3A, %mul3A_3 : i32
    %mul3A_5 = arith.constant 25600 : i32
    %mul3A_6 = arith.muli %add3A, %mul3A_5 : i32
    "tpu.region"() ({
      %run_scoped3A_22 = tpu.sem_alloc : memref<!tpu.dma_semaphore, #tpu.memory_space<semaphore_mem>>
      %dma_start3A = arith.constant 0 : i32
      %dma_start3A_23 = tpu.memref_slice %arg7[%mul3A_2, %dma_start3A] : memref<50176x32xf32, #tpu.memory_space<vmem_shared>> -> memref<3136x32xf32, #tpu.memory_space<vmem_shared>>
      tpu.enqueue_dma source(%arg5 : memref<3136x32xf32, #tpu.memory_space<hbm>>) target(%dma_start3A_23 : memref<3136x32xf32, #tpu.memory_space<vmem_shared>>) target_semaphore(%run_scoped3A_22 : memref<!tpu.dma_semaphore, #tpu.memory_space<semaphore_mem>>)
      %dma_wait3A = arith.constant 0 : i32
      %dma_wait3A_24 = tpu.memref_slice %arg7[%mul3A_2, %dma_wait3A] : memref<50176x32xf32, #tpu.memory_space<vmem_shared>> -> memref<3136x32xf32, #tpu.memory_space<vmem_shared>>
      tpu.wait_dma2 semaphore(%run_scoped3A_22 : memref<!tpu.dma_semaphore, #tpu.memory_space<semaphore_mem>>) src(%arg5 : memref<3136x32xf32, #tpu.memory_space<hbm>>) dst(%dma_wait3A_24 : memref<3136x32xf32, #tpu.memory_space<vmem_shared>>)
      tpu.yield
    }) : () -> ()
    %barrier3A = arith.constant 0 : index
    tpu.barrier barrier_id(%barrier3A)
    %scan3A = arith.constant 0 : i32
    %scan3A_7 = arith.constant 0 : i32
    %scan3A_8 = arith.constant 50 : i32
    %scan3A_9 = arith.addi %scan3A_7, %scan3A_8 : i32
    %scan3A_10 = arith.constant 1 : i32
    scf.for %scan3A_22 = %scan3A_7 to %scan3A_9 step %scan3A_10  : i32 {
      %mul3A_23 = arith.constant 4 : i32
      %mul3A_24 = arith.muli %scan3A_22, %mul3A_23 : i32
      %add3A_25 = arith.addi %mul3A_4, %mul3A_24 : i32
      %mul3A_26 = arith.constant 512 : i32
      %mul3A_27 = arith.muli %scan3A_22, %mul3A_26 : i32
      %add3A_28 = arith.addi %mul3A_6, %mul3A_27 : i32
      "tpu.region"() ({
        %run_scoped3A_33 = tpu.sem_alloc : memref<!tpu.dma_semaphore, #tpu.memory_space<semaphore_mem>>
        %dma_start3A = arith.constant 0 : i32
        %dma_start3A_34 = tpu.memref_slice %arg4[%add3A_25, %dma_start3A] : memref<6400x128xi32, #tpu.memory_space<hbm>> -> memref<4x128xi32, #tpu.memory_space<hbm>>
        %dma_start3A_35 = arith.constant 0 : i32
        %dma_start3A_36 = tpu.memref_slice %arg4[%add3A_25, %dma_start3A_35] : memref<6400x128xi32, #tpu.memory_space<hbm>> -> memref<4x128xi32, #tpu.memory_space<hbm>>
        tpu.enqueue_dma source(%dma_start3A_36 : memref<4x128xi32, #tpu.memory_space<hbm>>) target(%arg8 : memref<4x128xi32, #tpu.memory_space<vmem>>) target_semaphore(%run_scoped3A_33 : memref<!tpu.dma_semaphore, #tpu.memory_space<semaphore_mem>>)
        %dma_wait3A = arith.constant 0 : i32
        %dma_wait3A_37 = tpu.memref_slice %arg4[%add3A_25, %dma_wait3A] : memref<6400x128xi32, #tpu.memory_space<hbm>> -> memref<4x128xi32, #tpu.memory_space<hbm>>
        %dma_wait3A_38 = arith.constant 0 : i32
        %dma_wait3A_39 = tpu.memref_slice %arg4[%add3A_25, %dma_wait3A_38] : memref<6400x128xi32, #tpu.memory_space<hbm>> -> memref<4x128xi32, #tpu.memory_space<hbm>>
        tpu.wait_dma2 semaphore(%run_scoped3A_33 : memref<!tpu.dma_semaphore, #tpu.memory_space<semaphore_mem>>) src(%dma_wait3A_39 : memref<4x128xi32, #tpu.memory_space<hbm>>) dst(%arg8 : memref<4x128xi32, #tpu.memory_space<vmem>>)
        tpu.yield
      }) : () -> ()
      "tpu.region"() ({
        %run_scoped3A_33 = tpu.sem_alloc : memref<!tpu.dma_semaphore, #tpu.memory_space<semaphore_mem>>
        %dma_start3A = arith.constant 0 : i32
        %dma_start3A_34 = tpu.memref_slice %arg2[%add3A_28, %dma_start3A] : memref<819200x32xf32, #tpu.memory_space<hbm>> -> memref<512x32xf32, #tpu.memory_space<hbm>>
        %dma_start3A_35 = arith.constant 0 : i32
        %dma_start3A_36 = tpu.memref_slice %arg2[%add3A_28, %dma_start3A_35] : memref<819200x32xf32, #tpu.memory_space<hbm>> -> memref<512x32xf32, #tpu.memory_space<hbm>>
        tpu.enqueue_dma source(%dma_start3A_36 : memref<512x32xf32, #tpu.memory_space<hbm>>) target(%arg9 : memref<512x32xf32, #tpu.memory_space<vmem>>) target_semaphore(%run_scoped3A_33 : memref<!tpu.dma_semaphore, #tpu.memory_space<semaphore_mem>>)
        %dma_wait3A = arith.constant 0 : i32
        %dma_wait3A_37 = tpu.memref_slice %arg2[%add3A_28, %dma_wait3A] : memref<819200x32xf32, #tpu.memory_space<hbm>> -> memref<512x32xf32, #tpu.memory_space<hbm>>
        %dma_wait3A_38 = arith.constant 0 : i32
        %dma_wait3A_39 = tpu.memref_slice %arg2[%add3A_28, %dma_wait3A_38] : memref<819200x32xf32, #tpu.memory_space<hbm>> -> memref<512x32xf32, #tpu.memory_space<hbm>>
        tpu.wait_dma2 semaphore(%run_scoped3A_33 : memref<!tpu.dma_semaphore, #tpu.memory_space<semaphore_mem>>) src(%dma_wait3A_39 : memref<512x32xf32, #tpu.memory_space<hbm>>) dst(%arg9 : memref<512x32xf32, #tpu.memory_space<vmem>>)
        tpu.yield
      }) : () -> ()
      %run_scoped3A_29 = arith.constant 0 : i32
      "tpu.region"() ({
        %run_scoped3A_33 = tpu.sem_alloc : memref<!tpu.dma_semaphore, #tpu.memory_space<semaphore_mem>>
        %dma_start3A = arith.constant 0 : i32
        %dma_start3A_34 = arith.constant 0 : i32
        %dma_start3A_35 = tpu.memref_slice %arg9[%dma_start3A, %dma_start3A_34] : memref<512x32xf32, #tpu.memory_space<vmem>> -> memref<128x32xf32, #tpu.memory_space<vmem>>
        %dma_start3A_36 = arith.constant 0 : i32
        %dma_start3A_37 = tpu.memref_slice %arg8[%run_scoped3A_29, %dma_start3A_36] : memref<4x128xi32, #tpu.memory_space<vmem>> -> memref<1x128xi32, #tpu.memory_space<vmem>>
        %dma_start3A_38 = tpu.memref_squeeze %dma_start3A_37 : memref<1x128xi32, #tpu.memory_space<vmem>> -> memref<128xi32, #tpu.memory_space<vmem>>
        %dma_start3A_39 = arith.constant 0 : i32
        %dma_start3A_40 = arith.constant 0 : i32
        %dma_start3A_41 = tpu.memref_slice %arg7[%dma_start3A_39, %dma_start3A_40] : memref<50176x32xf32, #tpu.memory_space<vmem_shared>> -> memref<50176x32xf32, #tpu.memory_space<vmem_shared>>
        tpu.enqueue_indirect_dma source(%dma_start3A_35 : memref<128x32xf32, #tpu.memory_space<vmem>>) target(%dma_start3A_41 : memref<50176x32xf32, #tpu.memory_space<vmem_shared>>) offsets(%dma_start3A_38 : memref<128xi32, #tpu.memory_space<vmem>>) semaphore(%run_scoped3A_33 : memref<!tpu.dma_semaphore, #tpu.memory_space<semaphore_mem>>) {add = true}
        %dma_wait3A = arith.constant 0 : i32
        %dma_wait3A_42 = arith.constant 0 : i32
        %dma_wait3A_43 = tpu.memref_slice %arg9[%dma_wait3A, %dma_wait3A_42] : memref<512x32xf32, #tpu.memory_space<vmem>> -> memref<128x32xf32, #tpu.memory_space<vmem>>
        %dma_wait3A_44 = arith.constant 0 : i32
        %dma_wait3A_45 = tpu.memref_slice %arg8[%run_scoped3A_29, %dma_wait3A_44] : memref<4x128xi32, #tpu.memory_space<vmem>> -> memref<1x128xi32, #tpu.memory_space<vmem>>
        %dma_wait3A_46 = tpu.memref_squeeze %dma_wait3A_45 : memref<1x128xi32, #tpu.memory_space<vmem>> -> memref<128xi32, #tpu.memory_space<vmem>>
        %dma_wait3A_47 = arith.constant 0 : i32
        %dma_wait3A_48 = arith.constant 0 : i32
        %dma_wait3A_49 = tpu.memref_slice %arg7[%dma_wait3A_47, %dma_wait3A_48] : memref<50176x32xf32, #tpu.memory_space<vmem_shared>> -> memref<50176x32xf32, #tpu.memory_space<vmem_shared>>
        tpu.wait_indirect_dma semaphore(%run_scoped3A_33 : memref<!tpu.dma_semaphore, #tpu.memory_space<semaphore_mem>>) src(%dma_wait3A_43 : memref<128x32xf32, #tpu.memory_space<vmem>>) dst(%dma_wait3A_49 : memref<50176x32xf32, #tpu.memory_space<vmem_shared>>)
        tpu.yield
      }) : () -> ()
      %run_scoped3A_30 = arith.constant 1 : i32
      "tpu.region"() ({
        %run_scoped3A_33 = tpu.sem_alloc : memref<!tpu.dma_semaphore, #tpu.memory_space<semaphore_mem>>
        %dma_start3A = arith.constant 128 : i32
        %dma_start3A_34 = arith.constant 0 : i32
        %dma_start3A_35 = tpu.memref_slice %arg9[%dma_start3A, %dma_start3A_34] : memref<512x32xf32, #tpu.memory_space<vmem>> -> memref<128x32xf32, #tpu.memory_space<vmem>>
        %dma_start3A_36 = arith.constant 0 : i32
        %dma_start3A_37 = tpu.memref_slice %arg8[%run_scoped3A_30, %dma_start3A_36] : memref<4x128xi32, #tpu.memory_space<vmem>> -> memref<1x128xi32, #tpu.memory_space<vmem>>
        %dma_start3A_38 = tpu.memref_squeeze %dma_start3A_37 : memref<1x128xi32, #tpu.memory_space<vmem>> -> memref<128xi32, #tpu.memory_space<vmem>>
        %dma_start3A_39 = arith.constant 0 : i32
        %dma_start3A_40 = arith.constant 0 : i32
        %dma_start3A_41 = tpu.memref_slice %arg7[%dma_start3A_39, %dma_start3A_40] : memref<50176x32xf32, #tpu.memory_space<vmem_shared>> -> memref<50176x32xf32, #tpu.memory_space<vmem_shared>>
        tpu.enqueue_indirect_dma source(%dma_start3A_35 : memref<128x32xf32, #tpu.memory_space<vmem>>) target(%dma_start3A_41 : memref<50176x32xf32, #tpu.memory_space<vmem_shared>>) offsets(%dma_start3A_38 : memref<128xi32, #tpu.memory_space<vmem>>) semaphore(%run_scoped3A_33 : memref<!tpu.dma_semaphore, #tpu.memory_space<semaphore_mem>>) {add = true}
        %dma_wait3A = arith.constant 128 : i32
        %dma_wait3A_42 = arith.constant 0 : i32
        %dma_wait3A_43 = tpu.memref_slice %arg9[%dma_wait3A, %dma_wait3A_42] : memref<512x32xf32, #tpu.memory_space<vmem>> -> memref<128x32xf32, #tpu.memory_space<vmem>>
        %dma_wait3A_44 = arith.constant 0 : i32
        %dma_wait3A_45 = tpu.memref_slice %arg8[%run_scoped3A_30, %dma_wait3A_44] : memref<4x128xi32, #tpu.memory_space<vmem>> -> memref<1x128xi32, #tpu.memory_space<vmem>>
        %dma_wait3A_46 = tpu.memref_squeeze %dma_wait3A_45 : memref<1x128xi32, #tpu.memory_space<vmem>> -> memref<128xi32, #tpu.memory_space<vmem>>
        %dma_wait3A_47 = arith.constant 0 : i32
        %dma_wait3A_48 = arith.constant 0 : i32
        %dma_wait3A_49 = tpu.memref_slice %arg7[%dma_wait3A_47, %dma_wait3A_48] : memref<50176x32xf32, #tpu.memory_space<vmem_shared>> -> memref<50176x32xf32, #tpu.memory_space<vmem_shared>>
        tpu.wait_indirect_dma semaphore(%run_scoped3A_33 : memref<!tpu.dma_semaphore, #tpu.memory_space<semaphore_mem>>) src(%dma_wait3A_43 : memref<128x32xf32, #tpu.memory_space<vmem>>) dst(%dma_wait3A_49 : memref<50176x32xf32, #tpu.memory_space<vmem_shared>>)
        tpu.yield
      }) : () -> ()
      %run_scoped3A_31 = arith.constant 2 : i32
      "tpu.region"() ({
        %run_scoped3A_33 = tpu.sem_alloc : memref<!tpu.dma_semaphore, #tpu.memory_space<semaphore_mem>>
        %dma_start3A = arith.constant 256 : i32
        %dma_start3A_34 = arith.constant 0 : i32
        %dma_start3A_35 = tpu.memref_slice %arg9[%dma_start3A, %dma_start3A_34] : memref<512x32xf32, #tpu.memory_space<vmem>> -> memref<128x32xf32, #tpu.memory_space<vmem>>
        %dma_start3A_36 = arith.constant 0 : i32
        %dma_start3A_37 = tpu.memref_slice %arg8[%run_scoped3A_31, %dma_start3A_36] : memref<4x128xi32, #tpu.memory_space<vmem>> -> memref<1x128xi32, #tpu.memory_space<vmem>>
        %dma_start3A_38 = tpu.memref_squeeze %dma_start3A_37 : memref<1x128xi32, #tpu.memory_space<vmem>> -> memref<128xi32, #tpu.memory_space<vmem>>
        %dma_start3A_39 = arith.constant 0 : i32
        %dma_start3A_40 = arith.constant 0 : i32
        %dma_start3A_41 = tpu.memref_slice %arg7[%dma_start3A_39, %dma_start3A_40] : memref<50176x32xf32, #tpu.memory_space<vmem_shared>> -> memref<50176x32xf32, #tpu.memory_space<vmem_shared>>
        tpu.enqueue_indirect_dma source(%dma_start3A_35 : memref<128x32xf32, #tpu.memory_space<vmem>>) target(%dma_start3A_41 : memref<50176x32xf32, #tpu.memory_space<vmem_shared>>) offsets(%dma_start3A_38 : memref<128xi32, #tpu.memory_space<vmem>>) semaphore(%run_scoped3A_33 : memref<!tpu.dma_semaphore, #tpu.memory_space<semaphore_mem>>) {add = true}
        %dma_wait3A = arith.constant 256 : i32
        %dma_wait3A_42 = arith.constant 0 : i32
        %dma_wait3A_43 = tpu.memref_slice %arg9[%dma_wait3A, %dma_wait3A_42] : memref<512x32xf32, #tpu.memory_space<vmem>> -> memref<128x32xf32, #tpu.memory_space<vmem>>
        %dma_wait3A_44 = arith.constant 0 : i32
        %dma_wait3A_45 = tpu.memref_slice %arg8[%run_scoped3A_31, %dma_wait3A_44] : memref<4x128xi32, #tpu.memory_space<vmem>> -> memref<1x128xi32, #tpu.memory_space<vmem>>
        %dma_wait3A_46 = tpu.memref_squeeze %dma_wait3A_45 : memref<1x128xi32, #tpu.memory_space<vmem>> -> memref<128xi32, #tpu.memory_space<vmem>>
        %dma_wait3A_47 = arith.constant 0 : i32
        %dma_wait3A_48 = arith.constant 0 : i32
        %dma_wait3A_49 = tpu.memref_slice %arg7[%dma_wait3A_47, %dma_wait3A_48] : memref<50176x32xf32, #tpu.memory_space<vmem_shared>> -> memref<50176x32xf32, #tpu.memory_space<vmem_shared>>
        tpu.wait_indirect_dma semaphore(%run_scoped3A_33 : memref<!tpu.dma_semaphore, #tpu.memory_space<semaphore_mem>>) src(%dma_wait3A_43 : memref<128x32xf32, #tpu.memory_space<vmem>>) dst(%dma_wait3A_49 : memref<50176x32xf32, #tpu.memory_space<vmem_shared>>)
        tpu.yield
      }) : () -> ()
      %run_scoped3A_32 = arith.constant 3 : i32
      "tpu.region"() ({
        %run_scoped3A_33 = tpu.sem_alloc : memref<!tpu.dma_semaphore, #tpu.memory_space<semaphore_mem>>
        %dma_start3A = arith.constant 384 : i32
        %dma_start3A_34 = arith.constant 0 : i32
        %dma_start3A_35 = tpu.memref_slice %arg9[%dma_start3A, %dma_start3A_34] : memref<512x32xf32, #tpu.memory_space<vmem>> -> memref<128x32xf32, #tpu.memory_space<vmem>>
        %dma_start3A_36 = arith.constant 0 : i32
        %dma_start3A_37 = tpu.memref_slice %arg8[%run_scoped3A_32, %dma_start3A_36] : memref<4x128xi32, #tpu.memory_space<vmem>> -> memref<1x128xi32, #tpu.memory_space<vmem>>
        %dma_start3A_38 = tpu.memref_squeeze %dma_start3A_37 : memref<1x128xi32, #tpu.memory_space<vmem>> -> memref<128xi32, #tpu.memory_space<vmem>>
        %dma_start3A_39 = arith.constant 0 : i32
        %dma_start3A_40 = arith.constant 0 : i32
        %dma_start3A_41 = tpu.memref_slice %arg7[%dma_start3A_39, %dma_start3A_40] : memref<50176x32xf32, #tpu.memory_space<vmem_shared>> -> memref<50176x32xf32, #tpu.memory_space<vmem_shared>>
        tpu.enqueue_indirect_dma source(%dma_start3A_35 : memref<128x32xf32, #tpu.memory_space<vmem>>) target(%dma_start3A_41 : memref<50176x32xf32, #tpu.memory_space<vmem_shared>>) offsets(%dma_start3A_38 : memref<128xi32, #tpu.memory_space<vmem>>) semaphore(%run_scoped3A_33 : memref<!tpu.dma_semaphore, #tpu.memory_space<semaphore_mem>>) {add = true}
        %dma_wait3A = arith.constant 384 : i32
        %dma_wait3A_42 = arith.constant 0 : i32
        %dma_wait3A_43 = tpu.memref_slice %arg9[%dma_wait3A, %dma_wait3A_42] : memref<512x32xf32, #tpu.memory_space<vmem>> -> memref<128x32xf32, #tpu.memory_space<vmem>>
        %dma_wait3A_44 = arith.constant 0 : i32
        %dma_wait3A_45 = tpu.memref_slice %arg8[%run_scoped3A_32, %dma_wait3A_44] : memref<4x128xi32, #tpu.memory_space<vmem>> -> memref<1x128xi32, #tpu.memory_space<vmem>>
        %dma_wait3A_46 = tpu.memref_squeeze %dma_wait3A_45 : memref<1x128xi32, #tpu.memory_space<vmem>> -> memref<128xi32, #tpu.memory_space<vmem>>
        %dma_wait3A_47 = arith.constant 0 : i32
        %dma_wait3A_48 = arith.constant 0 : i32
        %dma_wait3A_49 = tpu.memref_slice %arg7[%dma_wait3A_47, %dma_wait3A_48] : memref<50176x32xf32, #tpu.memory_space<vmem_shared>> -> memref<50176x32xf32, #tpu.memory_space<vmem_shared>>
        tpu.wait_indirect_dma semaphore(%run_scoped3A_33 : memref<!tpu.dma_semaphore, #tpu.memory_space<semaphore_mem>>) src(%dma_wait3A_43 : memref<128x32xf32, #tpu.memory_space<vmem>>) dst(%dma_wait3A_49 : memref<50176x32xf32, #tpu.memory_space<vmem_shared>>)
        tpu.yield
      }) : () -> ()
    }
    %scan3A_11 = arith.constant 50 : i32
    %barrier3A_12 = arith.constant 0 : index
    tpu.barrier barrier_id(%barrier3A_12)
    %run_scoped3A = arith.constant 0 : i32
    "tpu.region"() ({
      %run_scoped3A_22 = tpu.sem_alloc : memref<!tpu.dma_semaphore, #tpu.memory_space<semaphore_mem>>
      %dma_start3A = arith.constant 0 : i32
      %dma_start3A_23 = tpu.memref_slice %arg6[%run_scoped3A, %arg0, %mul3A_2, %dma_start3A] : memref<2x2x50176x32xf32, #tpu.memory_space<hbm>> -> memref<1x1x3136x32xf32, #tpu.memory_space<hbm>>
      %dma_start3A_24 = tpu.memref_squeeze %dma_start3A_23 : memref<1x1x3136x32xf32, #tpu.memory_space<hbm>> -> memref<3136x32xf32, #tpu.memory_space<hbm>>
      %dma_start3A_25 = arith.constant 0 : i32
      %dma_start3A_26 = tpu.memref_slice %arg7[%mul3A_2, %dma_start3A_25] : memref<50176x32xf32, #tpu.memory_space<vmem_shared>> -> memref<3136x32xf32, #tpu.memory_space<vmem_shared>>
      tpu.enqueue_dma source(%dma_start3A_26 : memref<3136x32xf32, #tpu.memory_space<vmem_shared>>) target(%dma_start3A_24 : memref<3136x32xf32, #tpu.memory_space<hbm>>) target_semaphore(%run_scoped3A_22 : memref<!tpu.dma_semaphore, #tpu.memory_space<semaphore_mem>>)
      %dma_wait3A = arith.constant 0 : i32
      %dma_wait3A_27 = tpu.memref_slice %arg6[%run_scoped3A, %arg0, %mul3A_2, %dma_wait3A] : memref<2x2x50176x32xf32, #tpu.memory_space<hbm>> -> memref<1x1x3136x32xf32, #tpu.memory_space<hbm>>
      %dma_wait3A_28 = tpu.memref_squeeze %dma_wait3A_27 : memref<1x1x3136x32xf32, #tpu.memory_space<hbm>> -> memref<3136x32xf32, #tpu.memory_space<hbm>>
      %dma_wait3A_29 = arith.constant 0 : i32
      %dma_wait3A_30 = tpu.memref_slice %arg7[%mul3A_2, %dma_wait3A_29] : memref<50176x32xf32, #tpu.memory_space<vmem_shared>> -> memref<3136x32xf32, #tpu.memory_space<vmem_shared>>
      tpu.wait_dma2 semaphore(%run_scoped3A_22 : memref<!tpu.dma_semaphore, #tpu.memory_space<semaphore_mem>>) src(%dma_wait3A_30 : memref<3136x32xf32, #tpu.memory_space<vmem_shared>>) dst(%dma_wait3A_28 : memref<3136x32xf32, #tpu.memory_space<hbm>>)
      tpu.yield
    }) : () -> ()
    "tpu.region"() ({
      %run_scoped3A_22 = tpu.sem_alloc : memref<!tpu.dma_semaphore, #tpu.memory_space<semaphore_mem>>
      %dma_start3A = arith.constant 0 : i32
      %dma_start3A_23 = tpu.memref_slice %arg7[%mul3A_2, %dma_start3A] : memref<50176x32xf32, #tpu.memory_space<vmem_shared>> -> memref<3136x32xf32, #tpu.memory_space<vmem_shared>>
      tpu.enqueue_dma source(%arg5 : memref<3136x32xf32, #tpu.memory_space<hbm>>) target(%dma_start3A_23 : memref<3136x32xf32, #tpu.memory_space<vmem_shared>>) target_semaphore(%run_scoped3A_22 : memref<!tpu.dma_semaphore, #tpu.memory_space<semaphore_mem>>)
      %dma_wait3A = arith.constant 0 : i32
      %dma_wait3A_24 = tpu.memref_slice %arg7[%mul3A_2, %dma_wait3A] : memref<50176x32xf32, #tpu.memory_space<vmem_shared>> -> memref<3136x32xf32, #tpu.memory_space<vmem_shared>>
      tpu.wait_dma2 semaphore(%run_scoped3A_22 : memref<!tpu.dma_semaphore, #tpu.memory_space<semaphore_mem>>) src(%arg5 : memref<3136x32xf32, #tpu.memory_space<hbm>>) dst(%dma_wait3A_24 : memref<3136x32xf32, #tpu.memory_space<vmem_shared>>)
      tpu.yield
    }) : () -> ()
    %barrier3A_13 = arith.constant 0 : index
    tpu.barrier barrier_id(%barrier3A_13)
    %scan3A_14 = arith.constant 0 : i32
    %scan3A_15 = arith.constant 0 : i32
    %scan3A_16 = arith.constant 50 : i32
    %scan3A_17 = arith.addi %scan3A_15, %scan3A_16 : i32
    %scan3A_18 = arith.constant 1 : i32
    scf.for %scan3A_22 = %scan3A_15 to %scan3A_17 step %scan3A_18  : i32 {
      %mul3A_23 = arith.constant 4 : i32
      %mul3A_24 = arith.muli %scan3A_22, %mul3A_23 : i32
      %add3A_25 = arith.addi %mul3A_4, %mul3A_24 : i32
      %mul3A_26 = arith.constant 512 : i32
      %mul3A_27 = arith.muli %scan3A_22, %mul3A_26 : i32
      %add3A_28 = arith.addi %mul3A_6, %mul3A_27 : i32
      "tpu.region"() ({
        %run_scoped3A_33 = tpu.sem_alloc : memref<!tpu.dma_semaphore, #tpu.memory_space<semaphore_mem>>
        %dma_start3A = arith.constant 0 : i32
        %dma_start3A_34 = tpu.memref_slice %arg4[%add3A_25, %dma_start3A] : memref<6400x128xi32, #tpu.memory_space<hbm>> -> memref<4x128xi32, #tpu.memory_space<hbm>>
        %dma_start3A_35 = arith.constant 0 : i32
        %dma_start3A_36 = tpu.memref_slice %arg4[%add3A_25, %dma_start3A_35] : memref<6400x128xi32, #tpu.memory_space<hbm>> -> memref<4x128xi32, #tpu.memory_space<hbm>>
        tpu.enqueue_dma source(%dma_start3A_36 : memref<4x128xi32, #tpu.memory_space<hbm>>) target(%arg8 : memref<4x128xi32, #tpu.memory_space<vmem>>) target_semaphore(%run_scoped3A_33 : memref<!tpu.dma_semaphore, #tpu.memory_space<semaphore_mem>>)
        %dma_wait3A = arith.constant 0 : i32
        %dma_wait3A_37 = tpu.memref_slice %arg4[%add3A_25, %dma_wait3A] : memref<6400x128xi32, #tpu.memory_space<hbm>> -> memref<4x128xi32, #tpu.memory_space<hbm>>
        %dma_wait3A_38 = arith.constant 0 : i32
        %dma_wait3A_39 = tpu.memref_slice %arg4[%add3A_25, %dma_wait3A_38] : memref<6400x128xi32, #tpu.memory_space<hbm>> -> memref<4x128xi32, #tpu.memory_space<hbm>>
        tpu.wait_dma2 semaphore(%run_scoped3A_33 : memref<!tpu.dma_semaphore, #tpu.memory_space<semaphore_mem>>) src(%dma_wait3A_39 : memref<4x128xi32, #tpu.memory_space<hbm>>) dst(%arg8 : memref<4x128xi32, #tpu.memory_space<vmem>>)
        tpu.yield
      }) : () -> ()
      "tpu.region"() ({
        %run_scoped3A_33 = tpu.sem_alloc : memref<!tpu.dma_semaphore, #tpu.memory_space<semaphore_mem>>
        %dma_start3A = arith.constant 0 : i32
        %dma_start3A_34 = tpu.memref_slice %arg3[%add3A_28, %dma_start3A] : memref<819200x32xf32, #tpu.memory_space<hbm>> -> memref<512x32xf32, #tpu.memory_space<hbm>>
        %dma_start3A_35 = arith.constant 0 : i32
        %dma_start3A_36 = tpu.memref_slice %arg3[%add3A_28, %dma_start3A_35] : memref<819200x32xf32, #tpu.memory_space<hbm>> -> memref<512x32xf32, #tpu.memory_space<hbm>>
        tpu.enqueue_dma source(%dma_start3A_36 : memref<512x32xf32, #tpu.memory_space<hbm>>) target(%arg9 : memref<512x32xf32, #tpu.memory_space<vmem>>) target_semaphore(%run_scoped3A_33 : memref<!tpu.dma_semaphore, #tpu.memory_space<semaphore_mem>>)
        %dma_wait3A = arith.constant 0 : i32
        %dma_wait3A_37 = tpu.memref_slice %arg3[%add3A_28, %dma_wait3A] : memref<819200x32xf32, #tpu.memory_space<hbm>> -> memref<512x32xf32, #tpu.memory_space<hbm>>
        %dma_wait3A_38 = arith.constant 0 : i32
        %dma_wait3A_39 = tpu.memref_slice %arg3[%add3A_28, %dma_wait3A_38] : memref<819200x32xf32, #tpu.memory_space<hbm>> -> memref<512x32xf32, #tpu.memory_space<hbm>>
        tpu.wait_dma2 semaphore(%run_scoped3A_33 : memref<!tpu.dma_semaphore, #tpu.memory_space<semaphore_mem>>) src(%dma_wait3A_39 : memref<512x32xf32, #tpu.memory_space<hbm>>) dst(%arg9 : memref<512x32xf32, #tpu.memory_space<vmem>>)
        tpu.yield
      }) : () -> ()
      %run_scoped3A_29 = arith.constant 0 : i32
      "tpu.region"() ({
        %run_scoped3A_33 = tpu.sem_alloc : memref<!tpu.dma_semaphore, #tpu.memory_space<semaphore_mem>>
        %dma_start3A = arith.constant 0 : i32
        %dma_start3A_34 = arith.constant 0 : i32
        %dma_start3A_35 = tpu.memref_slice %arg9[%dma_start3A, %dma_start3A_34] : memref<512x32xf32, #tpu.memory_space<vmem>> -> memref<128x32xf32, #tpu.memory_space<vmem>>
        %dma_start3A_36 = arith.constant 0 : i32
        %dma_start3A_37 = tpu.memref_slice %arg8[%run_scoped3A_29, %dma_start3A_36] : memref<4x128xi32, #tpu.memory_space<vmem>> -> memref<1x128xi32, #tpu.memory_space<vmem>>
        %dma_start3A_38 = tpu.memref_squeeze %dma_start3A_37 : memref<1x128xi32, #tpu.memory_space<vmem>> -> memref<128xi32, #tpu.memory_space<vmem>>
        %dma_start3A_39 = arith.constant 0 : i32
        %dma_start3A_40 = arith.constant 0 : i32
        %dma_start3A_41 = tpu.memref_slice %arg7[%dma_start3A_39, %dma_start3A_40] : memref<50176x32xf32, #tpu.memory_space<vmem_shared>> -> memref<50176x32xf32, #tpu.memory_space<vmem_shared>>
        tpu.enqueue_indirect_dma source(%dma_start3A_35 : memref<128x32xf32, #tpu.memory_space<vmem>>) target(%dma_start3A_41 : memref<50176x32xf32, #tpu.memory_space<vmem_shared>>) offsets(%dma_start3A_38 : memref<128xi32, #tpu.memory_space<vmem>>) semaphore(%run_scoped3A_33 : memref<!tpu.dma_semaphore, #tpu.memory_space<semaphore_mem>>) {add = true}
        %dma_wait3A = arith.constant 0 : i32
        %dma_wait3A_42 = arith.constant 0 : i32
        %dma_wait3A_43 = tpu.memref_slice %arg9[%dma_wait3A, %dma_wait3A_42] : memref<512x32xf32, #tpu.memory_space<vmem>> -> memref<128x32xf32, #tpu.memory_space<vmem>>
        %dma_wait3A_44 = arith.constant 0 : i32
        %dma_wait3A_45 = tpu.memref_slice %arg8[%run_scoped3A_29, %dma_wait3A_44] : memref<4x128xi32, #tpu.memory_space<vmem>> -> memref<1x128xi32, #tpu.memory_space<vmem>>
        %dma_wait3A_46 = tpu.memref_squeeze %dma_wait3A_45 : memref<1x128xi32, #tpu.memory_space<vmem>> -> memref<128xi32, #tpu.memory_space<vmem>>
        %dma_wait3A_47 = arith.constant 0 : i32
        %dma_wait3A_48 = arith.constant 0 : i32
        %dma_wait3A_49 = tpu.memref_slice %arg7[%dma_wait3A_47, %dma_wait3A_48] : memref<50176x32xf32, #tpu.memory_space<vmem_shared>> -> memref<50176x32xf32, #tpu.memory_space<vmem_shared>>
        tpu.wait_indirect_dma semaphore(%run_scoped3A_33 : memref<!tpu.dma_semaphore, #tpu.memory_space<semaphore_mem>>) src(%dma_wait3A_43 : memref<128x32xf32, #tpu.memory_space<vmem>>) dst(%dma_wait3A_49 : memref<50176x32xf32, #tpu.memory_space<vmem_shared>>)
        tpu.yield
      }) : () -> ()
      %run_scoped3A_30 = arith.constant 1 : i32
      "tpu.region"() ({
        %run_scoped3A_33 = tpu.sem_alloc : memref<!tpu.dma_semaphore, #tpu.memory_space<semaphore_mem>>
        %dma_start3A = arith.constant 128 : i32
        %dma_start3A_34 = arith.constant 0 : i32
        %dma_start3A_35 = tpu.memref_slice %arg9[%dma_start3A, %dma_start3A_34] : memref<512x32xf32, #tpu.memory_space<vmem>> -> memref<128x32xf32, #tpu.memory_space<vmem>>
        %dma_start3A_36 = arith.constant 0 : i32
        %dma_start3A_37 = tpu.memref_slice %arg8[%run_scoped3A_30, %dma_start3A_36] : memref<4x128xi32, #tpu.memory_space<vmem>> -> memref<1x128xi32, #tpu.memory_space<vmem>>
        %dma_start3A_38 = tpu.memref_squeeze %dma_start3A_37 : memref<1x128xi32, #tpu.memory_space<vmem>> -> memref<128xi32, #tpu.memory_space<vmem>>
        %dma_start3A_39 = arith.constant 0 : i32
        %dma_start3A_40 = arith.constant 0 : i32
        %dma_start3A_41 = tpu.memref_slice %arg7[%dma_start3A_39, %dma_start3A_40] : memref<50176x32xf32, #tpu.memory_space<vmem_shared>> -> memref<50176x32xf32, #tpu.memory_space<vmem_shared>>
        tpu.enqueue_indirect_dma source(%dma_start3A_35 : memref<128x32xf32, #tpu.memory_space<vmem>>) target(%dma_start3A_41 : memref<50176x32xf32, #tpu.memory_space<vmem_shared>>) offsets(%dma_start3A_38 : memref<128xi32, #tpu.memory_space<vmem>>) semaphore(%run_scoped3A_33 : memref<!tpu.dma_semaphore, #tpu.memory_space<semaphore_mem>>) {add = true}
        %dma_wait3A = arith.constant 128 : i32
        %dma_wait3A_42 = arith.constant 0 : i32
        %dma_wait3A_43 = tpu.memref_slice %arg9[%dma_wait3A, %dma_wait3A_42] : memref<512x32xf32, #tpu.memory_space<vmem>> -> memref<128x32xf32, #tpu.memory_space<vmem>>
        %dma_wait3A_44 = arith.constant 0 : i32
        %dma_wait3A_45 = tpu.memref_slice %arg8[%run_scoped3A_30, %dma_wait3A_44] : memref<4x128xi32, #tpu.memory_space<vmem>> -> memref<1x128xi32, #tpu.memory_space<vmem>>
        %dma_wait3A_46 = tpu.memref_squeeze %dma_wait3A_45 : memref<1x128xi32, #tpu.memory_space<vmem>> -> memref<128xi32, #tpu.memory_space<vmem>>
        %dma_wait3A_47 = arith.constant 0 : i32
        %dma_wait3A_48 = arith.constant 0 : i32
        %dma_wait3A_49 = tpu.memref_slice %arg7[%dma_wait3A_47, %dma_wait3A_48] : memref<50176x32xf32, #tpu.memory_space<vmem_shared>> -> memref<50176x32xf32, #tpu.memory_space<vmem_shared>>
        tpu.wait_indirect_dma semaphore(%run_scoped3A_33 : memref<!tpu.dma_semaphore, #tpu.memory_space<semaphore_mem>>) src(%dma_wait3A_43 : memref<128x32xf32, #tpu.memory_space<vmem>>) dst(%dma_wait3A_49 : memref<50176x32xf32, #tpu.memory_space<vmem_shared>>)
        tpu.yield
      }) : () -> ()
      %run_scoped3A_31 = arith.constant 2 : i32
      "tpu.region"() ({
        %run_scoped3A_33 = tpu.sem_alloc : memref<!tpu.dma_semaphore, #tpu.memory_space<semaphore_mem>>
        %dma_start3A = arith.constant 256 : i32
        %dma_start3A_34 = arith.constant 0 : i32
        %dma_start3A_35 = tpu.memref_slice %arg9[%dma_start3A, %dma_start3A_34] : memref<512x32xf32, #tpu.memory_space<vmem>> -> memref<128x32xf32, #tpu.memory_space<vmem>>
        %dma_start3A_36 = arith.constant 0 : i32
        %dma_start3A_37 = tpu.memref_slice %arg8[%run_scoped3A_31, %dma_start3A_36] : memref<4x128xi32, #tpu.memory_space<vmem>> -> memref<1x128xi32, #tpu.memory_space<vmem>>
        %dma_start3A_38 = tpu.memref_squeeze %dma_start3A_37 : memref<1x128xi32, #tpu.memory_space<vmem>> -> memref<128xi32, #tpu.memory_space<vmem>>
        %dma_start3A_39 = arith.constant 0 : i32
        %dma_start3A_40 = arith.constant 0 : i32
        %dma_start3A_41 = tpu.memref_slice %arg7[%dma_start3A_39, %dma_start3A_40] : memref<50176x32xf32, #tpu.memory_space<vmem_shared>> -> memref<50176x32xf32, #tpu.memory_space<vmem_shared>>
        tpu.enqueue_indirect_dma source(%dma_start3A_35 : memref<128x32xf32, #tpu.memory_space<vmem>>) target(%dma_start3A_41 : memref<50176x32xf32, #tpu.memory_space<vmem_shared>>) offsets(%dma_start3A_38 : memref<128xi32, #tpu.memory_space<vmem>>) semaphore(%run_scoped3A_33 : memref<!tpu.dma_semaphore, #tpu.memory_space<semaphore_mem>>) {add = true}
        %dma_wait3A = arith.constant 256 : i32
        %dma_wait3A_42 = arith.constant 0 : i32
        %dma_wait3A_43 = tpu.memref_slice %arg9[%dma_wait3A, %dma_wait3A_42] : memref<512x32xf32, #tpu.memory_space<vmem>> -> memref<128x32xf32, #tpu.memory_space<vmem>>
        %dma_wait3A_44 = arith.constant 0 : i32
        %dma_wait3A_45 = tpu.memref_slice %arg8[%run_scoped3A_31, %dma_wait3A_44] : memref<4x128xi32, #tpu.memory_space<vmem>> -> memref<1x128xi32, #tpu.memory_space<vmem>>
        %dma_wait3A_46 = tpu.memref_squeeze %dma_wait3A_45 : memref<1x128xi32, #tpu.memory_space<vmem>> -> memref<128xi32, #tpu.memory_space<vmem>>
        %dma_wait3A_47 = arith.constant 0 : i32
        %dma_wait3A_48 = arith.constant 0 : i32
        %dma_wait3A_49 = tpu.memref_slice %arg7[%dma_wait3A_47, %dma_wait3A_48] : memref<50176x32xf32, #tpu.memory_space<vmem_shared>> -> memref<50176x32xf32, #tpu.memory_space<vmem_shared>>
        tpu.wait_indirect_dma semaphore(%run_scoped3A_33 : memref<!tpu.dma_semaphore, #tpu.memory_space<semaphore_mem>>) src(%dma_wait3A_43 : memref<128x32xf32, #tpu.memory_space<vmem>>) dst(%dma_wait3A_49 : memref<50176x32xf32, #tpu.memory_space<vmem_shared>>)
        tpu.yield
      }) : () -> ()
      %run_scoped3A_32 = arith.constant 3 : i32
      "tpu.region"() ({
        %run_scoped3A_33 = tpu.sem_alloc : memref<!tpu.dma_semaphore, #tpu.memory_space<semaphore_mem>>
        %dma_start3A = arith.constant 384 : i32
        %dma_start3A_34 = arith.constant 0 : i32
        %dma_start3A_35 = tpu.memref_slice %arg9[%dma_start3A, %dma_start3A_34] : memref<512x32xf32, #tpu.memory_space<vmem>> -> memref<128x32xf32, #tpu.memory_space<vmem>>
        %dma_start3A_36 = arith.constant 0 : i32
        %dma_start3A_37 = tpu.memref_slice %arg8[%run_scoped3A_32, %dma_start3A_36] : memref<4x128xi32, #tpu.memory_space<vmem>> -> memref<1x128xi32, #tpu.memory_space<vmem>>
        %dma_start3A_38 = tpu.memref_squeeze %dma_start3A_37 : memref<1x128xi32, #tpu.memory_space<vmem>> -> memref<128xi32, #tpu.memory_space<vmem>>
        %dma_start3A_39 = arith.constant 0 : i32
        %dma_start3A_40 = arith.constant 0 : i32
        %dma_start3A_41 = tpu.memref_slice %arg7[%dma_start3A_39, %dma_start3A_40] : memref<50176x32xf32, #tpu.memory_space<vmem_shared>> -> memref<50176x32xf32, #tpu.memory_space<vmem_shared>>
        tpu.enqueue_indirect_dma source(%dma_start3A_35 : memref<128x32xf32, #tpu.memory_space<vmem>>) target(%dma_start3A_41 : memref<50176x32xf32, #tpu.memory_space<vmem_shared>>) offsets(%dma_start3A_38 : memref<128xi32, #tpu.memory_space<vmem>>) semaphore(%run_scoped3A_33 : memref<!tpu.dma_semaphore, #tpu.memory_space<semaphore_mem>>) {add = true}
        %dma_wait3A = arith.constant 384 : i32
        %dma_wait3A_42 = arith.constant 0 : i32
        %dma_wait3A_43 = tpu.memref_slice %arg9[%dma_wait3A, %dma_wait3A_42] : memref<512x32xf32, #tpu.memory_space<vmem>> -> memref<128x32xf32, #tpu.memory_space<vmem>>
        %dma_wait3A_44 = arith.constant 0 : i32
        %dma_wait3A_45 = tpu.memref_slice %arg8[%run_scoped3A_32, %dma_wait3A_44] : memref<4x128xi32, #tpu.memory_space<vmem>> -> memref<1x128xi32, #tpu.memory_space<vmem>>
        %dma_wait3A_46 = tpu.memref_squeeze %dma_wait3A_45 : memref<1x128xi32, #tpu.memory_space<vmem>> -> memref<128xi32, #tpu.memory_space<vmem>>
        %dma_wait3A_47 = arith.constant 0 : i32
        %dma_wait3A_48 = arith.constant 0 : i32
        %dma_wait3A_49 = tpu.memref_slice %arg7[%dma_wait3A_47, %dma_wait3A_48] : memref<50176x32xf32, #tpu.memory_space<vmem_shared>> -> memref<50176x32xf32, #tpu.memory_space<vmem_shared>>
        tpu.wait_indirect_dma semaphore(%run_scoped3A_33 : memref<!tpu.dma_semaphore, #tpu.memory_space<semaphore_mem>>) src(%dma_wait3A_43 : memref<128x32xf32, #tpu.memory_space<vmem>>) dst(%dma_wait3A_49 : memref<50176x32xf32, #tpu.memory_space<vmem_shared>>)
        tpu.yield
      }) : () -> ()
    }
    %scan3A_19 = arith.constant 50 : i32
    %barrier3A_20 = arith.constant 0 : index
    tpu.barrier barrier_id(%barrier3A_20)
    %run_scoped3A_21 = arith.constant 1 : i32
    "tpu.region"() ({
      %run_scoped3A_22 = tpu.sem_alloc : memref<!tpu.dma_semaphore, #tpu.memory_space<semaphore_mem>>
      %dma_start3A = arith.constant 0 : i32
      %dma_start3A_23 = tpu.memref_slice %arg6[%run_scoped3A_21, %arg0, %mul3A_2, %dma_start3A] : memref<2x2x50176x32xf32, #tpu.memory_space<hbm>> -> memref<1x1x3136x32xf32, #tpu.memory_space<hbm>>
      %dma_start3A_24 = tpu.memref_squeeze %dma_start3A_23 : memref<1x1x3136x32xf32, #tpu.memory_space<hbm>> -> memref<3136x32xf32, #tpu.memory_space<hbm>>
      %dma_start3A_25 = arith.constant 0 : i32
      %dma_start3A_26 = tpu.memref_slice %arg7[%mul3A_2, %dma_start3A_25] : memref<50176x32xf32, #tpu.memory_space<vmem_shared>> -> memref<3136x32xf32, #tpu.memory_space<vmem_shared>>
      tpu.enqueue_dma source(%dma_start3A_26 : memref<3136x32xf32, #tpu.memory_space<vmem_shared>>) target(%dma_start3A_24 : memref<3136x32xf32, #tpu.memory_space<hbm>>) target_semaphore(%run_scoped3A_22 : memref<!tpu.dma_semaphore, #tpu.memory_space<semaphore_mem>>)
      %dma_wait3A = arith.constant 0 : i32
      %dma_wait3A_27 = tpu.memref_slice %arg6[%run_scoped3A_21, %arg0, %mul3A_2, %dma_wait3A] : memref<2x2x50176x32xf32, #tpu.memory_space<hbm>> -> memref<1x1x3136x32xf32, #tpu.memory_space<hbm>>
      %dma_wait3A_28 = tpu.memref_squeeze %dma_wait3A_27 : memref<1x1x3136x32xf32, #tpu.memory_space<hbm>> -> memref<3136x32xf32, #tpu.memory_space<hbm>>
      %dma_wait3A_29 = arith.constant 0 : i32
      %dma_wait3A_30 = tpu.memref_slice %arg7[%mul3A_2, %dma_wait3A_29] : memref<50176x32xf32, #tpu.memory_space<vmem_shared>> -> memref<3136x32xf32, #tpu.memory_space<vmem_shared>>
      tpu.wait_dma2 semaphore(%run_scoped3A_22 : memref<!tpu.dma_semaphore, #tpu.memory_space<semaphore_mem>>) src(%dma_wait3A_30 : memref<3136x32xf32, #tpu.memory_space<vmem_shared>>) dst(%dma_wait3A_28 : memref<3136x32xf32, #tpu.memory_space<hbm>>)
      tpu.yield
    }) : () -> ()
    return
  }
}

#map = affine_map<(d0, d1) -> (0, 0)>
#map1 = affine_map<(d0, d1) -> (0, 0, 0, 0)>
module attributes {stable_mosaic.version = 14 : i64} {
  func.func @_k1(%arg0: i32, %arg1: i32, %arg2: memref<50176x32xf32, #tpu.memory_space<hbm>>, %arg3: memref<50176x32xf32, #tpu.memory_space<hbm>>, %arg4: memref<50176x32xf32, #tpu.memory_space<hbm>>, %arg5: memref<50176x32xf32, #tpu.memory_space<hbm>>, %arg6: memref<6400x128xi32, #tpu.memory_space<hbm>>, %arg7: memref<6400x128xi32, #tpu.memory_space<hbm>>, %arg8: memref<3136x32xf32, #tpu.memory_space<hbm>>, %arg9: memref<4x2x50176x32xf32, #tpu.memory_space<hbm>>, %arg10: memref<50176x32xf32, #tpu.memory_space<vmem_shared>>, %arg11: memref<4x128xi32, #tpu.memory_space<vmem>>, %arg12: memref<4x128xi32, #tpu.memory_space<vmem>>, %arg13: memref<512x32xf32, #tpu.memory_space<vmem>>, %arg14: memref<!tpu.dma_semaphore, #tpu.memory_space<semaphore_mem>>) attributes {dimension_semantics = [#tpu.dimension_semantics<core_parallel>, #tpu.dimension_semantics<subcore_parallel>], iteration_bounds = array<i64: 2, 16>, scalar_prefetch = 0 : i64, scratch_operands = 5 : i64, tpu.core_type = #tpu.core_type<sc_vector_subcore>, window_params = [{transform_indices = #map}, {transform_indices = #map}, {transform_indices = #map}, {transform_indices = #map}, {transform_indices = #map}, {transform_indices = #map}, {transform_indices = #map}, {transform_indices = #map1}]} {
    %mul3A = arith.constant 3136 : i32
    %mul3A_0 = arith.muli %arg1, %mul3A : i32
    %eq3A = arith.constant 0 : i32
    %eq3A_1 = arith.cmpi eq, %arg0, %eq3A : i32
    %jit3A = arith.constant 76 : i32
    %jit3A_2 = arith.constant 24 : i32
    %select_n3A = arith.select %eq3A_1, %jit3A, %jit3A_2 : i32
    %mul3A_3 = arith.constant 16 : i32
    %mul3A_4 = arith.muli %arg0, %mul3A_3 : i32
    %mul3A_5 = arith.constant 76 : i32
    %mul3A_6 = arith.muli %mul3A_4, %mul3A_5 : i32
    %mul3A_7 = arith.constant 512 : i32
    %mul3A_8 = arith.muli %mul3A_6, %mul3A_7 : i32
    %mul3A_9 = arith.muli %arg1, %select_n3A : i32
    %mul3A_10 = arith.constant 512 : i32
    %mul3A_11 = arith.muli %mul3A_9, %mul3A_10 : i32
    %add3A = arith.addi %mul3A_8, %mul3A_11 : i32
    %jit3A_12 = arith.constant 128 : i32
    %div3A = arith.divsi %add3A, %jit3A_12 : i32
    %sign3A = arith.constant 0 : i32
    %sign3A_13 = arith.cmpi sgt, %add3A, %sign3A : i32
    %sign3A_14 = arith.extui %sign3A_13 : i1 to i32
    %sign3A_15 = arith.constant 0 : i32
    %sign3A_16 = arith.cmpi slt, %add3A, %sign3A_15 : i32
    %sign3A_17 = arith.extui %sign3A_16 : i1 to i32
    %sign3A_18 = arith.subi %sign3A_14, %sign3A_17 : i32
    %sign3A_19 = arith.constant 0 : i32
    %sign3A_20 = arith.cmpi sgt, %jit3A_12, %sign3A_19 : i32
    %sign3A_21 = arith.extui %sign3A_20 : i1 to i32
    %sign3A_22 = arith.constant 0 : i32
    %sign3A_23 = arith.cmpi slt, %jit3A_12, %sign3A_22 : i32
    %sign3A_24 = arith.extui %sign3A_23 : i1 to i32
    %sign3A_25 = arith.subi %sign3A_21, %sign3A_24 : i32
    %ne3A = arith.cmpi ne, %sign3A_18, %sign3A_25 : i32
    %rem3A = arith.remsi %add3A, %jit3A_12 : i32
    %ne3A_26 = arith.constant 0 : i32
    %ne3A_27 = arith.cmpi ne, %rem3A, %ne3A_26 : i32
    %and3A = arith.andi %ne3A, %ne3A_27 : i1
    %sub3A = arith.constant 1 : i32
    %sub3A_28 = arith.subi %div3A, %sub3A : i32
    %select_n3A_29 = arith.select %and3A, %sub3A_28, %div3A : i32
    "tpu.region"() ({
      %run_scoped3A_79 = tpu.sem_alloc : memref<!tpu.dma_semaphore, #tpu.memory_space<semaphore_mem>>
      %dma_start3A = arith.constant 0 : i32
      %dma_start3A_80 = tpu.memref_slice %arg10[%mul3A_0, %dma_start3A] : memref<50176x32xf32, #tpu.memory_space<vmem_shared>> -> memref<3136x32xf32, #tpu.memory_space<vmem_shared>>
      tpu.enqueue_dma source(%arg8 : memref<3136x32xf32, #tpu.memory_space<hbm>>) target(%dma_start3A_80 : memref<3136x32xf32, #tpu.memory_space<vmem_shared>>) target_semaphore(%run_scoped3A_79 : memref<!tpu.dma_semaphore, #tpu.memory_space<semaphore_mem>>)
      %dma_wait3A = arith.constant 0 : i32
      %dma_wait3A_81 = tpu.memref_slice %arg10[%mul3A_0, %dma_wait3A] : memref<50176x32xf32, #tpu.memory_space<vmem_shared>> -> memref<3136x32xf32, #tpu.memory_space<vmem_shared>>
      tpu.wait_dma2 semaphore(%run_scoped3A_79 : memref<!tpu.dma_semaphore, #tpu.memory_space<semaphore_mem>>) src(%arg8 : memref<3136x32xf32, #tpu.memory_space<hbm>>) dst(%dma_wait3A_81 : memref<3136x32xf32, #tpu.memory_space<vmem_shared>>)
      tpu.yield
    }) : () -> ()
    %barrier3A = arith.constant 0 : index
    tpu.barrier barrier_id(%barrier3A)
    %while3A = arith.constant 0 : i32
    %while3A_30 = arith.constant 0 : i32
    %while3A_31 = arith.subi %select_n3A, %while3A_30 : i32
    %while3A_32 = arith.addi %while3A_30, %while3A_31 : i32
    %while3A_33 = arith.constant 1 : i32
    %while3A_34 = arith.divsi %while3A_31, %while3A_33 : i32
    %while3A_35 = arith.muli %while3A_34, %while3A_33 : i32
    %while3A_36 = arith.addi %while3A_30, %while3A_35 : i32
    %while3A_37 = arith.constant 1 : i32
    scf.for %while3A_79 = %while3A_30 to %while3A_36 step %while3A_37  : i32 {
      %mul3A_80 = arith.constant 4 : i32
      %mul3A_81 = arith.muli %while3A_79, %mul3A_80 : i32
      %add3A_82 = arith.addi %select_n3A_29, %mul3A_81 : i32
      "tpu.region"() ({
        %run_scoped3A_165 = tpu.sem_alloc : memref<!tpu.dma_semaphore, #tpu.memory_space<semaphore_mem>>
        %dma_start3A_166 = arith.constant 0 : i32
        %dma_start3A_167 = tpu.memref_slice %arg6[%add3A_82, %dma_start3A_166] : memref<6400x128xi32, #tpu.memory_space<hbm>> -> memref<4x128xi32, #tpu.memory_space<hbm>>
        %dma_start3A_168 = arith.constant 0 : i32
        %dma_start3A_169 = tpu.memref_slice %arg6[%add3A_82, %dma_start3A_168] : memref<6400x128xi32, #tpu.memory_space<hbm>> -> memref<4x128xi32, #tpu.memory_space<hbm>>
        tpu.enqueue_dma source(%dma_start3A_169 : memref<4x128xi32, #tpu.memory_space<hbm>>) target(%arg11 : memref<4x128xi32, #tpu.memory_space<vmem>>) target_semaphore(%run_scoped3A_165 : memref<!tpu.dma_semaphore, #tpu.memory_space<semaphore_mem>>)
        %dma_wait3A_170 = arith.constant 0 : i32
        %dma_wait3A_171 = tpu.memref_slice %arg6[%add3A_82, %dma_wait3A_170] : memref<6400x128xi32, #tpu.memory_space<hbm>> -> memref<4x128xi32, #tpu.memory_space<hbm>>
        %dma_wait3A_172 = arith.constant 0 : i32
        %dma_wait3A_173 = tpu.memref_slice %arg6[%add3A_82, %dma_wait3A_172] : memref<6400x128xi32, #tpu.memory_space<hbm>> -> memref<4x128xi32, #tpu.memory_space<hbm>>
        tpu.wait_dma2 semaphore(%run_scoped3A_165 : memref<!tpu.dma_semaphore, #tpu.memory_space<semaphore_mem>>) src(%dma_wait3A_173 : memref<4x128xi32, #tpu.memory_space<hbm>>) dst(%arg11 : memref<4x128xi32, #tpu.memory_space<vmem>>)
        tpu.yield
      }) : () -> ()
      "tpu.region"() ({
        %run_scoped3A_165 = tpu.sem_alloc : memref<!tpu.dma_semaphore, #tpu.memory_space<semaphore_mem>>
        %dma_start3A_166 = arith.constant 0 : i32
        %dma_start3A_167 = tpu.memref_slice %arg7[%add3A_82, %dma_start3A_166] : memref<6400x128xi32, #tpu.memory_space<hbm>> -> memref<4x128xi32, #tpu.memory_space<hbm>>
        %dma_start3A_168 = arith.constant 0 : i32
        %dma_start3A_169 = tpu.memref_slice %arg7[%add3A_82, %dma_start3A_168] : memref<6400x128xi32, #tpu.memory_space<hbm>> -> memref<4x128xi32, #tpu.memory_space<hbm>>
        tpu.enqueue_dma source(%dma_start3A_169 : memref<4x128xi32, #tpu.memory_space<hbm>>) target(%arg12 : memref<4x128xi32, #tpu.memory_space<vmem>>) target_semaphore(%run_scoped3A_165 : memref<!tpu.dma_semaphore, #tpu.memory_space<semaphore_mem>>)
        %dma_wait3A_170 = arith.constant 0 : i32
        %dma_wait3A_171 = tpu.memref_slice %arg7[%add3A_82, %dma_wait3A_170] : memref<6400x128xi32, #tpu.memory_space<hbm>> -> memref<4x128xi32, #tpu.memory_space<hbm>>
        %dma_wait3A_172 = arith.constant 0 : i32
        %dma_wait3A_173 = tpu.memref_slice %arg7[%add3A_82, %dma_wait3A_172] : memref<6400x128xi32, #tpu.memory_space<hbm>> -> memref<4x128xi32, #tpu.memory_space<hbm>>
        tpu.wait_dma2 semaphore(%run_scoped3A_165 : memref<!tpu.dma_semaphore, #tpu.memory_space<semaphore_mem>>) src(%dma_wait3A_173 : memref<4x128xi32, #tpu.memory_space<hbm>>) dst(%arg12 : memref<4x128xi32, #tpu.memory_space<vmem>>)
        tpu.yield
      }) : () -> ()
      %dma_start3A = arith.constant 0 : i32
      %dma_start3A_83 = arith.constant 0 : i32
      %dma_start3A_84 = arith.constant 0 : i32
      %dma_start3A_85 = tpu.memref_slice %arg13[%dma_start3A_83, %dma_start3A_84] : memref<512x32xf32, #tpu.memory_space<vmem>> -> memref<128x32xf32, #tpu.memory_space<vmem>>
      %dma_start3A_86 = arith.constant 0 : i32
      %dma_start3A_87 = tpu.memref_slice %arg11[%dma_start3A, %dma_start3A_86] : memref<4x128xi32, #tpu.memory_space<vmem>> -> memref<1x128xi32, #tpu.memory_space<vmem>>
      %dma_start3A_88 = tpu.memref_squeeze %dma_start3A_87 : memref<1x128xi32, #tpu.memory_space<vmem>> -> memref<128xi32, #tpu.memory_space<vmem>>
      %dma_start3A_89 = arith.constant 0 : i32
      %dma_start3A_90 = arith.constant 0 : i32
      %dma_start3A_91 = tpu.memref_slice %arg2[%dma_start3A_89, %dma_start3A_90] : memref<50176x32xf32, #tpu.memory_space<hbm>> -> memref<50176x32xf32, #tpu.memory_space<hbm>>
      tpu.enqueue_indirect_dma source(%dma_start3A_91 : memref<50176x32xf32, #tpu.memory_space<hbm>>) target(%dma_start3A_85 : memref<128x32xf32, #tpu.memory_space<vmem>>) offsets(%dma_start3A_88 : memref<128xi32, #tpu.memory_space<vmem>>) semaphore(%arg14 : memref<!tpu.dma_semaphore, #tpu.memory_space<semaphore_mem>>)
      %dma_start3A_92 = arith.constant 1 : i32
      %dma_start3A_93 = arith.constant 128 : i32
      %dma_start3A_94 = arith.constant 0 : i32
      %dma_start3A_95 = tpu.memref_slice %arg13[%dma_start3A_93, %dma_start3A_94] : memref<512x32xf32, #tpu.memory_space<vmem>> -> memref<128x32xf32, #tpu.memory_space<vmem>>
      %dma_start3A_96 = arith.constant 0 : i32
      %dma_start3A_97 = tpu.memref_slice %arg11[%dma_start3A_92, %dma_start3A_96] : memref<4x128xi32, #tpu.memory_space<vmem>> -> memref<1x128xi32, #tpu.memory_space<vmem>>
      %dma_start3A_98 = tpu.memref_squeeze %dma_start3A_97 : memref<1x128xi32, #tpu.memory_space<vmem>> -> memref<128xi32, #tpu.memory_space<vmem>>
      %dma_start3A_99 = arith.constant 0 : i32
      %dma_start3A_100 = arith.constant 0 : i32
      %dma_start3A_101 = tpu.memref_slice %arg2[%dma_start3A_99, %dma_start3A_100] : memref<50176x32xf32, #tpu.memory_space<hbm>> -> memref<50176x32xf32, #tpu.memory_space<hbm>>
      tpu.enqueue_indirect_dma source(%dma_start3A_101 : memref<50176x32xf32, #tpu.memory_space<hbm>>) target(%dma_start3A_95 : memref<128x32xf32, #tpu.memory_space<vmem>>) offsets(%dma_start3A_98 : memref<128xi32, #tpu.memory_space<vmem>>) semaphore(%arg14 : memref<!tpu.dma_semaphore, #tpu.memory_space<semaphore_mem>>)
      %dma_start3A_102 = arith.constant 2 : i32
      %dma_start3A_103 = arith.constant 256 : i32
      %dma_start3A_104 = arith.constant 0 : i32
      %dma_start3A_105 = tpu.memref_slice %arg13[%dma_start3A_103, %dma_start3A_104] : memref<512x32xf32, #tpu.memory_space<vmem>> -> memref<128x32xf32, #tpu.memory_space<vmem>>
      %dma_start3A_106 = arith.constant 0 : i32
      %dma_start3A_107 = tpu.memref_slice %arg11[%dma_start3A_102, %dma_start3A_106] : memref<4x128xi32, #tpu.memory_space<vmem>> -> memref<1x128xi32, #tpu.memory_space<vmem>>
      %dma_start3A_108 = tpu.memref_squeeze %dma_start3A_107 : memref<1x128xi32, #tpu.memory_space<vmem>> -> memref<128xi32, #tpu.memory_space<vmem>>
      %dma_start3A_109 = arith.constant 0 : i32
      %dma_start3A_110 = arith.constant 0 : i32
      %dma_start3A_111 = tpu.memref_slice %arg2[%dma_start3A_109, %dma_start3A_110] : memref<50176x32xf32, #tpu.memory_space<hbm>> -> memref<50176x32xf32, #tpu.memory_space<hbm>>
      tpu.enqueue_indirect_dma source(%dma_start3A_111 : memref<50176x32xf32, #tpu.memory_space<hbm>>) target(%dma_start3A_105 : memref<128x32xf32, #tpu.memory_space<vmem>>) offsets(%dma_start3A_108 : memref<128xi32, #tpu.memory_space<vmem>>) semaphore(%arg14 : memref<!tpu.dma_semaphore, #tpu.memory_space<semaphore_mem>>)
      %dma_start3A_112 = arith.constant 3 : i32
      %dma_start3A_113 = arith.constant 384 : i32
      %dma_start3A_114 = arith.constant 0 : i32
      %dma_start3A_115 = tpu.memref_slice %arg13[%dma_start3A_113, %dma_start3A_114] : memref<512x32xf32, #tpu.memory_space<vmem>> -> memref<128x32xf32, #tpu.memory_space<vmem>>
      %dma_start3A_116 = arith.constant 0 : i32
      %dma_start3A_117 = tpu.memref_slice %arg11[%dma_start3A_112, %dma_start3A_116] : memref<4x128xi32, #tpu.memory_space<vmem>> -> memref<1x128xi32, #tpu.memory_space<vmem>>
      %dma_start3A_118 = tpu.memref_squeeze %dma_start3A_117 : memref<1x128xi32, #tpu.memory_space<vmem>> -> memref<128xi32, #tpu.memory_space<vmem>>
      %dma_start3A_119 = arith.constant 0 : i32
      %dma_start3A_120 = arith.constant 0 : i32
      %dma_start3A_121 = tpu.memref_slice %arg2[%dma_start3A_119, %dma_start3A_120] : memref<50176x32xf32, #tpu.memory_space<hbm>> -> memref<50176x32xf32, #tpu.memory_space<hbm>>
      tpu.enqueue_indirect_dma source(%dma_start3A_121 : memref<50176x32xf32, #tpu.memory_space<hbm>>) target(%dma_start3A_115 : memref<128x32xf32, #tpu.memory_space<vmem>>) offsets(%dma_start3A_118 : memref<128xi32, #tpu.memory_space<vmem>>) semaphore(%arg14 : memref<!tpu.dma_semaphore, #tpu.memory_space<semaphore_mem>>)
      %dma_wait3A = arith.constant 0 : i32
      %dma_wait3A_122 = arith.constant 0 : i32
      %dma_wait3A_123 = arith.constant 0 : i32
      %dma_wait3A_124 = tpu.memref_slice %arg13[%dma_wait3A_122, %dma_wait3A_123] : memref<512x32xf32, #tpu.memory_space<vmem>> -> memref<128x32xf32, #tpu.memory_space<vmem>>
      %dma_wait3A_125 = arith.constant 0 : i32
      %dma_wait3A_126 = tpu.memref_slice %arg11[%dma_wait3A, %dma_wait3A_125] : memref<4x128xi32, #tpu.memory_space<vmem>> -> memref<1x128xi32, #tpu.memory_space<vmem>>
      %dma_wait3A_127 = tpu.memref_squeeze %dma_wait3A_126 : memref<1x128xi32, #tpu.memory_space<vmem>> -> memref<128xi32, #tpu.memory_space<vmem>>
      %dma_wait3A_128 = arith.constant 0 : i32
      %dma_wait3A_129 = arith.constant 0 : i32
      %dma_wait3A_130 = tpu.memref_slice %arg2[%dma_wait3A_128, %dma_wait3A_129] : memref<50176x32xf32, #tpu.memory_space<hbm>> -> memref<50176x32xf32, #tpu.memory_space<hbm>>
      tpu.wait_indirect_dma semaphore(%arg14 : memref<!tpu.dma_semaphore, #tpu.memory_space<semaphore_mem>>) src(%dma_wait3A_130 : memref<50176x32xf32, #tpu.memory_space<hbm>>) dst(%dma_wait3A_124 : memref<128x32xf32, #tpu.memory_space<vmem>>)
      %dma_wait3A_131 = arith.constant 1 : i32
      %dma_wait3A_132 = arith.constant 128 : i32
      %dma_wait3A_133 = arith.constant 0 : i32
      %dma_wait3A_134 = tpu.memref_slice %arg13[%dma_wait3A_132, %dma_wait3A_133] : memref<512x32xf32, #tpu.memory_space<vmem>> -> memref<128x32xf32, #tpu.memory_space<vmem>>
      %dma_wait3A_135 = arith.constant 0 : i32
      %dma_wait3A_136 = tpu.memref_slice %arg11[%dma_wait3A_131, %dma_wait3A_135] : memref<4x128xi32, #tpu.memory_space<vmem>> -> memref<1x128xi32, #tpu.memory_space<vmem>>
      %dma_wait3A_137 = tpu.memref_squeeze %dma_wait3A_136 : memref<1x128xi32, #tpu.memory_space<vmem>> -> memref<128xi32, #tpu.memory_space<vmem>>
      %dma_wait3A_138 = arith.constant 0 : i32
      %dma_wait3A_139 = arith.constant 0 : i32
      %dma_wait3A_140 = tpu.memref_slice %arg2[%dma_wait3A_138, %dma_wait3A_139] : memref<50176x32xf32, #tpu.memory_space<hbm>> -> memref<50176x32xf32, #tpu.memory_space<hbm>>
      tpu.wait_indirect_dma semaphore(%arg14 : memref<!tpu.dma_semaphore, #tpu.memory_space<semaphore_mem>>) src(%dma_wait3A_140 : memref<50176x32xf32, #tpu.memory_space<hbm>>) dst(%dma_wait3A_134 : memref<128x32xf32, #tpu.memory_space<vmem>>)
      %dma_wait3A_141 = arith.constant 2 : i32
      %dma_wait3A_142 = arith.constant 256 : i32
      %dma_wait3A_143 = arith.constant 0 : i32
      %dma_wait3A_144 = tpu.memref_slice %arg13[%dma_wait3A_142, %dma_wait3A_143] : memref<512x32xf32, #tpu.memory_space<vmem>> -> memref<128x32xf32, #tpu.memory_space<vmem>>
      %dma_wait3A_145 = arith.constant 0 : i32
      %dma_wait3A_146 = tpu.memref_slice %arg11[%dma_wait3A_141, %dma_wait3A_145] : memref<4x128xi32, #tpu.memory_space<vmem>> -> memref<1x128xi32, #tpu.memory_space<vmem>>
      %dma_wait3A_147 = tpu.memref_squeeze %dma_wait3A_146 : memref<1x128xi32, #tpu.memory_space<vmem>> -> memref<128xi32, #tpu.memory_space<vmem>>
      %dma_wait3A_148 = arith.constant 0 : i32
      %dma_wait3A_149 = arith.constant 0 : i32
      %dma_wait3A_150 = tpu.memref_slice %arg2[%dma_wait3A_148, %dma_wait3A_149] : memref<50176x32xf32, #tpu.memory_space<hbm>> -> memref<50176x32xf32, #tpu.memory_space<hbm>>
      tpu.wait_indirect_dma semaphore(%arg14 : memref<!tpu.dma_semaphore, #tpu.memory_space<semaphore_mem>>) src(%dma_wait3A_150 : memref<50176x32xf32, #tpu.memory_space<hbm>>) dst(%dma_wait3A_144 : memref<128x32xf32, #tpu.memory_space<vmem>>)
      %dma_wait3A_151 = arith.constant 3 : i32
      %dma_wait3A_152 = arith.constant 384 : i32
      %dma_wait3A_153 = arith.constant 0 : i32
      %dma_wait3A_154 = tpu.memref_slice %arg13[%dma_wait3A_152, %dma_wait3A_153] : memref<512x32xf32, #tpu.memory_space<vmem>> -> memref<128x32xf32, #tpu.memory_space<vmem>>
      %dma_wait3A_155 = arith.constant 0 : i32
      %dma_wait3A_156 = tpu.memref_slice %arg11[%dma_wait3A_151, %dma_wait3A_155] : memref<4x128xi32, #tpu.memory_space<vmem>> -> memref<1x128xi32, #tpu.memory_space<vmem>>
      %dma_wait3A_157 = tpu.memref_squeeze %dma_wait3A_156 : memref<1x128xi32, #tpu.memory_space<vmem>> -> memref<128xi32, #tpu.memory_space<vmem>>
      %dma_wait3A_158 = arith.constant 0 : i32
      %dma_wait3A_159 = arith.constant 0 : i32
      %dma_wait3A_160 = tpu.memref_slice %arg2[%dma_wait3A_158, %dma_wait3A_159] : memref<50176x32xf32, #tpu.memory_space<hbm>> -> memref<50176x32xf32, #tpu.memory_space<hbm>>
      tpu.wait_indirect_dma semaphore(%arg14 : memref<!tpu.dma_semaphore, #tpu.memory_space<semaphore_mem>>) src(%dma_wait3A_160 : memref<50176x32xf32, #tpu.memory_space<hbm>>) dst(%dma_wait3A_154 : memref<128x32xf32, #tpu.memory_space<vmem>>)
      %run_scoped3A_161 = arith.constant 0 : i32
      "tpu.region"() ({
        %run_scoped3A_165 = tpu.sem_alloc : memref<!tpu.dma_semaphore, #tpu.memory_space<semaphore_mem>>
        %dma_start3A_166 = arith.constant 0 : i32
        %dma_start3A_167 = arith.constant 0 : i32
        %dma_start3A_168 = tpu.memref_slice %arg13[%dma_start3A_166, %dma_start3A_167] : memref<512x32xf32, #tpu.memory_space<vmem>> -> memref<128x32xf32, #tpu.memory_space<vmem>>
        %dma_start3A_169 = arith.constant 0 : i32
        %dma_start3A_170 = tpu.memref_slice %arg12[%run_scoped3A_161, %dma_start3A_169] : memref<4x128xi32, #tpu.memory_space<vmem>> -> memref<1x128xi32, #tpu.memory_space<vmem>>
        %dma_start3A_171 = tpu.memref_squeeze %dma_start3A_170 : memref<1x128xi32, #tpu.memory_space<vmem>> -> memref<128xi32, #tpu.memory_space<vmem>>
        %dma_start3A_172 = arith.constant 0 : i32
        %dma_start3A_173 = arith.constant 0 : i32
        %dma_start3A_174 = tpu.memref_slice %arg10[%dma_start3A_172, %dma_start3A_173] : memref<50176x32xf32, #tpu.memory_space<vmem_shared>> -> memref<50176x32xf32, #tpu.memory_space<vmem_shared>>
        tpu.enqueue_indirect_dma source(%dma_start3A_168 : memref<128x32xf32, #tpu.memory_space<vmem>>) target(%dma_start3A_174 : memref<50176x32xf32, #tpu.memory_space<vmem_shared>>) offsets(%dma_start3A_171 : memref<128xi32, #tpu.memory_space<vmem>>) semaphore(%run_scoped3A_165 : memref<!tpu.dma_semaphore, #tpu.memory_space<semaphore_mem>>) {add = true}
        %dma_wait3A_175 = arith.constant 0 : i32
        %dma_wait3A_176 = arith.constant 0 : i32
        %dma_wait3A_177 = tpu.memref_slice %arg13[%dma_wait3A_175, %dma_wait3A_176] : memref<512x32xf32, #tpu.memory_space<vmem>> -> memref<128x32xf32, #tpu.memory_space<vmem>>
        %dma_wait3A_178 = arith.constant 0 : i32
        %dma_wait3A_179 = tpu.memref_slice %arg12[%run_scoped3A_161, %dma_wait3A_178] : memref<4x128xi32, #tpu.memory_space<vmem>> -> memref<1x128xi32, #tpu.memory_space<vmem>>
        %dma_wait3A_180 = tpu.memref_squeeze %dma_wait3A_179 : memref<1x128xi32, #tpu.memory_space<vmem>> -> memref<128xi32, #tpu.memory_space<vmem>>
        %dma_wait3A_181 = arith.constant 0 : i32
        %dma_wait3A_182 = arith.constant 0 : i32
        %dma_wait3A_183 = tpu.memref_slice %arg10[%dma_wait3A_181, %dma_wait3A_182] : memref<50176x32xf32, #tpu.memory_space<vmem_shared>> -> memref<50176x32xf32, #tpu.memory_space<vmem_shared>>
        tpu.wait_indirect_dma semaphore(%run_scoped3A_165 : memref<!tpu.dma_semaphore, #tpu.memory_space<semaphore_mem>>) src(%dma_wait3A_177 : memref<128x32xf32, #tpu.memory_space<vmem>>) dst(%dma_wait3A_183 : memref<50176x32xf32, #tpu.memory_space<vmem_shared>>)
        tpu.yield
      }) : () -> ()
      %run_scoped3A_162 = arith.constant 1 : i32
      "tpu.region"() ({
        %run_scoped3A_165 = tpu.sem_alloc : memref<!tpu.dma_semaphore, #tpu.memory_space<semaphore_mem>>
        %dma_start3A_166 = arith.constant 128 : i32
        %dma_start3A_167 = arith.constant 0 : i32
        %dma_start3A_168 = tpu.memref_slice %arg13[%dma_start3A_166, %dma_start3A_167] : memref<512x32xf32, #tpu.memory_space<vmem>> -> memref<128x32xf32, #tpu.memory_space<vmem>>
        %dma_start3A_169 = arith.constant 0 : i32
        %dma_start3A_170 = tpu.memref_slice %arg12[%run_scoped3A_162, %dma_start3A_169] : memref<4x128xi32, #tpu.memory_space<vmem>> -> memref<1x128xi32, #tpu.memory_space<vmem>>
        %dma_start3A_171 = tpu.memref_squeeze %dma_start3A_170 : memref<1x128xi32, #tpu.memory_space<vmem>> -> memref<128xi32, #tpu.memory_space<vmem>>
        %dma_start3A_172 = arith.constant 0 : i32
        %dma_start3A_173 = arith.constant 0 : i32
        %dma_start3A_174 = tpu.memref_slice %arg10[%dma_start3A_172, %dma_start3A_173] : memref<50176x32xf32, #tpu.memory_space<vmem_shared>> -> memref<50176x32xf32, #tpu.memory_space<vmem_shared>>
        tpu.enqueue_indirect_dma source(%dma_start3A_168 : memref<128x32xf32, #tpu.memory_space<vmem>>) target(%dma_start3A_174 : memref<50176x32xf32, #tpu.memory_space<vmem_shared>>) offsets(%dma_start3A_171 : memref<128xi32, #tpu.memory_space<vmem>>) semaphore(%run_scoped3A_165 : memref<!tpu.dma_semaphore, #tpu.memory_space<semaphore_mem>>) {add = true}
        %dma_wait3A_175 = arith.constant 128 : i32
        %dma_wait3A_176 = arith.constant 0 : i32
        %dma_wait3A_177 = tpu.memref_slice %arg13[%dma_wait3A_175, %dma_wait3A_176] : memref<512x32xf32, #tpu.memory_space<vmem>> -> memref<128x32xf32, #tpu.memory_space<vmem>>
        %dma_wait3A_178 = arith.constant 0 : i32
        %dma_wait3A_179 = tpu.memref_slice %arg12[%run_scoped3A_162, %dma_wait3A_178] : memref<4x128xi32, #tpu.memory_space<vmem>> -> memref<1x128xi32, #tpu.memory_space<vmem>>
        %dma_wait3A_180 = tpu.memref_squeeze %dma_wait3A_179 : memref<1x128xi32, #tpu.memory_space<vmem>> -> memref<128xi32, #tpu.memory_space<vmem>>
        %dma_wait3A_181 = arith.constant 0 : i32
        %dma_wait3A_182 = arith.constant 0 : i32
        %dma_wait3A_183 = tpu.memref_slice %arg10[%dma_wait3A_181, %dma_wait3A_182] : memref<50176x32xf32, #tpu.memory_space<vmem_shared>> -> memref<50176x32xf32, #tpu.memory_space<vmem_shared>>
        tpu.wait_indirect_dma semaphore(%run_scoped3A_165 : memref<!tpu.dma_semaphore, #tpu.memory_space<semaphore_mem>>) src(%dma_wait3A_177 : memref<128x32xf32, #tpu.memory_space<vmem>>) dst(%dma_wait3A_183 : memref<50176x32xf32, #tpu.memory_space<vmem_shared>>)
        tpu.yield
      }) : () -> ()
      %run_scoped3A_163 = arith.constant 2 : i32
      "tpu.region"() ({
        %run_scoped3A_165 = tpu.sem_alloc : memref<!tpu.dma_semaphore, #tpu.memory_space<semaphore_mem>>
        %dma_start3A_166 = arith.constant 256 : i32
        %dma_start3A_167 = arith.constant 0 : i32
        %dma_start3A_168 = tpu.memref_slice %arg13[%dma_start3A_166, %dma_start3A_167] : memref<512x32xf32, #tpu.memory_space<vmem>> -> memref<128x32xf32, #tpu.memory_space<vmem>>
        %dma_start3A_169 = arith.constant 0 : i32
        %dma_start3A_170 = tpu.memref_slice %arg12[%run_scoped3A_163, %dma_start3A_169] : memref<4x128xi32, #tpu.memory_space<vmem>> -> memref<1x128xi32, #tpu.memory_space<vmem>>
        %dma_start3A_171 = tpu.memref_squeeze %dma_start3A_170 : memref<1x128xi32, #tpu.memory_space<vmem>> -> memref<128xi32, #tpu.memory_space<vmem>>
        %dma_start3A_172 = arith.constant 0 : i32
        %dma_start3A_173 = arith.constant 0 : i32
        %dma_start3A_174 = tpu.memref_slice %arg10[%dma_start3A_172, %dma_start3A_173] : memref<50176x32xf32, #tpu.memory_space<vmem_shared>> -> memref<50176x32xf32, #tpu.memory_space<vmem_shared>>
        tpu.enqueue_indirect_dma source(%dma_start3A_168 : memref<128x32xf32, #tpu.memory_space<vmem>>) target(%dma_start3A_174 : memref<50176x32xf32, #tpu.memory_space<vmem_shared>>) offsets(%dma_start3A_171 : memref<128xi32, #tpu.memory_space<vmem>>) semaphore(%run_scoped3A_165 : memref<!tpu.dma_semaphore, #tpu.memory_space<semaphore_mem>>) {add = true}
        %dma_wait3A_175 = arith.constant 256 : i32
        %dma_wait3A_176 = arith.constant 0 : i32
        %dma_wait3A_177 = tpu.memref_slice %arg13[%dma_wait3A_175, %dma_wait3A_176] : memref<512x32xf32, #tpu.memory_space<vmem>> -> memref<128x32xf32, #tpu.memory_space<vmem>>
        %dma_wait3A_178 = arith.constant 0 : i32
        %dma_wait3A_179 = tpu.memref_slice %arg12[%run_scoped3A_163, %dma_wait3A_178] : memref<4x128xi32, #tpu.memory_space<vmem>> -> memref<1x128xi32, #tpu.memory_space<vmem>>
        %dma_wait3A_180 = tpu.memref_squeeze %dma_wait3A_179 : memref<1x128xi32, #tpu.memory_space<vmem>> -> memref<128xi32, #tpu.memory_space<vmem>>
        %dma_wait3A_181 = arith.constant 0 : i32
        %dma_wait3A_182 = arith.constant 0 : i32
        %dma_wait3A_183 = tpu.memref_slice %arg10[%dma_wait3A_181, %dma_wait3A_182] : memref<50176x32xf32, #tpu.memory_space<vmem_shared>> -> memref<50176x32xf32, #tpu.memory_space<vmem_shared>>
        tpu.wait_indirect_dma semaphore(%run_scoped3A_165 : memref<!tpu.dma_semaphore, #tpu.memory_space<semaphore_mem>>) src(%dma_wait3A_177 : memref<128x32xf32, #tpu.memory_space<vmem>>) dst(%dma_wait3A_183 : memref<50176x32xf32, #tpu.memory_space<vmem_shared>>)
        tpu.yield
      }) : () -> ()
      %run_scoped3A_164 = arith.constant 3 : i32
      "tpu.region"() ({
        %run_scoped3A_165 = tpu.sem_alloc : memref<!tpu.dma_semaphore, #tpu.memory_space<semaphore_mem>>
        %dma_start3A_166 = arith.constant 384 : i32
        %dma_start3A_167 = arith.constant 0 : i32
        %dma_start3A_168 = tpu.memref_slice %arg13[%dma_start3A_166, %dma_start3A_167] : memref<512x32xf32, #tpu.memory_space<vmem>> -> memref<128x32xf32, #tpu.memory_space<vmem>>
        %dma_start3A_169 = arith.constant 0 : i32
        %dma_start3A_170 = tpu.memref_slice %arg12[%run_scoped3A_164, %dma_start3A_169] : memref<4x128xi32, #tpu.memory_space<vmem>> -> memref<1x128xi32, #tpu.memory_space<vmem>>
        %dma_start3A_171 = tpu.memref_squeeze %dma_start3A_170 : memref<1x128xi32, #tpu.memory_space<vmem>> -> memref<128xi32, #tpu.memory_space<vmem>>
        %dma_start3A_172 = arith.constant 0 : i32
        %dma_start3A_173 = arith.constant 0 : i32
        %dma_start3A_174 = tpu.memref_slice %arg10[%dma_start3A_172, %dma_start3A_173] : memref<50176x32xf32, #tpu.memory_space<vmem_shared>> -> memref<50176x32xf32, #tpu.memory_space<vmem_shared>>
        tpu.enqueue_indirect_dma source(%dma_start3A_168 : memref<128x32xf32, #tpu.memory_space<vmem>>) target(%dma_start3A_174 : memref<50176x32xf32, #tpu.memory_space<vmem_shared>>) offsets(%dma_start3A_171 : memref<128xi32, #tpu.memory_space<vmem>>) semaphore(%run_scoped3A_165 : memref<!tpu.dma_semaphore, #tpu.memory_space<semaphore_mem>>) {add = true}
        %dma_wait3A_175 = arith.constant 384 : i32
        %dma_wait3A_176 = arith.constant 0 : i32
        %dma_wait3A_177 = tpu.memref_slice %arg13[%dma_wait3A_175, %dma_wait3A_176] : memref<512x32xf32, #tpu.memory_space<vmem>> -> memref<128x32xf32, #tpu.memory_space<vmem>>
        %dma_wait3A_178 = arith.constant 0 : i32
        %dma_wait3A_179 = tpu.memref_slice %arg12[%run_scoped3A_164, %dma_wait3A_178] : memref<4x128xi32, #tpu.memory_space<vmem>> -> memref<1x128xi32, #tpu.memory_space<vmem>>
        %dma_wait3A_180 = tpu.memref_squeeze %dma_wait3A_179 : memref<1x128xi32, #tpu.memory_space<vmem>> -> memref<128xi32, #tpu.memory_space<vmem>>
        %dma_wait3A_181 = arith.constant 0 : i32
        %dma_wait3A_182 = arith.constant 0 : i32
        %dma_wait3A_183 = tpu.memref_slice %arg10[%dma_wait3A_181, %dma_wait3A_182] : memref<50176x32xf32, #tpu.memory_space<vmem_shared>> -> memref<50176x32xf32, #tpu.memory_space<vmem_shared>>
        tpu.wait_indirect_dma semaphore(%run_scoped3A_165 : memref<!tpu.dma_semaphore, #tpu.memory_space<semaphore_mem>>) src(%dma_wait3A_177 : memref<128x32xf32, #tpu.memory_space<vmem>>) dst(%dma_wait3A_183 : memref<50176x32xf32, #tpu.memory_space<vmem_shared>>)
        tpu.yield
      }) : () -> ()
    }
    %while3A_38 = arith.constant 1 : i32
    scf.for %while3A_79 = %while3A_36 to %while3A_32 step %while3A_38  : i32 {
      %mul3A_80 = arith.constant 4 : i32
      %mul3A_81 = arith.muli %while3A_79, %mul3A_80 : i32
      %add3A_82 = arith.addi %select_n3A_29, %mul3A_81 : i32
      "tpu.region"() ({
        %run_scoped3A_165 = tpu.sem_alloc : memref<!tpu.dma_semaphore, #tpu.memory_space<semaphore_mem>>
        %dma_start3A_166 = arith.constant 0 : i32
        %dma_start3A_167 = tpu.memref_slice %arg6[%add3A_82, %dma_start3A_166] : memref<6400x128xi32, #tpu.memory_space<hbm>> -> memref<4x128xi32, #tpu.memory_space<hbm>>
        %dma_start3A_168 = arith.constant 0 : i32
        %dma_start3A_169 = tpu.memref_slice %arg6[%add3A_82, %dma_start3A_168] : memref<6400x128xi32, #tpu.memory_space<hbm>> -> memref<4x128xi32, #tpu.memory_space<hbm>>
        tpu.enqueue_dma source(%dma_start3A_169 : memref<4x128xi32, #tpu.memory_space<hbm>>) target(%arg11 : memref<4x128xi32, #tpu.memory_space<vmem>>) target_semaphore(%run_scoped3A_165 : memref<!tpu.dma_semaphore, #tpu.memory_space<semaphore_mem>>)
        %dma_wait3A_170 = arith.constant 0 : i32
        %dma_wait3A_171 = tpu.memref_slice %arg6[%add3A_82, %dma_wait3A_170] : memref<6400x128xi32, #tpu.memory_space<hbm>> -> memref<4x128xi32, #tpu.memory_space<hbm>>
        %dma_wait3A_172 = arith.constant 0 : i32
        %dma_wait3A_173 = tpu.memref_slice %arg6[%add3A_82, %dma_wait3A_172] : memref<6400x128xi32, #tpu.memory_space<hbm>> -> memref<4x128xi32, #tpu.memory_space<hbm>>
        tpu.wait_dma2 semaphore(%run_scoped3A_165 : memref<!tpu.dma_semaphore, #tpu.memory_space<semaphore_mem>>) src(%dma_wait3A_173 : memref<4x128xi32, #tpu.memory_space<hbm>>) dst(%arg11 : memref<4x128xi32, #tpu.memory_space<vmem>>)
        tpu.yield
      }) : () -> ()
      "tpu.region"() ({
        %run_scoped3A_165 = tpu.sem_alloc : memref<!tpu.dma_semaphore, #tpu.memory_space<semaphore_mem>>
        %dma_start3A_166 = arith.constant 0 : i32
        %dma_start3A_167 = tpu.memref_slice %arg7[%add3A_82, %dma_start3A_166] : memref<6400x128xi32, #tpu.memory_space<hbm>> -> memref<4x128xi32, #tpu.memory_space<hbm>>
        %dma_start3A_168 = arith.constant 0 : i32
        %dma_start3A_169 = tpu.memref_slice %arg7[%add3A_82, %dma_start3A_168] : memref<6400x128xi32, #tpu.memory_space<hbm>> -> memref<4x128xi32, #tpu.memory_space<hbm>>
        tpu.enqueue_dma source(%dma_start3A_169 : memref<4x128xi32, #tpu.memory_space<hbm>>) target(%arg12 : memref<4x128xi32, #tpu.memory_space<vmem>>) target_semaphore(%run_scoped3A_165 : memref<!tpu.dma_semaphore, #tpu.memory_space<semaphore_mem>>)
        %dma_wait3A_170 = arith.constant 0 : i32
        %dma_wait3A_171 = tpu.memref_slice %arg7[%add3A_82, %dma_wait3A_170] : memref<6400x128xi32, #tpu.memory_space<hbm>> -> memref<4x128xi32, #tpu.memory_space<hbm>>
        %dma_wait3A_172 = arith.constant 0 : i32
        %dma_wait3A_173 = tpu.memref_slice %arg7[%add3A_82, %dma_wait3A_172] : memref<6400x128xi32, #tpu.memory_space<hbm>> -> memref<4x128xi32, #tpu.memory_space<hbm>>
        tpu.wait_dma2 semaphore(%run_scoped3A_165 : memref<!tpu.dma_semaphore, #tpu.memory_space<semaphore_mem>>) src(%dma_wait3A_173 : memref<4x128xi32, #tpu.memory_space<hbm>>) dst(%arg12 : memref<4x128xi32, #tpu.memory_space<vmem>>)
        tpu.yield
      }) : () -> ()
      %dma_start3A = arith.constant 0 : i32
      %dma_start3A_83 = arith.constant 0 : i32
      %dma_start3A_84 = arith.constant 0 : i32
      %dma_start3A_85 = tpu.memref_slice %arg13[%dma_start3A_83, %dma_start3A_84] : memref<512x32xf32, #tpu.memory_space<vmem>> -> memref<128x32xf32, #tpu.memory_space<vmem>>
      %dma_start3A_86 = arith.constant 0 : i32
      %dma_start3A_87 = tpu.memref_slice %arg11[%dma_start3A, %dma_start3A_86] : memref<4x128xi32, #tpu.memory_space<vmem>> -> memref<1x128xi32, #tpu.memory_space<vmem>>
      %dma_start3A_88 = tpu.memref_squeeze %dma_start3A_87 : memref<1x128xi32, #tpu.memory_space<vmem>> -> memref<128xi32, #tpu.memory_space<vmem>>
      %dma_start3A_89 = arith.constant 0 : i32
      %dma_start3A_90 = arith.constant 0 : i32
      %dma_start3A_91 = tpu.memref_slice %arg2[%dma_start3A_89, %dma_start3A_90] : memref<50176x32xf32, #tpu.memory_space<hbm>> -> memref<50176x32xf32, #tpu.memory_space<hbm>>
      tpu.enqueue_indirect_dma source(%dma_start3A_91 : memref<50176x32xf32, #tpu.memory_space<hbm>>) target(%dma_start3A_85 : memref<128x32xf32, #tpu.memory_space<vmem>>) offsets(%dma_start3A_88 : memref<128xi32, #tpu.memory_space<vmem>>) semaphore(%arg14 : memref<!tpu.dma_semaphore, #tpu.memory_space<semaphore_mem>>)
      %dma_start3A_92 = arith.constant 1 : i32
      %dma_start3A_93 = arith.constant 128 : i32
      %dma_start3A_94 = arith.constant 0 : i32
      %dma_start3A_95 = tpu.memref_slice %arg13[%dma_start3A_93, %dma_start3A_94] : memref<512x32xf32, #tpu.memory_space<vmem>> -> memref<128x32xf32, #tpu.memory_space<vmem>>
      %dma_start3A_96 = arith.constant 0 : i32
      %dma_start3A_97 = tpu.memref_slice %arg11[%dma_start3A_92, %dma_start3A_96] : memref<4x128xi32, #tpu.memory_space<vmem>> -> memref<1x128xi32, #tpu.memory_space<vmem>>
      %dma_start3A_98 = tpu.memref_squeeze %dma_start3A_97 : memref<1x128xi32, #tpu.memory_space<vmem>> -> memref<128xi32, #tpu.memory_space<vmem>>
      %dma_start3A_99 = arith.constant 0 : i32
      %dma_start3A_100 = arith.constant 0 : i32
      %dma_start3A_101 = tpu.memref_slice %arg2[%dma_start3A_99, %dma_start3A_100] : memref<50176x32xf32, #tpu.memory_space<hbm>> -> memref<50176x32xf32, #tpu.memory_space<hbm>>
      tpu.enqueue_indirect_dma source(%dma_start3A_101 : memref<50176x32xf32, #tpu.memory_space<hbm>>) target(%dma_start3A_95 : memref<128x32xf32, #tpu.memory_space<vmem>>) offsets(%dma_start3A_98 : memref<128xi32, #tpu.memory_space<vmem>>) semaphore(%arg14 : memref<!tpu.dma_semaphore, #tpu.memory_space<semaphore_mem>>)
      %dma_start3A_102 = arith.constant 2 : i32
      %dma_start3A_103 = arith.constant 256 : i32
      %dma_start3A_104 = arith.constant 0 : i32
      %dma_start3A_105 = tpu.memref_slice %arg13[%dma_start3A_103, %dma_start3A_104] : memref<512x32xf32, #tpu.memory_space<vmem>> -> memref<128x32xf32, #tpu.memory_space<vmem>>
      %dma_start3A_106 = arith.constant 0 : i32
      %dma_start3A_107 = tpu.memref_slice %arg11[%dma_start3A_102, %dma_start3A_106] : memref<4x128xi32, #tpu.memory_space<vmem>> -> memref<1x128xi32, #tpu.memory_space<vmem>>
      %dma_start3A_108 = tpu.memref_squeeze %dma_start3A_107 : memref<1x128xi32, #tpu.memory_space<vmem>> -> memref<128xi32, #tpu.memory_space<vmem>>
      %dma_start3A_109 = arith.constant 0 : i32
      %dma_start3A_110 = arith.constant 0 : i32
      %dma_start3A_111 = tpu.memref_slice %arg2[%dma_start3A_109, %dma_start3A_110] : memref<50176x32xf32, #tpu.memory_space<hbm>> -> memref<50176x32xf32, #tpu.memory_space<hbm>>
      tpu.enqueue_indirect_dma source(%dma_start3A_111 : memref<50176x32xf32, #tpu.memory_space<hbm>>) target(%dma_start3A_105 : memref<128x32xf32, #tpu.memory_space<vmem>>) offsets(%dma_start3A_108 : memref<128xi32, #tpu.memory_space<vmem>>) semaphore(%arg14 : memref<!tpu.dma_semaphore, #tpu.memory_space<semaphore_mem>>)
      %dma_start3A_112 = arith.constant 3 : i32
      %dma_start3A_113 = arith.constant 384 : i32
      %dma_start3A_114 = arith.constant 0 : i32
      %dma_start3A_115 = tpu.memref_slice %arg13[%dma_start3A_113, %dma_start3A_114] : memref<512x32xf32, #tpu.memory_space<vmem>> -> memref<128x32xf32, #tpu.memory_space<vmem>>
      %dma_start3A_116 = arith.constant 0 : i32
      %dma_start3A_117 = tpu.memref_slice %arg11[%dma_start3A_112, %dma_start3A_116] : memref<4x128xi32, #tpu.memory_space<vmem>> -> memref<1x128xi32, #tpu.memory_space<vmem>>
      %dma_start3A_118 = tpu.memref_squeeze %dma_start3A_117 : memref<1x128xi32, #tpu.memory_space<vmem>> -> memref<128xi32, #tpu.memory_space<vmem>>
      %dma_start3A_119 = arith.constant 0 : i32
      %dma_start3A_120 = arith.constant 0 : i32
      %dma_start3A_121 = tpu.memref_slice %arg2[%dma_start3A_119, %dma_start3A_120] : memref<50176x32xf32, #tpu.memory_space<hbm>> -> memref<50176x32xf32, #tpu.memory_space<hbm>>
      tpu.enqueue_indirect_dma source(%dma_start3A_121 : memref<50176x32xf32, #tpu.memory_space<hbm>>) target(%dma_start3A_115 : memref<128x32xf32, #tpu.memory_space<vmem>>) offsets(%dma_start3A_118 : memref<128xi32, #tpu.memory_space<vmem>>) semaphore(%arg14 : memref<!tpu.dma_semaphore, #tpu.memory_space<semaphore_mem>>)
      %dma_wait3A = arith.constant 0 : i32
      %dma_wait3A_122 = arith.constant 0 : i32
      %dma_wait3A_123 = arith.constant 0 : i32
      %dma_wait3A_124 = tpu.memref_slice %arg13[%dma_wait3A_122, %dma_wait3A_123] : memref<512x32xf32, #tpu.memory_space<vmem>> -> memref<128x32xf32, #tpu.memory_space<vmem>>
      %dma_wait3A_125 = arith.constant 0 : i32
      %dma_wait3A_126 = tpu.memref_slice %arg11[%dma_wait3A, %dma_wait3A_125] : memref<4x128xi32, #tpu.memory_space<vmem>> -> memref<1x128xi32, #tpu.memory_space<vmem>>
      %dma_wait3A_127 = tpu.memref_squeeze %dma_wait3A_126 : memref<1x128xi32, #tpu.memory_space<vmem>> -> memref<128xi32, #tpu.memory_space<vmem>>
      %dma_wait3A_128 = arith.constant 0 : i32
      %dma_wait3A_129 = arith.constant 0 : i32
      %dma_wait3A_130 = tpu.memref_slice %arg2[%dma_wait3A_128, %dma_wait3A_129] : memref<50176x32xf32, #tpu.memory_space<hbm>> -> memref<50176x32xf32, #tpu.memory_space<hbm>>
      tpu.wait_indirect_dma semaphore(%arg14 : memref<!tpu.dma_semaphore, #tpu.memory_space<semaphore_mem>>) src(%dma_wait3A_130 : memref<50176x32xf32, #tpu.memory_space<hbm>>) dst(%dma_wait3A_124 : memref<128x32xf32, #tpu.memory_space<vmem>>)
      %dma_wait3A_131 = arith.constant 1 : i32
      %dma_wait3A_132 = arith.constant 128 : i32
      %dma_wait3A_133 = arith.constant 0 : i32
      %dma_wait3A_134 = tpu.memref_slice %arg13[%dma_wait3A_132, %dma_wait3A_133] : memref<512x32xf32, #tpu.memory_space<vmem>> -> memref<128x32xf32, #tpu.memory_space<vmem>>
      %dma_wait3A_135 = arith.constant 0 : i32
      %dma_wait3A_136 = tpu.memref_slice %arg11[%dma_wait3A_131, %dma_wait3A_135] : memref<4x128xi32, #tpu.memory_space<vmem>> -> memref<1x128xi32, #tpu.memory_space<vmem>>
      %dma_wait3A_137 = tpu.memref_squeeze %dma_wait3A_136 : memref<1x128xi32, #tpu.memory_space<vmem>> -> memref<128xi32, #tpu.memory_space<vmem>>
      %dma_wait3A_138 = arith.constant 0 : i32
      %dma_wait3A_139 = arith.constant 0 : i32
      %dma_wait3A_140 = tpu.memref_slice %arg2[%dma_wait3A_138, %dma_wait3A_139] : memref<50176x32xf32, #tpu.memory_space<hbm>> -> memref<50176x32xf32, #tpu.memory_space<hbm>>
      tpu.wait_indirect_dma semaphore(%arg14 : memref<!tpu.dma_semaphore, #tpu.memory_space<semaphore_mem>>) src(%dma_wait3A_140 : memref<50176x32xf32, #tpu.memory_space<hbm>>) dst(%dma_wait3A_134 : memref<128x32xf32, #tpu.memory_space<vmem>>)
      %dma_wait3A_141 = arith.constant 2 : i32
      %dma_wait3A_142 = arith.constant 256 : i32
      %dma_wait3A_143 = arith.constant 0 : i32
      %dma_wait3A_144 = tpu.memref_slice %arg13[%dma_wait3A_142, %dma_wait3A_143] : memref<512x32xf32, #tpu.memory_space<vmem>> -> memref<128x32xf32, #tpu.memory_space<vmem>>
      %dma_wait3A_145 = arith.constant 0 : i32
      %dma_wait3A_146 = tpu.memref_slice %arg11[%dma_wait3A_141, %dma_wait3A_145] : memref<4x128xi32, #tpu.memory_space<vmem>> -> memref<1x128xi32, #tpu.memory_space<vmem>>
      %dma_wait3A_147 = tpu.memref_squeeze %dma_wait3A_146 : memref<1x128xi32, #tpu.memory_space<vmem>> -> memref<128xi32, #tpu.memory_space<vmem>>
      %dma_wait3A_148 = arith.constant 0 : i32
      %dma_wait3A_149 = arith.constant 0 : i32
      %dma_wait3A_150 = tpu.memref_slice %arg2[%dma_wait3A_148, %dma_wait3A_149] : memref<50176x32xf32, #tpu.memory_space<hbm>> -> memref<50176x32xf32, #tpu.memory_space<hbm>>
      tpu.wait_indirect_dma semaphore(%arg14 : memref<!tpu.dma_semaphore, #tpu.memory_space<semaphore_mem>>) src(%dma_wait3A_150 : memref<50176x32xf32, #tpu.memory_space<hbm>>) dst(%dma_wait3A_144 : memref<128x32xf32, #tpu.memory_space<vmem>>)
      %dma_wait3A_151 = arith.constant 3 : i32
      %dma_wait3A_152 = arith.constant 384 : i32
      %dma_wait3A_153 = arith.constant 0 : i32
      %dma_wait3A_154 = tpu.memref_slice %arg13[%dma_wait3A_152, %dma_wait3A_153] : memref<512x32xf32, #tpu.memory_space<vmem>> -> memref<128x32xf32, #tpu.memory_space<vmem>>
      %dma_wait3A_155 = arith.constant 0 : i32
      %dma_wait3A_156 = tpu.memref_slice %arg11[%dma_wait3A_151, %dma_wait3A_155] : memref<4x128xi32, #tpu.memory_space<vmem>> -> memref<1x128xi32, #tpu.memory_space<vmem>>
      %dma_wait3A_157 = tpu.memref_squeeze %dma_wait3A_156 : memref<1x128xi32, #tpu.memory_space<vmem>> -> memref<128xi32, #tpu.memory_space<vmem>>
      %dma_wait3A_158 = arith.constant 0 : i32
      %dma_wait3A_159 = arith.constant 0 : i32
      %dma_wait3A_160 = tpu.memref_slice %arg2[%dma_wait3A_158, %dma_wait3A_159] : memref<50176x32xf32, #tpu.memory_space<hbm>> -> memref<50176x32xf32, #tpu.memory_space<hbm>>
      tpu.wait_indirect_dma semaphore(%arg14 : memref<!tpu.dma_semaphore, #tpu.memory_space<semaphore_mem>>) src(%dma_wait3A_160 : memref<50176x32xf32, #tpu.memory_space<hbm>>) dst(%dma_wait3A_154 : memref<128x32xf32, #tpu.memory_space<vmem>>)
      %run_scoped3A_161 = arith.constant 0 : i32
      "tpu.region"() ({
        %run_scoped3A_165 = tpu.sem_alloc : memref<!tpu.dma_semaphore, #tpu.memory_space<semaphore_mem>>
        %dma_start3A_166 = arith.constant 0 : i32
        %dma_start3A_167 = arith.constant 0 : i32
        %dma_start3A_168 = tpu.memref_slice %arg13[%dma_start3A_166, %dma_start3A_167] : memref<512x32xf32, #tpu.memory_space<vmem>> -> memref<128x32xf32, #tpu.memory_space<vmem>>
        %dma_start3A_169 = arith.constant 0 : i32
        %dma_start3A_170 = tpu.memref_slice %arg12[%run_scoped3A_161, %dma_start3A_169] : memref<4x128xi32, #tpu.memory_space<vmem>> -> memref<1x128xi32, #tpu.memory_space<vmem>>
        %dma_start3A_171 = tpu.memref_squeeze %dma_start3A_170 : memref<1x128xi32, #tpu.memory_space<vmem>> -> memref<128xi32, #tpu.memory_space<vmem>>
        %dma_start3A_172 = arith.constant 0 : i32
        %dma_start3A_173 = arith.constant 0 : i32
        %dma_start3A_174 = tpu.memref_slice %arg10[%dma_start3A_172, %dma_start3A_173] : memref<50176x32xf32, #tpu.memory_space<vmem_shared>> -> memref<50176x32xf32, #tpu.memory_space<vmem_shared>>
        tpu.enqueue_indirect_dma source(%dma_start3A_168 : memref<128x32xf32, #tpu.memory_space<vmem>>) target(%dma_start3A_174 : memref<50176x32xf32, #tpu.memory_space<vmem_shared>>) offsets(%dma_start3A_171 : memref<128xi32, #tpu.memory_space<vmem>>) semaphore(%run_scoped3A_165 : memref<!tpu.dma_semaphore, #tpu.memory_space<semaphore_mem>>) {add = true}
        %dma_wait3A_175 = arith.constant 0 : i32
        %dma_wait3A_176 = arith.constant 0 : i32
        %dma_wait3A_177 = tpu.memref_slice %arg13[%dma_wait3A_175, %dma_wait3A_176] : memref<512x32xf32, #tpu.memory_space<vmem>> -> memref<128x32xf32, #tpu.memory_space<vmem>>
        %dma_wait3A_178 = arith.constant 0 : i32
        %dma_wait3A_179 = tpu.memref_slice %arg12[%run_scoped3A_161, %dma_wait3A_178] : memref<4x128xi32, #tpu.memory_space<vmem>> -> memref<1x128xi32, #tpu.memory_space<vmem>>
        %dma_wait3A_180 = tpu.memref_squeeze %dma_wait3A_179 : memref<1x128xi32, #tpu.memory_space<vmem>> -> memref<128xi32, #tpu.memory_space<vmem>>
        %dma_wait3A_181 = arith.constant 0 : i32
        %dma_wait3A_182 = arith.constant 0 : i32
        %dma_wait3A_183 = tpu.memref_slice %arg10[%dma_wait3A_181, %dma_wait3A_182] : memref<50176x32xf32, #tpu.memory_space<vmem_shared>> -> memref<50176x32xf32, #tpu.memory_space<vmem_shared>>
        tpu.wait_indirect_dma semaphore(%run_scoped3A_165 : memref<!tpu.dma_semaphore, #tpu.memory_space<semaphore_mem>>) src(%dma_wait3A_177 : memref<128x32xf32, #tpu.memory_space<vmem>>) dst(%dma_wait3A_183 : memref<50176x32xf32, #tpu.memory_space<vmem_shared>>)
        tpu.yield
      }) : () -> ()
      %run_scoped3A_162 = arith.constant 1 : i32
      "tpu.region"() ({
        %run_scoped3A_165 = tpu.sem_alloc : memref<!tpu.dma_semaphore, #tpu.memory_space<semaphore_mem>>
        %dma_start3A_166 = arith.constant 128 : i32
        %dma_start3A_167 = arith.constant 0 : i32
        %dma_start3A_168 = tpu.memref_slice %arg13[%dma_start3A_166, %dma_start3A_167] : memref<512x32xf32, #tpu.memory_space<vmem>> -> memref<128x32xf32, #tpu.memory_space<vmem>>
        %dma_start3A_169 = arith.constant 0 : i32
        %dma_start3A_170 = tpu.memref_slice %arg12[%run_scoped3A_162, %dma_start3A_169] : memref<4x128xi32, #tpu.memory_space<vmem>> -> memref<1x128xi32, #tpu.memory_space<vmem>>
        %dma_start3A_171 = tpu.memref_squeeze %dma_start3A_170 : memref<1x128xi32, #tpu.memory_space<vmem>> -> memref<128xi32, #tpu.memory_space<vmem>>
        %dma_start3A_172 = arith.constant 0 : i32
        %dma_start3A_173 = arith.constant 0 : i32
        %dma_start3A_174 = tpu.memref_slice %arg10[%dma_start3A_172, %dma_start3A_173] : memref<50176x32xf32, #tpu.memory_space<vmem_shared>> -> memref<50176x32xf32, #tpu.memory_space<vmem_shared>>
        tpu.enqueue_indirect_dma source(%dma_start3A_168 : memref<128x32xf32, #tpu.memory_space<vmem>>) target(%dma_start3A_174 : memref<50176x32xf32, #tpu.memory_space<vmem_shared>>) offsets(%dma_start3A_171 : memref<128xi32, #tpu.memory_space<vmem>>) semaphore(%run_scoped3A_165 : memref<!tpu.dma_semaphore, #tpu.memory_space<semaphore_mem>>) {add = true}
        %dma_wait3A_175 = arith.constant 128 : i32
        %dma_wait3A_176 = arith.constant 0 : i32
        %dma_wait3A_177 = tpu.memref_slice %arg13[%dma_wait3A_175, %dma_wait3A_176] : memref<512x32xf32, #tpu.memory_space<vmem>> -> memref<128x32xf32, #tpu.memory_space<vmem>>
        %dma_wait3A_178 = arith.constant 0 : i32
        %dma_wait3A_179 = tpu.memref_slice %arg12[%run_scoped3A_162, %dma_wait3A_178] : memref<4x128xi32, #tpu.memory_space<vmem>> -> memref<1x128xi32, #tpu.memory_space<vmem>>
        %dma_wait3A_180 = tpu.memref_squeeze %dma_wait3A_179 : memref<1x128xi32, #tpu.memory_space<vmem>> -> memref<128xi32, #tpu.memory_space<vmem>>
        %dma_wait3A_181 = arith.constant 0 : i32
        %dma_wait3A_182 = arith.constant 0 : i32
        %dma_wait3A_183 = tpu.memref_slice %arg10[%dma_wait3A_181, %dma_wait3A_182] : memref<50176x32xf32, #tpu.memory_space<vmem_shared>> -> memref<50176x32xf32, #tpu.memory_space<vmem_shared>>
        tpu.wait_indirect_dma semaphore(%run_scoped3A_165 : memref<!tpu.dma_semaphore, #tpu.memory_space<semaphore_mem>>) src(%dma_wait3A_177 : memref<128x32xf32, #tpu.memory_space<vmem>>) dst(%dma_wait3A_183 : memref<50176x32xf32, #tpu.memory_space<vmem_shared>>)
        tpu.yield
      }) : () -> ()
      %run_scoped3A_163 = arith.constant 2 : i32
      "tpu.region"() ({
        %run_scoped3A_165 = tpu.sem_alloc : memref<!tpu.dma_semaphore, #tpu.memory_space<semaphore_mem>>
        %dma_start3A_166 = arith.constant 256 : i32
        %dma_start3A_167 = arith.constant 0 : i32
        %dma_start3A_168 = tpu.memref_slice %arg13[%dma_start3A_166, %dma_start3A_167] : memref<512x32xf32, #tpu.memory_space<vmem>> -> memref<128x32xf32, #tpu.memory_space<vmem>>
        %dma_start3A_169 = arith.constant 0 : i32
        %dma_start3A_170 = tpu.memref_slice %arg12[%run_scoped3A_163, %dma_start3A_169] : memref<4x128xi32, #tpu.memory_space<vmem>> -> memref<1x128xi32, #tpu.memory_space<vmem>>
        %dma_start3A_171 = tpu.memref_squeeze %dma_start3A_170 : memref<1x128xi32, #tpu.memory_space<vmem>> -> memref<128xi32, #tpu.memory_space<vmem>>
        %dma_start3A_172 = arith.constant 0 : i32
        %dma_start3A_173 = arith.constant 0 : i32
        %dma_start3A_174 = tpu.memref_slice %arg10[%dma_start3A_172, %dma_start3A_173] : memref<50176x32xf32, #tpu.memory_space<vmem_shared>> -> memref<50176x32xf32, #tpu.memory_space<vmem_shared>>
        tpu.enqueue_indirect_dma source(%dma_start3A_168 : memref<128x32xf32, #tpu.memory_space<vmem>>) target(%dma_start3A_174 : memref<50176x32xf32, #tpu.memory_space<vmem_shared>>) offsets(%dma_start3A_171 : memref<128xi32, #tpu.memory_space<vmem>>) semaphore(%run_scoped3A_165 : memref<!tpu.dma_semaphore, #tpu.memory_space<semaphore_mem>>) {add = true}
        %dma_wait3A_175 = arith.constant 256 : i32
        %dma_wait3A_176 = arith.constant 0 : i32
        %dma_wait3A_177 = tpu.memref_slice %arg13[%dma_wait3A_175, %dma_wait3A_176] : memref<512x32xf32, #tpu.memory_space<vmem>> -> memref<128x32xf32, #tpu.memory_space<vmem>>
        %dma_wait3A_178 = arith.constant 0 : i32
        %dma_wait3A_179 = tpu.memref_slice %arg12[%run_scoped3A_163, %dma_wait3A_178] : memref<4x128xi32, #tpu.memory_space<vmem>> -> memref<1x128xi32, #tpu.memory_space<vmem>>
        %dma_wait3A_180 = tpu.memref_squeeze %dma_wait3A_179 : memref<1x128xi32, #tpu.memory_space<vmem>> -> memref<128xi32, #tpu.memory_space<vmem>>
        %dma_wait3A_181 = arith.constant 0 : i32
        %dma_wait3A_182 = arith.constant 0 : i32
        %dma_wait3A_183 = tpu.memref_slice %arg10[%dma_wait3A_181, %dma_wait3A_182] : memref<50176x32xf32, #tpu.memory_space<vmem_shared>> -> memref<50176x32xf32, #tpu.memory_space<vmem_shared>>
        tpu.wait_indirect_dma semaphore(%run_scoped3A_165 : memref<!tpu.dma_semaphore, #tpu.memory_space<semaphore_mem>>) src(%dma_wait3A_177 : memref<128x32xf32, #tpu.memory_space<vmem>>) dst(%dma_wait3A_183 : memref<50176x32xf32, #tpu.memory_space<vmem_shared>>)
        tpu.yield
      }) : () -> ()
      %run_scoped3A_164 = arith.constant 3 : i32
      "tpu.region"() ({
        %run_scoped3A_165 = tpu.sem_alloc : memref<!tpu.dma_semaphore, #tpu.memory_space<semaphore_mem>>
        %dma_start3A_166 = arith.constant 384 : i32
        %dma_start3A_167 = arith.constant 0 : i32
        %dma_start3A_168 = tpu.memref_slice %arg13[%dma_start3A_166, %dma_start3A_167] : memref<512x32xf32, #tpu.memory_space<vmem>> -> memref<128x32xf32, #tpu.memory_space<vmem>>
        %dma_start3A_169 = arith.constant 0 : i32
        %dma_start3A_170 = tpu.memref_slice %arg12[%run_scoped3A_164, %dma_start3A_169] : memref<4x128xi32, #tpu.memory_space<vmem>> -> memref<1x128xi32, #tpu.memory_space<vmem>>
        %dma_start3A_171 = tpu.memref_squeeze %dma_start3A_170 : memref<1x128xi32, #tpu.memory_space<vmem>> -> memref<128xi32, #tpu.memory_space<vmem>>
        %dma_start3A_172 = arith.constant 0 : i32
        %dma_start3A_173 = arith.constant 0 : i32
        %dma_start3A_174 = tpu.memref_slice %arg10[%dma_start3A_172, %dma_start3A_173] : memref<50176x32xf32, #tpu.memory_space<vmem_shared>> -> memref<50176x32xf32, #tpu.memory_space<vmem_shared>>
        tpu.enqueue_indirect_dma source(%dma_start3A_168 : memref<128x32xf32, #tpu.memory_space<vmem>>) target(%dma_start3A_174 : memref<50176x32xf32, #tpu.memory_space<vmem_shared>>) offsets(%dma_start3A_171 : memref<128xi32, #tpu.memory_space<vmem>>) semaphore(%run_scoped3A_165 : memref<!tpu.dma_semaphore, #tpu.memory_space<semaphore_mem>>) {add = true}
        %dma_wait3A_175 = arith.constant 384 : i32
        %dma_wait3A_176 = arith.constant 0 : i32
        %dma_wait3A_177 = tpu.memref_slice %arg13[%dma_wait3A_175, %dma_wait3A_176] : memref<512x32xf32, #tpu.memory_space<vmem>> -> memref<128x32xf32, #tpu.memory_space<vmem>>
        %dma_wait3A_178 = arith.constant 0 : i32
        %dma_wait3A_179 = tpu.memref_slice %arg12[%run_scoped3A_164, %dma_wait3A_178] : memref<4x128xi32, #tpu.memory_space<vmem>> -> memref<1x128xi32, #tpu.memory_space<vmem>>
        %dma_wait3A_180 = tpu.memref_squeeze %dma_wait3A_179 : memref<1x128xi32, #tpu.memory_space<vmem>> -> memref<128xi32, #tpu.memory_space<vmem>>
        %dma_wait3A_181 = arith.constant 0 : i32
        %dma_wait3A_182 = arith.constant 0 : i32
        %dma_wait3A_183 = tpu.memref_slice %arg10[%dma_wait3A_181, %dma_wait3A_182] : memref<50176x32xf32, #tpu.memory_space<vmem_shared>> -> memref<50176x32xf32, #tpu.memory_space<vmem_shared>>
        tpu.wait_indirect_dma semaphore(%run_scoped3A_165 : memref<!tpu.dma_semaphore, #tpu.memory_space<semaphore_mem>>) src(%dma_wait3A_177 : memref<128x32xf32, #tpu.memory_space<vmem>>) dst(%dma_wait3A_183 : memref<50176x32xf32, #tpu.memory_space<vmem_shared>>)
        tpu.yield
      }) : () -> ()
    }
    %barrier3A_39 = arith.constant 0 : index
    tpu.barrier barrier_id(%barrier3A_39)
    %run_scoped3A = arith.constant 0 : i32
    "tpu.region"() ({
      %run_scoped3A_79 = tpu.sem_alloc : memref<!tpu.dma_semaphore, #tpu.memory_space<semaphore_mem>>
      %dma_start3A = arith.constant 0 : i32
      %dma_start3A_80 = tpu.memref_slice %arg9[%run_scoped3A, %arg0, %mul3A_0, %dma_start3A] : memref<4x2x50176x32xf32, #tpu.memory_space<hbm>> -> memref<1x1x3136x32xf32, #tpu.memory_space<hbm>>
      %dma_start3A_81 = tpu.memref_squeeze %dma_start3A_80 : memref<1x1x3136x32xf32, #tpu.memory_space<hbm>> -> memref<3136x32xf32, #tpu.memory_space<hbm>>
      %dma_start3A_82 = arith.constant 0 : i32
      %dma_start3A_83 = tpu.memref_slice %arg10[%mul3A_0, %dma_start3A_82] : memref<50176x32xf32, #tpu.memory_space<vmem_shared>> -> memref<3136x32xf32, #tpu.memory_space<vmem_shared>>
      tpu.enqueue_dma source(%dma_start3A_83 : memref<3136x32xf32, #tpu.memory_space<vmem_shared>>) target(%dma_start3A_81 : memref<3136x32xf32, #tpu.memory_space<hbm>>) target_semaphore(%run_scoped3A_79 : memref<!tpu.dma_semaphore, #tpu.memory_space<semaphore_mem>>)
      %dma_wait3A = arith.constant 0 : i32
      %dma_wait3A_84 = tpu.memref_slice %arg9[%run_scoped3A, %arg0, %mul3A_0, %dma_wait3A] : memref<4x2x50176x32xf32, #tpu.memory_space<hbm>> -> memref<1x1x3136x32xf32, #tpu.memory_space<hbm>>
      %dma_wait3A_85 = tpu.memref_squeeze %dma_wait3A_84 : memref<1x1x3136x32xf32, #tpu.memory_space<hbm>> -> memref<3136x32xf32, #tpu.memory_space<hbm>>
      %dma_wait3A_86 = arith.constant 0 : i32
      %dma_wait3A_87 = tpu.memref_slice %arg10[%mul3A_0, %dma_wait3A_86] : memref<50176x32xf32, #tpu.memory_space<vmem_shared>> -> memref<3136x32xf32, #tpu.memory_space<vmem_shared>>
      tpu.wait_dma2 semaphore(%run_scoped3A_79 : memref<!tpu.dma_semaphore, #tpu.memory_space<semaphore_mem>>) src(%dma_wait3A_87 : memref<3136x32xf32, #tpu.memory_space<vmem_shared>>) dst(%dma_wait3A_85 : memref<3136x32xf32, #tpu.memory_space<hbm>>)
      tpu.yield
    }) : () -> ()
    "tpu.region"() ({
      %run_scoped3A_79 = tpu.sem_alloc : memref<!tpu.dma_semaphore, #tpu.memory_space<semaphore_mem>>
      %dma_start3A = arith.constant 0 : i32
      %dma_start3A_80 = tpu.memref_slice %arg10[%mul3A_0, %dma_start3A] : memref<50176x32xf32, #tpu.memory_space<vmem_shared>> -> memref<3136x32xf32, #tpu.memory_space<vmem_shared>>
      tpu.enqueue_dma source(%arg8 : memref<3136x32xf32, #tpu.memory_space<hbm>>) target(%dma_start3A_80 : memref<3136x32xf32, #tpu.memory_space<vmem_shared>>) target_semaphore(%run_scoped3A_79 : memref<!tpu.dma_semaphore, #tpu.memory_space<semaphore_mem>>)
      %dma_wait3A = arith.constant 0 : i32
      %dma_wait3A_81 = tpu.memref_slice %arg10[%mul3A_0, %dma_wait3A] : memref<50176x32xf32, #tpu.memory_space<vmem_shared>> -> memref<3136x32xf32, #tpu.memory_space<vmem_shared>>
      tpu.wait_dma2 semaphore(%run_scoped3A_79 : memref<!tpu.dma_semaphore, #tpu.memory_space<semaphore_mem>>) src(%arg8 : memref<3136x32xf32, #tpu.memory_space<hbm>>) dst(%dma_wait3A_81 : memref<3136x32xf32, #tpu.memory_space<vmem_shared>>)
      tpu.yield
    }) : () -> ()
    %barrier3A_40 = arith.constant 0 : index
    tpu.barrier barrier_id(%barrier3A_40)
    %while3A_41 = arith.constant 0 : i32
    %while3A_42 = arith.constant 0 : i32
    %while3A_43 = arith.subi %select_n3A, %while3A_42 : i32
    %while3A_44 = arith.addi %while3A_42, %while3A_43 : i32
    %while3A_45 = arith.constant 1 : i32
    %while3A_46 = arith.divsi %while3A_43, %while3A_45 : i32
    %while3A_47 = arith.muli %while3A_46, %while3A_45 : i32
    %while3A_48 = arith.addi %while3A_42, %while3A_47 : i32
    %while3A_49 = arith.constant 1 : i32
    scf.for %while3A_79 = %while3A_42 to %while3A_48 step %while3A_49  : i32 {
      %mul3A_80 = arith.constant 4 : i32
      %mul3A_81 = arith.muli %while3A_79, %mul3A_80 : i32
      %add3A_82 = arith.addi %select_n3A_29, %mul3A_81 : i32
      "tpu.region"() ({
        %run_scoped3A_165 = tpu.sem_alloc : memref<!tpu.dma_semaphore, #tpu.memory_space<semaphore_mem>>
        %dma_start3A_166 = arith.constant 0 : i32
        %dma_start3A_167 = tpu.memref_slice %arg6[%add3A_82, %dma_start3A_166] : memref<6400x128xi32, #tpu.memory_space<hbm>> -> memref<4x128xi32, #tpu.memory_space<hbm>>
        %dma_start3A_168 = arith.constant 0 : i32
        %dma_start3A_169 = tpu.memref_slice %arg6[%add3A_82, %dma_start3A_168] : memref<6400x128xi32, #tpu.memory_space<hbm>> -> memref<4x128xi32, #tpu.memory_space<hbm>>
        tpu.enqueue_dma source(%dma_start3A_169 : memref<4x128xi32, #tpu.memory_space<hbm>>) target(%arg11 : memref<4x128xi32, #tpu.memory_space<vmem>>) target_semaphore(%run_scoped3A_165 : memref<!tpu.dma_semaphore, #tpu.memory_space<semaphore_mem>>)
        %dma_wait3A_170 = arith.constant 0 : i32
        %dma_wait3A_171 = tpu.memref_slice %arg6[%add3A_82, %dma_wait3A_170] : memref<6400x128xi32, #tpu.memory_space<hbm>> -> memref<4x128xi32, #tpu.memory_space<hbm>>
        %dma_wait3A_172 = arith.constant 0 : i32
        %dma_wait3A_173 = tpu.memref_slice %arg6[%add3A_82, %dma_wait3A_172] : memref<6400x128xi32, #tpu.memory_space<hbm>> -> memref<4x128xi32, #tpu.memory_space<hbm>>
        tpu.wait_dma2 semaphore(%run_scoped3A_165 : memref<!tpu.dma_semaphore, #tpu.memory_space<semaphore_mem>>) src(%dma_wait3A_173 : memref<4x128xi32, #tpu.memory_space<hbm>>) dst(%arg11 : memref<4x128xi32, #tpu.memory_space<vmem>>)
        tpu.yield
      }) : () -> ()
      "tpu.region"() ({
        %run_scoped3A_165 = tpu.sem_alloc : memref<!tpu.dma_semaphore, #tpu.memory_space<semaphore_mem>>
        %dma_start3A_166 = arith.constant 0 : i32
        %dma_start3A_167 = tpu.memref_slice %arg7[%add3A_82, %dma_start3A_166] : memref<6400x128xi32, #tpu.memory_space<hbm>> -> memref<4x128xi32, #tpu.memory_space<hbm>>
        %dma_start3A_168 = arith.constant 0 : i32
        %dma_start3A_169 = tpu.memref_slice %arg7[%add3A_82, %dma_start3A_168] : memref<6400x128xi32, #tpu.memory_space<hbm>> -> memref<4x128xi32, #tpu.memory_space<hbm>>
        tpu.enqueue_dma source(%dma_start3A_169 : memref<4x128xi32, #tpu.memory_space<hbm>>) target(%arg12 : memref<4x128xi32, #tpu.memory_space<vmem>>) target_semaphore(%run_scoped3A_165 : memref<!tpu.dma_semaphore, #tpu.memory_space<semaphore_mem>>)
        %dma_wait3A_170 = arith.constant 0 : i32
        %dma_wait3A_171 = tpu.memref_slice %arg7[%add3A_82, %dma_wait3A_170] : memref<6400x128xi32, #tpu.memory_space<hbm>> -> memref<4x128xi32, #tpu.memory_space<hbm>>
        %dma_wait3A_172 = arith.constant 0 : i32
        %dma_wait3A_173 = tpu.memref_slice %arg7[%add3A_82, %dma_wait3A_172] : memref<6400x128xi32, #tpu.memory_space<hbm>> -> memref<4x128xi32, #tpu.memory_space<hbm>>
        tpu.wait_dma2 semaphore(%run_scoped3A_165 : memref<!tpu.dma_semaphore, #tpu.memory_space<semaphore_mem>>) src(%dma_wait3A_173 : memref<4x128xi32, #tpu.memory_space<hbm>>) dst(%arg12 : memref<4x128xi32, #tpu.memory_space<vmem>>)
        tpu.yield
      }) : () -> ()
      %dma_start3A = arith.constant 0 : i32
      %dma_start3A_83 = arith.constant 0 : i32
      %dma_start3A_84 = arith.constant 0 : i32
      %dma_start3A_85 = tpu.memref_slice %arg13[%dma_start3A_83, %dma_start3A_84] : memref<512x32xf32, #tpu.memory_space<vmem>> -> memref<128x32xf32, #tpu.memory_space<vmem>>
      %dma_start3A_86 = arith.constant 0 : i32
      %dma_start3A_87 = tpu.memref_slice %arg11[%dma_start3A, %dma_start3A_86] : memref<4x128xi32, #tpu.memory_space<vmem>> -> memref<1x128xi32, #tpu.memory_space<vmem>>
      %dma_start3A_88 = tpu.memref_squeeze %dma_start3A_87 : memref<1x128xi32, #tpu.memory_space<vmem>> -> memref<128xi32, #tpu.memory_space<vmem>>
      %dma_start3A_89 = arith.constant 0 : i32
      %dma_start3A_90 = arith.constant 0 : i32
      %dma_start3A_91 = tpu.memref_slice %arg3[%dma_start3A_89, %dma_start3A_90] : memref<50176x32xf32, #tpu.memory_space<hbm>> -> memref<50176x32xf32, #tpu.memory_space<hbm>>
      tpu.enqueue_indirect_dma source(%dma_start3A_91 : memref<50176x32xf32, #tpu.memory_space<hbm>>) target(%dma_start3A_85 : memref<128x32xf32, #tpu.memory_space<vmem>>) offsets(%dma_start3A_88 : memref<128xi32, #tpu.memory_space<vmem>>) semaphore(%arg14 : memref<!tpu.dma_semaphore, #tpu.memory_space<semaphore_mem>>)
      %dma_start3A_92 = arith.constant 1 : i32
      %dma_start3A_93 = arith.constant 128 : i32
      %dma_start3A_94 = arith.constant 0 : i32
      %dma_start3A_95 = tpu.memref_slice %arg13[%dma_start3A_93, %dma_start3A_94] : memref<512x32xf32, #tpu.memory_space<vmem>> -> memref<128x32xf32, #tpu.memory_space<vmem>>
      %dma_start3A_96 = arith.constant 0 : i32
      %dma_start3A_97 = tpu.memref_slice %arg11[%dma_start3A_92, %dma_start3A_96] : memref<4x128xi32, #tpu.memory_space<vmem>> -> memref<1x128xi32, #tpu.memory_space<vmem>>
      %dma_start3A_98 = tpu.memref_squeeze %dma_start3A_97 : memref<1x128xi32, #tpu.memory_space<vmem>> -> memref<128xi32, #tpu.memory_space<vmem>>
      %dma_start3A_99 = arith.constant 0 : i32
      %dma_start3A_100 = arith.constant 0 : i32
      %dma_start3A_101 = tpu.memref_slice %arg3[%dma_start3A_99, %dma_start3A_100] : memref<50176x32xf32, #tpu.memory_space<hbm>> -> memref<50176x32xf32, #tpu.memory_space<hbm>>
      tpu.enqueue_indirect_dma source(%dma_start3A_101 : memref<50176x32xf32, #tpu.memory_space<hbm>>) target(%dma_start3A_95 : memref<128x32xf32, #tpu.memory_space<vmem>>) offsets(%dma_start3A_98 : memref<128xi32, #tpu.memory_space<vmem>>) semaphore(%arg14 : memref<!tpu.dma_semaphore, #tpu.memory_space<semaphore_mem>>)
      %dma_start3A_102 = arith.constant 2 : i32
      %dma_start3A_103 = arith.constant 256 : i32
      %dma_start3A_104 = arith.constant 0 : i32
      %dma_start3A_105 = tpu.memref_slice %arg13[%dma_start3A_103, %dma_start3A_104] : memref<512x32xf32, #tpu.memory_space<vmem>> -> memref<128x32xf32, #tpu.memory_space<vmem>>
      %dma_start3A_106 = arith.constant 0 : i32
      %dma_start3A_107 = tpu.memref_slice %arg11[%dma_start3A_102, %dma_start3A_106] : memref<4x128xi32, #tpu.memory_space<vmem>> -> memref<1x128xi32, #tpu.memory_space<vmem>>
      %dma_start3A_108 = tpu.memref_squeeze %dma_start3A_107 : memref<1x128xi32, #tpu.memory_space<vmem>> -> memref<128xi32, #tpu.memory_space<vmem>>
      %dma_start3A_109 = arith.constant 0 : i32
      %dma_start3A_110 = arith.constant 0 : i32
      %dma_start3A_111 = tpu.memref_slice %arg3[%dma_start3A_109, %dma_start3A_110] : memref<50176x32xf32, #tpu.memory_space<hbm>> -> memref<50176x32xf32, #tpu.memory_space<hbm>>
      tpu.enqueue_indirect_dma source(%dma_start3A_111 : memref<50176x32xf32, #tpu.memory_space<hbm>>) target(%dma_start3A_105 : memref<128x32xf32, #tpu.memory_space<vmem>>) offsets(%dma_start3A_108 : memref<128xi32, #tpu.memory_space<vmem>>) semaphore(%arg14 : memref<!tpu.dma_semaphore, #tpu.memory_space<semaphore_mem>>)
      %dma_start3A_112 = arith.constant 3 : i32
      %dma_start3A_113 = arith.constant 384 : i32
      %dma_start3A_114 = arith.constant 0 : i32
      %dma_start3A_115 = tpu.memref_slice %arg13[%dma_start3A_113, %dma_start3A_114] : memref<512x32xf32, #tpu.memory_space<vmem>> -> memref<128x32xf32, #tpu.memory_space<vmem>>
      %dma_start3A_116 = arith.constant 0 : i32
      %dma_start3A_117 = tpu.memref_slice %arg11[%dma_start3A_112, %dma_start3A_116] : memref<4x128xi32, #tpu.memory_space<vmem>> -> memref<1x128xi32, #tpu.memory_space<vmem>>
      %dma_start3A_118 = tpu.memref_squeeze %dma_start3A_117 : memref<1x128xi32, #tpu.memory_space<vmem>> -> memref<128xi32, #tpu.memory_space<vmem>>
      %dma_start3A_119 = arith.constant 0 : i32
      %dma_start3A_120 = arith.constant 0 : i32
      %dma_start3A_121 = tpu.memref_slice %arg3[%dma_start3A_119, %dma_start3A_120] : memref<50176x32xf32, #tpu.memory_space<hbm>> -> memref<50176x32xf32, #tpu.memory_space<hbm>>
      tpu.enqueue_indirect_dma source(%dma_start3A_121 : memref<50176x32xf32, #tpu.memory_space<hbm>>) target(%dma_start3A_115 : memref<128x32xf32, #tpu.memory_space<vmem>>) offsets(%dma_start3A_118 : memref<128xi32, #tpu.memory_space<vmem>>) semaphore(%arg14 : memref<!tpu.dma_semaphore, #tpu.memory_space<semaphore_mem>>)
      %dma_wait3A = arith.constant 0 : i32
      %dma_wait3A_122 = arith.constant 0 : i32
      %dma_wait3A_123 = arith.constant 0 : i32
      %dma_wait3A_124 = tpu.memref_slice %arg13[%dma_wait3A_122, %dma_wait3A_123] : memref<512x32xf32, #tpu.memory_space<vmem>> -> memref<128x32xf32, #tpu.memory_space<vmem>>
      %dma_wait3A_125 = arith.constant 0 : i32
      %dma_wait3A_126 = tpu.memref_slice %arg11[%dma_wait3A, %dma_wait3A_125] : memref<4x128xi32, #tpu.memory_space<vmem>> -> memref<1x128xi32, #tpu.memory_space<vmem>>
      %dma_wait3A_127 = tpu.memref_squeeze %dma_wait3A_126 : memref<1x128xi32, #tpu.memory_space<vmem>> -> memref<128xi32, #tpu.memory_space<vmem>>
      %dma_wait3A_128 = arith.constant 0 : i32
      %dma_wait3A_129 = arith.constant 0 : i32
      %dma_wait3A_130 = tpu.memref_slice %arg3[%dma_wait3A_128, %dma_wait3A_129] : memref<50176x32xf32, #tpu.memory_space<hbm>> -> memref<50176x32xf32, #tpu.memory_space<hbm>>
      tpu.wait_indirect_dma semaphore(%arg14 : memref<!tpu.dma_semaphore, #tpu.memory_space<semaphore_mem>>) src(%dma_wait3A_130 : memref<50176x32xf32, #tpu.memory_space<hbm>>) dst(%dma_wait3A_124 : memref<128x32xf32, #tpu.memory_space<vmem>>)
      %dma_wait3A_131 = arith.constant 1 : i32
      %dma_wait3A_132 = arith.constant 128 : i32
      %dma_wait3A_133 = arith.constant 0 : i32
      %dma_wait3A_134 = tpu.memref_slice %arg13[%dma_wait3A_132, %dma_wait3A_133] : memref<512x32xf32, #tpu.memory_space<vmem>> -> memref<128x32xf32, #tpu.memory_space<vmem>>
      %dma_wait3A_135 = arith.constant 0 : i32
      %dma_wait3A_136 = tpu.memref_slice %arg11[%dma_wait3A_131, %dma_wait3A_135] : memref<4x128xi32, #tpu.memory_space<vmem>> -> memref<1x128xi32, #tpu.memory_space<vmem>>
      %dma_wait3A_137 = tpu.memref_squeeze %dma_wait3A_136 : memref<1x128xi32, #tpu.memory_space<vmem>> -> memref<128xi32, #tpu.memory_space<vmem>>
      %dma_wait3A_138 = arith.constant 0 : i32
      %dma_wait3A_139 = arith.constant 0 : i32
      %dma_wait3A_140 = tpu.memref_slice %arg3[%dma_wait3A_138, %dma_wait3A_139] : memref<50176x32xf32, #tpu.memory_space<hbm>> -> memref<50176x32xf32, #tpu.memory_space<hbm>>
      tpu.wait_indirect_dma semaphore(%arg14 : memref<!tpu.dma_semaphore, #tpu.memory_space<semaphore_mem>>) src(%dma_wait3A_140 : memref<50176x32xf32, #tpu.memory_space<hbm>>) dst(%dma_wait3A_134 : memref<128x32xf32, #tpu.memory_space<vmem>>)
      %dma_wait3A_141 = arith.constant 2 : i32
      %dma_wait3A_142 = arith.constant 256 : i32
      %dma_wait3A_143 = arith.constant 0 : i32
      %dma_wait3A_144 = tpu.memref_slice %arg13[%dma_wait3A_142, %dma_wait3A_143] : memref<512x32xf32, #tpu.memory_space<vmem>> -> memref<128x32xf32, #tpu.memory_space<vmem>>
      %dma_wait3A_145 = arith.constant 0 : i32
      %dma_wait3A_146 = tpu.memref_slice %arg11[%dma_wait3A_141, %dma_wait3A_145] : memref<4x128xi32, #tpu.memory_space<vmem>> -> memref<1x128xi32, #tpu.memory_space<vmem>>
      %dma_wait3A_147 = tpu.memref_squeeze %dma_wait3A_146 : memref<1x128xi32, #tpu.memory_space<vmem>> -> memref<128xi32, #tpu.memory_space<vmem>>
      %dma_wait3A_148 = arith.constant 0 : i32
      %dma_wait3A_149 = arith.constant 0 : i32
      %dma_wait3A_150 = tpu.memref_slice %arg3[%dma_wait3A_148, %dma_wait3A_149] : memref<50176x32xf32, #tpu.memory_space<hbm>> -> memref<50176x32xf32, #tpu.memory_space<hbm>>
      tpu.wait_indirect_dma semaphore(%arg14 : memref<!tpu.dma_semaphore, #tpu.memory_space<semaphore_mem>>) src(%dma_wait3A_150 : memref<50176x32xf32, #tpu.memory_space<hbm>>) dst(%dma_wait3A_144 : memref<128x32xf32, #tpu.memory_space<vmem>>)
      %dma_wait3A_151 = arith.constant 3 : i32
      %dma_wait3A_152 = arith.constant 384 : i32
      %dma_wait3A_153 = arith.constant 0 : i32
      %dma_wait3A_154 = tpu.memref_slice %arg13[%dma_wait3A_152, %dma_wait3A_153] : memref<512x32xf32, #tpu.memory_space<vmem>> -> memref<128x32xf32, #tpu.memory_space<vmem>>
      %dma_wait3A_155 = arith.constant 0 : i32
      %dma_wait3A_156 = tpu.memref_slice %arg11[%dma_wait3A_151, %dma_wait3A_155] : memref<4x128xi32, #tpu.memory_space<vmem>> -> memref<1x128xi32, #tpu.memory_space<vmem>>
      %dma_wait3A_157 = tpu.memref_squeeze %dma_wait3A_156 : memref<1x128xi32, #tpu.memory_space<vmem>> -> memref<128xi32, #tpu.memory_space<vmem>>
      %dma_wait3A_158 = arith.constant 0 : i32
      %dma_wait3A_159 = arith.constant 0 : i32
      %dma_wait3A_160 = tpu.memref_slice %arg3[%dma_wait3A_158, %dma_wait3A_159] : memref<50176x32xf32, #tpu.memory_space<hbm>> -> memref<50176x32xf32, #tpu.memory_space<hbm>>
      tpu.wait_indirect_dma semaphore(%arg14 : memref<!tpu.dma_semaphore, #tpu.memory_space<semaphore_mem>>) src(%dma_wait3A_160 : memref<50176x32xf32, #tpu.memory_space<hbm>>) dst(%dma_wait3A_154 : memref<128x32xf32, #tpu.memory_space<vmem>>)
      %run_scoped3A_161 = arith.constant 0 : i32
      "tpu.region"() ({
        %run_scoped3A_165 = tpu.sem_alloc : memref<!tpu.dma_semaphore, #tpu.memory_space<semaphore_mem>>
        %dma_start3A_166 = arith.constant 0 : i32
        %dma_start3A_167 = arith.constant 0 : i32
        %dma_start3A_168 = tpu.memref_slice %arg13[%dma_start3A_166, %dma_start3A_167] : memref<512x32xf32, #tpu.memory_space<vmem>> -> memref<128x32xf32, #tpu.memory_space<vmem>>
        %dma_start3A_169 = arith.constant 0 : i32
        %dma_start3A_170 = tpu.memref_slice %arg12[%run_scoped3A_161, %dma_start3A_169] : memref<4x128xi32, #tpu.memory_space<vmem>> -> memref<1x128xi32, #tpu.memory_space<vmem>>
        %dma_start3A_171 = tpu.memref_squeeze %dma_start3A_170 : memref<1x128xi32, #tpu.memory_space<vmem>> -> memref<128xi32, #tpu.memory_space<vmem>>
        %dma_start3A_172 = arith.constant 0 : i32
        %dma_start3A_173 = arith.constant 0 : i32
        %dma_start3A_174 = tpu.memref_slice %arg10[%dma_start3A_172, %dma_start3A_173] : memref<50176x32xf32, #tpu.memory_space<vmem_shared>> -> memref<50176x32xf32, #tpu.memory_space<vmem_shared>>
        tpu.enqueue_indirect_dma source(%dma_start3A_168 : memref<128x32xf32, #tpu.memory_space<vmem>>) target(%dma_start3A_174 : memref<50176x32xf32, #tpu.memory_space<vmem_shared>>) offsets(%dma_start3A_171 : memref<128xi32, #tpu.memory_space<vmem>>) semaphore(%run_scoped3A_165 : memref<!tpu.dma_semaphore, #tpu.memory_space<semaphore_mem>>) {add = true}
        %dma_wait3A_175 = arith.constant 0 : i32
        %dma_wait3A_176 = arith.constant 0 : i32
        %dma_wait3A_177 = tpu.memref_slice %arg13[%dma_wait3A_175, %dma_wait3A_176] : memref<512x32xf32, #tpu.memory_space<vmem>> -> memref<128x32xf32, #tpu.memory_space<vmem>>
        %dma_wait3A_178 = arith.constant 0 : i32
        %dma_wait3A_179 = tpu.memref_slice %arg12[%run_scoped3A_161, %dma_wait3A_178] : memref<4x128xi32, #tpu.memory_space<vmem>> -> memref<1x128xi32, #tpu.memory_space<vmem>>
        %dma_wait3A_180 = tpu.memref_squeeze %dma_wait3A_179 : memref<1x128xi32, #tpu.memory_space<vmem>> -> memref<128xi32, #tpu.memory_space<vmem>>
        %dma_wait3A_181 = arith.constant 0 : i32
        %dma_wait3A_182 = arith.constant 0 : i32
        %dma_wait3A_183 = tpu.memref_slice %arg10[%dma_wait3A_181, %dma_wait3A_182] : memref<50176x32xf32, #tpu.memory_space<vmem_shared>> -> memref<50176x32xf32, #tpu.memory_space<vmem_shared>>
        tpu.wait_indirect_dma semaphore(%run_scoped3A_165 : memref<!tpu.dma_semaphore, #tpu.memory_space<semaphore_mem>>) src(%dma_wait3A_177 : memref<128x32xf32, #tpu.memory_space<vmem>>) dst(%dma_wait3A_183 : memref<50176x32xf32, #tpu.memory_space<vmem_shared>>)
        tpu.yield
      }) : () -> ()
      %run_scoped3A_162 = arith.constant 1 : i32
      "tpu.region"() ({
        %run_scoped3A_165 = tpu.sem_alloc : memref<!tpu.dma_semaphore, #tpu.memory_space<semaphore_mem>>
        %dma_start3A_166 = arith.constant 128 : i32
        %dma_start3A_167 = arith.constant 0 : i32
        %dma_start3A_168 = tpu.memref_slice %arg13[%dma_start3A_166, %dma_start3A_167] : memref<512x32xf32, #tpu.memory_space<vmem>> -> memref<128x32xf32, #tpu.memory_space<vmem>>
        %dma_start3A_169 = arith.constant 0 : i32
        %dma_start3A_170 = tpu.memref_slice %arg12[%run_scoped3A_162, %dma_start3A_169] : memref<4x128xi32, #tpu.memory_space<vmem>> -> memref<1x128xi32, #tpu.memory_space<vmem>>
        %dma_start3A_171 = tpu.memref_squeeze %dma_start3A_170 : memref<1x128xi32, #tpu.memory_space<vmem>> -> memref<128xi32, #tpu.memory_space<vmem>>
        %dma_start3A_172 = arith.constant 0 : i32
        %dma_start3A_173 = arith.constant 0 : i32
        %dma_start3A_174 = tpu.memref_slice %arg10[%dma_start3A_172, %dma_start3A_173] : memref<50176x32xf32, #tpu.memory_space<vmem_shared>> -> memref<50176x32xf32, #tpu.memory_space<vmem_shared>>
        tpu.enqueue_indirect_dma source(%dma_start3A_168 : memref<128x32xf32, #tpu.memory_space<vmem>>) target(%dma_start3A_174 : memref<50176x32xf32, #tpu.memory_space<vmem_shared>>) offsets(%dma_start3A_171 : memref<128xi32, #tpu.memory_space<vmem>>) semaphore(%run_scoped3A_165 : memref<!tpu.dma_semaphore, #tpu.memory_space<semaphore_mem>>) {add = true}
        %dma_wait3A_175 = arith.constant 128 : i32
        %dma_wait3A_176 = arith.constant 0 : i32
        %dma_wait3A_177 = tpu.memref_slice %arg13[%dma_wait3A_175, %dma_wait3A_176] : memref<512x32xf32, #tpu.memory_space<vmem>> -> memref<128x32xf32, #tpu.memory_space<vmem>>
        %dma_wait3A_178 = arith.constant 0 : i32
        %dma_wait3A_179 = tpu.memref_slice %arg12[%run_scoped3A_162, %dma_wait3A_178] : memref<4x128xi32, #tpu.memory_space<vmem>> -> memref<1x128xi32, #tpu.memory_space<vmem>>
        %dma_wait3A_180 = tpu.memref_squeeze %dma_wait3A_179 : memref<1x128xi32, #tpu.memory_space<vmem>> -> memref<128xi32, #tpu.memory_space<vmem>>
        %dma_wait3A_181 = arith.constant 0 : i32
        %dma_wait3A_182 = arith.constant 0 : i32
        %dma_wait3A_183 = tpu.memref_slice %arg10[%dma_wait3A_181, %dma_wait3A_182] : memref<50176x32xf32, #tpu.memory_space<vmem_shared>> -> memref<50176x32xf32, #tpu.memory_space<vmem_shared>>
        tpu.wait_indirect_dma semaphore(%run_scoped3A_165 : memref<!tpu.dma_semaphore, #tpu.memory_space<semaphore_mem>>) src(%dma_wait3A_177 : memref<128x32xf32, #tpu.memory_space<vmem>>) dst(%dma_wait3A_183 : memref<50176x32xf32, #tpu.memory_space<vmem_shared>>)
        tpu.yield
      }) : () -> ()
      %run_scoped3A_163 = arith.constant 2 : i32
      "tpu.region"() ({
        %run_scoped3A_165 = tpu.sem_alloc : memref<!tpu.dma_semaphore, #tpu.memory_space<semaphore_mem>>
        %dma_start3A_166 = arith.constant 256 : i32
        %dma_start3A_167 = arith.constant 0 : i32
        %dma_start3A_168 = tpu.memref_slice %arg13[%dma_start3A_166, %dma_start3A_167] : memref<512x32xf32, #tpu.memory_space<vmem>> -> memref<128x32xf32, #tpu.memory_space<vmem>>
        %dma_start3A_169 = arith.constant 0 : i32
        %dma_start3A_170 = tpu.memref_slice %arg12[%run_scoped3A_163, %dma_start3A_169] : memref<4x128xi32, #tpu.memory_space<vmem>> -> memref<1x128xi32, #tpu.memory_space<vmem>>
        %dma_start3A_171 = tpu.memref_squeeze %dma_start3A_170 : memref<1x128xi32, #tpu.memory_space<vmem>> -> memref<128xi32, #tpu.memory_space<vmem>>
        %dma_start3A_172 = arith.constant 0 : i32
        %dma_start3A_173 = arith.constant 0 : i32
        %dma_start3A_174 = tpu.memref_slice %arg10[%dma_start3A_172, %dma_start3A_173] : memref<50176x32xf32, #tpu.memory_space<vmem_shared>> -> memref<50176x32xf32, #tpu.memory_space<vmem_shared>>
        tpu.enqueue_indirect_dma source(%dma_start3A_168 : memref<128x32xf32, #tpu.memory_space<vmem>>) target(%dma_start3A_174 : memref<50176x32xf32, #tpu.memory_space<vmem_shared>>) offsets(%dma_start3A_171 : memref<128xi32, #tpu.memory_space<vmem>>) semaphore(%run_scoped3A_165 : memref<!tpu.dma_semaphore, #tpu.memory_space<semaphore_mem>>) {add = true}
        %dma_wait3A_175 = arith.constant 256 : i32
        %dma_wait3A_176 = arith.constant 0 : i32
        %dma_wait3A_177 = tpu.memref_slice %arg13[%dma_wait3A_175, %dma_wait3A_176] : memref<512x32xf32, #tpu.memory_space<vmem>> -> memref<128x32xf32, #tpu.memory_space<vmem>>
        %dma_wait3A_178 = arith.constant 0 : i32
        %dma_wait3A_179 = tpu.memref_slice %arg12[%run_scoped3A_163, %dma_wait3A_178] : memref<4x128xi32, #tpu.memory_space<vmem>> -> memref<1x128xi32, #tpu.memory_space<vmem>>
        %dma_wait3A_180 = tpu.memref_squeeze %dma_wait3A_179 : memref<1x128xi32, #tpu.memory_space<vmem>> -> memref<128xi32, #tpu.memory_space<vmem>>
        %dma_wait3A_181 = arith.constant 0 : i32
        %dma_wait3A_182 = arith.constant 0 : i32
        %dma_wait3A_183 = tpu.memref_slice %arg10[%dma_wait3A_181, %dma_wait3A_182] : memref<50176x32xf32, #tpu.memory_space<vmem_shared>> -> memref<50176x32xf32, #tpu.memory_space<vmem_shared>>
        tpu.wait_indirect_dma semaphore(%run_scoped3A_165 : memref<!tpu.dma_semaphore, #tpu.memory_space<semaphore_mem>>) src(%dma_wait3A_177 : memref<128x32xf32, #tpu.memory_space<vmem>>) dst(%dma_wait3A_183 : memref<50176x32xf32, #tpu.memory_space<vmem_shared>>)
        tpu.yield
      }) : () -> ()
      %run_scoped3A_164 = arith.constant 3 : i32
      "tpu.region"() ({
        %run_scoped3A_165 = tpu.sem_alloc : memref<!tpu.dma_semaphore, #tpu.memory_space<semaphore_mem>>
        %dma_start3A_166 = arith.constant 384 : i32
        %dma_start3A_167 = arith.constant 0 : i32
        %dma_start3A_168 = tpu.memref_slice %arg13[%dma_start3A_166, %dma_start3A_167] : memref<512x32xf32, #tpu.memory_space<vmem>> -> memref<128x32xf32, #tpu.memory_space<vmem>>
        %dma_start3A_169 = arith.constant 0 : i32
        %dma_start3A_170 = tpu.memref_slice %arg12[%run_scoped3A_164, %dma_start3A_169] : memref<4x128xi32, #tpu.memory_space<vmem>> -> memref<1x128xi32, #tpu.memory_space<vmem>>
        %dma_start3A_171 = tpu.memref_squeeze %dma_start3A_170 : memref<1x128xi32, #tpu.memory_space<vmem>> -> memref<128xi32, #tpu.memory_space<vmem>>
        %dma_start3A_172 = arith.constant 0 : i32
        %dma_start3A_173 = arith.constant 0 : i32
        %dma_start3A_174 = tpu.memref_slice %arg10[%dma_start3A_172, %dma_start3A_173] : memref<50176x32xf32, #tpu.memory_space<vmem_shared>> -> memref<50176x32xf32, #tpu.memory_space<vmem_shared>>
        tpu.enqueue_indirect_dma source(%dma_start3A_168 : memref<128x32xf32, #tpu.memory_space<vmem>>) target(%dma_start3A_174 : memref<50176x32xf32, #tpu.memory_space<vmem_shared>>) offsets(%dma_start3A_171 : memref<128xi32, #tpu.memory_space<vmem>>) semaphore(%run_scoped3A_165 : memref<!tpu.dma_semaphore, #tpu.memory_space<semaphore_mem>>) {add = true}
        %dma_wait3A_175 = arith.constant 384 : i32
        %dma_wait3A_176 = arith.constant 0 : i32
        %dma_wait3A_177 = tpu.memref_slice %arg13[%dma_wait3A_175, %dma_wait3A_176] : memref<512x32xf32, #tpu.memory_space<vmem>> -> memref<128x32xf32, #tpu.memory_space<vmem>>
        %dma_wait3A_178 = arith.constant 0 : i32
        %dma_wait3A_179 = tpu.memref_slice %arg12[%run_scoped3A_164, %dma_wait3A_178] : memref<4x128xi32, #tpu.memory_space<vmem>> -> memref<1x128xi32, #tpu.memory_space<vmem>>
        %dma_wait3A_180 = tpu.memref_squeeze %dma_wait3A_179 : memref<1x128xi32, #tpu.memory_space<vmem>> -> memref<128xi32, #tpu.memory_space<vmem>>
        %dma_wait3A_181 = arith.constant 0 : i32
        %dma_wait3A_182 = arith.constant 0 : i32
        %dma_wait3A_183 = tpu.memref_slice %arg10[%dma_wait3A_181, %dma_wait3A_182] : memref<50176x32xf32, #tpu.memory_space<vmem_shared>> -> memref<50176x32xf32, #tpu.memory_space<vmem_shared>>
        tpu.wait_indirect_dma semaphore(%run_scoped3A_165 : memref<!tpu.dma_semaphore, #tpu.memory_space<semaphore_mem>>) src(%dma_wait3A_177 : memref<128x32xf32, #tpu.memory_space<vmem>>) dst(%dma_wait3A_183 : memref<50176x32xf32, #tpu.memory_space<vmem_shared>>)
        tpu.yield
      }) : () -> ()
    }
    %while3A_50 = arith.constant 1 : i32
    scf.for %while3A_79 = %while3A_48 to %while3A_44 step %while3A_50  : i32 {
      %mul3A_80 = arith.constant 4 : i32
      %mul3A_81 = arith.muli %while3A_79, %mul3A_80 : i32
      %add3A_82 = arith.addi %select_n3A_29, %mul3A_81 : i32
      "tpu.region"() ({
        %run_scoped3A_165 = tpu.sem_alloc : memref<!tpu.dma_semaphore, #tpu.memory_space<semaphore_mem>>
        %dma_start3A_166 = arith.constant 0 : i32
        %dma_start3A_167 = tpu.memref_slice %arg6[%add3A_82, %dma_start3A_166] : memref<6400x128xi32, #tpu.memory_space<hbm>> -> memref<4x128xi32, #tpu.memory_space<hbm>>
        %dma_start3A_168 = arith.constant 0 : i32
        %dma_start3A_169 = tpu.memref_slice %arg6[%add3A_82, %dma_start3A_168] : memref<6400x128xi32, #tpu.memory_space<hbm>> -> memref<4x128xi32, #tpu.memory_space<hbm>>
        tpu.enqueue_dma source(%dma_start3A_169 : memref<4x128xi32, #tpu.memory_space<hbm>>) target(%arg11 : memref<4x128xi32, #tpu.memory_space<vmem>>) target_semaphore(%run_scoped3A_165 : memref<!tpu.dma_semaphore, #tpu.memory_space<semaphore_mem>>)
        %dma_wait3A_170 = arith.constant 0 : i32
        %dma_wait3A_171 = tpu.memref_slice %arg6[%add3A_82, %dma_wait3A_170] : memref<6400x128xi32, #tpu.memory_space<hbm>> -> memref<4x128xi32, #tpu.memory_space<hbm>>
        %dma_wait3A_172 = arith.constant 0 : i32
        %dma_wait3A_173 = tpu.memref_slice %arg6[%add3A_82, %dma_wait3A_172] : memref<6400x128xi32, #tpu.memory_space<hbm>> -> memref<4x128xi32, #tpu.memory_space<hbm>>
        tpu.wait_dma2 semaphore(%run_scoped3A_165 : memref<!tpu.dma_semaphore, #tpu.memory_space<semaphore_mem>>) src(%dma_wait3A_173 : memref<4x128xi32, #tpu.memory_space<hbm>>) dst(%arg11 : memref<4x128xi32, #tpu.memory_space<vmem>>)
        tpu.yield
      }) : () -> ()
      "tpu.region"() ({
        %run_scoped3A_165 = tpu.sem_alloc : memref<!tpu.dma_semaphore, #tpu.memory_space<semaphore_mem>>
        %dma_start3A_166 = arith.constant 0 : i32
        %dma_start3A_167 = tpu.memref_slice %arg7[%add3A_82, %dma_start3A_166] : memref<6400x128xi32, #tpu.memory_space<hbm>> -> memref<4x128xi32, #tpu.memory_space<hbm>>
        %dma_start3A_168 = arith.constant 0 : i32
        %dma_start3A_169 = tpu.memref_slice %arg7[%add3A_82, %dma_start3A_168] : memref<6400x128xi32, #tpu.memory_space<hbm>> -> memref<4x128xi32, #tpu.memory_space<hbm>>
        tpu.enqueue_dma source(%dma_start3A_169 : memref<4x128xi32, #tpu.memory_space<hbm>>) target(%arg12 : memref<4x128xi32, #tpu.memory_space<vmem>>) target_semaphore(%run_scoped3A_165 : memref<!tpu.dma_semaphore, #tpu.memory_space<semaphore_mem>>)
        %dma_wait3A_170 = arith.constant 0 : i32
        %dma_wait3A_171 = tpu.memref_slice %arg7[%add3A_82, %dma_wait3A_170] : memref<6400x128xi32, #tpu.memory_space<hbm>> -> memref<4x128xi32, #tpu.memory_space<hbm>>
        %dma_wait3A_172 = arith.constant 0 : i32
        %dma_wait3A_173 = tpu.memref_slice %arg7[%add3A_82, %dma_wait3A_172] : memref<6400x128xi32, #tpu.memory_space<hbm>> -> memref<4x128xi32, #tpu.memory_space<hbm>>
        tpu.wait_dma2 semaphore(%run_scoped3A_165 : memref<!tpu.dma_semaphore, #tpu.memory_space<semaphore_mem>>) src(%dma_wait3A_173 : memref<4x128xi32, #tpu.memory_space<hbm>>) dst(%arg12 : memref<4x128xi32, #tpu.memory_space<vmem>>)
        tpu.yield
      }) : () -> ()
      %dma_start3A = arith.constant 0 : i32
      %dma_start3A_83 = arith.constant 0 : i32
      %dma_start3A_84 = arith.constant 0 : i32
      %dma_start3A_85 = tpu.memref_slice %arg13[%dma_start3A_83, %dma_start3A_84] : memref<512x32xf32, #tpu.memory_space<vmem>> -> memref<128x32xf32, #tpu.memory_space<vmem>>
      %dma_start3A_86 = arith.constant 0 : i32
      %dma_start3A_87 = tpu.memref_slice %arg11[%dma_start3A, %dma_start3A_86] : memref<4x128xi32, #tpu.memory_space<vmem>> -> memref<1x128xi32, #tpu.memory_space<vmem>>
      %dma_start3A_88 = tpu.memref_squeeze %dma_start3A_87 : memref<1x128xi32, #tpu.memory_space<vmem>> -> memref<128xi32, #tpu.memory_space<vmem>>
      %dma_start3A_89 = arith.constant 0 : i32
      %dma_start3A_90 = arith.constant 0 : i32
      %dma_start3A_91 = tpu.memref_slice %arg3[%dma_start3A_89, %dma_start3A_90] : memref<50176x32xf32, #tpu.memory_space<hbm>> -> memref<50176x32xf32, #tpu.memory_space<hbm>>
      tpu.enqueue_indirect_dma source(%dma_start3A_91 : memref<50176x32xf32, #tpu.memory_space<hbm>>) target(%dma_start3A_85 : memref<128x32xf32, #tpu.memory_space<vmem>>) offsets(%dma_start3A_88 : memref<128xi32, #tpu.memory_space<vmem>>) semaphore(%arg14 : memref<!tpu.dma_semaphore, #tpu.memory_space<semaphore_mem>>)
      %dma_start3A_92 = arith.constant 1 : i32
      %dma_start3A_93 = arith.constant 128 : i32
      %dma_start3A_94 = arith.constant 0 : i32
      %dma_start3A_95 = tpu.memref_slice %arg13[%dma_start3A_93, %dma_start3A_94] : memref<512x32xf32, #tpu.memory_space<vmem>> -> memref<128x32xf32, #tpu.memory_space<vmem>>
      %dma_start3A_96 = arith.constant 0 : i32
      %dma_start3A_97 = tpu.memref_slice %arg11[%dma_start3A_92, %dma_start3A_96] : memref<4x128xi32, #tpu.memory_space<vmem>> -> memref<1x128xi32, #tpu.memory_space<vmem>>
      %dma_start3A_98 = tpu.memref_squeeze %dma_start3A_97 : memref<1x128xi32, #tpu.memory_space<vmem>> -> memref<128xi32, #tpu.memory_space<vmem>>
      %dma_start3A_99 = arith.constant 0 : i32
      %dma_start3A_100 = arith.constant 0 : i32
      %dma_start3A_101 = tpu.memref_slice %arg3[%dma_start3A_99, %dma_start3A_100] : memref<50176x32xf32, #tpu.memory_space<hbm>> -> memref<50176x32xf32, #tpu.memory_space<hbm>>
      tpu.enqueue_indirect_dma source(%dma_start3A_101 : memref<50176x32xf32, #tpu.memory_space<hbm>>) target(%dma_start3A_95 : memref<128x32xf32, #tpu.memory_space<vmem>>) offsets(%dma_start3A_98 : memref<128xi32, #tpu.memory_space<vmem>>) semaphore(%arg14 : memref<!tpu.dma_semaphore, #tpu.memory_space<semaphore_mem>>)
      %dma_start3A_102 = arith.constant 2 : i32
      %dma_start3A_103 = arith.constant 256 : i32
      %dma_start3A_104 = arith.constant 0 : i32
      %dma_start3A_105 = tpu.memref_slice %arg13[%dma_start3A_103, %dma_start3A_104] : memref<512x32xf32, #tpu.memory_space<vmem>> -> memref<128x32xf32, #tpu.memory_space<vmem>>
      %dma_start3A_106 = arith.constant 0 : i32
      %dma_start3A_107 = tpu.memref_slice %arg11[%dma_start3A_102, %dma_start3A_106] : memref<4x128xi32, #tpu.memory_space<vmem>> -> memref<1x128xi32, #tpu.memory_space<vmem>>
      %dma_start3A_108 = tpu.memref_squeeze %dma_start3A_107 : memref<1x128xi32, #tpu.memory_space<vmem>> -> memref<128xi32, #tpu.memory_space<vmem>>
      %dma_start3A_109 = arith.constant 0 : i32
      %dma_start3A_110 = arith.constant 0 : i32
      %dma_start3A_111 = tpu.memref_slice %arg3[%dma_start3A_109, %dma_start3A_110] : memref<50176x32xf32, #tpu.memory_space<hbm>> -> memref<50176x32xf32, #tpu.memory_space<hbm>>
      tpu.enqueue_indirect_dma source(%dma_start3A_111 : memref<50176x32xf32, #tpu.memory_space<hbm>>) target(%dma_start3A_105 : memref<128x32xf32, #tpu.memory_space<vmem>>) offsets(%dma_start3A_108 : memref<128xi32, #tpu.memory_space<vmem>>) semaphore(%arg14 : memref<!tpu.dma_semaphore, #tpu.memory_space<semaphore_mem>>)
      %dma_start3A_112 = arith.constant 3 : i32
      %dma_start3A_113 = arith.constant 384 : i32
      %dma_start3A_114 = arith.constant 0 : i32
      %dma_start3A_115 = tpu.memref_slice %arg13[%dma_start3A_113, %dma_start3A_114] : memref<512x32xf32, #tpu.memory_space<vmem>> -> memref<128x32xf32, #tpu.memory_space<vmem>>
      %dma_start3A_116 = arith.constant 0 : i32
      %dma_start3A_117 = tpu.memref_slice %arg11[%dma_start3A_112, %dma_start3A_116] : memref<4x128xi32, #tpu.memory_space<vmem>> -> memref<1x128xi32, #tpu.memory_space<vmem>>
      %dma_start3A_118 = tpu.memref_squeeze %dma_start3A_117 : memref<1x128xi32, #tpu.memory_space<vmem>> -> memref<128xi32, #tpu.memory_space<vmem>>
      %dma_start3A_119 = arith.constant 0 : i32
      %dma_start3A_120 = arith.constant 0 : i32
      %dma_start3A_121 = tpu.memref_slice %arg3[%dma_start3A_119, %dma_start3A_120] : memref<50176x32xf32, #tpu.memory_space<hbm>> -> memref<50176x32xf32, #tpu.memory_space<hbm>>
      tpu.enqueue_indirect_dma source(%dma_start3A_121 : memref<50176x32xf32, #tpu.memory_space<hbm>>) target(%dma_start3A_115 : memref<128x32xf32, #tpu.memory_space<vmem>>) offsets(%dma_start3A_118 : memref<128xi32, #tpu.memory_space<vmem>>) semaphore(%arg14 : memref<!tpu.dma_semaphore, #tpu.memory_space<semaphore_mem>>)
      %dma_wait3A = arith.constant 0 : i32
      %dma_wait3A_122 = arith.constant 0 : i32
      %dma_wait3A_123 = arith.constant 0 : i32
      %dma_wait3A_124 = tpu.memref_slice %arg13[%dma_wait3A_122, %dma_wait3A_123] : memref<512x32xf32, #tpu.memory_space<vmem>> -> memref<128x32xf32, #tpu.memory_space<vmem>>
      %dma_wait3A_125 = arith.constant 0 : i32
      %dma_wait3A_126 = tpu.memref_slice %arg11[%dma_wait3A, %dma_wait3A_125] : memref<4x128xi32, #tpu.memory_space<vmem>> -> memref<1x128xi32, #tpu.memory_space<vmem>>
      %dma_wait3A_127 = tpu.memref_squeeze %dma_wait3A_126 : memref<1x128xi32, #tpu.memory_space<vmem>> -> memref<128xi32, #tpu.memory_space<vmem>>
      %dma_wait3A_128 = arith.constant 0 : i32
      %dma_wait3A_129 = arith.constant 0 : i32
      %dma_wait3A_130 = tpu.memref_slice %arg3[%dma_wait3A_128, %dma_wait3A_129] : memref<50176x32xf32, #tpu.memory_space<hbm>> -> memref<50176x32xf32, #tpu.memory_space<hbm>>
      tpu.wait_indirect_dma semaphore(%arg14 : memref<!tpu.dma_semaphore, #tpu.memory_space<semaphore_mem>>) src(%dma_wait3A_130 : memref<50176x32xf32, #tpu.memory_space<hbm>>) dst(%dma_wait3A_124 : memref<128x32xf32, #tpu.memory_space<vmem>>)
      %dma_wait3A_131 = arith.constant 1 : i32
      %dma_wait3A_132 = arith.constant 128 : i32
      %dma_wait3A_133 = arith.constant 0 : i32
      %dma_wait3A_134 = tpu.memref_slice %arg13[%dma_wait3A_132, %dma_wait3A_133] : memref<512x32xf32, #tpu.memory_space<vmem>> -> memref<128x32xf32, #tpu.memory_space<vmem>>
      %dma_wait3A_135 = arith.constant 0 : i32
      %dma_wait3A_136 = tpu.memref_slice %arg11[%dma_wait3A_131, %dma_wait3A_135] : memref<4x128xi32, #tpu.memory_space<vmem>> -> memref<1x128xi32, #tpu.memory_space<vmem>>
      %dma_wait3A_137 = tpu.memref_squeeze %dma_wait3A_136 : memref<1x128xi32, #tpu.memory_space<vmem>> -> memref<128xi32, #tpu.memory_space<vmem>>
      %dma_wait3A_138 = arith.constant 0 : i32
      %dma_wait3A_139 = arith.constant 0 : i32
      %dma_wait3A_140 = tpu.memref_slice %arg3[%dma_wait3A_138, %dma_wait3A_139] : memref<50176x32xf32, #tpu.memory_space<hbm>> -> memref<50176x32xf32, #tpu.memory_space<hbm>>
      tpu.wait_indirect_dma semaphore(%arg14 : memref<!tpu.dma_semaphore, #tpu.memory_space<semaphore_mem>>) src(%dma_wait3A_140 : memref<50176x32xf32, #tpu.memory_space<hbm>>) dst(%dma_wait3A_134 : memref<128x32xf32, #tpu.memory_space<vmem>>)
      %dma_wait3A_141 = arith.constant 2 : i32
      %dma_wait3A_142 = arith.constant 256 : i32
      %dma_wait3A_143 = arith.constant 0 : i32
      %dma_wait3A_144 = tpu.memref_slice %arg13[%dma_wait3A_142, %dma_wait3A_143] : memref<512x32xf32, #tpu.memory_space<vmem>> -> memref<128x32xf32, #tpu.memory_space<vmem>>
      %dma_wait3A_145 = arith.constant 0 : i32
      %dma_wait3A_146 = tpu.memref_slice %arg11[%dma_wait3A_141, %dma_wait3A_145] : memref<4x128xi32, #tpu.memory_space<vmem>> -> memref<1x128xi32, #tpu.memory_space<vmem>>
      %dma_wait3A_147 = tpu.memref_squeeze %dma_wait3A_146 : memref<1x128xi32, #tpu.memory_space<vmem>> -> memref<128xi32, #tpu.memory_space<vmem>>
      %dma_wait3A_148 = arith.constant 0 : i32
      %dma_wait3A_149 = arith.constant 0 : i32
      %dma_wait3A_150 = tpu.memref_slice %arg3[%dma_wait3A_148, %dma_wait3A_149] : memref<50176x32xf32, #tpu.memory_space<hbm>> -> memref<50176x32xf32, #tpu.memory_space<hbm>>
      tpu.wait_indirect_dma semaphore(%arg14 : memref<!tpu.dma_semaphore, #tpu.memory_space<semaphore_mem>>) src(%dma_wait3A_150 : memref<50176x32xf32, #tpu.memory_space<hbm>>) dst(%dma_wait3A_144 : memref<128x32xf32, #tpu.memory_space<vmem>>)
      %dma_wait3A_151 = arith.constant 3 : i32
      %dma_wait3A_152 = arith.constant 384 : i32
      %dma_wait3A_153 = arith.constant 0 : i32
      %dma_wait3A_154 = tpu.memref_slice %arg13[%dma_wait3A_152, %dma_wait3A_153] : memref<512x32xf32, #tpu.memory_space<vmem>> -> memref<128x32xf32, #tpu.memory_space<vmem>>
      %dma_wait3A_155 = arith.constant 0 : i32
      %dma_wait3A_156 = tpu.memref_slice %arg11[%dma_wait3A_151, %dma_wait3A_155] : memref<4x128xi32, #tpu.memory_space<vmem>> -> memref<1x128xi32, #tpu.memory_space<vmem>>
      %dma_wait3A_157 = tpu.memref_squeeze %dma_wait3A_156 : memref<1x128xi32, #tpu.memory_space<vmem>> -> memref<128xi32, #tpu.memory_space<vmem>>
      %dma_wait3A_158 = arith.constant 0 : i32
      %dma_wait3A_159 = arith.constant 0 : i32
      %dma_wait3A_160 = tpu.memref_slice %arg3[%dma_wait3A_158, %dma_wait3A_159] : memref<50176x32xf32, #tpu.memory_space<hbm>> -> memref<50176x32xf32, #tpu.memory_space<hbm>>
      tpu.wait_indirect_dma semaphore(%arg14 : memref<!tpu.dma_semaphore, #tpu.memory_space<semaphore_mem>>) src(%dma_wait3A_160 : memref<50176x32xf32, #tpu.memory_space<hbm>>) dst(%dma_wait3A_154 : memref<128x32xf32, #tpu.memory_space<vmem>>)
      %run_scoped3A_161 = arith.constant 0 : i32
      "tpu.region"() ({
        %run_scoped3A_165 = tpu.sem_alloc : memref<!tpu.dma_semaphore, #tpu.memory_space<semaphore_mem>>
        %dma_start3A_166 = arith.constant 0 : i32
        %dma_start3A_167 = arith.constant 0 : i32
        %dma_start3A_168 = tpu.memref_slice %arg13[%dma_start3A_166, %dma_start3A_167] : memref<512x32xf32, #tpu.memory_space<vmem>> -> memref<128x32xf32, #tpu.memory_space<vmem>>
        %dma_start3A_169 = arith.constant 0 : i32
        %dma_start3A_170 = tpu.memref_slice %arg12[%run_scoped3A_161, %dma_start3A_169] : memref<4x128xi32, #tpu.memory_space<vmem>> -> memref<1x128xi32, #tpu.memory_space<vmem>>
        %dma_start3A_171 = tpu.memref_squeeze %dma_start3A_170 : memref<1x128xi32, #tpu.memory_space<vmem>> -> memref<128xi32, #tpu.memory_space<vmem>>
        %dma_start3A_172 = arith.constant 0 : i32
        %dma_start3A_173 = arith.constant 0 : i32
        %dma_start3A_174 = tpu.memref_slice %arg10[%dma_start3A_172, %dma_start3A_173] : memref<50176x32xf32, #tpu.memory_space<vmem_shared>> -> memref<50176x32xf32, #tpu.memory_space<vmem_shared>>
        tpu.enqueue_indirect_dma source(%dma_start3A_168 : memref<128x32xf32, #tpu.memory_space<vmem>>) target(%dma_start3A_174 : memref<50176x32xf32, #tpu.memory_space<vmem_shared>>) offsets(%dma_start3A_171 : memref<128xi32, #tpu.memory_space<vmem>>) semaphore(%run_scoped3A_165 : memref<!tpu.dma_semaphore, #tpu.memory_space<semaphore_mem>>) {add = true}
        %dma_wait3A_175 = arith.constant 0 : i32
        %dma_wait3A_176 = arith.constant 0 : i32
        %dma_wait3A_177 = tpu.memref_slice %arg13[%dma_wait3A_175, %dma_wait3A_176] : memref<512x32xf32, #tpu.memory_space<vmem>> -> memref<128x32xf32, #tpu.memory_space<vmem>>
        %dma_wait3A_178 = arith.constant 0 : i32
        %dma_wait3A_179 = tpu.memref_slice %arg12[%run_scoped3A_161, %dma_wait3A_178] : memref<4x128xi32, #tpu.memory_space<vmem>> -> memref<1x128xi32, #tpu.memory_space<vmem>>
        %dma_wait3A_180 = tpu.memref_squeeze %dma_wait3A_179 : memref<1x128xi32, #tpu.memory_space<vmem>> -> memref<128xi32, #tpu.memory_space<vmem>>
        %dma_wait3A_181 = arith.constant 0 : i32
        %dma_wait3A_182 = arith.constant 0 : i32
        %dma_wait3A_183 = tpu.memref_slice %arg10[%dma_wait3A_181, %dma_wait3A_182] : memref<50176x32xf32, #tpu.memory_space<vmem_shared>> -> memref<50176x32xf32, #tpu.memory_space<vmem_shared>>
        tpu.wait_indirect_dma semaphore(%run_scoped3A_165 : memref<!tpu.dma_semaphore, #tpu.memory_space<semaphore_mem>>) src(%dma_wait3A_177 : memref<128x32xf32, #tpu.memory_space<vmem>>) dst(%dma_wait3A_183 : memref<50176x32xf32, #tpu.memory_space<vmem_shared>>)
        tpu.yield
      }) : () -> ()
      %run_scoped3A_162 = arith.constant 1 : i32
      "tpu.region"() ({
        %run_scoped3A_165 = tpu.sem_alloc : memref<!tpu.dma_semaphore, #tpu.memory_space<semaphore_mem>>
        %dma_start3A_166 = arith.constant 128 : i32
        %dma_start3A_167 = arith.constant 0 : i32
        %dma_start3A_168 = tpu.memref_slice %arg13[%dma_start3A_166, %dma_start3A_167] : memref<512x32xf32, #tpu.memory_space<vmem>> -> memref<128x32xf32, #tpu.memory_space<vmem>>
        %dma_start3A_169 = arith.constant 0 : i32
        %dma_start3A_170 = tpu.memref_slice %arg12[%run_scoped3A_162, %dma_start3A_169] : memref<4x128xi32, #tpu.memory_space<vmem>> -> memref<1x128xi32, #tpu.memory_space<vmem>>
        %dma_start3A_171 = tpu.memref_squeeze %dma_start3A_170 : memref<1x128xi32, #tpu.memory_space<vmem>> -> memref<128xi32, #tpu.memory_space<vmem>>
        %dma_start3A_172 = arith.constant 0 : i32
        %dma_start3A_173 = arith.constant 0 : i32
        %dma_start3A_174 = tpu.memref_slice %arg10[%dma_start3A_172, %dma_start3A_173] : memref<50176x32xf32, #tpu.memory_space<vmem_shared>> -> memref<50176x32xf32, #tpu.memory_space<vmem_shared>>
        tpu.enqueue_indirect_dma source(%dma_start3A_168 : memref<128x32xf32, #tpu.memory_space<vmem>>) target(%dma_start3A_174 : memref<50176x32xf32, #tpu.memory_space<vmem_shared>>) offsets(%dma_start3A_171 : memref<128xi32, #tpu.memory_space<vmem>>) semaphore(%run_scoped3A_165 : memref<!tpu.dma_semaphore, #tpu.memory_space<semaphore_mem>>) {add = true}
        %dma_wait3A_175 = arith.constant 128 : i32
        %dma_wait3A_176 = arith.constant 0 : i32
        %dma_wait3A_177 = tpu.memref_slice %arg13[%dma_wait3A_175, %dma_wait3A_176] : memref<512x32xf32, #tpu.memory_space<vmem>> -> memref<128x32xf32, #tpu.memory_space<vmem>>
        %dma_wait3A_178 = arith.constant 0 : i32
        %dma_wait3A_179 = tpu.memref_slice %arg12[%run_scoped3A_162, %dma_wait3A_178] : memref<4x128xi32, #tpu.memory_space<vmem>> -> memref<1x128xi32, #tpu.memory_space<vmem>>
        %dma_wait3A_180 = tpu.memref_squeeze %dma_wait3A_179 : memref<1x128xi32, #tpu.memory_space<vmem>> -> memref<128xi32, #tpu.memory_space<vmem>>
        %dma_wait3A_181 = arith.constant 0 : i32
        %dma_wait3A_182 = arith.constant 0 : i32
        %dma_wait3A_183 = tpu.memref_slice %arg10[%dma_wait3A_181, %dma_wait3A_182] : memref<50176x32xf32, #tpu.memory_space<vmem_shared>> -> memref<50176x32xf32, #tpu.memory_space<vmem_shared>>
        tpu.wait_indirect_dma semaphore(%run_scoped3A_165 : memref<!tpu.dma_semaphore, #tpu.memory_space<semaphore_mem>>) src(%dma_wait3A_177 : memref<128x32xf32, #tpu.memory_space<vmem>>) dst(%dma_wait3A_183 : memref<50176x32xf32, #tpu.memory_space<vmem_shared>>)
        tpu.yield
      }) : () -> ()
      %run_scoped3A_163 = arith.constant 2 : i32
      "tpu.region"() ({
        %run_scoped3A_165 = tpu.sem_alloc : memref<!tpu.dma_semaphore, #tpu.memory_space<semaphore_mem>>
        %dma_start3A_166 = arith.constant 256 : i32
        %dma_start3A_167 = arith.constant 0 : i32
        %dma_start3A_168 = tpu.memref_slice %arg13[%dma_start3A_166, %dma_start3A_167] : memref<512x32xf32, #tpu.memory_space<vmem>> -> memref<128x32xf32, #tpu.memory_space<vmem>>
        %dma_start3A_169 = arith.constant 0 : i32
        %dma_start3A_170 = tpu.memref_slice %arg12[%run_scoped3A_163, %dma_start3A_169] : memref<4x128xi32, #tpu.memory_space<vmem>> -> memref<1x128xi32, #tpu.memory_space<vmem>>
        %dma_start3A_171 = tpu.memref_squeeze %dma_start3A_170 : memref<1x128xi32, #tpu.memory_space<vmem>> -> memref<128xi32, #tpu.memory_space<vmem>>
        %dma_start3A_172 = arith.constant 0 : i32
        %dma_start3A_173 = arith.constant 0 : i32
        %dma_start3A_174 = tpu.memref_slice %arg10[%dma_start3A_172, %dma_start3A_173] : memref<50176x32xf32, #tpu.memory_space<vmem_shared>> -> memref<50176x32xf32, #tpu.memory_space<vmem_shared>>
        tpu.enqueue_indirect_dma source(%dma_start3A_168 : memref<128x32xf32, #tpu.memory_space<vmem>>) target(%dma_start3A_174 : memref<50176x32xf32, #tpu.memory_space<vmem_shared>>) offsets(%dma_start3A_171 : memref<128xi32, #tpu.memory_space<vmem>>) semaphore(%run_scoped3A_165 : memref<!tpu.dma_semaphore, #tpu.memory_space<semaphore_mem>>) {add = true}
        %dma_wait3A_175 = arith.constant 256 : i32
        %dma_wait3A_176 = arith.constant 0 : i32
        %dma_wait3A_177 = tpu.memref_slice %arg13[%dma_wait3A_175, %dma_wait3A_176] : memref<512x32xf32, #tpu.memory_space<vmem>> -> memref<128x32xf32, #tpu.memory_space<vmem>>
        %dma_wait3A_178 = arith.constant 0 : i32
        %dma_wait3A_179 = tpu.memref_slice %arg12[%run_scoped3A_163, %dma_wait3A_178] : memref<4x128xi32, #tpu.memory_space<vmem>> -> memref<1x128xi32, #tpu.memory_space<vmem>>
        %dma_wait3A_180 = tpu.memref_squeeze %dma_wait3A_179 : memref<1x128xi32, #tpu.memory_space<vmem>> -> memref<128xi32, #tpu.memory_space<vmem>>
        %dma_wait3A_181 = arith.constant 0 : i32
        %dma_wait3A_182 = arith.constant 0 : i32
        %dma_wait3A_183 = tpu.memref_slice %arg10[%dma_wait3A_181, %dma_wait3A_182] : memref<50176x32xf32, #tpu.memory_space<vmem_shared>> -> memref<50176x32xf32, #tpu.memory_space<vmem_shared>>
        tpu.wait_indirect_dma semaphore(%run_scoped3A_165 : memref<!tpu.dma_semaphore, #tpu.memory_space<semaphore_mem>>) src(%dma_wait3A_177 : memref<128x32xf32, #tpu.memory_space<vmem>>) dst(%dma_wait3A_183 : memref<50176x32xf32, #tpu.memory_space<vmem_shared>>)
        tpu.yield
      }) : () -> ()
      %run_scoped3A_164 = arith.constant 3 : i32
      "tpu.region"() ({
        %run_scoped3A_165 = tpu.sem_alloc : memref<!tpu.dma_semaphore, #tpu.memory_space<semaphore_mem>>
        %dma_start3A_166 = arith.constant 384 : i32
        %dma_start3A_167 = arith.constant 0 : i32
        %dma_start3A_168 = tpu.memref_slice %arg13[%dma_start3A_166, %dma_start3A_167] : memref<512x32xf32, #tpu.memory_space<vmem>> -> memref<128x32xf32, #tpu.memory_space<vmem>>
        %dma_start3A_169 = arith.constant 0 : i32
        %dma_start3A_170 = tpu.memref_slice %arg12[%run_scoped3A_164, %dma_start3A_169] : memref<4x128xi32, #tpu.memory_space<vmem>> -> memref<1x128xi32, #tpu.memory_space<vmem>>
        %dma_start3A_171 = tpu.memref_squeeze %dma_start3A_170 : memref<1x128xi32, #tpu.memory_space<vmem>> -> memref<128xi32, #tpu.memory_space<vmem>>
        %dma_start3A_172 = arith.constant 0 : i32
        %dma_start3A_173 = arith.constant 0 : i32
        %dma_start3A_174 = tpu.memref_slice %arg10[%dma_start3A_172, %dma_start3A_173] : memref<50176x32xf32, #tpu.memory_space<vmem_shared>> -> memref<50176x32xf32, #tpu.memory_space<vmem_shared>>
        tpu.enqueue_indirect_dma source(%dma_start3A_168 : memref<128x32xf32, #tpu.memory_space<vmem>>) target(%dma_start3A_174 : memref<50176x32xf32, #tpu.memory_space<vmem_shared>>) offsets(%dma_start3A_171 : memref<128xi32, #tpu.memory_space<vmem>>) semaphore(%run_scoped3A_165 : memref<!tpu.dma_semaphore, #tpu.memory_space<semaphore_mem>>) {add = true}
        %dma_wait3A_175 = arith.constant 384 : i32
        %dma_wait3A_176 = arith.constant 0 : i32
        %dma_wait3A_177 = tpu.memref_slice %arg13[%dma_wait3A_175, %dma_wait3A_176] : memref<512x32xf32, #tpu.memory_space<vmem>> -> memref<128x32xf32, #tpu.memory_space<vmem>>
        %dma_wait3A_178 = arith.constant 0 : i32
        %dma_wait3A_179 = tpu.memref_slice %arg12[%run_scoped3A_164, %dma_wait3A_178] : memref<4x128xi32, #tpu.memory_space<vmem>> -> memref<1x128xi32, #tpu.memory_space<vmem>>
        %dma_wait3A_180 = tpu.memref_squeeze %dma_wait3A_179 : memref<1x128xi32, #tpu.memory_space<vmem>> -> memref<128xi32, #tpu.memory_space<vmem>>
        %dma_wait3A_181 = arith.constant 0 : i32
        %dma_wait3A_182 = arith.constant 0 : i32
        %dma_wait3A_183 = tpu.memref_slice %arg10[%dma_wait3A_181, %dma_wait3A_182] : memref<50176x32xf32, #tpu.memory_space<vmem_shared>> -> memref<50176x32xf32, #tpu.memory_space<vmem_shared>>
        tpu.wait_indirect_dma semaphore(%run_scoped3A_165 : memref<!tpu.dma_semaphore, #tpu.memory_space<semaphore_mem>>) src(%dma_wait3A_177 : memref<128x32xf32, #tpu.memory_space<vmem>>) dst(%dma_wait3A_183 : memref<50176x32xf32, #tpu.memory_space<vmem_shared>>)
        tpu.yield
      }) : () -> ()
    }
    %barrier3A_51 = arith.constant 0 : index
    tpu.barrier barrier_id(%barrier3A_51)
    %run_scoped3A_52 = arith.constant 1 : i32
    "tpu.region"() ({
      %run_scoped3A_79 = tpu.sem_alloc : memref<!tpu.dma_semaphore, #tpu.memory_space<semaphore_mem>>
      %dma_start3A = arith.constant 0 : i32
      %dma_start3A_80 = tpu.memref_slice %arg9[%run_scoped3A_52, %arg0, %mul3A_0, %dma_start3A] : memref<4x2x50176x32xf32, #tpu.memory_space<hbm>> -> memref<1x1x3136x32xf32, #tpu.memory_space<hbm>>
      %dma_start3A_81 = tpu.memref_squeeze %dma_start3A_80 : memref<1x1x3136x32xf32, #tpu.memory_space<hbm>> -> memref<3136x32xf32, #tpu.memory_space<hbm>>
      %dma_start3A_82 = arith.constant 0 : i32
      %dma_start3A_83 = tpu.memref_slice %arg10[%mul3A_0, %dma_start3A_82] : memref<50176x32xf32, #tpu.memory_space<vmem_shared>> -> memref<3136x32xf32, #tpu.memory_space<vmem_shared>>
      tpu.enqueue_dma source(%dma_start3A_83 : memref<3136x32xf32, #tpu.memory_space<vmem_shared>>) target(%dma_start3A_81 : memref<3136x32xf32, #tpu.memory_space<hbm>>) target_semaphore(%run_scoped3A_79 : memref<!tpu.dma_semaphore, #tpu.memory_space<semaphore_mem>>)
      %dma_wait3A = arith.constant 0 : i32
      %dma_wait3A_84 = tpu.memref_slice %arg9[%run_scoped3A_52, %arg0, %mul3A_0, %dma_wait3A] : memref<4x2x50176x32xf32, #tpu.memory_space<hbm>> -> memref<1x1x3136x32xf32, #tpu.memory_space<hbm>>
      %dma_wait3A_85 = tpu.memref_squeeze %dma_wait3A_84 : memref<1x1x3136x32xf32, #tpu.memory_space<hbm>> -> memref<3136x32xf32, #tpu.memory_space<hbm>>
      %dma_wait3A_86 = arith.constant 0 : i32
      %dma_wait3A_87 = tpu.memref_slice %arg10[%mul3A_0, %dma_wait3A_86] : memref<50176x32xf32, #tpu.memory_space<vmem_shared>> -> memref<3136x32xf32, #tpu.memory_space<vmem_shared>>
      tpu.wait_dma2 semaphore(%run_scoped3A_79 : memref<!tpu.dma_semaphore, #tpu.memory_space<semaphore_mem>>) src(%dma_wait3A_87 : memref<3136x32xf32, #tpu.memory_space<vmem_shared>>) dst(%dma_wait3A_85 : memref<3136x32xf32, #tpu.memory_space<hbm>>)
      tpu.yield
    }) : () -> ()
    "tpu.region"() ({
      %run_scoped3A_79 = tpu.sem_alloc : memref<!tpu.dma_semaphore, #tpu.memory_space<semaphore_mem>>
      %dma_start3A = arith.constant 0 : i32
      %dma_start3A_80 = tpu.memref_slice %arg10[%mul3A_0, %dma_start3A] : memref<50176x32xf32, #tpu.memory_space<vmem_shared>> -> memref<3136x32xf32, #tpu.memory_space<vmem_shared>>
      tpu.enqueue_dma source(%arg8 : memref<3136x32xf32, #tpu.memory_space<hbm>>) target(%dma_start3A_80 : memref<3136x32xf32, #tpu.memory_space<vmem_shared>>) target_semaphore(%run_scoped3A_79 : memref<!tpu.dma_semaphore, #tpu.memory_space<semaphore_mem>>)
      %dma_wait3A = arith.constant 0 : i32
      %dma_wait3A_81 = tpu.memref_slice %arg10[%mul3A_0, %dma_wait3A] : memref<50176x32xf32, #tpu.memory_space<vmem_shared>> -> memref<3136x32xf32, #tpu.memory_space<vmem_shared>>
      tpu.wait_dma2 semaphore(%run_scoped3A_79 : memref<!tpu.dma_semaphore, #tpu.memory_space<semaphore_mem>>) src(%arg8 : memref<3136x32xf32, #tpu.memory_space<hbm>>) dst(%dma_wait3A_81 : memref<3136x32xf32, #tpu.memory_space<vmem_shared>>)
      tpu.yield
    }) : () -> ()
    %barrier3A_53 = arith.constant 0 : index
    tpu.barrier barrier_id(%barrier3A_53)
    %while3A_54 = arith.constant 0 : i32
    %while3A_55 = arith.constant 0 : i32
    %while3A_56 = arith.subi %select_n3A, %while3A_55 : i32
    %while3A_57 = arith.addi %while3A_55, %while3A_56 : i32
    %while3A_58 = arith.constant 1 : i32
    %while3A_59 = arith.divsi %while3A_56, %while3A_58 : i32
    %while3A_60 = arith.muli %while3A_59, %while3A_58 : i32
    %while3A_61 = arith.addi %while3A_55, %while3A_60 : i32
    %while3A_62 = arith.constant 1 : i32
    scf.for %while3A_79 = %while3A_55 to %while3A_61 step %while3A_62  : i32 {
      %mul3A_80 = arith.constant 4 : i32
      %mul3A_81 = arith.muli %while3A_79, %mul3A_80 : i32
      %add3A_82 = arith.addi %select_n3A_29, %mul3A_81 : i32
      "tpu.region"() ({
        %run_scoped3A_165 = tpu.sem_alloc : memref<!tpu.dma_semaphore, #tpu.memory_space<semaphore_mem>>
        %dma_start3A_166 = arith.constant 0 : i32
        %dma_start3A_167 = tpu.memref_slice %arg6[%add3A_82, %dma_start3A_166] : memref<6400x128xi32, #tpu.memory_space<hbm>> -> memref<4x128xi32, #tpu.memory_space<hbm>>
        %dma_start3A_168 = arith.constant 0 : i32
        %dma_start3A_169 = tpu.memref_slice %arg6[%add3A_82, %dma_start3A_168] : memref<6400x128xi32, #tpu.memory_space<hbm>> -> memref<4x128xi32, #tpu.memory_space<hbm>>
        tpu.enqueue_dma source(%dma_start3A_169 : memref<4x128xi32, #tpu.memory_space<hbm>>) target(%arg11 : memref<4x128xi32, #tpu.memory_space<vmem>>) target_semaphore(%run_scoped3A_165 : memref<!tpu.dma_semaphore, #tpu.memory_space<semaphore_mem>>)
        %dma_wait3A_170 = arith.constant 0 : i32
        %dma_wait3A_171 = tpu.memref_slice %arg6[%add3A_82, %dma_wait3A_170] : memref<6400x128xi32, #tpu.memory_space<hbm>> -> memref<4x128xi32, #tpu.memory_space<hbm>>
        %dma_wait3A_172 = arith.constant 0 : i32
        %dma_wait3A_173 = tpu.memref_slice %arg6[%add3A_82, %dma_wait3A_172] : memref<6400x128xi32, #tpu.memory_space<hbm>> -> memref<4x128xi32, #tpu.memory_space<hbm>>
        tpu.wait_dma2 semaphore(%run_scoped3A_165 : memref<!tpu.dma_semaphore, #tpu.memory_space<semaphore_mem>>) src(%dma_wait3A_173 : memref<4x128xi32, #tpu.memory_space<hbm>>) dst(%arg11 : memref<4x128xi32, #tpu.memory_space<vmem>>)
        tpu.yield
      }) : () -> ()
      "tpu.region"() ({
        %run_scoped3A_165 = tpu.sem_alloc : memref<!tpu.dma_semaphore, #tpu.memory_space<semaphore_mem>>
        %dma_start3A_166 = arith.constant 0 : i32
        %dma_start3A_167 = tpu.memref_slice %arg7[%add3A_82, %dma_start3A_166] : memref<6400x128xi32, #tpu.memory_space<hbm>> -> memref<4x128xi32, #tpu.memory_space<hbm>>
        %dma_start3A_168 = arith.constant 0 : i32
        %dma_start3A_169 = tpu.memref_slice %arg7[%add3A_82, %dma_start3A_168] : memref<6400x128xi32, #tpu.memory_space<hbm>> -> memref<4x128xi32, #tpu.memory_space<hbm>>
        tpu.enqueue_dma source(%dma_start3A_169 : memref<4x128xi32, #tpu.memory_space<hbm>>) target(%arg12 : memref<4x128xi32, #tpu.memory_space<vmem>>) target_semaphore(%run_scoped3A_165 : memref<!tpu.dma_semaphore, #tpu.memory_space<semaphore_mem>>)
        %dma_wait3A_170 = arith.constant 0 : i32
        %dma_wait3A_171 = tpu.memref_slice %arg7[%add3A_82, %dma_wait3A_170] : memref<6400x128xi32, #tpu.memory_space<hbm>> -> memref<4x128xi32, #tpu.memory_space<hbm>>
        %dma_wait3A_172 = arith.constant 0 : i32
        %dma_wait3A_173 = tpu.memref_slice %arg7[%add3A_82, %dma_wait3A_172] : memref<6400x128xi32, #tpu.memory_space<hbm>> -> memref<4x128xi32, #tpu.memory_space<hbm>>
        tpu.wait_dma2 semaphore(%run_scoped3A_165 : memref<!tpu.dma_semaphore, #tpu.memory_space<semaphore_mem>>) src(%dma_wait3A_173 : memref<4x128xi32, #tpu.memory_space<hbm>>) dst(%arg12 : memref<4x128xi32, #tpu.memory_space<vmem>>)
        tpu.yield
      }) : () -> ()
      %dma_start3A = arith.constant 0 : i32
      %dma_start3A_83 = arith.constant 0 : i32
      %dma_start3A_84 = arith.constant 0 : i32
      %dma_start3A_85 = tpu.memref_slice %arg13[%dma_start3A_83, %dma_start3A_84] : memref<512x32xf32, #tpu.memory_space<vmem>> -> memref<128x32xf32, #tpu.memory_space<vmem>>
      %dma_start3A_86 = arith.constant 0 : i32
      %dma_start3A_87 = tpu.memref_slice %arg11[%dma_start3A, %dma_start3A_86] : memref<4x128xi32, #tpu.memory_space<vmem>> -> memref<1x128xi32, #tpu.memory_space<vmem>>
      %dma_start3A_88 = tpu.memref_squeeze %dma_start3A_87 : memref<1x128xi32, #tpu.memory_space<vmem>> -> memref<128xi32, #tpu.memory_space<vmem>>
      %dma_start3A_89 = arith.constant 0 : i32
      %dma_start3A_90 = arith.constant 0 : i32
      %dma_start3A_91 = tpu.memref_slice %arg4[%dma_start3A_89, %dma_start3A_90] : memref<50176x32xf32, #tpu.memory_space<hbm>> -> memref<50176x32xf32, #tpu.memory_space<hbm>>
      tpu.enqueue_indirect_dma source(%dma_start3A_91 : memref<50176x32xf32, #tpu.memory_space<hbm>>) target(%dma_start3A_85 : memref<128x32xf32, #tpu.memory_space<vmem>>) offsets(%dma_start3A_88 : memref<128xi32, #tpu.memory_space<vmem>>) semaphore(%arg14 : memref<!tpu.dma_semaphore, #tpu.memory_space<semaphore_mem>>)
      %dma_start3A_92 = arith.constant 1 : i32
      %dma_start3A_93 = arith.constant 128 : i32
      %dma_start3A_94 = arith.constant 0 : i32
      %dma_start3A_95 = tpu.memref_slice %arg13[%dma_start3A_93, %dma_start3A_94] : memref<512x32xf32, #tpu.memory_space<vmem>> -> memref<128x32xf32, #tpu.memory_space<vmem>>
      %dma_start3A_96 = arith.constant 0 : i32
      %dma_start3A_97 = tpu.memref_slice %arg11[%dma_start3A_92, %dma_start3A_96] : memref<4x128xi32, #tpu.memory_space<vmem>> -> memref<1x128xi32, #tpu.memory_space<vmem>>
      %dma_start3A_98 = tpu.memref_squeeze %dma_start3A_97 : memref<1x128xi32, #tpu.memory_space<vmem>> -> memref<128xi32, #tpu.memory_space<vmem>>
      %dma_start3A_99 = arith.constant 0 : i32
      %dma_start3A_100 = arith.constant 0 : i32
      %dma_start3A_101 = tpu.memref_slice %arg4[%dma_start3A_99, %dma_start3A_100] : memref<50176x32xf32, #tpu.memory_space<hbm>> -> memref<50176x32xf32, #tpu.memory_space<hbm>>
      tpu.enqueue_indirect_dma source(%dma_start3A_101 : memref<50176x32xf32, #tpu.memory_space<hbm>>) target(%dma_start3A_95 : memref<128x32xf32, #tpu.memory_space<vmem>>) offsets(%dma_start3A_98 : memref<128xi32, #tpu.memory_space<vmem>>) semaphore(%arg14 : memref<!tpu.dma_semaphore, #tpu.memory_space<semaphore_mem>>)
      %dma_start3A_102 = arith.constant 2 : i32
      %dma_start3A_103 = arith.constant 256 : i32
      %dma_start3A_104 = arith.constant 0 : i32
      %dma_start3A_105 = tpu.memref_slice %arg13[%dma_start3A_103, %dma_start3A_104] : memref<512x32xf32, #tpu.memory_space<vmem>> -> memref<128x32xf32, #tpu.memory_space<vmem>>
      %dma_start3A_106 = arith.constant 0 : i32
      %dma_start3A_107 = tpu.memref_slice %arg11[%dma_start3A_102, %dma_start3A_106] : memref<4x128xi32, #tpu.memory_space<vmem>> -> memref<1x128xi32, #tpu.memory_space<vmem>>
      %dma_start3A_108 = tpu.memref_squeeze %dma_start3A_107 : memref<1x128xi32, #tpu.memory_space<vmem>> -> memref<128xi32, #tpu.memory_space<vmem>>
      %dma_start3A_109 = arith.constant 0 : i32
      %dma_start3A_110 = arith.constant 0 : i32
      %dma_start3A_111 = tpu.memref_slice %arg4[%dma_start3A_109, %dma_start3A_110] : memref<50176x32xf32, #tpu.memory_space<hbm>> -> memref<50176x32xf32, #tpu.memory_space<hbm>>
      tpu.enqueue_indirect_dma source(%dma_start3A_111 : memref<50176x32xf32, #tpu.memory_space<hbm>>) target(%dma_start3A_105 : memref<128x32xf32, #tpu.memory_space<vmem>>) offsets(%dma_start3A_108 : memref<128xi32, #tpu.memory_space<vmem>>) semaphore(%arg14 : memref<!tpu.dma_semaphore, #tpu.memory_space<semaphore_mem>>)
      %dma_start3A_112 = arith.constant 3 : i32
      %dma_start3A_113 = arith.constant 384 : i32
      %dma_start3A_114 = arith.constant 0 : i32
      %dma_start3A_115 = tpu.memref_slice %arg13[%dma_start3A_113, %dma_start3A_114] : memref<512x32xf32, #tpu.memory_space<vmem>> -> memref<128x32xf32, #tpu.memory_space<vmem>>
      %dma_start3A_116 = arith.constant 0 : i32
      %dma_start3A_117 = tpu.memref_slice %arg11[%dma_start3A_112, %dma_start3A_116] : memref<4x128xi32, #tpu.memory_space<vmem>> -> memref<1x128xi32, #tpu.memory_space<vmem>>
      %dma_start3A_118 = tpu.memref_squeeze %dma_start3A_117 : memref<1x128xi32, #tpu.memory_space<vmem>> -> memref<128xi32, #tpu.memory_space<vmem>>
      %dma_start3A_119 = arith.constant 0 : i32
      %dma_start3A_120 = arith.constant 0 : i32
      %dma_start3A_121 = tpu.memref_slice %arg4[%dma_start3A_119, %dma_start3A_120] : memref<50176x32xf32, #tpu.memory_space<hbm>> -> memref<50176x32xf32, #tpu.memory_space<hbm>>
      tpu.enqueue_indirect_dma source(%dma_start3A_121 : memref<50176x32xf32, #tpu.memory_space<hbm>>) target(%dma_start3A_115 : memref<128x32xf32, #tpu.memory_space<vmem>>) offsets(%dma_start3A_118 : memref<128xi32, #tpu.memory_space<vmem>>) semaphore(%arg14 : memref<!tpu.dma_semaphore, #tpu.memory_space<semaphore_mem>>)
      %dma_wait3A = arith.constant 0 : i32
      %dma_wait3A_122 = arith.constant 0 : i32
      %dma_wait3A_123 = arith.constant 0 : i32
      %dma_wait3A_124 = tpu.memref_slice %arg13[%dma_wait3A_122, %dma_wait3A_123] : memref<512x32xf32, #tpu.memory_space<vmem>> -> memref<128x32xf32, #tpu.memory_space<vmem>>
      %dma_wait3A_125 = arith.constant 0 : i32
      %dma_wait3A_126 = tpu.memref_slice %arg11[%dma_wait3A, %dma_wait3A_125] : memref<4x128xi32, #tpu.memory_space<vmem>> -> memref<1x128xi32, #tpu.memory_space<vmem>>
      %dma_wait3A_127 = tpu.memref_squeeze %dma_wait3A_126 : memref<1x128xi32, #tpu.memory_space<vmem>> -> memref<128xi32, #tpu.memory_space<vmem>>
      %dma_wait3A_128 = arith.constant 0 : i32
      %dma_wait3A_129 = arith.constant 0 : i32
      %dma_wait3A_130 = tpu.memref_slice %arg4[%dma_wait3A_128, %dma_wait3A_129] : memref<50176x32xf32, #tpu.memory_space<hbm>> -> memref<50176x32xf32, #tpu.memory_space<hbm>>
      tpu.wait_indirect_dma semaphore(%arg14 : memref<!tpu.dma_semaphore, #tpu.memory_space<semaphore_mem>>) src(%dma_wait3A_130 : memref<50176x32xf32, #tpu.memory_space<hbm>>) dst(%dma_wait3A_124 : memref<128x32xf32, #tpu.memory_space<vmem>>)
      %dma_wait3A_131 = arith.constant 1 : i32
      %dma_wait3A_132 = arith.constant 128 : i32
      %dma_wait3A_133 = arith.constant 0 : i32
      %dma_wait3A_134 = tpu.memref_slice %arg13[%dma_wait3A_132, %dma_wait3A_133] : memref<512x32xf32, #tpu.memory_space<vmem>> -> memref<128x32xf32, #tpu.memory_space<vmem>>
      %dma_wait3A_135 = arith.constant 0 : i32
      %dma_wait3A_136 = tpu.memref_slice %arg11[%dma_wait3A_131, %dma_wait3A_135] : memref<4x128xi32, #tpu.memory_space<vmem>> -> memref<1x128xi32, #tpu.memory_space<vmem>>
      %dma_wait3A_137 = tpu.memref_squeeze %dma_wait3A_136 : memref<1x128xi32, #tpu.memory_space<vmem>> -> memref<128xi32, #tpu.memory_space<vmem>>
      %dma_wait3A_138 = arith.constant 0 : i32
      %dma_wait3A_139 = arith.constant 0 : i32
      %dma_wait3A_140 = tpu.memref_slice %arg4[%dma_wait3A_138, %dma_wait3A_139] : memref<50176x32xf32, #tpu.memory_space<hbm>> -> memref<50176x32xf32, #tpu.memory_space<hbm>>
      tpu.wait_indirect_dma semaphore(%arg14 : memref<!tpu.dma_semaphore, #tpu.memory_space<semaphore_mem>>) src(%dma_wait3A_140 : memref<50176x32xf32, #tpu.memory_space<hbm>>) dst(%dma_wait3A_134 : memref<128x32xf32, #tpu.memory_space<vmem>>)
      %dma_wait3A_141 = arith.constant 2 : i32
      %dma_wait3A_142 = arith.constant 256 : i32
      %dma_wait3A_143 = arith.constant 0 : i32
      %dma_wait3A_144 = tpu.memref_slice %arg13[%dma_wait3A_142, %dma_wait3A_143] : memref<512x32xf32, #tpu.memory_space<vmem>> -> memref<128x32xf32, #tpu.memory_space<vmem>>
      %dma_wait3A_145 = arith.constant 0 : i32
      %dma_wait3A_146 = tpu.memref_slice %arg11[%dma_wait3A_141, %dma_wait3A_145] : memref<4x128xi32, #tpu.memory_space<vmem>> -> memref<1x128xi32, #tpu.memory_space<vmem>>
      %dma_wait3A_147 = tpu.memref_squeeze %dma_wait3A_146 : memref<1x128xi32, #tpu.memory_space<vmem>> -> memref<128xi32, #tpu.memory_space<vmem>>
      %dma_wait3A_148 = arith.constant 0 : i32
      %dma_wait3A_149 = arith.constant 0 : i32
      %dma_wait3A_150 = tpu.memref_slice %arg4[%dma_wait3A_148, %dma_wait3A_149] : memref<50176x32xf32, #tpu.memory_space<hbm>> -> memref<50176x32xf32, #tpu.memory_space<hbm>>
      tpu.wait_indirect_dma semaphore(%arg14 : memref<!tpu.dma_semaphore, #tpu.memory_space<semaphore_mem>>) src(%dma_wait3A_150 : memref<50176x32xf32, #tpu.memory_space<hbm>>) dst(%dma_wait3A_144 : memref<128x32xf32, #tpu.memory_space<vmem>>)
      %dma_wait3A_151 = arith.constant 3 : i32
      %dma_wait3A_152 = arith.constant 384 : i32
      %dma_wait3A_153 = arith.constant 0 : i32
      %dma_wait3A_154 = tpu.memref_slice %arg13[%dma_wait3A_152, %dma_wait3A_153] : memref<512x32xf32, #tpu.memory_space<vmem>> -> memref<128x32xf32, #tpu.memory_space<vmem>>
      %dma_wait3A_155 = arith.constant 0 : i32
      %dma_wait3A_156 = tpu.memref_slice %arg11[%dma_wait3A_151, %dma_wait3A_155] : memref<4x128xi32, #tpu.memory_space<vmem>> -> memref<1x128xi32, #tpu.memory_space<vmem>>
      %dma_wait3A_157 = tpu.memref_squeeze %dma_wait3A_156 : memref<1x128xi32, #tpu.memory_space<vmem>> -> memref<128xi32, #tpu.memory_space<vmem>>
      %dma_wait3A_158 = arith.constant 0 : i32
      %dma_wait3A_159 = arith.constant 0 : i32
      %dma_wait3A_160 = tpu.memref_slice %arg4[%dma_wait3A_158, %dma_wait3A_159] : memref<50176x32xf32, #tpu.memory_space<hbm>> -> memref<50176x32xf32, #tpu.memory_space<hbm>>
      tpu.wait_indirect_dma semaphore(%arg14 : memref<!tpu.dma_semaphore, #tpu.memory_space<semaphore_mem>>) src(%dma_wait3A_160 : memref<50176x32xf32, #tpu.memory_space<hbm>>) dst(%dma_wait3A_154 : memref<128x32xf32, #tpu.memory_space<vmem>>)
      %run_scoped3A_161 = arith.constant 0 : i32
      "tpu.region"() ({
        %run_scoped3A_165 = tpu.sem_alloc : memref<!tpu.dma_semaphore, #tpu.memory_space<semaphore_mem>>
        %dma_start3A_166 = arith.constant 0 : i32
        %dma_start3A_167 = arith.constant 0 : i32
        %dma_start3A_168 = tpu.memref_slice %arg13[%dma_start3A_166, %dma_start3A_167] : memref<512x32xf32, #tpu.memory_space<vmem>> -> memref<128x32xf32, #tpu.memory_space<vmem>>
        %dma_start3A_169 = arith.constant 0 : i32
        %dma_start3A_170 = tpu.memref_slice %arg12[%run_scoped3A_161, %dma_start3A_169] : memref<4x128xi32, #tpu.memory_space<vmem>> -> memref<1x128xi32, #tpu.memory_space<vmem>>
        %dma_start3A_171 = tpu.memref_squeeze %dma_start3A_170 : memref<1x128xi32, #tpu.memory_space<vmem>> -> memref<128xi32, #tpu.memory_space<vmem>>
        %dma_start3A_172 = arith.constant 0 : i32
        %dma_start3A_173 = arith.constant 0 : i32
        %dma_start3A_174 = tpu.memref_slice %arg10[%dma_start3A_172, %dma_start3A_173] : memref<50176x32xf32, #tpu.memory_space<vmem_shared>> -> memref<50176x32xf32, #tpu.memory_space<vmem_shared>>
        tpu.enqueue_indirect_dma source(%dma_start3A_168 : memref<128x32xf32, #tpu.memory_space<vmem>>) target(%dma_start3A_174 : memref<50176x32xf32, #tpu.memory_space<vmem_shared>>) offsets(%dma_start3A_171 : memref<128xi32, #tpu.memory_space<vmem>>) semaphore(%run_scoped3A_165 : memref<!tpu.dma_semaphore, #tpu.memory_space<semaphore_mem>>) {add = true}
        %dma_wait3A_175 = arith.constant 0 : i32
        %dma_wait3A_176 = arith.constant 0 : i32
        %dma_wait3A_177 = tpu.memref_slice %arg13[%dma_wait3A_175, %dma_wait3A_176] : memref<512x32xf32, #tpu.memory_space<vmem>> -> memref<128x32xf32, #tpu.memory_space<vmem>>
        %dma_wait3A_178 = arith.constant 0 : i32
        %dma_wait3A_179 = tpu.memref_slice %arg12[%run_scoped3A_161, %dma_wait3A_178] : memref<4x128xi32, #tpu.memory_space<vmem>> -> memref<1x128xi32, #tpu.memory_space<vmem>>
        %dma_wait3A_180 = tpu.memref_squeeze %dma_wait3A_179 : memref<1x128xi32, #tpu.memory_space<vmem>> -> memref<128xi32, #tpu.memory_space<vmem>>
        %dma_wait3A_181 = arith.constant 0 : i32
        %dma_wait3A_182 = arith.constant 0 : i32
        %dma_wait3A_183 = tpu.memref_slice %arg10[%dma_wait3A_181, %dma_wait3A_182] : memref<50176x32xf32, #tpu.memory_space<vmem_shared>> -> memref<50176x32xf32, #tpu.memory_space<vmem_shared>>
        tpu.wait_indirect_dma semaphore(%run_scoped3A_165 : memref<!tpu.dma_semaphore, #tpu.memory_space<semaphore_mem>>) src(%dma_wait3A_177 : memref<128x32xf32, #tpu.memory_space<vmem>>) dst(%dma_wait3A_183 : memref<50176x32xf32, #tpu.memory_space<vmem_shared>>)
        tpu.yield
      }) : () -> ()
      %run_scoped3A_162 = arith.constant 1 : i32
      "tpu.region"() ({
        %run_scoped3A_165 = tpu.sem_alloc : memref<!tpu.dma_semaphore, #tpu.memory_space<semaphore_mem>>
        %dma_start3A_166 = arith.constant 128 : i32
        %dma_start3A_167 = arith.constant 0 : i32
        %dma_start3A_168 = tpu.memref_slice %arg13[%dma_start3A_166, %dma_start3A_167] : memref<512x32xf32, #tpu.memory_space<vmem>> -> memref<128x32xf32, #tpu.memory_space<vmem>>
        %dma_start3A_169 = arith.constant 0 : i32
        %dma_start3A_170 = tpu.memref_slice %arg12[%run_scoped3A_162, %dma_start3A_169] : memref<4x128xi32, #tpu.memory_space<vmem>> -> memref<1x128xi32, #tpu.memory_space<vmem>>
        %dma_start3A_171 = tpu.memref_squeeze %dma_start3A_170 : memref<1x128xi32, #tpu.memory_space<vmem>> -> memref<128xi32, #tpu.memory_space<vmem>>
        %dma_start3A_172 = arith.constant 0 : i32
        %dma_start3A_173 = arith.constant 0 : i32
        %dma_start3A_174 = tpu.memref_slice %arg10[%dma_start3A_172, %dma_start3A_173] : memref<50176x32xf32, #tpu.memory_space<vmem_shared>> -> memref<50176x32xf32, #tpu.memory_space<vmem_shared>>
        tpu.enqueue_indirect_dma source(%dma_start3A_168 : memref<128x32xf32, #tpu.memory_space<vmem>>) target(%dma_start3A_174 : memref<50176x32xf32, #tpu.memory_space<vmem_shared>>) offsets(%dma_start3A_171 : memref<128xi32, #tpu.memory_space<vmem>>) semaphore(%run_scoped3A_165 : memref<!tpu.dma_semaphore, #tpu.memory_space<semaphore_mem>>) {add = true}
        %dma_wait3A_175 = arith.constant 128 : i32
        %dma_wait3A_176 = arith.constant 0 : i32
        %dma_wait3A_177 = tpu.memref_slice %arg13[%dma_wait3A_175, %dma_wait3A_176] : memref<512x32xf32, #tpu.memory_space<vmem>> -> memref<128x32xf32, #tpu.memory_space<vmem>>
        %dma_wait3A_178 = arith.constant 0 : i32
        %dma_wait3A_179 = tpu.memref_slice %arg12[%run_scoped3A_162, %dma_wait3A_178] : memref<4x128xi32, #tpu.memory_space<vmem>> -> memref<1x128xi32, #tpu.memory_space<vmem>>
        %dma_wait3A_180 = tpu.memref_squeeze %dma_wait3A_179 : memref<1x128xi32, #tpu.memory_space<vmem>> -> memref<128xi32, #tpu.memory_space<vmem>>
        %dma_wait3A_181 = arith.constant 0 : i32
        %dma_wait3A_182 = arith.constant 0 : i32
        %dma_wait3A_183 = tpu.memref_slice %arg10[%dma_wait3A_181, %dma_wait3A_182] : memref<50176x32xf32, #tpu.memory_space<vmem_shared>> -> memref<50176x32xf32, #tpu.memory_space<vmem_shared>>
        tpu.wait_indirect_dma semaphore(%run_scoped3A_165 : memref<!tpu.dma_semaphore, #tpu.memory_space<semaphore_mem>>) src(%dma_wait3A_177 : memref<128x32xf32, #tpu.memory_space<vmem>>) dst(%dma_wait3A_183 : memref<50176x32xf32, #tpu.memory_space<vmem_shared>>)
        tpu.yield
      }) : () -> ()
      %run_scoped3A_163 = arith.constant 2 : i32
      "tpu.region"() ({
        %run_scoped3A_165 = tpu.sem_alloc : memref<!tpu.dma_semaphore, #tpu.memory_space<semaphore_mem>>
        %dma_start3A_166 = arith.constant 256 : i32
        %dma_start3A_167 = arith.constant 0 : i32
        %dma_start3A_168 = tpu.memref_slice %arg13[%dma_start3A_166, %dma_start3A_167] : memref<512x32xf32, #tpu.memory_space<vmem>> -> memref<128x32xf32, #tpu.memory_space<vmem>>
        %dma_start3A_169 = arith.constant 0 : i32
        %dma_start3A_170 = tpu.memref_slice %arg12[%run_scoped3A_163, %dma_start3A_169] : memref<4x128xi32, #tpu.memory_space<vmem>> -> memref<1x128xi32, #tpu.memory_space<vmem>>
        %dma_start3A_171 = tpu.memref_squeeze %dma_start3A_170 : memref<1x128xi32, #tpu.memory_space<vmem>> -> memref<128xi32, #tpu.memory_space<vmem>>
        %dma_start3A_172 = arith.constant 0 : i32
        %dma_start3A_173 = arith.constant 0 : i32
        %dma_start3A_174 = tpu.memref_slice %arg10[%dma_start3A_172, %dma_start3A_173] : memref<50176x32xf32, #tpu.memory_space<vmem_shared>> -> memref<50176x32xf32, #tpu.memory_space<vmem_shared>>
        tpu.enqueue_indirect_dma source(%dma_start3A_168 : memref<128x32xf32, #tpu.memory_space<vmem>>) target(%dma_start3A_174 : memref<50176x32xf32, #tpu.memory_space<vmem_shared>>) offsets(%dma_start3A_171 : memref<128xi32, #tpu.memory_space<vmem>>) semaphore(%run_scoped3A_165 : memref<!tpu.dma_semaphore, #tpu.memory_space<semaphore_mem>>) {add = true}
        %dma_wait3A_175 = arith.constant 256 : i32
        %dma_wait3A_176 = arith.constant 0 : i32
        %dma_wait3A_177 = tpu.memref_slice %arg13[%dma_wait3A_175, %dma_wait3A_176] : memref<512x32xf32, #tpu.memory_space<vmem>> -> memref<128x32xf32, #tpu.memory_space<vmem>>
        %dma_wait3A_178 = arith.constant 0 : i32
        %dma_wait3A_179 = tpu.memref_slice %arg12[%run_scoped3A_163, %dma_wait3A_178] : memref<4x128xi32, #tpu.memory_space<vmem>> -> memref<1x128xi32, #tpu.memory_space<vmem>>
        %dma_wait3A_180 = tpu.memref_squeeze %dma_wait3A_179 : memref<1x128xi32, #tpu.memory_space<vmem>> -> memref<128xi32, #tpu.memory_space<vmem>>
        %dma_wait3A_181 = arith.constant 0 : i32
        %dma_wait3A_182 = arith.constant 0 : i32
        %dma_wait3A_183 = tpu.memref_slice %arg10[%dma_wait3A_181, %dma_wait3A_182] : memref<50176x32xf32, #tpu.memory_space<vmem_shared>> -> memref<50176x32xf32, #tpu.memory_space<vmem_shared>>
        tpu.wait_indirect_dma semaphore(%run_scoped3A_165 : memref<!tpu.dma_semaphore, #tpu.memory_space<semaphore_mem>>) src(%dma_wait3A_177 : memref<128x32xf32, #tpu.memory_space<vmem>>) dst(%dma_wait3A_183 : memref<50176x32xf32, #tpu.memory_space<vmem_shared>>)
        tpu.yield
      }) : () -> ()
      %run_scoped3A_164 = arith.constant 3 : i32
      "tpu.region"() ({
        %run_scoped3A_165 = tpu.sem_alloc : memref<!tpu.dma_semaphore, #tpu.memory_space<semaphore_mem>>
        %dma_start3A_166 = arith.constant 384 : i32
        %dma_start3A_167 = arith.constant 0 : i32
        %dma_start3A_168 = tpu.memref_slice %arg13[%dma_start3A_166, %dma_start3A_167] : memref<512x32xf32, #tpu.memory_space<vmem>> -> memref<128x32xf32, #tpu.memory_space<vmem>>
        %dma_start3A_169 = arith.constant 0 : i32
        %dma_start3A_170 = tpu.memref_slice %arg12[%run_scoped3A_164, %dma_start3A_169] : memref<4x128xi32, #tpu.memory_space<vmem>> -> memref<1x128xi32, #tpu.memory_space<vmem>>
        %dma_start3A_171 = tpu.memref_squeeze %dma_start3A_170 : memref<1x128xi32, #tpu.memory_space<vmem>> -> memref<128xi32, #tpu.memory_space<vmem>>
        %dma_start3A_172 = arith.constant 0 : i32
        %dma_start3A_173 = arith.constant 0 : i32
        %dma_start3A_174 = tpu.memref_slice %arg10[%dma_start3A_172, %dma_start3A_173] : memref<50176x32xf32, #tpu.memory_space<vmem_shared>> -> memref<50176x32xf32, #tpu.memory_space<vmem_shared>>
        tpu.enqueue_indirect_dma source(%dma_start3A_168 : memref<128x32xf32, #tpu.memory_space<vmem>>) target(%dma_start3A_174 : memref<50176x32xf32, #tpu.memory_space<vmem_shared>>) offsets(%dma_start3A_171 : memref<128xi32, #tpu.memory_space<vmem>>) semaphore(%run_scoped3A_165 : memref<!tpu.dma_semaphore, #tpu.memory_space<semaphore_mem>>) {add = true}
        %dma_wait3A_175 = arith.constant 384 : i32
        %dma_wait3A_176 = arith.constant 0 : i32
        %dma_wait3A_177 = tpu.memref_slice %arg13[%dma_wait3A_175, %dma_wait3A_176] : memref<512x32xf32, #tpu.memory_space<vmem>> -> memref<128x32xf32, #tpu.memory_space<vmem>>
        %dma_wait3A_178 = arith.constant 0 : i32
        %dma_wait3A_179 = tpu.memref_slice %arg12[%run_scoped3A_164, %dma_wait3A_178] : memref<4x128xi32, #tpu.memory_space<vmem>> -> memref<1x128xi32, #tpu.memory_space<vmem>>
        %dma_wait3A_180 = tpu.memref_squeeze %dma_wait3A_179 : memref<1x128xi32, #tpu.memory_space<vmem>> -> memref<128xi32, #tpu.memory_space<vmem>>
        %dma_wait3A_181 = arith.constant 0 : i32
        %dma_wait3A_182 = arith.constant 0 : i32
        %dma_wait3A_183 = tpu.memref_slice %arg10[%dma_wait3A_181, %dma_wait3A_182] : memref<50176x32xf32, #tpu.memory_space<vmem_shared>> -> memref<50176x32xf32, #tpu.memory_space<vmem_shared>>
        tpu.wait_indirect_dma semaphore(%run_scoped3A_165 : memref<!tpu.dma_semaphore, #tpu.memory_space<semaphore_mem>>) src(%dma_wait3A_177 : memref<128x32xf32, #tpu.memory_space<vmem>>) dst(%dma_wait3A_183 : memref<50176x32xf32, #tpu.memory_space<vmem_shared>>)
        tpu.yield
      }) : () -> ()
    }
    %while3A_63 = arith.constant 1 : i32
    scf.for %while3A_79 = %while3A_61 to %while3A_57 step %while3A_63  : i32 {
      %mul3A_80 = arith.constant 4 : i32
      %mul3A_81 = arith.muli %while3A_79, %mul3A_80 : i32
      %add3A_82 = arith.addi %select_n3A_29, %mul3A_81 : i32
      "tpu.region"() ({
        %run_scoped3A_165 = tpu.sem_alloc : memref<!tpu.dma_semaphore, #tpu.memory_space<semaphore_mem>>
        %dma_start3A_166 = arith.constant 0 : i32
        %dma_start3A_167 = tpu.memref_slice %arg6[%add3A_82, %dma_start3A_166] : memref<6400x128xi32, #tpu.memory_space<hbm>> -> memref<4x128xi32, #tpu.memory_space<hbm>>
        %dma_start3A_168 = arith.constant 0 : i32
        %dma_start3A_169 = tpu.memref_slice %arg6[%add3A_82, %dma_start3A_168] : memref<6400x128xi32, #tpu.memory_space<hbm>> -> memref<4x128xi32, #tpu.memory_space<hbm>>
        tpu.enqueue_dma source(%dma_start3A_169 : memref<4x128xi32, #tpu.memory_space<hbm>>) target(%arg11 : memref<4x128xi32, #tpu.memory_space<vmem>>) target_semaphore(%run_scoped3A_165 : memref<!tpu.dma_semaphore, #tpu.memory_space<semaphore_mem>>)
        %dma_wait3A_170 = arith.constant 0 : i32
        %dma_wait3A_171 = tpu.memref_slice %arg6[%add3A_82, %dma_wait3A_170] : memref<6400x128xi32, #tpu.memory_space<hbm>> -> memref<4x128xi32, #tpu.memory_space<hbm>>
        %dma_wait3A_172 = arith.constant 0 : i32
        %dma_wait3A_173 = tpu.memref_slice %arg6[%add3A_82, %dma_wait3A_172] : memref<6400x128xi32, #tpu.memory_space<hbm>> -> memref<4x128xi32, #tpu.memory_space<hbm>>
        tpu.wait_dma2 semaphore(%run_scoped3A_165 : memref<!tpu.dma_semaphore, #tpu.memory_space<semaphore_mem>>) src(%dma_wait3A_173 : memref<4x128xi32, #tpu.memory_space<hbm>>) dst(%arg11 : memref<4x128xi32, #tpu.memory_space<vmem>>)
        tpu.yield
      }) : () -> ()
      "tpu.region"() ({
        %run_scoped3A_165 = tpu.sem_alloc : memref<!tpu.dma_semaphore, #tpu.memory_space<semaphore_mem>>
        %dma_start3A_166 = arith.constant 0 : i32
        %dma_start3A_167 = tpu.memref_slice %arg7[%add3A_82, %dma_start3A_166] : memref<6400x128xi32, #tpu.memory_space<hbm>> -> memref<4x128xi32, #tpu.memory_space<hbm>>
        %dma_start3A_168 = arith.constant 0 : i32
        %dma_start3A_169 = tpu.memref_slice %arg7[%add3A_82, %dma_start3A_168] : memref<6400x128xi32, #tpu.memory_space<hbm>> -> memref<4x128xi32, #tpu.memory_space<hbm>>
        tpu.enqueue_dma source(%dma_start3A_169 : memref<4x128xi32, #tpu.memory_space<hbm>>) target(%arg12 : memref<4x128xi32, #tpu.memory_space<vmem>>) target_semaphore(%run_scoped3A_165 : memref<!tpu.dma_semaphore, #tpu.memory_space<semaphore_mem>>)
        %dma_wait3A_170 = arith.constant 0 : i32
        %dma_wait3A_171 = tpu.memref_slice %arg7[%add3A_82, %dma_wait3A_170] : memref<6400x128xi32, #tpu.memory_space<hbm>> -> memref<4x128xi32, #tpu.memory_space<hbm>>
        %dma_wait3A_172 = arith.constant 0 : i32
        %dma_wait3A_173 = tpu.memref_slice %arg7[%add3A_82, %dma_wait3A_172] : memref<6400x128xi32, #tpu.memory_space<hbm>> -> memref<4x128xi32, #tpu.memory_space<hbm>>
        tpu.wait_dma2 semaphore(%run_scoped3A_165 : memref<!tpu.dma_semaphore, #tpu.memory_space<semaphore_mem>>) src(%dma_wait3A_173 : memref<4x128xi32, #tpu.memory_space<hbm>>) dst(%arg12 : memref<4x128xi32, #tpu.memory_space<vmem>>)
        tpu.yield
      }) : () -> ()
      %dma_start3A = arith.constant 0 : i32
      %dma_start3A_83 = arith.constant 0 : i32
      %dma_start3A_84 = arith.constant 0 : i32
      %dma_start3A_85 = tpu.memref_slice %arg13[%dma_start3A_83, %dma_start3A_84] : memref<512x32xf32, #tpu.memory_space<vmem>> -> memref<128x32xf32, #tpu.memory_space<vmem>>
      %dma_start3A_86 = arith.constant 0 : i32
      %dma_start3A_87 = tpu.memref_slice %arg11[%dma_start3A, %dma_start3A_86] : memref<4x128xi32, #tpu.memory_space<vmem>> -> memref<1x128xi32, #tpu.memory_space<vmem>>
      %dma_start3A_88 = tpu.memref_squeeze %dma_start3A_87 : memref<1x128xi32, #tpu.memory_space<vmem>> -> memref<128xi32, #tpu.memory_space<vmem>>
      %dma_start3A_89 = arith.constant 0 : i32
      %dma_start3A_90 = arith.constant 0 : i32
      %dma_start3A_91 = tpu.memref_slice %arg4[%dma_start3A_89, %dma_start3A_90] : memref<50176x32xf32, #tpu.memory_space<hbm>> -> memref<50176x32xf32, #tpu.memory_space<hbm>>
      tpu.enqueue_indirect_dma source(%dma_start3A_91 : memref<50176x32xf32, #tpu.memory_space<hbm>>) target(%dma_start3A_85 : memref<128x32xf32, #tpu.memory_space<vmem>>) offsets(%dma_start3A_88 : memref<128xi32, #tpu.memory_space<vmem>>) semaphore(%arg14 : memref<!tpu.dma_semaphore, #tpu.memory_space<semaphore_mem>>)
      %dma_start3A_92 = arith.constant 1 : i32
      %dma_start3A_93 = arith.constant 128 : i32
      %dma_start3A_94 = arith.constant 0 : i32
      %dma_start3A_95 = tpu.memref_slice %arg13[%dma_start3A_93, %dma_start3A_94] : memref<512x32xf32, #tpu.memory_space<vmem>> -> memref<128x32xf32, #tpu.memory_space<vmem>>
      %dma_start3A_96 = arith.constant 0 : i32
      %dma_start3A_97 = tpu.memref_slice %arg11[%dma_start3A_92, %dma_start3A_96] : memref<4x128xi32, #tpu.memory_space<vmem>> -> memref<1x128xi32, #tpu.memory_space<vmem>>
      %dma_start3A_98 = tpu.memref_squeeze %dma_start3A_97 : memref<1x128xi32, #tpu.memory_space<vmem>> -> memref<128xi32, #tpu.memory_space<vmem>>
      %dma_start3A_99 = arith.constant 0 : i32
      %dma_start3A_100 = arith.constant 0 : i32
      %dma_start3A_101 = tpu.memref_slice %arg4[%dma_start3A_99, %dma_start3A_100] : memref<50176x32xf32, #tpu.memory_space<hbm>> -> memref<50176x32xf32, #tpu.memory_space<hbm>>
      tpu.enqueue_indirect_dma source(%dma_start3A_101 : memref<50176x32xf32, #tpu.memory_space<hbm>>) target(%dma_start3A_95 : memref<128x32xf32, #tpu.memory_space<vmem>>) offsets(%dma_start3A_98 : memref<128xi32, #tpu.memory_space<vmem>>) semaphore(%arg14 : memref<!tpu.dma_semaphore, #tpu.memory_space<semaphore_mem>>)
      %dma_start3A_102 = arith.constant 2 : i32
      %dma_start3A_103 = arith.constant 256 : i32
      %dma_start3A_104 = arith.constant 0 : i32
      %dma_start3A_105 = tpu.memref_slice %arg13[%dma_start3A_103, %dma_start3A_104] : memref<512x32xf32, #tpu.memory_space<vmem>> -> memref<128x32xf32, #tpu.memory_space<vmem>>
      %dma_start3A_106 = arith.constant 0 : i32
      %dma_start3A_107 = tpu.memref_slice %arg11[%dma_start3A_102, %dma_start3A_106] : memref<4x128xi32, #tpu.memory_space<vmem>> -> memref<1x128xi32, #tpu.memory_space<vmem>>
      %dma_start3A_108 = tpu.memref_squeeze %dma_start3A_107 : memref<1x128xi32, #tpu.memory_space<vmem>> -> memref<128xi32, #tpu.memory_space<vmem>>
      %dma_start3A_109 = arith.constant 0 : i32
      %dma_start3A_110 = arith.constant 0 : i32
      %dma_start3A_111 = tpu.memref_slice %arg4[%dma_start3A_109, %dma_start3A_110] : memref<50176x32xf32, #tpu.memory_space<hbm>> -> memref<50176x32xf32, #tpu.memory_space<hbm>>
      tpu.enqueue_indirect_dma source(%dma_start3A_111 : memref<50176x32xf32, #tpu.memory_space<hbm>>) target(%dma_start3A_105 : memref<128x32xf32, #tpu.memory_space<vmem>>) offsets(%dma_start3A_108 : memref<128xi32, #tpu.memory_space<vmem>>) semaphore(%arg14 : memref<!tpu.dma_semaphore, #tpu.memory_space<semaphore_mem>>)
      %dma_start3A_112 = arith.constant 3 : i32
      %dma_start3A_113 = arith.constant 384 : i32
      %dma_start3A_114 = arith.constant 0 : i32
      %dma_start3A_115 = tpu.memref_slice %arg13[%dma_start3A_113, %dma_start3A_114] : memref<512x32xf32, #tpu.memory_space<vmem>> -> memref<128x32xf32, #tpu.memory_space<vmem>>
      %dma_start3A_116 = arith.constant 0 : i32
      %dma_start3A_117 = tpu.memref_slice %arg11[%dma_start3A_112, %dma_start3A_116] : memref<4x128xi32, #tpu.memory_space<vmem>> -> memref<1x128xi32, #tpu.memory_space<vmem>>
      %dma_start3A_118 = tpu.memref_squeeze %dma_start3A_117 : memref<1x128xi32, #tpu.memory_space<vmem>> -> memref<128xi32, #tpu.memory_space<vmem>>
      %dma_start3A_119 = arith.constant 0 : i32
      %dma_start3A_120 = arith.constant 0 : i32
      %dma_start3A_121 = tpu.memref_slice %arg4[%dma_start3A_119, %dma_start3A_120] : memref<50176x32xf32, #tpu.memory_space<hbm>> -> memref<50176x32xf32, #tpu.memory_space<hbm>>
      tpu.enqueue_indirect_dma source(%dma_start3A_121 : memref<50176x32xf32, #tpu.memory_space<hbm>>) target(%dma_start3A_115 : memref<128x32xf32, #tpu.memory_space<vmem>>) offsets(%dma_start3A_118 : memref<128xi32, #tpu.memory_space<vmem>>) semaphore(%arg14 : memref<!tpu.dma_semaphore, #tpu.memory_space<semaphore_mem>>)
      %dma_wait3A = arith.constant 0 : i32
      %dma_wait3A_122 = arith.constant 0 : i32
      %dma_wait3A_123 = arith.constant 0 : i32
      %dma_wait3A_124 = tpu.memref_slice %arg13[%dma_wait3A_122, %dma_wait3A_123] : memref<512x32xf32, #tpu.memory_space<vmem>> -> memref<128x32xf32, #tpu.memory_space<vmem>>
      %dma_wait3A_125 = arith.constant 0 : i32
      %dma_wait3A_126 = tpu.memref_slice %arg11[%dma_wait3A, %dma_wait3A_125] : memref<4x128xi32, #tpu.memory_space<vmem>> -> memref<1x128xi32, #tpu.memory_space<vmem>>
      %dma_wait3A_127 = tpu.memref_squeeze %dma_wait3A_126 : memref<1x128xi32, #tpu.memory_space<vmem>> -> memref<128xi32, #tpu.memory_space<vmem>>
      %dma_wait3A_128 = arith.constant 0 : i32
      %dma_wait3A_129 = arith.constant 0 : i32
      %dma_wait3A_130 = tpu.memref_slice %arg4[%dma_wait3A_128, %dma_wait3A_129] : memref<50176x32xf32, #tpu.memory_space<hbm>> -> memref<50176x32xf32, #tpu.memory_space<hbm>>
      tpu.wait_indirect_dma semaphore(%arg14 : memref<!tpu.dma_semaphore, #tpu.memory_space<semaphore_mem>>) src(%dma_wait3A_130 : memref<50176x32xf32, #tpu.memory_space<hbm>>) dst(%dma_wait3A_124 : memref<128x32xf32, #tpu.memory_space<vmem>>)
      %dma_wait3A_131 = arith.constant 1 : i32
      %dma_wait3A_132 = arith.constant 128 : i32
      %dma_wait3A_133 = arith.constant 0 : i32
      %dma_wait3A_134 = tpu.memref_slice %arg13[%dma_wait3A_132, %dma_wait3A_133] : memref<512x32xf32, #tpu.memory_space<vmem>> -> memref<128x32xf32, #tpu.memory_space<vmem>>
      %dma_wait3A_135 = arith.constant 0 : i32
      %dma_wait3A_136 = tpu.memref_slice %arg11[%dma_wait3A_131, %dma_wait3A_135] : memref<4x128xi32, #tpu.memory_space<vmem>> -> memref<1x128xi32, #tpu.memory_space<vmem>>
      %dma_wait3A_137 = tpu.memref_squeeze %dma_wait3A_136 : memref<1x128xi32, #tpu.memory_space<vmem>> -> memref<128xi32, #tpu.memory_space<vmem>>
      %dma_wait3A_138 = arith.constant 0 : i32
      %dma_wait3A_139 = arith.constant 0 : i32
      %dma_wait3A_140 = tpu.memref_slice %arg4[%dma_wait3A_138, %dma_wait3A_139] : memref<50176x32xf32, #tpu.memory_space<hbm>> -> memref<50176x32xf32, #tpu.memory_space<hbm>>
      tpu.wait_indirect_dma semaphore(%arg14 : memref<!tpu.dma_semaphore, #tpu.memory_space<semaphore_mem>>) src(%dma_wait3A_140 : memref<50176x32xf32, #tpu.memory_space<hbm>>) dst(%dma_wait3A_134 : memref<128x32xf32, #tpu.memory_space<vmem>>)
      %dma_wait3A_141 = arith.constant 2 : i32
      %dma_wait3A_142 = arith.constant 256 : i32
      %dma_wait3A_143 = arith.constant 0 : i32
      %dma_wait3A_144 = tpu.memref_slice %arg13[%dma_wait3A_142, %dma_wait3A_143] : memref<512x32xf32, #tpu.memory_space<vmem>> -> memref<128x32xf32, #tpu.memory_space<vmem>>
      %dma_wait3A_145 = arith.constant 0 : i32
      %dma_wait3A_146 = tpu.memref_slice %arg11[%dma_wait3A_141, %dma_wait3A_145] : memref<4x128xi32, #tpu.memory_space<vmem>> -> memref<1x128xi32, #tpu.memory_space<vmem>>
      %dma_wait3A_147 = tpu.memref_squeeze %dma_wait3A_146 : memref<1x128xi32, #tpu.memory_space<vmem>> -> memref<128xi32, #tpu.memory_space<vmem>>
      %dma_wait3A_148 = arith.constant 0 : i32
      %dma_wait3A_149 = arith.constant 0 : i32
      %dma_wait3A_150 = tpu.memref_slice %arg4[%dma_wait3A_148, %dma_wait3A_149] : memref<50176x32xf32, #tpu.memory_space<hbm>> -> memref<50176x32xf32, #tpu.memory_space<hbm>>
      tpu.wait_indirect_dma semaphore(%arg14 : memref<!tpu.dma_semaphore, #tpu.memory_space<semaphore_mem>>) src(%dma_wait3A_150 : memref<50176x32xf32, #tpu.memory_space<hbm>>) dst(%dma_wait3A_144 : memref<128x32xf32, #tpu.memory_space<vmem>>)
      %dma_wait3A_151 = arith.constant 3 : i32
      %dma_wait3A_152 = arith.constant 384 : i32
      %dma_wait3A_153 = arith.constant 0 : i32
      %dma_wait3A_154 = tpu.memref_slice %arg13[%dma_wait3A_152, %dma_wait3A_153] : memref<512x32xf32, #tpu.memory_space<vmem>> -> memref<128x32xf32, #tpu.memory_space<vmem>>
      %dma_wait3A_155 = arith.constant 0 : i32
      %dma_wait3A_156 = tpu.memref_slice %arg11[%dma_wait3A_151, %dma_wait3A_155] : memref<4x128xi32, #tpu.memory_space<vmem>> -> memref<1x128xi32, #tpu.memory_space<vmem>>
      %dma_wait3A_157 = tpu.memref_squeeze %dma_wait3A_156 : memref<1x128xi32, #tpu.memory_space<vmem>> -> memref<128xi32, #tpu.memory_space<vmem>>
      %dma_wait3A_158 = arith.constant 0 : i32
      %dma_wait3A_159 = arith.constant 0 : i32
      %dma_wait3A_160 = tpu.memref_slice %arg4[%dma_wait3A_158, %dma_wait3A_159] : memref<50176x32xf32, #tpu.memory_space<hbm>> -> memref<50176x32xf32, #tpu.memory_space<hbm>>
      tpu.wait_indirect_dma semaphore(%arg14 : memref<!tpu.dma_semaphore, #tpu.memory_space<semaphore_mem>>) src(%dma_wait3A_160 : memref<50176x32xf32, #tpu.memory_space<hbm>>) dst(%dma_wait3A_154 : memref<128x32xf32, #tpu.memory_space<vmem>>)
      %run_scoped3A_161 = arith.constant 0 : i32
      "tpu.region"() ({
        %run_scoped3A_165 = tpu.sem_alloc : memref<!tpu.dma_semaphore, #tpu.memory_space<semaphore_mem>>
        %dma_start3A_166 = arith.constant 0 : i32
        %dma_start3A_167 = arith.constant 0 : i32
        %dma_start3A_168 = tpu.memref_slice %arg13[%dma_start3A_166, %dma_start3A_167] : memref<512x32xf32, #tpu.memory_space<vmem>> -> memref<128x32xf32, #tpu.memory_space<vmem>>
        %dma_start3A_169 = arith.constant 0 : i32
        %dma_start3A_170 = tpu.memref_slice %arg12[%run_scoped3A_161, %dma_start3A_169] : memref<4x128xi32, #tpu.memory_space<vmem>> -> memref<1x128xi32, #tpu.memory_space<vmem>>
        %dma_start3A_171 = tpu.memref_squeeze %dma_start3A_170 : memref<1x128xi32, #tpu.memory_space<vmem>> -> memref<128xi32, #tpu.memory_space<vmem>>
        %dma_start3A_172 = arith.constant 0 : i32
        %dma_start3A_173 = arith.constant 0 : i32
        %dma_start3A_174 = tpu.memref_slice %arg10[%dma_start3A_172, %dma_start3A_173] : memref<50176x32xf32, #tpu.memory_space<vmem_shared>> -> memref<50176x32xf32, #tpu.memory_space<vmem_shared>>
        tpu.enqueue_indirect_dma source(%dma_start3A_168 : memref<128x32xf32, #tpu.memory_space<vmem>>) target(%dma_start3A_174 : memref<50176x32xf32, #tpu.memory_space<vmem_shared>>) offsets(%dma_start3A_171 : memref<128xi32, #tpu.memory_space<vmem>>) semaphore(%run_scoped3A_165 : memref<!tpu.dma_semaphore, #tpu.memory_space<semaphore_mem>>) {add = true}
        %dma_wait3A_175 = arith.constant 0 : i32
        %dma_wait3A_176 = arith.constant 0 : i32
        %dma_wait3A_177 = tpu.memref_slice %arg13[%dma_wait3A_175, %dma_wait3A_176] : memref<512x32xf32, #tpu.memory_space<vmem>> -> memref<128x32xf32, #tpu.memory_space<vmem>>
        %dma_wait3A_178 = arith.constant 0 : i32
        %dma_wait3A_179 = tpu.memref_slice %arg12[%run_scoped3A_161, %dma_wait3A_178] : memref<4x128xi32, #tpu.memory_space<vmem>> -> memref<1x128xi32, #tpu.memory_space<vmem>>
        %dma_wait3A_180 = tpu.memref_squeeze %dma_wait3A_179 : memref<1x128xi32, #tpu.memory_space<vmem>> -> memref<128xi32, #tpu.memory_space<vmem>>
        %dma_wait3A_181 = arith.constant 0 : i32
        %dma_wait3A_182 = arith.constant 0 : i32
        %dma_wait3A_183 = tpu.memref_slice %arg10[%dma_wait3A_181, %dma_wait3A_182] : memref<50176x32xf32, #tpu.memory_space<vmem_shared>> -> memref<50176x32xf32, #tpu.memory_space<vmem_shared>>
        tpu.wait_indirect_dma semaphore(%run_scoped3A_165 : memref<!tpu.dma_semaphore, #tpu.memory_space<semaphore_mem>>) src(%dma_wait3A_177 : memref<128x32xf32, #tpu.memory_space<vmem>>) dst(%dma_wait3A_183 : memref<50176x32xf32, #tpu.memory_space<vmem_shared>>)
        tpu.yield
      }) : () -> ()
      %run_scoped3A_162 = arith.constant 1 : i32
      "tpu.region"() ({
        %run_scoped3A_165 = tpu.sem_alloc : memref<!tpu.dma_semaphore, #tpu.memory_space<semaphore_mem>>
        %dma_start3A_166 = arith.constant 128 : i32
        %dma_start3A_167 = arith.constant 0 : i32
        %dma_start3A_168 = tpu.memref_slice %arg13[%dma_start3A_166, %dma_start3A_167] : memref<512x32xf32, #tpu.memory_space<vmem>> -> memref<128x32xf32, #tpu.memory_space<vmem>>
        %dma_start3A_169 = arith.constant 0 : i32
        %dma_start3A_170 = tpu.memref_slice %arg12[%run_scoped3A_162, %dma_start3A_169] : memref<4x128xi32, #tpu.memory_space<vmem>> -> memref<1x128xi32, #tpu.memory_space<vmem>>
        %dma_start3A_171 = tpu.memref_squeeze %dma_start3A_170 : memref<1x128xi32, #tpu.memory_space<vmem>> -> memref<128xi32, #tpu.memory_space<vmem>>
        %dma_start3A_172 = arith.constant 0 : i32
        %dma_start3A_173 = arith.constant 0 : i32
        %dma_start3A_174 = tpu.memref_slice %arg10[%dma_start3A_172, %dma_start3A_173] : memref<50176x32xf32, #tpu.memory_space<vmem_shared>> -> memref<50176x32xf32, #tpu.memory_space<vmem_shared>>
        tpu.enqueue_indirect_dma source(%dma_start3A_168 : memref<128x32xf32, #tpu.memory_space<vmem>>) target(%dma_start3A_174 : memref<50176x32xf32, #tpu.memory_space<vmem_shared>>) offsets(%dma_start3A_171 : memref<128xi32, #tpu.memory_space<vmem>>) semaphore(%run_scoped3A_165 : memref<!tpu.dma_semaphore, #tpu.memory_space<semaphore_mem>>) {add = true}
        %dma_wait3A_175 = arith.constant 128 : i32
        %dma_wait3A_176 = arith.constant 0 : i32
        %dma_wait3A_177 = tpu.memref_slice %arg13[%dma_wait3A_175, %dma_wait3A_176] : memref<512x32xf32, #tpu.memory_space<vmem>> -> memref<128x32xf32, #tpu.memory_space<vmem>>
        %dma_wait3A_178 = arith.constant 0 : i32
        %dma_wait3A_179 = tpu.memref_slice %arg12[%run_scoped3A_162, %dma_wait3A_178] : memref<4x128xi32, #tpu.memory_space<vmem>> -> memref<1x128xi32, #tpu.memory_space<vmem>>
        %dma_wait3A_180 = tpu.memref_squeeze %dma_wait3A_179 : memref<1x128xi32, #tpu.memory_space<vmem>> -> memref<128xi32, #tpu.memory_space<vmem>>
        %dma_wait3A_181 = arith.constant 0 : i32
        %dma_wait3A_182 = arith.constant 0 : i32
        %dma_wait3A_183 = tpu.memref_slice %arg10[%dma_wait3A_181, %dma_wait3A_182] : memref<50176x32xf32, #tpu.memory_space<vmem_shared>> -> memref<50176x32xf32, #tpu.memory_space<vmem_shared>>
        tpu.wait_indirect_dma semaphore(%run_scoped3A_165 : memref<!tpu.dma_semaphore, #tpu.memory_space<semaphore_mem>>) src(%dma_wait3A_177 : memref<128x32xf32, #tpu.memory_space<vmem>>) dst(%dma_wait3A_183 : memref<50176x32xf32, #tpu.memory_space<vmem_shared>>)
        tpu.yield
      }) : () -> ()
      %run_scoped3A_163 = arith.constant 2 : i32
      "tpu.region"() ({
        %run_scoped3A_165 = tpu.sem_alloc : memref<!tpu.dma_semaphore, #tpu.memory_space<semaphore_mem>>
        %dma_start3A_166 = arith.constant 256 : i32
        %dma_start3A_167 = arith.constant 0 : i32
        %dma_start3A_168 = tpu.memref_slice %arg13[%dma_start3A_166, %dma_start3A_167] : memref<512x32xf32, #tpu.memory_space<vmem>> -> memref<128x32xf32, #tpu.memory_space<vmem>>
        %dma_start3A_169 = arith.constant 0 : i32
        %dma_start3A_170 = tpu.memref_slice %arg12[%run_scoped3A_163, %dma_start3A_169] : memref<4x128xi32, #tpu.memory_space<vmem>> -> memref<1x128xi32, #tpu.memory_space<vmem>>
        %dma_start3A_171 = tpu.memref_squeeze %dma_start3A_170 : memref<1x128xi32, #tpu.memory_space<vmem>> -> memref<128xi32, #tpu.memory_space<vmem>>
        %dma_start3A_172 = arith.constant 0 : i32
        %dma_start3A_173 = arith.constant 0 : i32
        %dma_start3A_174 = tpu.memref_slice %arg10[%dma_start3A_172, %dma_start3A_173] : memref<50176x32xf32, #tpu.memory_space<vmem_shared>> -> memref<50176x32xf32, #tpu.memory_space<vmem_shared>>
        tpu.enqueue_indirect_dma source(%dma_start3A_168 : memref<128x32xf32, #tpu.memory_space<vmem>>) target(%dma_start3A_174 : memref<50176x32xf32, #tpu.memory_space<vmem_shared>>) offsets(%dma_start3A_171 : memref<128xi32, #tpu.memory_space<vmem>>) semaphore(%run_scoped3A_165 : memref<!tpu.dma_semaphore, #tpu.memory_space<semaphore_mem>>) {add = true}
        %dma_wait3A_175 = arith.constant 256 : i32
        %dma_wait3A_176 = arith.constant 0 : i32
        %dma_wait3A_177 = tpu.memref_slice %arg13[%dma_wait3A_175, %dma_wait3A_176] : memref<512x32xf32, #tpu.memory_space<vmem>> -> memref<128x32xf32, #tpu.memory_space<vmem>>
        %dma_wait3A_178 = arith.constant 0 : i32
        %dma_wait3A_179 = tpu.memref_slice %arg12[%run_scoped3A_163, %dma_wait3A_178] : memref<4x128xi32, #tpu.memory_space<vmem>> -> memref<1x128xi32, #tpu.memory_space<vmem>>
        %dma_wait3A_180 = tpu.memref_squeeze %dma_wait3A_179 : memref<1x128xi32, #tpu.memory_space<vmem>> -> memref<128xi32, #tpu.memory_space<vmem>>
        %dma_wait3A_181 = arith.constant 0 : i32
        %dma_wait3A_182 = arith.constant 0 : i32
        %dma_wait3A_183 = tpu.memref_slice %arg10[%dma_wait3A_181, %dma_wait3A_182] : memref<50176x32xf32, #tpu.memory_space<vmem_shared>> -> memref<50176x32xf32, #tpu.memory_space<vmem_shared>>
        tpu.wait_indirect_dma semaphore(%run_scoped3A_165 : memref<!tpu.dma_semaphore, #tpu.memory_space<semaphore_mem>>) src(%dma_wait3A_177 : memref<128x32xf32, #tpu.memory_space<vmem>>) dst(%dma_wait3A_183 : memref<50176x32xf32, #tpu.memory_space<vmem_shared>>)
        tpu.yield
      }) : () -> ()
      %run_scoped3A_164 = arith.constant 3 : i32
      "tpu.region"() ({
        %run_scoped3A_165 = tpu.sem_alloc : memref<!tpu.dma_semaphore, #tpu.memory_space<semaphore_mem>>
        %dma_start3A_166 = arith.constant 384 : i32
        %dma_start3A_167 = arith.constant 0 : i32
        %dma_start3A_168 = tpu.memref_slice %arg13[%dma_start3A_166, %dma_start3A_167] : memref<512x32xf32, #tpu.memory_space<vmem>> -> memref<128x32xf32, #tpu.memory_space<vmem>>
        %dma_start3A_169 = arith.constant 0 : i32
        %dma_start3A_170 = tpu.memref_slice %arg12[%run_scoped3A_164, %dma_start3A_169] : memref<4x128xi32, #tpu.memory_space<vmem>> -> memref<1x128xi32, #tpu.memory_space<vmem>>
        %dma_start3A_171 = tpu.memref_squeeze %dma_start3A_170 : memref<1x128xi32, #tpu.memory_space<vmem>> -> memref<128xi32, #tpu.memory_space<vmem>>
        %dma_start3A_172 = arith.constant 0 : i32
        %dma_start3A_173 = arith.constant 0 : i32
        %dma_start3A_174 = tpu.memref_slice %arg10[%dma_start3A_172, %dma_start3A_173] : memref<50176x32xf32, #tpu.memory_space<vmem_shared>> -> memref<50176x32xf32, #tpu.memory_space<vmem_shared>>
        tpu.enqueue_indirect_dma source(%dma_start3A_168 : memref<128x32xf32, #tpu.memory_space<vmem>>) target(%dma_start3A_174 : memref<50176x32xf32, #tpu.memory_space<vmem_shared>>) offsets(%dma_start3A_171 : memref<128xi32, #tpu.memory_space<vmem>>) semaphore(%run_scoped3A_165 : memref<!tpu.dma_semaphore, #tpu.memory_space<semaphore_mem>>) {add = true}
        %dma_wait3A_175 = arith.constant 384 : i32
        %dma_wait3A_176 = arith.constant 0 : i32
        %dma_wait3A_177 = tpu.memref_slice %arg13[%dma_wait3A_175, %dma_wait3A_176] : memref<512x32xf32, #tpu.memory_space<vmem>> -> memref<128x32xf32, #tpu.memory_space<vmem>>
        %dma_wait3A_178 = arith.constant 0 : i32
        %dma_wait3A_179 = tpu.memref_slice %arg12[%run_scoped3A_164, %dma_wait3A_178] : memref<4x128xi32, #tpu.memory_space<vmem>> -> memref<1x128xi32, #tpu.memory_space<vmem>>
        %dma_wait3A_180 = tpu.memref_squeeze %dma_wait3A_179 : memref<1x128xi32, #tpu.memory_space<vmem>> -> memref<128xi32, #tpu.memory_space<vmem>>
        %dma_wait3A_181 = arith.constant 0 : i32
        %dma_wait3A_182 = arith.constant 0 : i32
        %dma_wait3A_183 = tpu.memref_slice %arg10[%dma_wait3A_181, %dma_wait3A_182] : memref<50176x32xf32, #tpu.memory_space<vmem_shared>> -> memref<50176x32xf32, #tpu.memory_space<vmem_shared>>
        tpu.wait_indirect_dma semaphore(%run_scoped3A_165 : memref<!tpu.dma_semaphore, #tpu.memory_space<semaphore_mem>>) src(%dma_wait3A_177 : memref<128x32xf32, #tpu.memory_space<vmem>>) dst(%dma_wait3A_183 : memref<50176x32xf32, #tpu.memory_space<vmem_shared>>)
        tpu.yield
      }) : () -> ()
    }
    %barrier3A_64 = arith.constant 0 : index
    tpu.barrier barrier_id(%barrier3A_64)
    %run_scoped3A_65 = arith.constant 2 : i32
    "tpu.region"() ({
      %run_scoped3A_79 = tpu.sem_alloc : memref<!tpu.dma_semaphore, #tpu.memory_space<semaphore_mem>>
      %dma_start3A = arith.constant 0 : i32
      %dma_start3A_80 = tpu.memref_slice %arg9[%run_scoped3A_65, %arg0, %mul3A_0, %dma_start3A] : memref<4x2x50176x32xf32, #tpu.memory_space<hbm>> -> memref<1x1x3136x32xf32, #tpu.memory_space<hbm>>
      %dma_start3A_81 = tpu.memref_squeeze %dma_start3A_80 : memref<1x1x3136x32xf32, #tpu.memory_space<hbm>> -> memref<3136x32xf32, #tpu.memory_space<hbm>>
      %dma_start3A_82 = arith.constant 0 : i32
      %dma_start3A_83 = tpu.memref_slice %arg10[%mul3A_0, %dma_start3A_82] : memref<50176x32xf32, #tpu.memory_space<vmem_shared>> -> memref<3136x32xf32, #tpu.memory_space<vmem_shared>>
      tpu.enqueue_dma source(%dma_start3A_83 : memref<3136x32xf32, #tpu.memory_space<vmem_shared>>) target(%dma_start3A_81 : memref<3136x32xf32, #tpu.memory_space<hbm>>) target_semaphore(%run_scoped3A_79 : memref<!tpu.dma_semaphore, #tpu.memory_space<semaphore_mem>>)
      %dma_wait3A = arith.constant 0 : i32
      %dma_wait3A_84 = tpu.memref_slice %arg9[%run_scoped3A_65, %arg0, %mul3A_0, %dma_wait3A] : memref<4x2x50176x32xf32, #tpu.memory_space<hbm>> -> memref<1x1x3136x32xf32, #tpu.memory_space<hbm>>
      %dma_wait3A_85 = tpu.memref_squeeze %dma_wait3A_84 : memref<1x1x3136x32xf32, #tpu.memory_space<hbm>> -> memref<3136x32xf32, #tpu.memory_space<hbm>>
      %dma_wait3A_86 = arith.constant 0 : i32
      %dma_wait3A_87 = tpu.memref_slice %arg10[%mul3A_0, %dma_wait3A_86] : memref<50176x32xf32, #tpu.memory_space<vmem_shared>> -> memref<3136x32xf32, #tpu.memory_space<vmem_shared>>
      tpu.wait_dma2 semaphore(%run_scoped3A_79 : memref<!tpu.dma_semaphore, #tpu.memory_space<semaphore_mem>>) src(%dma_wait3A_87 : memref<3136x32xf32, #tpu.memory_space<vmem_shared>>) dst(%dma_wait3A_85 : memref<3136x32xf32, #tpu.memory_space<hbm>>)
      tpu.yield
    }) : () -> ()
    "tpu.region"() ({
      %run_scoped3A_79 = tpu.sem_alloc : memref<!tpu.dma_semaphore, #tpu.memory_space<semaphore_mem>>
      %dma_start3A = arith.constant 0 : i32
      %dma_start3A_80 = tpu.memref_slice %arg10[%mul3A_0, %dma_start3A] : memref<50176x32xf32, #tpu.memory_space<vmem_shared>> -> memref<3136x32xf32, #tpu.memory_space<vmem_shared>>
      tpu.enqueue_dma source(%arg8 : memref<3136x32xf32, #tpu.memory_space<hbm>>) target(%dma_start3A_80 : memref<3136x32xf32, #tpu.memory_space<vmem_shared>>) target_semaphore(%run_scoped3A_79 : memref<!tpu.dma_semaphore, #tpu.memory_space<semaphore_mem>>)
      %dma_wait3A = arith.constant 0 : i32
      %dma_wait3A_81 = tpu.memref_slice %arg10[%mul3A_0, %dma_wait3A] : memref<50176x32xf32, #tpu.memory_space<vmem_shared>> -> memref<3136x32xf32, #tpu.memory_space<vmem_shared>>
      tpu.wait_dma2 semaphore(%run_scoped3A_79 : memref<!tpu.dma_semaphore, #tpu.memory_space<semaphore_mem>>) src(%arg8 : memref<3136x32xf32, #tpu.memory_space<hbm>>) dst(%dma_wait3A_81 : memref<3136x32xf32, #tpu.memory_space<vmem_shared>>)
      tpu.yield
    }) : () -> ()
    %barrier3A_66 = arith.constant 0 : index
    tpu.barrier barrier_id(%barrier3A_66)
    %while3A_67 = arith.constant 0 : i32
    %while3A_68 = arith.constant 0 : i32
    %while3A_69 = arith.subi %select_n3A, %while3A_68 : i32
    %while3A_70 = arith.addi %while3A_68, %while3A_69 : i32
    %while3A_71 = arith.constant 1 : i32
    %while3A_72 = arith.divsi %while3A_69, %while3A_71 : i32
    %while3A_73 = arith.muli %while3A_72, %while3A_71 : i32
    %while3A_74 = arith.addi %while3A_68, %while3A_73 : i32
    %while3A_75 = arith.constant 1 : i32
    scf.for %while3A_79 = %while3A_68 to %while3A_74 step %while3A_75  : i32 {
      %mul3A_80 = arith.constant 4 : i32
      %mul3A_81 = arith.muli %while3A_79, %mul3A_80 : i32
      %add3A_82 = arith.addi %select_n3A_29, %mul3A_81 : i32
      "tpu.region"() ({
        %run_scoped3A_165 = tpu.sem_alloc : memref<!tpu.dma_semaphore, #tpu.memory_space<semaphore_mem>>
        %dma_start3A_166 = arith.constant 0 : i32
        %dma_start3A_167 = tpu.memref_slice %arg6[%add3A_82, %dma_start3A_166] : memref<6400x128xi32, #tpu.memory_space<hbm>> -> memref<4x128xi32, #tpu.memory_space<hbm>>
        %dma_start3A_168 = arith.constant 0 : i32
        %dma_start3A_169 = tpu.memref_slice %arg6[%add3A_82, %dma_start3A_168] : memref<6400x128xi32, #tpu.memory_space<hbm>> -> memref<4x128xi32, #tpu.memory_space<hbm>>
        tpu.enqueue_dma source(%dma_start3A_169 : memref<4x128xi32, #tpu.memory_space<hbm>>) target(%arg11 : memref<4x128xi32, #tpu.memory_space<vmem>>) target_semaphore(%run_scoped3A_165 : memref<!tpu.dma_semaphore, #tpu.memory_space<semaphore_mem>>)
        %dma_wait3A_170 = arith.constant 0 : i32
        %dma_wait3A_171 = tpu.memref_slice %arg6[%add3A_82, %dma_wait3A_170] : memref<6400x128xi32, #tpu.memory_space<hbm>> -> memref<4x128xi32, #tpu.memory_space<hbm>>
        %dma_wait3A_172 = arith.constant 0 : i32
        %dma_wait3A_173 = tpu.memref_slice %arg6[%add3A_82, %dma_wait3A_172] : memref<6400x128xi32, #tpu.memory_space<hbm>> -> memref<4x128xi32, #tpu.memory_space<hbm>>
        tpu.wait_dma2 semaphore(%run_scoped3A_165 : memref<!tpu.dma_semaphore, #tpu.memory_space<semaphore_mem>>) src(%dma_wait3A_173 : memref<4x128xi32, #tpu.memory_space<hbm>>) dst(%arg11 : memref<4x128xi32, #tpu.memory_space<vmem>>)
        tpu.yield
      }) : () -> ()
      "tpu.region"() ({
        %run_scoped3A_165 = tpu.sem_alloc : memref<!tpu.dma_semaphore, #tpu.memory_space<semaphore_mem>>
        %dma_start3A_166 = arith.constant 0 : i32
        %dma_start3A_167 = tpu.memref_slice %arg7[%add3A_82, %dma_start3A_166] : memref<6400x128xi32, #tpu.memory_space<hbm>> -> memref<4x128xi32, #tpu.memory_space<hbm>>
        %dma_start3A_168 = arith.constant 0 : i32
        %dma_start3A_169 = tpu.memref_slice %arg7[%add3A_82, %dma_start3A_168] : memref<6400x128xi32, #tpu.memory_space<hbm>> -> memref<4x128xi32, #tpu.memory_space<hbm>>
        tpu.enqueue_dma source(%dma_start3A_169 : memref<4x128xi32, #tpu.memory_space<hbm>>) target(%arg12 : memref<4x128xi32, #tpu.memory_space<vmem>>) target_semaphore(%run_scoped3A_165 : memref<!tpu.dma_semaphore, #tpu.memory_space<semaphore_mem>>)
        %dma_wait3A_170 = arith.constant 0 : i32
        %dma_wait3A_171 = tpu.memref_slice %arg7[%add3A_82, %dma_wait3A_170] : memref<6400x128xi32, #tpu.memory_space<hbm>> -> memref<4x128xi32, #tpu.memory_space<hbm>>
        %dma_wait3A_172 = arith.constant 0 : i32
        %dma_wait3A_173 = tpu.memref_slice %arg7[%add3A_82, %dma_wait3A_172] : memref<6400x128xi32, #tpu.memory_space<hbm>> -> memref<4x128xi32, #tpu.memory_space<hbm>>
        tpu.wait_dma2 semaphore(%run_scoped3A_165 : memref<!tpu.dma_semaphore, #tpu.memory_space<semaphore_mem>>) src(%dma_wait3A_173 : memref<4x128xi32, #tpu.memory_space<hbm>>) dst(%arg12 : memref<4x128xi32, #tpu.memory_space<vmem>>)
        tpu.yield
      }) : () -> ()
      %dma_start3A = arith.constant 0 : i32
      %dma_start3A_83 = arith.constant 0 : i32
      %dma_start3A_84 = arith.constant 0 : i32
      %dma_start3A_85 = tpu.memref_slice %arg13[%dma_start3A_83, %dma_start3A_84] : memref<512x32xf32, #tpu.memory_space<vmem>> -> memref<128x32xf32, #tpu.memory_space<vmem>>
      %dma_start3A_86 = arith.constant 0 : i32
      %dma_start3A_87 = tpu.memref_slice %arg11[%dma_start3A, %dma_start3A_86] : memref<4x128xi32, #tpu.memory_space<vmem>> -> memref<1x128xi32, #tpu.memory_space<vmem>>
      %dma_start3A_88 = tpu.memref_squeeze %dma_start3A_87 : memref<1x128xi32, #tpu.memory_space<vmem>> -> memref<128xi32, #tpu.memory_space<vmem>>
      %dma_start3A_89 = arith.constant 0 : i32
      %dma_start3A_90 = arith.constant 0 : i32
      %dma_start3A_91 = tpu.memref_slice %arg5[%dma_start3A_89, %dma_start3A_90] : memref<50176x32xf32, #tpu.memory_space<hbm>> -> memref<50176x32xf32, #tpu.memory_space<hbm>>
      tpu.enqueue_indirect_dma source(%dma_start3A_91 : memref<50176x32xf32, #tpu.memory_space<hbm>>) target(%dma_start3A_85 : memref<128x32xf32, #tpu.memory_space<vmem>>) offsets(%dma_start3A_88 : memref<128xi32, #tpu.memory_space<vmem>>) semaphore(%arg14 : memref<!tpu.dma_semaphore, #tpu.memory_space<semaphore_mem>>)
      %dma_start3A_92 = arith.constant 1 : i32
      %dma_start3A_93 = arith.constant 128 : i32
      %dma_start3A_94 = arith.constant 0 : i32
      %dma_start3A_95 = tpu.memref_slice %arg13[%dma_start3A_93, %dma_start3A_94] : memref<512x32xf32, #tpu.memory_space<vmem>> -> memref<128x32xf32, #tpu.memory_space<vmem>>
      %dma_start3A_96 = arith.constant 0 : i32
      %dma_start3A_97 = tpu.memref_slice %arg11[%dma_start3A_92, %dma_start3A_96] : memref<4x128xi32, #tpu.memory_space<vmem>> -> memref<1x128xi32, #tpu.memory_space<vmem>>
      %dma_start3A_98 = tpu.memref_squeeze %dma_start3A_97 : memref<1x128xi32, #tpu.memory_space<vmem>> -> memref<128xi32, #tpu.memory_space<vmem>>
      %dma_start3A_99 = arith.constant 0 : i32
      %dma_start3A_100 = arith.constant 0 : i32
      %dma_start3A_101 = tpu.memref_slice %arg5[%dma_start3A_99, %dma_start3A_100] : memref<50176x32xf32, #tpu.memory_space<hbm>> -> memref<50176x32xf32, #tpu.memory_space<hbm>>
      tpu.enqueue_indirect_dma source(%dma_start3A_101 : memref<50176x32xf32, #tpu.memory_space<hbm>>) target(%dma_start3A_95 : memref<128x32xf32, #tpu.memory_space<vmem>>) offsets(%dma_start3A_98 : memref<128xi32, #tpu.memory_space<vmem>>) semaphore(%arg14 : memref<!tpu.dma_semaphore, #tpu.memory_space<semaphore_mem>>)
      %dma_start3A_102 = arith.constant 2 : i32
      %dma_start3A_103 = arith.constant 256 : i32
      %dma_start3A_104 = arith.constant 0 : i32
      %dma_start3A_105 = tpu.memref_slice %arg13[%dma_start3A_103, %dma_start3A_104] : memref<512x32xf32, #tpu.memory_space<vmem>> -> memref<128x32xf32, #tpu.memory_space<vmem>>
      %dma_start3A_106 = arith.constant 0 : i32
      %dma_start3A_107 = tpu.memref_slice %arg11[%dma_start3A_102, %dma_start3A_106] : memref<4x128xi32, #tpu.memory_space<vmem>> -> memref<1x128xi32, #tpu.memory_space<vmem>>
      %dma_start3A_108 = tpu.memref_squeeze %dma_start3A_107 : memref<1x128xi32, #tpu.memory_space<vmem>> -> memref<128xi32, #tpu.memory_space<vmem>>
      %dma_start3A_109 = arith.constant 0 : i32
      %dma_start3A_110 = arith.constant 0 : i32
      %dma_start3A_111 = tpu.memref_slice %arg5[%dma_start3A_109, %dma_start3A_110] : memref<50176x32xf32, #tpu.memory_space<hbm>> -> memref<50176x32xf32, #tpu.memory_space<hbm>>
      tpu.enqueue_indirect_dma source(%dma_start3A_111 : memref<50176x32xf32, #tpu.memory_space<hbm>>) target(%dma_start3A_105 : memref<128x32xf32, #tpu.memory_space<vmem>>) offsets(%dma_start3A_108 : memref<128xi32, #tpu.memory_space<vmem>>) semaphore(%arg14 : memref<!tpu.dma_semaphore, #tpu.memory_space<semaphore_mem>>)
      %dma_start3A_112 = arith.constant 3 : i32
      %dma_start3A_113 = arith.constant 384 : i32
      %dma_start3A_114 = arith.constant 0 : i32
      %dma_start3A_115 = tpu.memref_slice %arg13[%dma_start3A_113, %dma_start3A_114] : memref<512x32xf32, #tpu.memory_space<vmem>> -> memref<128x32xf32, #tpu.memory_space<vmem>>
      %dma_start3A_116 = arith.constant 0 : i32
      %dma_start3A_117 = tpu.memref_slice %arg11[%dma_start3A_112, %dma_start3A_116] : memref<4x128xi32, #tpu.memory_space<vmem>> -> memref<1x128xi32, #tpu.memory_space<vmem>>
      %dma_start3A_118 = tpu.memref_squeeze %dma_start3A_117 : memref<1x128xi32, #tpu.memory_space<vmem>> -> memref<128xi32, #tpu.memory_space<vmem>>
      %dma_start3A_119 = arith.constant 0 : i32
      %dma_start3A_120 = arith.constant 0 : i32
      %dma_start3A_121 = tpu.memref_slice %arg5[%dma_start3A_119, %dma_start3A_120] : memref<50176x32xf32, #tpu.memory_space<hbm>> -> memref<50176x32xf32, #tpu.memory_space<hbm>>
      tpu.enqueue_indirect_dma source(%dma_start3A_121 : memref<50176x32xf32, #tpu.memory_space<hbm>>) target(%dma_start3A_115 : memref<128x32xf32, #tpu.memory_space<vmem>>) offsets(%dma_start3A_118 : memref<128xi32, #tpu.memory_space<vmem>>) semaphore(%arg14 : memref<!tpu.dma_semaphore, #tpu.memory_space<semaphore_mem>>)
      %dma_wait3A = arith.constant 0 : i32
      %dma_wait3A_122 = arith.constant 0 : i32
      %dma_wait3A_123 = arith.constant 0 : i32
      %dma_wait3A_124 = tpu.memref_slice %arg13[%dma_wait3A_122, %dma_wait3A_123] : memref<512x32xf32, #tpu.memory_space<vmem>> -> memref<128x32xf32, #tpu.memory_space<vmem>>
      %dma_wait3A_125 = arith.constant 0 : i32
      %dma_wait3A_126 = tpu.memref_slice %arg11[%dma_wait3A, %dma_wait3A_125] : memref<4x128xi32, #tpu.memory_space<vmem>> -> memref<1x128xi32, #tpu.memory_space<vmem>>
      %dma_wait3A_127 = tpu.memref_squeeze %dma_wait3A_126 : memref<1x128xi32, #tpu.memory_space<vmem>> -> memref<128xi32, #tpu.memory_space<vmem>>
      %dma_wait3A_128 = arith.constant 0 : i32
      %dma_wait3A_129 = arith.constant 0 : i32
      %dma_wait3A_130 = tpu.memref_slice %arg5[%dma_wait3A_128, %dma_wait3A_129] : memref<50176x32xf32, #tpu.memory_space<hbm>> -> memref<50176x32xf32, #tpu.memory_space<hbm>>
      tpu.wait_indirect_dma semaphore(%arg14 : memref<!tpu.dma_semaphore, #tpu.memory_space<semaphore_mem>>) src(%dma_wait3A_130 : memref<50176x32xf32, #tpu.memory_space<hbm>>) dst(%dma_wait3A_124 : memref<128x32xf32, #tpu.memory_space<vmem>>)
      %dma_wait3A_131 = arith.constant 1 : i32
      %dma_wait3A_132 = arith.constant 128 : i32
      %dma_wait3A_133 = arith.constant 0 : i32
      %dma_wait3A_134 = tpu.memref_slice %arg13[%dma_wait3A_132, %dma_wait3A_133] : memref<512x32xf32, #tpu.memory_space<vmem>> -> memref<128x32xf32, #tpu.memory_space<vmem>>
      %dma_wait3A_135 = arith.constant 0 : i32
      %dma_wait3A_136 = tpu.memref_slice %arg11[%dma_wait3A_131, %dma_wait3A_135] : memref<4x128xi32, #tpu.memory_space<vmem>> -> memref<1x128xi32, #tpu.memory_space<vmem>>
      %dma_wait3A_137 = tpu.memref_squeeze %dma_wait3A_136 : memref<1x128xi32, #tpu.memory_space<vmem>> -> memref<128xi32, #tpu.memory_space<vmem>>
      %dma_wait3A_138 = arith.constant 0 : i32
      %dma_wait3A_139 = arith.constant 0 : i32
      %dma_wait3A_140 = tpu.memref_slice %arg5[%dma_wait3A_138, %dma_wait3A_139] : memref<50176x32xf32, #tpu.memory_space<hbm>> -> memref<50176x32xf32, #tpu.memory_space<hbm>>
      tpu.wait_indirect_dma semaphore(%arg14 : memref<!tpu.dma_semaphore, #tpu.memory_space<semaphore_mem>>) src(%dma_wait3A_140 : memref<50176x32xf32, #tpu.memory_space<hbm>>) dst(%dma_wait3A_134 : memref<128x32xf32, #tpu.memory_space<vmem>>)
      %dma_wait3A_141 = arith.constant 2 : i32
      %dma_wait3A_142 = arith.constant 256 : i32
      %dma_wait3A_143 = arith.constant 0 : i32
      %dma_wait3A_144 = tpu.memref_slice %arg13[%dma_wait3A_142, %dma_wait3A_143] : memref<512x32xf32, #tpu.memory_space<vmem>> -> memref<128x32xf32, #tpu.memory_space<vmem>>
      %dma_wait3A_145 = arith.constant 0 : i32
      %dma_wait3A_146 = tpu.memref_slice %arg11[%dma_wait3A_141, %dma_wait3A_145] : memref<4x128xi32, #tpu.memory_space<vmem>> -> memref<1x128xi32, #tpu.memory_space<vmem>>
      %dma_wait3A_147 = tpu.memref_squeeze %dma_wait3A_146 : memref<1x128xi32, #tpu.memory_space<vmem>> -> memref<128xi32, #tpu.memory_space<vmem>>
      %dma_wait3A_148 = arith.constant 0 : i32
      %dma_wait3A_149 = arith.constant 0 : i32
      %dma_wait3A_150 = tpu.memref_slice %arg5[%dma_wait3A_148, %dma_wait3A_149] : memref<50176x32xf32, #tpu.memory_space<hbm>> -> memref<50176x32xf32, #tpu.memory_space<hbm>>
      tpu.wait_indirect_dma semaphore(%arg14 : memref<!tpu.dma_semaphore, #tpu.memory_space<semaphore_mem>>) src(%dma_wait3A_150 : memref<50176x32xf32, #tpu.memory_space<hbm>>) dst(%dma_wait3A_144 : memref<128x32xf32, #tpu.memory_space<vmem>>)
      %dma_wait3A_151 = arith.constant 3 : i32
      %dma_wait3A_152 = arith.constant 384 : i32
      %dma_wait3A_153 = arith.constant 0 : i32
      %dma_wait3A_154 = tpu.memref_slice %arg13[%dma_wait3A_152, %dma_wait3A_153] : memref<512x32xf32, #tpu.memory_space<vmem>> -> memref<128x32xf32, #tpu.memory_space<vmem>>
      %dma_wait3A_155 = arith.constant 0 : i32
      %dma_wait3A_156 = tpu.memref_slice %arg11[%dma_wait3A_151, %dma_wait3A_155] : memref<4x128xi32, #tpu.memory_space<vmem>> -> memref<1x128xi32, #tpu.memory_space<vmem>>
      %dma_wait3A_157 = tpu.memref_squeeze %dma_wait3A_156 : memref<1x128xi32, #tpu.memory_space<vmem>> -> memref<128xi32, #tpu.memory_space<vmem>>
      %dma_wait3A_158 = arith.constant 0 : i32
      %dma_wait3A_159 = arith.constant 0 : i32
      %dma_wait3A_160 = tpu.memref_slice %arg5[%dma_wait3A_158, %dma_wait3A_159] : memref<50176x32xf32, #tpu.memory_space<hbm>> -> memref<50176x32xf32, #tpu.memory_space<hbm>>
      tpu.wait_indirect_dma semaphore(%arg14 : memref<!tpu.dma_semaphore, #tpu.memory_space<semaphore_mem>>) src(%dma_wait3A_160 : memref<50176x32xf32, #tpu.memory_space<hbm>>) dst(%dma_wait3A_154 : memref<128x32xf32, #tpu.memory_space<vmem>>)
      %run_scoped3A_161 = arith.constant 0 : i32
      "tpu.region"() ({
        %run_scoped3A_165 = tpu.sem_alloc : memref<!tpu.dma_semaphore, #tpu.memory_space<semaphore_mem>>
        %dma_start3A_166 = arith.constant 0 : i32
        %dma_start3A_167 = arith.constant 0 : i32
        %dma_start3A_168 = tpu.memref_slice %arg13[%dma_start3A_166, %dma_start3A_167] : memref<512x32xf32, #tpu.memory_space<vmem>> -> memref<128x32xf32, #tpu.memory_space<vmem>>
        %dma_start3A_169 = arith.constant 0 : i32
        %dma_start3A_170 = tpu.memref_slice %arg12[%run_scoped3A_161, %dma_start3A_169] : memref<4x128xi32, #tpu.memory_space<vmem>> -> memref<1x128xi32, #tpu.memory_space<vmem>>
        %dma_start3A_171 = tpu.memref_squeeze %dma_start3A_170 : memref<1x128xi32, #tpu.memory_space<vmem>> -> memref<128xi32, #tpu.memory_space<vmem>>
        %dma_start3A_172 = arith.constant 0 : i32
        %dma_start3A_173 = arith.constant 0 : i32
        %dma_start3A_174 = tpu.memref_slice %arg10[%dma_start3A_172, %dma_start3A_173] : memref<50176x32xf32, #tpu.memory_space<vmem_shared>> -> memref<50176x32xf32, #tpu.memory_space<vmem_shared>>
        tpu.enqueue_indirect_dma source(%dma_start3A_168 : memref<128x32xf32, #tpu.memory_space<vmem>>) target(%dma_start3A_174 : memref<50176x32xf32, #tpu.memory_space<vmem_shared>>) offsets(%dma_start3A_171 : memref<128xi32, #tpu.memory_space<vmem>>) semaphore(%run_scoped3A_165 : memref<!tpu.dma_semaphore, #tpu.memory_space<semaphore_mem>>) {add = true}
        %dma_wait3A_175 = arith.constant 0 : i32
        %dma_wait3A_176 = arith.constant 0 : i32
        %dma_wait3A_177 = tpu.memref_slice %arg13[%dma_wait3A_175, %dma_wait3A_176] : memref<512x32xf32, #tpu.memory_space<vmem>> -> memref<128x32xf32, #tpu.memory_space<vmem>>
        %dma_wait3A_178 = arith.constant 0 : i32
        %dma_wait3A_179 = tpu.memref_slice %arg12[%run_scoped3A_161, %dma_wait3A_178] : memref<4x128xi32, #tpu.memory_space<vmem>> -> memref<1x128xi32, #tpu.memory_space<vmem>>
        %dma_wait3A_180 = tpu.memref_squeeze %dma_wait3A_179 : memref<1x128xi32, #tpu.memory_space<vmem>> -> memref<128xi32, #tpu.memory_space<vmem>>
        %dma_wait3A_181 = arith.constant 0 : i32
        %dma_wait3A_182 = arith.constant 0 : i32
        %dma_wait3A_183 = tpu.memref_slice %arg10[%dma_wait3A_181, %dma_wait3A_182] : memref<50176x32xf32, #tpu.memory_space<vmem_shared>> -> memref<50176x32xf32, #tpu.memory_space<vmem_shared>>
        tpu.wait_indirect_dma semaphore(%run_scoped3A_165 : memref<!tpu.dma_semaphore, #tpu.memory_space<semaphore_mem>>) src(%dma_wait3A_177 : memref<128x32xf32, #tpu.memory_space<vmem>>) dst(%dma_wait3A_183 : memref<50176x32xf32, #tpu.memory_space<vmem_shared>>)
        tpu.yield
      }) : () -> ()
      %run_scoped3A_162 = arith.constant 1 : i32
      "tpu.region"() ({
        %run_scoped3A_165 = tpu.sem_alloc : memref<!tpu.dma_semaphore, #tpu.memory_space<semaphore_mem>>
        %dma_start3A_166 = arith.constant 128 : i32
        %dma_start3A_167 = arith.constant 0 : i32
        %dma_start3A_168 = tpu.memref_slice %arg13[%dma_start3A_166, %dma_start3A_167] : memref<512x32xf32, #tpu.memory_space<vmem>> -> memref<128x32xf32, #tpu.memory_space<vmem>>
        %dma_start3A_169 = arith.constant 0 : i32
        %dma_start3A_170 = tpu.memref_slice %arg12[%run_scoped3A_162, %dma_start3A_169] : memref<4x128xi32, #tpu.memory_space<vmem>> -> memref<1x128xi32, #tpu.memory_space<vmem>>
        %dma_start3A_171 = tpu.memref_squeeze %dma_start3A_170 : memref<1x128xi32, #tpu.memory_space<vmem>> -> memref<128xi32, #tpu.memory_space<vmem>>
        %dma_start3A_172 = arith.constant 0 : i32
        %dma_start3A_173 = arith.constant 0 : i32
        %dma_start3A_174 = tpu.memref_slice %arg10[%dma_start3A_172, %dma_start3A_173] : memref<50176x32xf32, #tpu.memory_space<vmem_shared>> -> memref<50176x32xf32, #tpu.memory_space<vmem_shared>>
        tpu.enqueue_indirect_dma source(%dma_start3A_168 : memref<128x32xf32, #tpu.memory_space<vmem>>) target(%dma_start3A_174 : memref<50176x32xf32, #tpu.memory_space<vmem_shared>>) offsets(%dma_start3A_171 : memref<128xi32, #tpu.memory_space<vmem>>) semaphore(%run_scoped3A_165 : memref<!tpu.dma_semaphore, #tpu.memory_space<semaphore_mem>>) {add = true}
        %dma_wait3A_175 = arith.constant 128 : i32
        %dma_wait3A_176 = arith.constant 0 : i32
        %dma_wait3A_177 = tpu.memref_slice %arg13[%dma_wait3A_175, %dma_wait3A_176] : memref<512x32xf32, #tpu.memory_space<vmem>> -> memref<128x32xf32, #tpu.memory_space<vmem>>
        %dma_wait3A_178 = arith.constant 0 : i32
        %dma_wait3A_179 = tpu.memref_slice %arg12[%run_scoped3A_162, %dma_wait3A_178] : memref<4x128xi32, #tpu.memory_space<vmem>> -> memref<1x128xi32, #tpu.memory_space<vmem>>
        %dma_wait3A_180 = tpu.memref_squeeze %dma_wait3A_179 : memref<1x128xi32, #tpu.memory_space<vmem>> -> memref<128xi32, #tpu.memory_space<vmem>>
        %dma_wait3A_181 = arith.constant 0 : i32
        %dma_wait3A_182 = arith.constant 0 : i32
        %dma_wait3A_183 = tpu.memref_slice %arg10[%dma_wait3A_181, %dma_wait3A_182] : memref<50176x32xf32, #tpu.memory_space<vmem_shared>> -> memref<50176x32xf32, #tpu.memory_space<vmem_shared>>
        tpu.wait_indirect_dma semaphore(%run_scoped3A_165 : memref<!tpu.dma_semaphore, #tpu.memory_space<semaphore_mem>>) src(%dma_wait3A_177 : memref<128x32xf32, #tpu.memory_space<vmem>>) dst(%dma_wait3A_183 : memref<50176x32xf32, #tpu.memory_space<vmem_shared>>)
        tpu.yield
      }) : () -> ()
      %run_scoped3A_163 = arith.constant 2 : i32
      "tpu.region"() ({
        %run_scoped3A_165 = tpu.sem_alloc : memref<!tpu.dma_semaphore, #tpu.memory_space<semaphore_mem>>
        %dma_start3A_166 = arith.constant 256 : i32
        %dma_start3A_167 = arith.constant 0 : i32
        %dma_start3A_168 = tpu.memref_slice %arg13[%dma_start3A_166, %dma_start3A_167] : memref<512x32xf32, #tpu.memory_space<vmem>> -> memref<128x32xf32, #tpu.memory_space<vmem>>
        %dma_start3A_169 = arith.constant 0 : i32
        %dma_start3A_170 = tpu.memref_slice %arg12[%run_scoped3A_163, %dma_start3A_169] : memref<4x128xi32, #tpu.memory_space<vmem>> -> memref<1x128xi32, #tpu.memory_space<vmem>>
        %dma_start3A_171 = tpu.memref_squeeze %dma_start3A_170 : memref<1x128xi32, #tpu.memory_space<vmem>> -> memref<128xi32, #tpu.memory_space<vmem>>
        %dma_start3A_172 = arith.constant 0 : i32
        %dma_start3A_173 = arith.constant 0 : i32
        %dma_start3A_174 = tpu.memref_slice %arg10[%dma_start3A_172, %dma_start3A_173] : memref<50176x32xf32, #tpu.memory_space<vmem_shared>> -> memref<50176x32xf32, #tpu.memory_space<vmem_shared>>
        tpu.enqueue_indirect_dma source(%dma_start3A_168 : memref<128x32xf32, #tpu.memory_space<vmem>>) target(%dma_start3A_174 : memref<50176x32xf32, #tpu.memory_space<vmem_shared>>) offsets(%dma_start3A_171 : memref<128xi32, #tpu.memory_space<vmem>>) semaphore(%run_scoped3A_165 : memref<!tpu.dma_semaphore, #tpu.memory_space<semaphore_mem>>) {add = true}
        %dma_wait3A_175 = arith.constant 256 : i32
        %dma_wait3A_176 = arith.constant 0 : i32
        %dma_wait3A_177 = tpu.memref_slice %arg13[%dma_wait3A_175, %dma_wait3A_176] : memref<512x32xf32, #tpu.memory_space<vmem>> -> memref<128x32xf32, #tpu.memory_space<vmem>>
        %dma_wait3A_178 = arith.constant 0 : i32
        %dma_wait3A_179 = tpu.memref_slice %arg12[%run_scoped3A_163, %dma_wait3A_178] : memref<4x128xi32, #tpu.memory_space<vmem>> -> memref<1x128xi32, #tpu.memory_space<vmem>>
        %dma_wait3A_180 = tpu.memref_squeeze %dma_wait3A_179 : memref<1x128xi32, #tpu.memory_space<vmem>> -> memref<128xi32, #tpu.memory_space<vmem>>
        %dma_wait3A_181 = arith.constant 0 : i32
        %dma_wait3A_182 = arith.constant 0 : i32
        %dma_wait3A_183 = tpu.memref_slice %arg10[%dma_wait3A_181, %dma_wait3A_182] : memref<50176x32xf32, #tpu.memory_space<vmem_shared>> -> memref<50176x32xf32, #tpu.memory_space<vmem_shared>>
        tpu.wait_indirect_dma semaphore(%run_scoped3A_165 : memref<!tpu.dma_semaphore, #tpu.memory_space<semaphore_mem>>) src(%dma_wait3A_177 : memref<128x32xf32, #tpu.memory_space<vmem>>) dst(%dma_wait3A_183 : memref<50176x32xf32, #tpu.memory_space<vmem_shared>>)
        tpu.yield
      }) : () -> ()
      %run_scoped3A_164 = arith.constant 3 : i32
      "tpu.region"() ({
        %run_scoped3A_165 = tpu.sem_alloc : memref<!tpu.dma_semaphore, #tpu.memory_space<semaphore_mem>>
        %dma_start3A_166 = arith.constant 384 : i32
        %dma_start3A_167 = arith.constant 0 : i32
        %dma_start3A_168 = tpu.memref_slice %arg13[%dma_start3A_166, %dma_start3A_167] : memref<512x32xf32, #tpu.memory_space<vmem>> -> memref<128x32xf32, #tpu.memory_space<vmem>>
        %dma_start3A_169 = arith.constant 0 : i32
        %dma_start3A_170 = tpu.memref_slice %arg12[%run_scoped3A_164, %dma_start3A_169] : memref<4x128xi32, #tpu.memory_space<vmem>> -> memref<1x128xi32, #tpu.memory_space<vmem>>
        %dma_start3A_171 = tpu.memref_squeeze %dma_start3A_170 : memref<1x128xi32, #tpu.memory_space<vmem>> -> memref<128xi32, #tpu.memory_space<vmem>>
        %dma_start3A_172 = arith.constant 0 : i32
        %dma_start3A_173 = arith.constant 0 : i32
        %dma_start3A_174 = tpu.memref_slice %arg10[%dma_start3A_172, %dma_start3A_173] : memref<50176x32xf32, #tpu.memory_space<vmem_shared>> -> memref<50176x32xf32, #tpu.memory_space<vmem_shared>>
        tpu.enqueue_indirect_dma source(%dma_start3A_168 : memref<128x32xf32, #tpu.memory_space<vmem>>) target(%dma_start3A_174 : memref<50176x32xf32, #tpu.memory_space<vmem_shared>>) offsets(%dma_start3A_171 : memref<128xi32, #tpu.memory_space<vmem>>) semaphore(%run_scoped3A_165 : memref<!tpu.dma_semaphore, #tpu.memory_space<semaphore_mem>>) {add = true}
        %dma_wait3A_175 = arith.constant 384 : i32
        %dma_wait3A_176 = arith.constant 0 : i32
        %dma_wait3A_177 = tpu.memref_slice %arg13[%dma_wait3A_175, %dma_wait3A_176] : memref<512x32xf32, #tpu.memory_space<vmem>> -> memref<128x32xf32, #tpu.memory_space<vmem>>
        %dma_wait3A_178 = arith.constant 0 : i32
        %dma_wait3A_179 = tpu.memref_slice %arg12[%run_scoped3A_164, %dma_wait3A_178] : memref<4x128xi32, #tpu.memory_space<vmem>> -> memref<1x128xi32, #tpu.memory_space<vmem>>
        %dma_wait3A_180 = tpu.memref_squeeze %dma_wait3A_179 : memref<1x128xi32, #tpu.memory_space<vmem>> -> memref<128xi32, #tpu.memory_space<vmem>>
        %dma_wait3A_181 = arith.constant 0 : i32
        %dma_wait3A_182 = arith.constant 0 : i32
        %dma_wait3A_183 = tpu.memref_slice %arg10[%dma_wait3A_181, %dma_wait3A_182] : memref<50176x32xf32, #tpu.memory_space<vmem_shared>> -> memref<50176x32xf32, #tpu.memory_space<vmem_shared>>
        tpu.wait_indirect_dma semaphore(%run_scoped3A_165 : memref<!tpu.dma_semaphore, #tpu.memory_space<semaphore_mem>>) src(%dma_wait3A_177 : memref<128x32xf32, #tpu.memory_space<vmem>>) dst(%dma_wait3A_183 : memref<50176x32xf32, #tpu.memory_space<vmem_shared>>)
        tpu.yield
      }) : () -> ()
    }
    %while3A_76 = arith.constant 1 : i32
    scf.for %while3A_79 = %while3A_74 to %while3A_70 step %while3A_76  : i32 {
      %mul3A_80 = arith.constant 4 : i32
      %mul3A_81 = arith.muli %while3A_79, %mul3A_80 : i32
      %add3A_82 = arith.addi %select_n3A_29, %mul3A_81 : i32
      "tpu.region"() ({
        %run_scoped3A_165 = tpu.sem_alloc : memref<!tpu.dma_semaphore, #tpu.memory_space<semaphore_mem>>
        %dma_start3A_166 = arith.constant 0 : i32
        %dma_start3A_167 = tpu.memref_slice %arg6[%add3A_82, %dma_start3A_166] : memref<6400x128xi32, #tpu.memory_space<hbm>> -> memref<4x128xi32, #tpu.memory_space<hbm>>
        %dma_start3A_168 = arith.constant 0 : i32
        %dma_start3A_169 = tpu.memref_slice %arg6[%add3A_82, %dma_start3A_168] : memref<6400x128xi32, #tpu.memory_space<hbm>> -> memref<4x128xi32, #tpu.memory_space<hbm>>
        tpu.enqueue_dma source(%dma_start3A_169 : memref<4x128xi32, #tpu.memory_space<hbm>>) target(%arg11 : memref<4x128xi32, #tpu.memory_space<vmem>>) target_semaphore(%run_scoped3A_165 : memref<!tpu.dma_semaphore, #tpu.memory_space<semaphore_mem>>)
        %dma_wait3A_170 = arith.constant 0 : i32
        %dma_wait3A_171 = tpu.memref_slice %arg6[%add3A_82, %dma_wait3A_170] : memref<6400x128xi32, #tpu.memory_space<hbm>> -> memref<4x128xi32, #tpu.memory_space<hbm>>
        %dma_wait3A_172 = arith.constant 0 : i32
        %dma_wait3A_173 = tpu.memref_slice %arg6[%add3A_82, %dma_wait3A_172] : memref<6400x128xi32, #tpu.memory_space<hbm>> -> memref<4x128xi32, #tpu.memory_space<hbm>>
        tpu.wait_dma2 semaphore(%run_scoped3A_165 : memref<!tpu.dma_semaphore, #tpu.memory_space<semaphore_mem>>) src(%dma_wait3A_173 : memref<4x128xi32, #tpu.memory_space<hbm>>) dst(%arg11 : memref<4x128xi32, #tpu.memory_space<vmem>>)
        tpu.yield
      }) : () -> ()
      "tpu.region"() ({
        %run_scoped3A_165 = tpu.sem_alloc : memref<!tpu.dma_semaphore, #tpu.memory_space<semaphore_mem>>
        %dma_start3A_166 = arith.constant 0 : i32
        %dma_start3A_167 = tpu.memref_slice %arg7[%add3A_82, %dma_start3A_166] : memref<6400x128xi32, #tpu.memory_space<hbm>> -> memref<4x128xi32, #tpu.memory_space<hbm>>
        %dma_start3A_168 = arith.constant 0 : i32
        %dma_start3A_169 = tpu.memref_slice %arg7[%add3A_82, %dma_start3A_168] : memref<6400x128xi32, #tpu.memory_space<hbm>> -> memref<4x128xi32, #tpu.memory_space<hbm>>
        tpu.enqueue_dma source(%dma_start3A_169 : memref<4x128xi32, #tpu.memory_space<hbm>>) target(%arg12 : memref<4x128xi32, #tpu.memory_space<vmem>>) target_semaphore(%run_scoped3A_165 : memref<!tpu.dma_semaphore, #tpu.memory_space<semaphore_mem>>)
        %dma_wait3A_170 = arith.constant 0 : i32
        %dma_wait3A_171 = tpu.memref_slice %arg7[%add3A_82, %dma_wait3A_170] : memref<6400x128xi32, #tpu.memory_space<hbm>> -> memref<4x128xi32, #tpu.memory_space<hbm>>
        %dma_wait3A_172 = arith.constant 0 : i32
        %dma_wait3A_173 = tpu.memref_slice %arg7[%add3A_82, %dma_wait3A_172] : memref<6400x128xi32, #tpu.memory_space<hbm>> -> memref<4x128xi32, #tpu.memory_space<hbm>>
        tpu.wait_dma2 semaphore(%run_scoped3A_165 : memref<!tpu.dma_semaphore, #tpu.memory_space<semaphore_mem>>) src(%dma_wait3A_173 : memref<4x128xi32, #tpu.memory_space<hbm>>) dst(%arg12 : memref<4x128xi32, #tpu.memory_space<vmem>>)
        tpu.yield
      }) : () -> ()
      %dma_start3A = arith.constant 0 : i32
      %dma_start3A_83 = arith.constant 0 : i32
      %dma_start3A_84 = arith.constant 0 : i32
      %dma_start3A_85 = tpu.memref_slice %arg13[%dma_start3A_83, %dma_start3A_84] : memref<512x32xf32, #tpu.memory_space<vmem>> -> memref<128x32xf32, #tpu.memory_space<vmem>>
      %dma_start3A_86 = arith.constant 0 : i32
      %dma_start3A_87 = tpu.memref_slice %arg11[%dma_start3A, %dma_start3A_86] : memref<4x128xi32, #tpu.memory_space<vmem>> -> memref<1x128xi32, #tpu.memory_space<vmem>>
      %dma_start3A_88 = tpu.memref_squeeze %dma_start3A_87 : memref<1x128xi32, #tpu.memory_space<vmem>> -> memref<128xi32, #tpu.memory_space<vmem>>
      %dma_start3A_89 = arith.constant 0 : i32
      %dma_start3A_90 = arith.constant 0 : i32
      %dma_start3A_91 = tpu.memref_slice %arg5[%dma_start3A_89, %dma_start3A_90] : memref<50176x32xf32, #tpu.memory_space<hbm>> -> memref<50176x32xf32, #tpu.memory_space<hbm>>
      tpu.enqueue_indirect_dma source(%dma_start3A_91 : memref<50176x32xf32, #tpu.memory_space<hbm>>) target(%dma_start3A_85 : memref<128x32xf32, #tpu.memory_space<vmem>>) offsets(%dma_start3A_88 : memref<128xi32, #tpu.memory_space<vmem>>) semaphore(%arg14 : memref<!tpu.dma_semaphore, #tpu.memory_space<semaphore_mem>>)
      %dma_start3A_92 = arith.constant 1 : i32
      %dma_start3A_93 = arith.constant 128 : i32
      %dma_start3A_94 = arith.constant 0 : i32
      %dma_start3A_95 = tpu.memref_slice %arg13[%dma_start3A_93, %dma_start3A_94] : memref<512x32xf32, #tpu.memory_space<vmem>> -> memref<128x32xf32, #tpu.memory_space<vmem>>
      %dma_start3A_96 = arith.constant 0 : i32
      %dma_start3A_97 = tpu.memref_slice %arg11[%dma_start3A_92, %dma_start3A_96] : memref<4x128xi32, #tpu.memory_space<vmem>> -> memref<1x128xi32, #tpu.memory_space<vmem>>
      %dma_start3A_98 = tpu.memref_squeeze %dma_start3A_97 : memref<1x128xi32, #tpu.memory_space<vmem>> -> memref<128xi32, #tpu.memory_space<vmem>>
      %dma_start3A_99 = arith.constant 0 : i32
      %dma_start3A_100 = arith.constant 0 : i32
      %dma_start3A_101 = tpu.memref_slice %arg5[%dma_start3A_99, %dma_start3A_100] : memref<50176x32xf32, #tpu.memory_space<hbm>> -> memref<50176x32xf32, #tpu.memory_space<hbm>>
      tpu.enqueue_indirect_dma source(%dma_start3A_101 : memref<50176x32xf32, #tpu.memory_space<hbm>>) target(%dma_start3A_95 : memref<128x32xf32, #tpu.memory_space<vmem>>) offsets(%dma_start3A_98 : memref<128xi32, #tpu.memory_space<vmem>>) semaphore(%arg14 : memref<!tpu.dma_semaphore, #tpu.memory_space<semaphore_mem>>)
      %dma_start3A_102 = arith.constant 2 : i32
      %dma_start3A_103 = arith.constant 256 : i32
      %dma_start3A_104 = arith.constant 0 : i32
      %dma_start3A_105 = tpu.memref_slice %arg13[%dma_start3A_103, %dma_start3A_104] : memref<512x32xf32, #tpu.memory_space<vmem>> -> memref<128x32xf32, #tpu.memory_space<vmem>>
      %dma_start3A_106 = arith.constant 0 : i32
      %dma_start3A_107 = tpu.memref_slice %arg11[%dma_start3A_102, %dma_start3A_106] : memref<4x128xi32, #tpu.memory_space<vmem>> -> memref<1x128xi32, #tpu.memory_space<vmem>>
      %dma_start3A_108 = tpu.memref_squeeze %dma_start3A_107 : memref<1x128xi32, #tpu.memory_space<vmem>> -> memref<128xi32, #tpu.memory_space<vmem>>
      %dma_start3A_109 = arith.constant 0 : i32
      %dma_start3A_110 = arith.constant 0 : i32
      %dma_start3A_111 = tpu.memref_slice %arg5[%dma_start3A_109, %dma_start3A_110] : memref<50176x32xf32, #tpu.memory_space<hbm>> -> memref<50176x32xf32, #tpu.memory_space<hbm>>
      tpu.enqueue_indirect_dma source(%dma_start3A_111 : memref<50176x32xf32, #tpu.memory_space<hbm>>) target(%dma_start3A_105 : memref<128x32xf32, #tpu.memory_space<vmem>>) offsets(%dma_start3A_108 : memref<128xi32, #tpu.memory_space<vmem>>) semaphore(%arg14 : memref<!tpu.dma_semaphore, #tpu.memory_space<semaphore_mem>>)
      %dma_start3A_112 = arith.constant 3 : i32
      %dma_start3A_113 = arith.constant 384 : i32
      %dma_start3A_114 = arith.constant 0 : i32
      %dma_start3A_115 = tpu.memref_slice %arg13[%dma_start3A_113, %dma_start3A_114] : memref<512x32xf32, #tpu.memory_space<vmem>> -> memref<128x32xf32, #tpu.memory_space<vmem>>
      %dma_start3A_116 = arith.constant 0 : i32
      %dma_start3A_117 = tpu.memref_slice %arg11[%dma_start3A_112, %dma_start3A_116] : memref<4x128xi32, #tpu.memory_space<vmem>> -> memref<1x128xi32, #tpu.memory_space<vmem>>
      %dma_start3A_118 = tpu.memref_squeeze %dma_start3A_117 : memref<1x128xi32, #tpu.memory_space<vmem>> -> memref<128xi32, #tpu.memory_space<vmem>>
      %dma_start3A_119 = arith.constant 0 : i32
      %dma_start3A_120 = arith.constant 0 : i32
      %dma_start3A_121 = tpu.memref_slice %arg5[%dma_start3A_119, %dma_start3A_120] : memref<50176x32xf32, #tpu.memory_space<hbm>> -> memref<50176x32xf32, #tpu.memory_space<hbm>>
      tpu.enqueue_indirect_dma source(%dma_start3A_121 : memref<50176x32xf32, #tpu.memory_space<hbm>>) target(%dma_start3A_115 : memref<128x32xf32, #tpu.memory_space<vmem>>) offsets(%dma_start3A_118 : memref<128xi32, #tpu.memory_space<vmem>>) semaphore(%arg14 : memref<!tpu.dma_semaphore, #tpu.memory_space<semaphore_mem>>)
      %dma_wait3A = arith.constant 0 : i32
      %dma_wait3A_122 = arith.constant 0 : i32
      %dma_wait3A_123 = arith.constant 0 : i32
      %dma_wait3A_124 = tpu.memref_slice %arg13[%dma_wait3A_122, %dma_wait3A_123] : memref<512x32xf32, #tpu.memory_space<vmem>> -> memref<128x32xf32, #tpu.memory_space<vmem>>
      %dma_wait3A_125 = arith.constant 0 : i32
      %dma_wait3A_126 = tpu.memref_slice %arg11[%dma_wait3A, %dma_wait3A_125] : memref<4x128xi32, #tpu.memory_space<vmem>> -> memref<1x128xi32, #tpu.memory_space<vmem>>
      %dma_wait3A_127 = tpu.memref_squeeze %dma_wait3A_126 : memref<1x128xi32, #tpu.memory_space<vmem>> -> memref<128xi32, #tpu.memory_space<vmem>>
      %dma_wait3A_128 = arith.constant 0 : i32
      %dma_wait3A_129 = arith.constant 0 : i32
      %dma_wait3A_130 = tpu.memref_slice %arg5[%dma_wait3A_128, %dma_wait3A_129] : memref<50176x32xf32, #tpu.memory_space<hbm>> -> memref<50176x32xf32, #tpu.memory_space<hbm>>
      tpu.wait_indirect_dma semaphore(%arg14 : memref<!tpu.dma_semaphore, #tpu.memory_space<semaphore_mem>>) src(%dma_wait3A_130 : memref<50176x32xf32, #tpu.memory_space<hbm>>) dst(%dma_wait3A_124 : memref<128x32xf32, #tpu.memory_space<vmem>>)
      %dma_wait3A_131 = arith.constant 1 : i32
      %dma_wait3A_132 = arith.constant 128 : i32
      %dma_wait3A_133 = arith.constant 0 : i32
      %dma_wait3A_134 = tpu.memref_slice %arg13[%dma_wait3A_132, %dma_wait3A_133] : memref<512x32xf32, #tpu.memory_space<vmem>> -> memref<128x32xf32, #tpu.memory_space<vmem>>
      %dma_wait3A_135 = arith.constant 0 : i32
      %dma_wait3A_136 = tpu.memref_slice %arg11[%dma_wait3A_131, %dma_wait3A_135] : memref<4x128xi32, #tpu.memory_space<vmem>> -> memref<1x128xi32, #tpu.memory_space<vmem>>
      %dma_wait3A_137 = tpu.memref_squeeze %dma_wait3A_136 : memref<1x128xi32, #tpu.memory_space<vmem>> -> memref<128xi32, #tpu.memory_space<vmem>>
      %dma_wait3A_138 = arith.constant 0 : i32
      %dma_wait3A_139 = arith.constant 0 : i32
      %dma_wait3A_140 = tpu.memref_slice %arg5[%dma_wait3A_138, %dma_wait3A_139] : memref<50176x32xf32, #tpu.memory_space<hbm>> -> memref<50176x32xf32, #tpu.memory_space<hbm>>
      tpu.wait_indirect_dma semaphore(%arg14 : memref<!tpu.dma_semaphore, #tpu.memory_space<semaphore_mem>>) src(%dma_wait3A_140 : memref<50176x32xf32, #tpu.memory_space<hbm>>) dst(%dma_wait3A_134 : memref<128x32xf32, #tpu.memory_space<vmem>>)
      %dma_wait3A_141 = arith.constant 2 : i32
      %dma_wait3A_142 = arith.constant 256 : i32
      %dma_wait3A_143 = arith.constant 0 : i32
      %dma_wait3A_144 = tpu.memref_slice %arg13[%dma_wait3A_142, %dma_wait3A_143] : memref<512x32xf32, #tpu.memory_space<vmem>> -> memref<128x32xf32, #tpu.memory_space<vmem>>
      %dma_wait3A_145 = arith.constant 0 : i32
      %dma_wait3A_146 = tpu.memref_slice %arg11[%dma_wait3A_141, %dma_wait3A_145] : memref<4x128xi32, #tpu.memory_space<vmem>> -> memref<1x128xi32, #tpu.memory_space<vmem>>
      %dma_wait3A_147 = tpu.memref_squeeze %dma_wait3A_146 : memref<1x128xi32, #tpu.memory_space<vmem>> -> memref<128xi32, #tpu.memory_space<vmem>>
      %dma_wait3A_148 = arith.constant 0 : i32
      %dma_wait3A_149 = arith.constant 0 : i32
      %dma_wait3A_150 = tpu.memref_slice %arg5[%dma_wait3A_148, %dma_wait3A_149] : memref<50176x32xf32, #tpu.memory_space<hbm>> -> memref<50176x32xf32, #tpu.memory_space<hbm>>
      tpu.wait_indirect_dma semaphore(%arg14 : memref<!tpu.dma_semaphore, #tpu.memory_space<semaphore_mem>>) src(%dma_wait3A_150 : memref<50176x32xf32, #tpu.memory_space<hbm>>) dst(%dma_wait3A_144 : memref<128x32xf32, #tpu.memory_space<vmem>>)
      %dma_wait3A_151 = arith.constant 3 : i32
      %dma_wait3A_152 = arith.constant 384 : i32
      %dma_wait3A_153 = arith.constant 0 : i32
      %dma_wait3A_154 = tpu.memref_slice %arg13[%dma_wait3A_152, %dma_wait3A_153] : memref<512x32xf32, #tpu.memory_space<vmem>> -> memref<128x32xf32, #tpu.memory_space<vmem>>
      %dma_wait3A_155 = arith.constant 0 : i32
      %dma_wait3A_156 = tpu.memref_slice %arg11[%dma_wait3A_151, %dma_wait3A_155] : memref<4x128xi32, #tpu.memory_space<vmem>> -> memref<1x128xi32, #tpu.memory_space<vmem>>
      %dma_wait3A_157 = tpu.memref_squeeze %dma_wait3A_156 : memref<1x128xi32, #tpu.memory_space<vmem>> -> memref<128xi32, #tpu.memory_space<vmem>>
      %dma_wait3A_158 = arith.constant 0 : i32
      %dma_wait3A_159 = arith.constant 0 : i32
      %dma_wait3A_160 = tpu.memref_slice %arg5[%dma_wait3A_158, %dma_wait3A_159] : memref<50176x32xf32, #tpu.memory_space<hbm>> -> memref<50176x32xf32, #tpu.memory_space<hbm>>
      tpu.wait_indirect_dma semaphore(%arg14 : memref<!tpu.dma_semaphore, #tpu.memory_space<semaphore_mem>>) src(%dma_wait3A_160 : memref<50176x32xf32, #tpu.memory_space<hbm>>) dst(%dma_wait3A_154 : memref<128x32xf32, #tpu.memory_space<vmem>>)
      %run_scoped3A_161 = arith.constant 0 : i32
      "tpu.region"() ({
        %run_scoped3A_165 = tpu.sem_alloc : memref<!tpu.dma_semaphore, #tpu.memory_space<semaphore_mem>>
        %dma_start3A_166 = arith.constant 0 : i32
        %dma_start3A_167 = arith.constant 0 : i32
        %dma_start3A_168 = tpu.memref_slice %arg13[%dma_start3A_166, %dma_start3A_167] : memref<512x32xf32, #tpu.memory_space<vmem>> -> memref<128x32xf32, #tpu.memory_space<vmem>>
        %dma_start3A_169 = arith.constant 0 : i32
        %dma_start3A_170 = tpu.memref_slice %arg12[%run_scoped3A_161, %dma_start3A_169] : memref<4x128xi32, #tpu.memory_space<vmem>> -> memref<1x128xi32, #tpu.memory_space<vmem>>
        %dma_start3A_171 = tpu.memref_squeeze %dma_start3A_170 : memref<1x128xi32, #tpu.memory_space<vmem>> -> memref<128xi32, #tpu.memory_space<vmem>>
        %dma_start3A_172 = arith.constant 0 : i32
        %dma_start3A_173 = arith.constant 0 : i32
        %dma_start3A_174 = tpu.memref_slice %arg10[%dma_start3A_172, %dma_start3A_173] : memref<50176x32xf32, #tpu.memory_space<vmem_shared>> -> memref<50176x32xf32, #tpu.memory_space<vmem_shared>>
        tpu.enqueue_indirect_dma source(%dma_start3A_168 : memref<128x32xf32, #tpu.memory_space<vmem>>) target(%dma_start3A_174 : memref<50176x32xf32, #tpu.memory_space<vmem_shared>>) offsets(%dma_start3A_171 : memref<128xi32, #tpu.memory_space<vmem>>) semaphore(%run_scoped3A_165 : memref<!tpu.dma_semaphore, #tpu.memory_space<semaphore_mem>>) {add = true}
        %dma_wait3A_175 = arith.constant 0 : i32
        %dma_wait3A_176 = arith.constant 0 : i32
        %dma_wait3A_177 = tpu.memref_slice %arg13[%dma_wait3A_175, %dma_wait3A_176] : memref<512x32xf32, #tpu.memory_space<vmem>> -> memref<128x32xf32, #tpu.memory_space<vmem>>
        %dma_wait3A_178 = arith.constant 0 : i32
        %dma_wait3A_179 = tpu.memref_slice %arg12[%run_scoped3A_161, %dma_wait3A_178] : memref<4x128xi32, #tpu.memory_space<vmem>> -> memref<1x128xi32, #tpu.memory_space<vmem>>
        %dma_wait3A_180 = tpu.memref_squeeze %dma_wait3A_179 : memref<1x128xi32, #tpu.memory_space<vmem>> -> memref<128xi32, #tpu.memory_space<vmem>>
        %dma_wait3A_181 = arith.constant 0 : i32
        %dma_wait3A_182 = arith.constant 0 : i32
        %dma_wait3A_183 = tpu.memref_slice %arg10[%dma_wait3A_181, %dma_wait3A_182] : memref<50176x32xf32, #tpu.memory_space<vmem_shared>> -> memref<50176x32xf32, #tpu.memory_space<vmem_shared>>
        tpu.wait_indirect_dma semaphore(%run_scoped3A_165 : memref<!tpu.dma_semaphore, #tpu.memory_space<semaphore_mem>>) src(%dma_wait3A_177 : memref<128x32xf32, #tpu.memory_space<vmem>>) dst(%dma_wait3A_183 : memref<50176x32xf32, #tpu.memory_space<vmem_shared>>)
        tpu.yield
      }) : () -> ()
      %run_scoped3A_162 = arith.constant 1 : i32
      "tpu.region"() ({
        %run_scoped3A_165 = tpu.sem_alloc : memref<!tpu.dma_semaphore, #tpu.memory_space<semaphore_mem>>
        %dma_start3A_166 = arith.constant 128 : i32
        %dma_start3A_167 = arith.constant 0 : i32
        %dma_start3A_168 = tpu.memref_slice %arg13[%dma_start3A_166, %dma_start3A_167] : memref<512x32xf32, #tpu.memory_space<vmem>> -> memref<128x32xf32, #tpu.memory_space<vmem>>
        %dma_start3A_169 = arith.constant 0 : i32
        %dma_start3A_170 = tpu.memref_slice %arg12[%run_scoped3A_162, %dma_start3A_169] : memref<4x128xi32, #tpu.memory_space<vmem>> -> memref<1x128xi32, #tpu.memory_space<vmem>>
        %dma_start3A_171 = tpu.memref_squeeze %dma_start3A_170 : memref<1x128xi32, #tpu.memory_space<vmem>> -> memref<128xi32, #tpu.memory_space<vmem>>
        %dma_start3A_172 = arith.constant 0 : i32
        %dma_start3A_173 = arith.constant 0 : i32
        %dma_start3A_174 = tpu.memref_slice %arg10[%dma_start3A_172, %dma_start3A_173] : memref<50176x32xf32, #tpu.memory_space<vmem_shared>> -> memref<50176x32xf32, #tpu.memory_space<vmem_shared>>
        tpu.enqueue_indirect_dma source(%dma_start3A_168 : memref<128x32xf32, #tpu.memory_space<vmem>>) target(%dma_start3A_174 : memref<50176x32xf32, #tpu.memory_space<vmem_shared>>) offsets(%dma_start3A_171 : memref<128xi32, #tpu.memory_space<vmem>>) semaphore(%run_scoped3A_165 : memref<!tpu.dma_semaphore, #tpu.memory_space<semaphore_mem>>) {add = true}
        %dma_wait3A_175 = arith.constant 128 : i32
        %dma_wait3A_176 = arith.constant 0 : i32
        %dma_wait3A_177 = tpu.memref_slice %arg13[%dma_wait3A_175, %dma_wait3A_176] : memref<512x32xf32, #tpu.memory_space<vmem>> -> memref<128x32xf32, #tpu.memory_space<vmem>>
        %dma_wait3A_178 = arith.constant 0 : i32
        %dma_wait3A_179 = tpu.memref_slice %arg12[%run_scoped3A_162, %dma_wait3A_178] : memref<4x128xi32, #tpu.memory_space<vmem>> -> memref<1x128xi32, #tpu.memory_space<vmem>>
        %dma_wait3A_180 = tpu.memref_squeeze %dma_wait3A_179 : memref<1x128xi32, #tpu.memory_space<vmem>> -> memref<128xi32, #tpu.memory_space<vmem>>
        %dma_wait3A_181 = arith.constant 0 : i32
        %dma_wait3A_182 = arith.constant 0 : i32
        %dma_wait3A_183 = tpu.memref_slice %arg10[%dma_wait3A_181, %dma_wait3A_182] : memref<50176x32xf32, #tpu.memory_space<vmem_shared>> -> memref<50176x32xf32, #tpu.memory_space<vmem_shared>>
        tpu.wait_indirect_dma semaphore(%run_scoped3A_165 : memref<!tpu.dma_semaphore, #tpu.memory_space<semaphore_mem>>) src(%dma_wait3A_177 : memref<128x32xf32, #tpu.memory_space<vmem>>) dst(%dma_wait3A_183 : memref<50176x32xf32, #tpu.memory_space<vmem_shared>>)
        tpu.yield
      }) : () -> ()
      %run_scoped3A_163 = arith.constant 2 : i32
      "tpu.region"() ({
        %run_scoped3A_165 = tpu.sem_alloc : memref<!tpu.dma_semaphore, #tpu.memory_space<semaphore_mem>>
        %dma_start3A_166 = arith.constant 256 : i32
        %dma_start3A_167 = arith.constant 0 : i32
        %dma_start3A_168 = tpu.memref_slice %arg13[%dma_start3A_166, %dma_start3A_167] : memref<512x32xf32, #tpu.memory_space<vmem>> -> memref<128x32xf32, #tpu.memory_space<vmem>>
        %dma_start3A_169 = arith.constant 0 : i32
        %dma_start3A_170 = tpu.memref_slice %arg12[%run_scoped3A_163, %dma_start3A_169] : memref<4x128xi32, #tpu.memory_space<vmem>> -> memref<1x128xi32, #tpu.memory_space<vmem>>
        %dma_start3A_171 = tpu.memref_squeeze %dma_start3A_170 : memref<1x128xi32, #tpu.memory_space<vmem>> -> memref<128xi32, #tpu.memory_space<vmem>>
        %dma_start3A_172 = arith.constant 0 : i32
        %dma_start3A_173 = arith.constant 0 : i32
        %dma_start3A_174 = tpu.memref_slice %arg10[%dma_start3A_172, %dma_start3A_173] : memref<50176x32xf32, #tpu.memory_space<vmem_shared>> -> memref<50176x32xf32, #tpu.memory_space<vmem_shared>>
        tpu.enqueue_indirect_dma source(%dma_start3A_168 : memref<128x32xf32, #tpu.memory_space<vmem>>) target(%dma_start3A_174 : memref<50176x32xf32, #tpu.memory_space<vmem_shared>>) offsets(%dma_start3A_171 : memref<128xi32, #tpu.memory_space<vmem>>) semaphore(%run_scoped3A_165 : memref<!tpu.dma_semaphore, #tpu.memory_space<semaphore_mem>>) {add = true}
        %dma_wait3A_175 = arith.constant 256 : i32
        %dma_wait3A_176 = arith.constant 0 : i32
        %dma_wait3A_177 = tpu.memref_slice %arg13[%dma_wait3A_175, %dma_wait3A_176] : memref<512x32xf32, #tpu.memory_space<vmem>> -> memref<128x32xf32, #tpu.memory_space<vmem>>
        %dma_wait3A_178 = arith.constant 0 : i32
        %dma_wait3A_179 = tpu.memref_slice %arg12[%run_scoped3A_163, %dma_wait3A_178] : memref<4x128xi32, #tpu.memory_space<vmem>> -> memref<1x128xi32, #tpu.memory_space<vmem>>
        %dma_wait3A_180 = tpu.memref_squeeze %dma_wait3A_179 : memref<1x128xi32, #tpu.memory_space<vmem>> -> memref<128xi32, #tpu.memory_space<vmem>>
        %dma_wait3A_181 = arith.constant 0 : i32
        %dma_wait3A_182 = arith.constant 0 : i32
        %dma_wait3A_183 = tpu.memref_slice %arg10[%dma_wait3A_181, %dma_wait3A_182] : memref<50176x32xf32, #tpu.memory_space<vmem_shared>> -> memref<50176x32xf32, #tpu.memory_space<vmem_shared>>
        tpu.wait_indirect_dma semaphore(%run_scoped3A_165 : memref<!tpu.dma_semaphore, #tpu.memory_space<semaphore_mem>>) src(%dma_wait3A_177 : memref<128x32xf32, #tpu.memory_space<vmem>>) dst(%dma_wait3A_183 : memref<50176x32xf32, #tpu.memory_space<vmem_shared>>)
        tpu.yield
      }) : () -> ()
      %run_scoped3A_164 = arith.constant 3 : i32
      "tpu.region"() ({
        %run_scoped3A_165 = tpu.sem_alloc : memref<!tpu.dma_semaphore, #tpu.memory_space<semaphore_mem>>
        %dma_start3A_166 = arith.constant 384 : i32
        %dma_start3A_167 = arith.constant 0 : i32
        %dma_start3A_168 = tpu.memref_slice %arg13[%dma_start3A_166, %dma_start3A_167] : memref<512x32xf32, #tpu.memory_space<vmem>> -> memref<128x32xf32, #tpu.memory_space<vmem>>
        %dma_start3A_169 = arith.constant 0 : i32
        %dma_start3A_170 = tpu.memref_slice %arg12[%run_scoped3A_164, %dma_start3A_169] : memref<4x128xi32, #tpu.memory_space<vmem>> -> memref<1x128xi32, #tpu.memory_space<vmem>>
        %dma_start3A_171 = tpu.memref_squeeze %dma_start3A_170 : memref<1x128xi32, #tpu.memory_space<vmem>> -> memref<128xi32, #tpu.memory_space<vmem>>
        %dma_start3A_172 = arith.constant 0 : i32
        %dma_start3A_173 = arith.constant 0 : i32
        %dma_start3A_174 = tpu.memref_slice %arg10[%dma_start3A_172, %dma_start3A_173] : memref<50176x32xf32, #tpu.memory_space<vmem_shared>> -> memref<50176x32xf32, #tpu.memory_space<vmem_shared>>
        tpu.enqueue_indirect_dma source(%dma_start3A_168 : memref<128x32xf32, #tpu.memory_space<vmem>>) target(%dma_start3A_174 : memref<50176x32xf32, #tpu.memory_space<vmem_shared>>) offsets(%dma_start3A_171 : memref<128xi32, #tpu.memory_space<vmem>>) semaphore(%run_scoped3A_165 : memref<!tpu.dma_semaphore, #tpu.memory_space<semaphore_mem>>) {add = true}
        %dma_wait3A_175 = arith.constant 384 : i32
        %dma_wait3A_176 = arith.constant 0 : i32
        %dma_wait3A_177 = tpu.memref_slice %arg13[%dma_wait3A_175, %dma_wait3A_176] : memref<512x32xf32, #tpu.memory_space<vmem>> -> memref<128x32xf32, #tpu.memory_space<vmem>>
        %dma_wait3A_178 = arith.constant 0 : i32
        %dma_wait3A_179 = tpu.memref_slice %arg12[%run_scoped3A_164, %dma_wait3A_178] : memref<4x128xi32, #tpu.memory_space<vmem>> -> memref<1x128xi32, #tpu.memory_space<vmem>>
        %dma_wait3A_180 = tpu.memref_squeeze %dma_wait3A_179 : memref<1x128xi32, #tpu.memory_space<vmem>> -> memref<128xi32, #tpu.memory_space<vmem>>
        %dma_wait3A_181 = arith.constant 0 : i32
        %dma_wait3A_182 = arith.constant 0 : i32
        %dma_wait3A_183 = tpu.memref_slice %arg10[%dma_wait3A_181, %dma_wait3A_182] : memref<50176x32xf32, #tpu.memory_space<vmem_shared>> -> memref<50176x32xf32, #tpu.memory_space<vmem_shared>>
        tpu.wait_indirect_dma semaphore(%run_scoped3A_165 : memref<!tpu.dma_semaphore, #tpu.memory_space<semaphore_mem>>) src(%dma_wait3A_177 : memref<128x32xf32, #tpu.memory_space<vmem>>) dst(%dma_wait3A_183 : memref<50176x32xf32, #tpu.memory_space<vmem_shared>>)
        tpu.yield
      }) : () -> ()
    }
    %barrier3A_77 = arith.constant 0 : index
    tpu.barrier barrier_id(%barrier3A_77)
    %run_scoped3A_78 = arith.constant 3 : i32
    "tpu.region"() ({
      %run_scoped3A_79 = tpu.sem_alloc : memref<!tpu.dma_semaphore, #tpu.memory_space<semaphore_mem>>
      %dma_start3A = arith.constant 0 : i32
      %dma_start3A_80 = tpu.memref_slice %arg9[%run_scoped3A_78, %arg0, %mul3A_0, %dma_start3A] : memref<4x2x50176x32xf32, #tpu.memory_space<hbm>> -> memref<1x1x3136x32xf32, #tpu.memory_space<hbm>>
      %dma_start3A_81 = tpu.memref_squeeze %dma_start3A_80 : memref<1x1x3136x32xf32, #tpu.memory_space<hbm>> -> memref<3136x32xf32, #tpu.memory_space<hbm>>
      %dma_start3A_82 = arith.constant 0 : i32
      %dma_start3A_83 = tpu.memref_slice %arg10[%mul3A_0, %dma_start3A_82] : memref<50176x32xf32, #tpu.memory_space<vmem_shared>> -> memref<3136x32xf32, #tpu.memory_space<vmem_shared>>
      tpu.enqueue_dma source(%dma_start3A_83 : memref<3136x32xf32, #tpu.memory_space<vmem_shared>>) target(%dma_start3A_81 : memref<3136x32xf32, #tpu.memory_space<hbm>>) target_semaphore(%run_scoped3A_79 : memref<!tpu.dma_semaphore, #tpu.memory_space<semaphore_mem>>)
      %dma_wait3A = arith.constant 0 : i32
      %dma_wait3A_84 = tpu.memref_slice %arg9[%run_scoped3A_78, %arg0, %mul3A_0, %dma_wait3A] : memref<4x2x50176x32xf32, #tpu.memory_space<hbm>> -> memref<1x1x3136x32xf32, #tpu.memory_space<hbm>>
      %dma_wait3A_85 = tpu.memref_squeeze %dma_wait3A_84 : memref<1x1x3136x32xf32, #tpu.memory_space<hbm>> -> memref<3136x32xf32, #tpu.memory_space<hbm>>
      %dma_wait3A_86 = arith.constant 0 : i32
      %dma_wait3A_87 = tpu.memref_slice %arg10[%mul3A_0, %dma_wait3A_86] : memref<50176x32xf32, #tpu.memory_space<vmem_shared>> -> memref<3136x32xf32, #tpu.memory_space<vmem_shared>>
      tpu.wait_dma2 semaphore(%run_scoped3A_79 : memref<!tpu.dma_semaphore, #tpu.memory_space<semaphore_mem>>) src(%dma_wait3A_87 : memref<3136x32xf32, #tpu.memory_space<vmem_shared>>) dst(%dma_wait3A_85 : memref<3136x32xf32, #tpu.memory_space<hbm>>)
      tpu.yield
    }) : () -> ()
    return
  }
}

#map = affine_map<(d0, d1) -> (0, 0)>
module attributes {stable_mosaic.version = 14 : i64} {
  func.func @_k2(%arg0: i32, %arg1: i32, %arg2: memref<50176x128xf32, #tpu.memory_space<hbm>>, %arg3: memref<50176x64xf32, #tpu.memory_space<hbm>>, %arg4: memref<6400x128xi32, #tpu.memory_space<hbm>>, %arg5: memref<6400x128xi32, #tpu.memory_space<hbm>>, %arg6: memref<819200x128xf32, #tpu.memory_space<hbm>>, %arg7: memref<819200x64xf32, #tpu.memory_space<hbm>>, %arg8: memref<4x128xi32, #tpu.memory_space<vmem>>, %arg9: memref<4x128xi32, #tpu.memory_space<vmem>>, %arg10: memref<512x128xf32, #tpu.memory_space<vmem>>, %arg11: memref<512x64xf32, #tpu.memory_space<vmem>>, %arg12: memref<!tpu.dma_semaphore, #tpu.memory_space<semaphore_mem>>) attributes {dimension_semantics = [#tpu.dimension_semantics<core_parallel>, #tpu.dimension_semantics<subcore_parallel>], iteration_bounds = array<i64: 2, 16>, scalar_prefetch = 0 : i64, scratch_operands = 5 : i64, tpu.core_type = #tpu.core_type<sc_vector_subcore>, window_params = [{transform_indices = #map}, {transform_indices = #map}, {transform_indices = #map}, {transform_indices = #map}, {transform_indices = #map}, {transform_indices = #map}]} {
    %eq3A = arith.constant 0 : i32
    %eq3A_0 = arith.cmpi eq, %arg0, %eq3A : i32
    %jit3A = arith.constant 84 : i32
    %jit3A_1 = arith.constant 16 : i32
    %select_n3A = arith.select %eq3A_0, %jit3A, %jit3A_1 : i32
    %mul3A = arith.constant 16 : i32
    %mul3A_2 = arith.muli %arg0, %mul3A : i32
    %mul3A_3 = arith.constant 84 : i32
    %mul3A_4 = arith.muli %mul3A_2, %mul3A_3 : i32
    %mul3A_5 = arith.constant 512 : i32
    %mul3A_6 = arith.muli %mul3A_4, %mul3A_5 : i32
    %mul3A_7 = arith.muli %arg1, %select_n3A : i32
    %mul3A_8 = arith.constant 512 : i32
    %mul3A_9 = arith.muli %mul3A_7, %mul3A_8 : i32
    %add3A = arith.addi %mul3A_6, %mul3A_9 : i32
    %jit3A_10 = arith.constant 128 : i32
    %div3A = arith.divsi %add3A, %jit3A_10 : i32
    %sign3A = arith.constant 0 : i32
    %sign3A_11 = arith.cmpi sgt, %add3A, %sign3A : i32
    %sign3A_12 = arith.extui %sign3A_11 : i1 to i32
    %sign3A_13 = arith.constant 0 : i32
    %sign3A_14 = arith.cmpi slt, %add3A, %sign3A_13 : i32
    %sign3A_15 = arith.extui %sign3A_14 : i1 to i32
    %sign3A_16 = arith.subi %sign3A_12, %sign3A_15 : i32
    %sign3A_17 = arith.constant 0 : i32
    %sign3A_18 = arith.cmpi sgt, %jit3A_10, %sign3A_17 : i32
    %sign3A_19 = arith.extui %sign3A_18 : i1 to i32
    %sign3A_20 = arith.constant 0 : i32
    %sign3A_21 = arith.cmpi slt, %jit3A_10, %sign3A_20 : i32
    %sign3A_22 = arith.extui %sign3A_21 : i1 to i32
    %sign3A_23 = arith.subi %sign3A_19, %sign3A_22 : i32
    %ne3A = arith.cmpi ne, %sign3A_16, %sign3A_23 : i32
    %rem3A = arith.remsi %add3A, %jit3A_10 : i32
    %ne3A_24 = arith.constant 0 : i32
    %ne3A_25 = arith.cmpi ne, %rem3A, %ne3A_24 : i32
    %and3A = arith.andi %ne3A, %ne3A_25 : i1
    %sub3A = arith.constant 1 : i32
    %sub3A_26 = arith.subi %div3A, %sub3A : i32
    %select_n3A_27 = arith.select %and3A, %sub3A_26, %div3A : i32
    %while3A = arith.constant 0 : i32
    %while3A_28 = arith.constant 0 : i32
    %while3A_29 = arith.subi %select_n3A, %while3A_28 : i32
    %while3A_30 = arith.addi %while3A_28, %while3A_29 : i32
    %while3A_31 = arith.constant 1 : i32
    %while3A_32 = arith.divsi %while3A_29, %while3A_31 : i32
    %while3A_33 = arith.muli %while3A_32, %while3A_31 : i32
    %while3A_34 = arith.addi %while3A_28, %while3A_33 : i32
    %while3A_35 = arith.constant 1 : i32
    scf.for %while3A_37 = %while3A_28 to %while3A_34 step %while3A_35  : i32 {
      %mul3A_38 = arith.constant 4 : i32
      %mul3A_39 = arith.muli %while3A_37, %mul3A_38 : i32
      %add3A_40 = arith.addi %select_n3A_27, %mul3A_39 : i32
      %mul3A_41 = arith.constant 512 : i32
      %mul3A_42 = arith.muli %while3A_37, %mul3A_41 : i32
      %add3A_43 = arith.addi %add3A, %mul3A_42 : i32
      "tpu.region"() ({
        %run_scoped3A = tpu.sem_alloc : memref<!tpu.dma_semaphore, #tpu.memory_space<semaphore_mem>>
        %dma_start3A_202 = arith.constant 0 : i32
        %dma_start3A_203 = tpu.memref_slice %arg4[%add3A_40, %dma_start3A_202] : memref<6400x128xi32, #tpu.memory_space<hbm>> -> memref<4x128xi32, #tpu.memory_space<hbm>>
        %dma_start3A_204 = arith.constant 0 : i32
        %dma_start3A_205 = tpu.memref_slice %arg4[%add3A_40, %dma_start3A_204] : memref<6400x128xi32, #tpu.memory_space<hbm>> -> memref<4x128xi32, #tpu.memory_space<hbm>>
        tpu.enqueue_dma source(%dma_start3A_205 : memref<4x128xi32, #tpu.memory_space<hbm>>) target(%arg8 : memref<4x128xi32, #tpu.memory_space<vmem>>) target_semaphore(%run_scoped3A : memref<!tpu.dma_semaphore, #tpu.memory_space<semaphore_mem>>)
        %dma_wait3A_206 = arith.constant 0 : i32
        %dma_wait3A_207 = tpu.memref_slice %arg4[%add3A_40, %dma_wait3A_206] : memref<6400x128xi32, #tpu.memory_space<hbm>> -> memref<4x128xi32, #tpu.memory_space<hbm>>
        %dma_wait3A_208 = arith.constant 0 : i32
        %dma_wait3A_209 = tpu.memref_slice %arg4[%add3A_40, %dma_wait3A_208] : memref<6400x128xi32, #tpu.memory_space<hbm>> -> memref<4x128xi32, #tpu.memory_space<hbm>>
        tpu.wait_dma2 semaphore(%run_scoped3A : memref<!tpu.dma_semaphore, #tpu.memory_space<semaphore_mem>>) src(%dma_wait3A_209 : memref<4x128xi32, #tpu.memory_space<hbm>>) dst(%arg8 : memref<4x128xi32, #tpu.memory_space<vmem>>)
        tpu.yield
      }) : () -> ()
      "tpu.region"() ({
        %run_scoped3A = tpu.sem_alloc : memref<!tpu.dma_semaphore, #tpu.memory_space<semaphore_mem>>
        %dma_start3A_202 = arith.constant 0 : i32
        %dma_start3A_203 = tpu.memref_slice %arg5[%add3A_40, %dma_start3A_202] : memref<6400x128xi32, #tpu.memory_space<hbm>> -> memref<4x128xi32, #tpu.memory_space<hbm>>
        %dma_start3A_204 = arith.constant 0 : i32
        %dma_start3A_205 = tpu.memref_slice %arg5[%add3A_40, %dma_start3A_204] : memref<6400x128xi32, #tpu.memory_space<hbm>> -> memref<4x128xi32, #tpu.memory_space<hbm>>
        tpu.enqueue_dma source(%dma_start3A_205 : memref<4x128xi32, #tpu.memory_space<hbm>>) target(%arg9 : memref<4x128xi32, #tpu.memory_space<vmem>>) target_semaphore(%run_scoped3A : memref<!tpu.dma_semaphore, #tpu.memory_space<semaphore_mem>>)
        %dma_wait3A_206 = arith.constant 0 : i32
        %dma_wait3A_207 = tpu.memref_slice %arg5[%add3A_40, %dma_wait3A_206] : memref<6400x128xi32, #tpu.memory_space<hbm>> -> memref<4x128xi32, #tpu.memory_space<hbm>>
        %dma_wait3A_208 = arith.constant 0 : i32
        %dma_wait3A_209 = tpu.memref_slice %arg5[%add3A_40, %dma_wait3A_208] : memref<6400x128xi32, #tpu.memory_space<hbm>> -> memref<4x128xi32, #tpu.memory_space<hbm>>
        tpu.wait_dma2 semaphore(%run_scoped3A : memref<!tpu.dma_semaphore, #tpu.memory_space<semaphore_mem>>) src(%dma_wait3A_209 : memref<4x128xi32, #tpu.memory_space<hbm>>) dst(%arg9 : memref<4x128xi32, #tpu.memory_space<vmem>>)
        tpu.yield
      }) : () -> ()
      %dma_start3A = arith.constant 0 : i32
      %dma_start3A_44 = arith.constant 0 : i32
      %dma_start3A_45 = arith.constant 0 : i32
      %dma_start3A_46 = tpu.memref_slice %arg10[%dma_start3A_44, %dma_start3A_45] : memref<512x128xf32, #tpu.memory_space<vmem>> -> memref<128x128xf32, #tpu.memory_space<vmem>>
      %dma_start3A_47 = arith.constant 0 : i32
      %dma_start3A_48 = tpu.memref_slice %arg8[%dma_start3A, %dma_start3A_47] : memref<4x128xi32, #tpu.memory_space<vmem>> -> memref<1x128xi32, #tpu.memory_space<vmem>>
      %dma_start3A_49 = tpu.memref_squeeze %dma_start3A_48 : memref<1x128xi32, #tpu.memory_space<vmem>> -> memref<128xi32, #tpu.memory_space<vmem>>
      %dma_start3A_50 = arith.constant 0 : i32
      %dma_start3A_51 = arith.constant 0 : i32
      %dma_start3A_52 = tpu.memref_slice %arg2[%dma_start3A_50, %dma_start3A_51] : memref<50176x128xf32, #tpu.memory_space<hbm>> -> memref<50176x128xf32, #tpu.memory_space<hbm>>
      tpu.enqueue_indirect_dma source(%dma_start3A_52 : memref<50176x128xf32, #tpu.memory_space<hbm>>) target(%dma_start3A_46 : memref<128x128xf32, #tpu.memory_space<vmem>>) offsets(%dma_start3A_49 : memref<128xi32, #tpu.memory_space<vmem>>) semaphore(%arg12 : memref<!tpu.dma_semaphore, #tpu.memory_space<semaphore_mem>>)
      %dma_start3A_53 = arith.constant 1 : i32
      %dma_start3A_54 = arith.constant 128 : i32
      %dma_start3A_55 = arith.constant 0 : i32
      %dma_start3A_56 = tpu.memref_slice %arg10[%dma_start3A_54, %dma_start3A_55] : memref<512x128xf32, #tpu.memory_space<vmem>> -> memref<128x128xf32, #tpu.memory_space<vmem>>
      %dma_start3A_57 = arith.constant 0 : i32
      %dma_start3A_58 = tpu.memref_slice %arg8[%dma_start3A_53, %dma_start3A_57] : memref<4x128xi32, #tpu.memory_space<vmem>> -> memref<1x128xi32, #tpu.memory_space<vmem>>
      %dma_start3A_59 = tpu.memref_squeeze %dma_start3A_58 : memref<1x128xi32, #tpu.memory_space<vmem>> -> memref<128xi32, #tpu.memory_space<vmem>>
      %dma_start3A_60 = arith.constant 0 : i32
      %dma_start3A_61 = arith.constant 0 : i32
      %dma_start3A_62 = tpu.memref_slice %arg2[%dma_start3A_60, %dma_start3A_61] : memref<50176x128xf32, #tpu.memory_space<hbm>> -> memref<50176x128xf32, #tpu.memory_space<hbm>>
      tpu.enqueue_indirect_dma source(%dma_start3A_62 : memref<50176x128xf32, #tpu.memory_space<hbm>>) target(%dma_start3A_56 : memref<128x128xf32, #tpu.memory_space<vmem>>) offsets(%dma_start3A_59 : memref<128xi32, #tpu.memory_space<vmem>>) semaphore(%arg12 : memref<!tpu.dma_semaphore, #tpu.memory_space<semaphore_mem>>)
      %dma_start3A_63 = arith.constant 2 : i32
      %dma_start3A_64 = arith.constant 256 : i32
      %dma_start3A_65 = arith.constant 0 : i32
      %dma_start3A_66 = tpu.memref_slice %arg10[%dma_start3A_64, %dma_start3A_65] : memref<512x128xf32, #tpu.memory_space<vmem>> -> memref<128x128xf32, #tpu.memory_space<vmem>>
      %dma_start3A_67 = arith.constant 0 : i32
      %dma_start3A_68 = tpu.memref_slice %arg8[%dma_start3A_63, %dma_start3A_67] : memref<4x128xi32, #tpu.memory_space<vmem>> -> memref<1x128xi32, #tpu.memory_space<vmem>>
      %dma_start3A_69 = tpu.memref_squeeze %dma_start3A_68 : memref<1x128xi32, #tpu.memory_space<vmem>> -> memref<128xi32, #tpu.memory_space<vmem>>
      %dma_start3A_70 = arith.constant 0 : i32
      %dma_start3A_71 = arith.constant 0 : i32
      %dma_start3A_72 = tpu.memref_slice %arg2[%dma_start3A_70, %dma_start3A_71] : memref<50176x128xf32, #tpu.memory_space<hbm>> -> memref<50176x128xf32, #tpu.memory_space<hbm>>
      tpu.enqueue_indirect_dma source(%dma_start3A_72 : memref<50176x128xf32, #tpu.memory_space<hbm>>) target(%dma_start3A_66 : memref<128x128xf32, #tpu.memory_space<vmem>>) offsets(%dma_start3A_69 : memref<128xi32, #tpu.memory_space<vmem>>) semaphore(%arg12 : memref<!tpu.dma_semaphore, #tpu.memory_space<semaphore_mem>>)
      %dma_start3A_73 = arith.constant 3 : i32
      %dma_start3A_74 = arith.constant 384 : i32
      %dma_start3A_75 = arith.constant 0 : i32
      %dma_start3A_76 = tpu.memref_slice %arg10[%dma_start3A_74, %dma_start3A_75] : memref<512x128xf32, #tpu.memory_space<vmem>> -> memref<128x128xf32, #tpu.memory_space<vmem>>
      %dma_start3A_77 = arith.constant 0 : i32
      %dma_start3A_78 = tpu.memref_slice %arg8[%dma_start3A_73, %dma_start3A_77] : memref<4x128xi32, #tpu.memory_space<vmem>> -> memref<1x128xi32, #tpu.memory_space<vmem>>
      %dma_start3A_79 = tpu.memref_squeeze %dma_start3A_78 : memref<1x128xi32, #tpu.memory_space<vmem>> -> memref<128xi32, #tpu.memory_space<vmem>>
      %dma_start3A_80 = arith.constant 0 : i32
      %dma_start3A_81 = arith.constant 0 : i32
      %dma_start3A_82 = tpu.memref_slice %arg2[%dma_start3A_80, %dma_start3A_81] : memref<50176x128xf32, #tpu.memory_space<hbm>> -> memref<50176x128xf32, #tpu.memory_space<hbm>>
      tpu.enqueue_indirect_dma source(%dma_start3A_82 : memref<50176x128xf32, #tpu.memory_space<hbm>>) target(%dma_start3A_76 : memref<128x128xf32, #tpu.memory_space<vmem>>) offsets(%dma_start3A_79 : memref<128xi32, #tpu.memory_space<vmem>>) semaphore(%arg12 : memref<!tpu.dma_semaphore, #tpu.memory_space<semaphore_mem>>)
      %dma_start3A_83 = arith.constant 0 : i32
      %dma_start3A_84 = arith.constant 0 : i32
      %dma_start3A_85 = arith.constant 0 : i32
      %dma_start3A_86 = tpu.memref_slice %arg11[%dma_start3A_84, %dma_start3A_85] : memref<512x64xf32, #tpu.memory_space<vmem>> -> memref<128x64xf32, #tpu.memory_space<vmem>>
      %dma_start3A_87 = arith.constant 0 : i32
      %dma_start3A_88 = tpu.memref_slice %arg9[%dma_start3A_83, %dma_start3A_87] : memref<4x128xi32, #tpu.memory_space<vmem>> -> memref<1x128xi32, #tpu.memory_space<vmem>>
      %dma_start3A_89 = tpu.memref_squeeze %dma_start3A_88 : memref<1x128xi32, #tpu.memory_space<vmem>> -> memref<128xi32, #tpu.memory_space<vmem>>
      %dma_start3A_90 = arith.constant 0 : i32
      %dma_start3A_91 = arith.constant 0 : i32
      %dma_start3A_92 = tpu.memref_slice %arg3[%dma_start3A_90, %dma_start3A_91] : memref<50176x64xf32, #tpu.memory_space<hbm>> -> memref<50176x64xf32, #tpu.memory_space<hbm>>
      tpu.enqueue_indirect_dma source(%dma_start3A_92 : memref<50176x64xf32, #tpu.memory_space<hbm>>) target(%dma_start3A_86 : memref<128x64xf32, #tpu.memory_space<vmem>>) offsets(%dma_start3A_89 : memref<128xi32, #tpu.memory_space<vmem>>) semaphore(%arg12 : memref<!tpu.dma_semaphore, #tpu.memory_space<semaphore_mem>>)
      %dma_start3A_93 = arith.constant 1 : i32
      %dma_start3A_94 = arith.constant 128 : i32
      %dma_start3A_95 = arith.constant 0 : i32
      %dma_start3A_96 = tpu.memref_slice %arg11[%dma_start3A_94, %dma_start3A_95] : memref<512x64xf32, #tpu.memory_space<vmem>> -> memref<128x64xf32, #tpu.memory_space<vmem>>
      %dma_start3A_97 = arith.constant 0 : i32
      %dma_start3A_98 = tpu.memref_slice %arg9[%dma_start3A_93, %dma_start3A_97] : memref<4x128xi32, #tpu.memory_space<vmem>> -> memref<1x128xi32, #tpu.memory_space<vmem>>
      %dma_start3A_99 = tpu.memref_squeeze %dma_start3A_98 : memref<1x128xi32, #tpu.memory_space<vmem>> -> memref<128xi32, #tpu.memory_space<vmem>>
      %dma_start3A_100 = arith.constant 0 : i32
      %dma_start3A_101 = arith.constant 0 : i32
      %dma_start3A_102 = tpu.memref_slice %arg3[%dma_start3A_100, %dma_start3A_101] : memref<50176x64xf32, #tpu.memory_space<hbm>> -> memref<50176x64xf32, #tpu.memory_space<hbm>>
      tpu.enqueue_indirect_dma source(%dma_start3A_102 : memref<50176x64xf32, #tpu.memory_space<hbm>>) target(%dma_start3A_96 : memref<128x64xf32, #tpu.memory_space<vmem>>) offsets(%dma_start3A_99 : memref<128xi32, #tpu.memory_space<vmem>>) semaphore(%arg12 : memref<!tpu.dma_semaphore, #tpu.memory_space<semaphore_mem>>)
      %dma_start3A_103 = arith.constant 2 : i32
      %dma_start3A_104 = arith.constant 256 : i32
      %dma_start3A_105 = arith.constant 0 : i32
      %dma_start3A_106 = tpu.memref_slice %arg11[%dma_start3A_104, %dma_start3A_105] : memref<512x64xf32, #tpu.memory_space<vmem>> -> memref<128x64xf32, #tpu.memory_space<vmem>>
      %dma_start3A_107 = arith.constant 0 : i32
      %dma_start3A_108 = tpu.memref_slice %arg9[%dma_start3A_103, %dma_start3A_107] : memref<4x128xi32, #tpu.memory_space<vmem>> -> memref<1x128xi32, #tpu.memory_space<vmem>>
      %dma_start3A_109 = tpu.memref_squeeze %dma_start3A_108 : memref<1x128xi32, #tpu.memory_space<vmem>> -> memref<128xi32, #tpu.memory_space<vmem>>
      %dma_start3A_110 = arith.constant 0 : i32
      %dma_start3A_111 = arith.constant 0 : i32
      %dma_start3A_112 = tpu.memref_slice %arg3[%dma_start3A_110, %dma_start3A_111] : memref<50176x64xf32, #tpu.memory_space<hbm>> -> memref<50176x64xf32, #tpu.memory_space<hbm>>
      tpu.enqueue_indirect_dma source(%dma_start3A_112 : memref<50176x64xf32, #tpu.memory_space<hbm>>) target(%dma_start3A_106 : memref<128x64xf32, #tpu.memory_space<vmem>>) offsets(%dma_start3A_109 : memref<128xi32, #tpu.memory_space<vmem>>) semaphore(%arg12 : memref<!tpu.dma_semaphore, #tpu.memory_space<semaphore_mem>>)
      %dma_start3A_113 = arith.constant 3 : i32
      %dma_start3A_114 = arith.constant 384 : i32
      %dma_start3A_115 = arith.constant 0 : i32
      %dma_start3A_116 = tpu.memref_slice %arg11[%dma_start3A_114, %dma_start3A_115] : memref<512x64xf32, #tpu.memory_space<vmem>> -> memref<128x64xf32, #tpu.memory_space<vmem>>
      %dma_start3A_117 = arith.constant 0 : i32
      %dma_start3A_118 = tpu.memref_slice %arg9[%dma_start3A_113, %dma_start3A_117] : memref<4x128xi32, #tpu.memory_space<vmem>> -> memref<1x128xi32, #tpu.memory_space<vmem>>
      %dma_start3A_119 = tpu.memref_squeeze %dma_start3A_118 : memref<1x128xi32, #tpu.memory_space<vmem>> -> memref<128xi32, #tpu.memory_space<vmem>>
      %dma_start3A_120 = arith.constant 0 : i32
      %dma_start3A_121 = arith.constant 0 : i32
      %dma_start3A_122 = tpu.memref_slice %arg3[%dma_start3A_120, %dma_start3A_121] : memref<50176x64xf32, #tpu.memory_space<hbm>> -> memref<50176x64xf32, #tpu.memory_space<hbm>>
      tpu.enqueue_indirect_dma source(%dma_start3A_122 : memref<50176x64xf32, #tpu.memory_space<hbm>>) target(%dma_start3A_116 : memref<128x64xf32, #tpu.memory_space<vmem>>) offsets(%dma_start3A_119 : memref<128xi32, #tpu.memory_space<vmem>>) semaphore(%arg12 : memref<!tpu.dma_semaphore, #tpu.memory_space<semaphore_mem>>)
      %dma_wait3A = arith.constant 0 : i32
      %dma_wait3A_123 = arith.constant 0 : i32
      %dma_wait3A_124 = arith.constant 0 : i32
      %dma_wait3A_125 = tpu.memref_slice %arg10[%dma_wait3A_123, %dma_wait3A_124] : memref<512x128xf32, #tpu.memory_space<vmem>> -> memref<128x128xf32, #tpu.memory_space<vmem>>
      %dma_wait3A_126 = arith.constant 0 : i32
      %dma_wait3A_127 = tpu.memref_slice %arg8[%dma_wait3A, %dma_wait3A_126] : memref<4x128xi32, #tpu.memory_space<vmem>> -> memref<1x128xi32, #tpu.memory_space<vmem>>
      %dma_wait3A_128 = tpu.memref_squeeze %dma_wait3A_127 : memref<1x128xi32, #tpu.memory_space<vmem>> -> memref<128xi32, #tpu.memory_space<vmem>>
      %dma_wait3A_129 = arith.constant 0 : i32
      %dma_wait3A_130 = arith.constant 0 : i32
      %dma_wait3A_131 = tpu.memref_slice %arg2[%dma_wait3A_129, %dma_wait3A_130] : memref<50176x128xf32, #tpu.memory_space<hbm>> -> memref<50176x128xf32, #tpu.memory_space<hbm>>
      tpu.wait_indirect_dma semaphore(%arg12 : memref<!tpu.dma_semaphore, #tpu.memory_space<semaphore_mem>>) src(%dma_wait3A_131 : memref<50176x128xf32, #tpu.memory_space<hbm>>) dst(%dma_wait3A_125 : memref<128x128xf32, #tpu.memory_space<vmem>>)
      %dma_wait3A_132 = arith.constant 1 : i32
      %dma_wait3A_133 = arith.constant 128 : i32
      %dma_wait3A_134 = arith.constant 0 : i32
      %dma_wait3A_135 = tpu.memref_slice %arg10[%dma_wait3A_133, %dma_wait3A_134] : memref<512x128xf32, #tpu.memory_space<vmem>> -> memref<128x128xf32, #tpu.memory_space<vmem>>
      %dma_wait3A_136 = arith.constant 0 : i32
      %dma_wait3A_137 = tpu.memref_slice %arg8[%dma_wait3A_132, %dma_wait3A_136] : memref<4x128xi32, #tpu.memory_space<vmem>> -> memref<1x128xi32, #tpu.memory_space<vmem>>
      %dma_wait3A_138 = tpu.memref_squeeze %dma_wait3A_137 : memref<1x128xi32, #tpu.memory_space<vmem>> -> memref<128xi32, #tpu.memory_space<vmem>>
      %dma_wait3A_139 = arith.constant 0 : i32
      %dma_wait3A_140 = arith.constant 0 : i32
      %dma_wait3A_141 = tpu.memref_slice %arg2[%dma_wait3A_139, %dma_wait3A_140] : memref<50176x128xf32, #tpu.memory_space<hbm>> -> memref<50176x128xf32, #tpu.memory_space<hbm>>
      tpu.wait_indirect_dma semaphore(%arg12 : memref<!tpu.dma_semaphore, #tpu.memory_space<semaphore_mem>>) src(%dma_wait3A_141 : memref<50176x128xf32, #tpu.memory_space<hbm>>) dst(%dma_wait3A_135 : memref<128x128xf32, #tpu.memory_space<vmem>>)
      %dma_wait3A_142 = arith.constant 2 : i32
      %dma_wait3A_143 = arith.constant 256 : i32
      %dma_wait3A_144 = arith.constant 0 : i32
      %dma_wait3A_145 = tpu.memref_slice %arg10[%dma_wait3A_143, %dma_wait3A_144] : memref<512x128xf32, #tpu.memory_space<vmem>> -> memref<128x128xf32, #tpu.memory_space<vmem>>
      %dma_wait3A_146 = arith.constant 0 : i32
      %dma_wait3A_147 = tpu.memref_slice %arg8[%dma_wait3A_142, %dma_wait3A_146] : memref<4x128xi32, #tpu.memory_space<vmem>> -> memref<1x128xi32, #tpu.memory_space<vmem>>
      %dma_wait3A_148 = tpu.memref_squeeze %dma_wait3A_147 : memref<1x128xi32, #tpu.memory_space<vmem>> -> memref<128xi32, #tpu.memory_space<vmem>>
      %dma_wait3A_149 = arith.constant 0 : i32
      %dma_wait3A_150 = arith.constant 0 : i32
      %dma_wait3A_151 = tpu.memref_slice %arg2[%dma_wait3A_149, %dma_wait3A_150] : memref<50176x128xf32, #tpu.memory_space<hbm>> -> memref<50176x128xf32, #tpu.memory_space<hbm>>
      tpu.wait_indirect_dma semaphore(%arg12 : memref<!tpu.dma_semaphore, #tpu.memory_space<semaphore_mem>>) src(%dma_wait3A_151 : memref<50176x128xf32, #tpu.memory_space<hbm>>) dst(%dma_wait3A_145 : memref<128x128xf32, #tpu.memory_space<vmem>>)
      %dma_wait3A_152 = arith.constant 3 : i32
      %dma_wait3A_153 = arith.constant 384 : i32
      %dma_wait3A_154 = arith.constant 0 : i32
      %dma_wait3A_155 = tpu.memref_slice %arg10[%dma_wait3A_153, %dma_wait3A_154] : memref<512x128xf32, #tpu.memory_space<vmem>> -> memref<128x128xf32, #tpu.memory_space<vmem>>
      %dma_wait3A_156 = arith.constant 0 : i32
      %dma_wait3A_157 = tpu.memref_slice %arg8[%dma_wait3A_152, %dma_wait3A_156] : memref<4x128xi32, #tpu.memory_space<vmem>> -> memref<1x128xi32, #tpu.memory_space<vmem>>
      %dma_wait3A_158 = tpu.memref_squeeze %dma_wait3A_157 : memref<1x128xi32, #tpu.memory_space<vmem>> -> memref<128xi32, #tpu.memory_space<vmem>>
      %dma_wait3A_159 = arith.constant 0 : i32
      %dma_wait3A_160 = arith.constant 0 : i32
      %dma_wait3A_161 = tpu.memref_slice %arg2[%dma_wait3A_159, %dma_wait3A_160] : memref<50176x128xf32, #tpu.memory_space<hbm>> -> memref<50176x128xf32, #tpu.memory_space<hbm>>
      tpu.wait_indirect_dma semaphore(%arg12 : memref<!tpu.dma_semaphore, #tpu.memory_space<semaphore_mem>>) src(%dma_wait3A_161 : memref<50176x128xf32, #tpu.memory_space<hbm>>) dst(%dma_wait3A_155 : memref<128x128xf32, #tpu.memory_space<vmem>>)
      %dma_wait3A_162 = arith.constant 0 : i32
      %dma_wait3A_163 = arith.constant 0 : i32
      %dma_wait3A_164 = arith.constant 0 : i32
      %dma_wait3A_165 = tpu.memref_slice %arg11[%dma_wait3A_163, %dma_wait3A_164] : memref<512x64xf32, #tpu.memory_space<vmem>> -> memref<128x64xf32, #tpu.memory_space<vmem>>
      %dma_wait3A_166 = arith.constant 0 : i32
      %dma_wait3A_167 = tpu.memref_slice %arg9[%dma_wait3A_162, %dma_wait3A_166] : memref<4x128xi32, #tpu.memory_space<vmem>> -> memref<1x128xi32, #tpu.memory_space<vmem>>
      %dma_wait3A_168 = tpu.memref_squeeze %dma_wait3A_167 : memref<1x128xi32, #tpu.memory_space<vmem>> -> memref<128xi32, #tpu.memory_space<vmem>>
      %dma_wait3A_169 = arith.constant 0 : i32
      %dma_wait3A_170 = arith.constant 0 : i32
      %dma_wait3A_171 = tpu.memref_slice %arg3[%dma_wait3A_169, %dma_wait3A_170] : memref<50176x64xf32, #tpu.memory_space<hbm>> -> memref<50176x64xf32, #tpu.memory_space<hbm>>
      tpu.wait_indirect_dma semaphore(%arg12 : memref<!tpu.dma_semaphore, #tpu.memory_space<semaphore_mem>>) src(%dma_wait3A_171 : memref<50176x64xf32, #tpu.memory_space<hbm>>) dst(%dma_wait3A_165 : memref<128x64xf32, #tpu.memory_space<vmem>>)
      %dma_wait3A_172 = arith.constant 1 : i32
      %dma_wait3A_173 = arith.constant 128 : i32
      %dma_wait3A_174 = arith.constant 0 : i32
      %dma_wait3A_175 = tpu.memref_slice %arg11[%dma_wait3A_173, %dma_wait3A_174] : memref<512x64xf32, #tpu.memory_space<vmem>> -> memref<128x64xf32, #tpu.memory_space<vmem>>
      %dma_wait3A_176 = arith.constant 0 : i32
      %dma_wait3A_177 = tpu.memref_slice %arg9[%dma_wait3A_172, %dma_wait3A_176] : memref<4x128xi32, #tpu.memory_space<vmem>> -> memref<1x128xi32, #tpu.memory_space<vmem>>
      %dma_wait3A_178 = tpu.memref_squeeze %dma_wait3A_177 : memref<1x128xi32, #tpu.memory_space<vmem>> -> memref<128xi32, #tpu.memory_space<vmem>>
      %dma_wait3A_179 = arith.constant 0 : i32
      %dma_wait3A_180 = arith.constant 0 : i32
      %dma_wait3A_181 = tpu.memref_slice %arg3[%dma_wait3A_179, %dma_wait3A_180] : memref<50176x64xf32, #tpu.memory_space<hbm>> -> memref<50176x64xf32, #tpu.memory_space<hbm>>
      tpu.wait_indirect_dma semaphore(%arg12 : memref<!tpu.dma_semaphore, #tpu.memory_space<semaphore_mem>>) src(%dma_wait3A_181 : memref<50176x64xf32, #tpu.memory_space<hbm>>) dst(%dma_wait3A_175 : memref<128x64xf32, #tpu.memory_space<vmem>>)
      %dma_wait3A_182 = arith.constant 2 : i32
      %dma_wait3A_183 = arith.constant 256 : i32
      %dma_wait3A_184 = arith.constant 0 : i32
      %dma_wait3A_185 = tpu.memref_slice %arg11[%dma_wait3A_183, %dma_wait3A_184] : memref<512x64xf32, #tpu.memory_space<vmem>> -> memref<128x64xf32, #tpu.memory_space<vmem>>
      %dma_wait3A_186 = arith.constant 0 : i32
      %dma_wait3A_187 = tpu.memref_slice %arg9[%dma_wait3A_182, %dma_wait3A_186] : memref<4x128xi32, #tpu.memory_space<vmem>> -> memref<1x128xi32, #tpu.memory_space<vmem>>
      %dma_wait3A_188 = tpu.memref_squeeze %dma_wait3A_187 : memref<1x128xi32, #tpu.memory_space<vmem>> -> memref<128xi32, #tpu.memory_space<vmem>>
      %dma_wait3A_189 = arith.constant 0 : i32
      %dma_wait3A_190 = arith.constant 0 : i32
      %dma_wait3A_191 = tpu.memref_slice %arg3[%dma_wait3A_189, %dma_wait3A_190] : memref<50176x64xf32, #tpu.memory_space<hbm>> -> memref<50176x64xf32, #tpu.memory_space<hbm>>
      tpu.wait_indirect_dma semaphore(%arg12 : memref<!tpu.dma_semaphore, #tpu.memory_space<semaphore_mem>>) src(%dma_wait3A_191 : memref<50176x64xf32, #tpu.memory_space<hbm>>) dst(%dma_wait3A_185 : memref<128x64xf32, #tpu.memory_space<vmem>>)
      %dma_wait3A_192 = arith.constant 3 : i32
      %dma_wait3A_193 = arith.constant 384 : i32
      %dma_wait3A_194 = arith.constant 0 : i32
      %dma_wait3A_195 = tpu.memref_slice %arg11[%dma_wait3A_193, %dma_wait3A_194] : memref<512x64xf32, #tpu.memory_space<vmem>> -> memref<128x64xf32, #tpu.memory_space<vmem>>
      %dma_wait3A_196 = arith.constant 0 : i32
      %dma_wait3A_197 = tpu.memref_slice %arg9[%dma_wait3A_192, %dma_wait3A_196] : memref<4x128xi32, #tpu.memory_space<vmem>> -> memref<1x128xi32, #tpu.memory_space<vmem>>
      %dma_wait3A_198 = tpu.memref_squeeze %dma_wait3A_197 : memref<1x128xi32, #tpu.memory_space<vmem>> -> memref<128xi32, #tpu.memory_space<vmem>>
      %dma_wait3A_199 = arith.constant 0 : i32
      %dma_wait3A_200 = arith.constant 0 : i32
      %dma_wait3A_201 = tpu.memref_slice %arg3[%dma_wait3A_199, %dma_wait3A_200] : memref<50176x64xf32, #tpu.memory_space<hbm>> -> memref<50176x64xf32, #tpu.memory_space<hbm>>
      tpu.wait_indirect_dma semaphore(%arg12 : memref<!tpu.dma_semaphore, #tpu.memory_space<semaphore_mem>>) src(%dma_wait3A_201 : memref<50176x64xf32, #tpu.memory_space<hbm>>) dst(%dma_wait3A_195 : memref<128x64xf32, #tpu.memory_space<vmem>>)
      "tpu.region"() ({
        %run_scoped3A = tpu.sem_alloc : memref<!tpu.dma_semaphore, #tpu.memory_space<semaphore_mem>>
        %dma_start3A_202 = arith.constant 0 : i32
        %dma_start3A_203 = tpu.memref_slice %arg6[%add3A_43, %dma_start3A_202] : memref<819200x128xf32, #tpu.memory_space<hbm>> -> memref<512x128xf32, #tpu.memory_space<hbm>>
        %dma_start3A_204 = arith.constant 0 : i32
        %dma_start3A_205 = tpu.memref_slice %arg6[%add3A_43, %dma_start3A_204] : memref<819200x128xf32, #tpu.memory_space<hbm>> -> memref<512x128xf32, #tpu.memory_space<hbm>>
        tpu.enqueue_dma source(%arg10 : memref<512x128xf32, #tpu.memory_space<vmem>>) target(%dma_start3A_205 : memref<512x128xf32, #tpu.memory_space<hbm>>) target_semaphore(%run_scoped3A : memref<!tpu.dma_semaphore, #tpu.memory_space<semaphore_mem>>)
        %dma_wait3A_206 = arith.constant 0 : i32
        %dma_wait3A_207 = tpu.memref_slice %arg6[%add3A_43, %dma_wait3A_206] : memref<819200x128xf32, #tpu.memory_space<hbm>> -> memref<512x128xf32, #tpu.memory_space<hbm>>
        %dma_wait3A_208 = arith.constant 0 : i32
        %dma_wait3A_209 = tpu.memref_slice %arg6[%add3A_43, %dma_wait3A_208] : memref<819200x128xf32, #tpu.memory_space<hbm>> -> memref<512x128xf32, #tpu.memory_space<hbm>>
        tpu.wait_dma2 semaphore(%run_scoped3A : memref<!tpu.dma_semaphore, #tpu.memory_space<semaphore_mem>>) src(%arg10 : memref<512x128xf32, #tpu.memory_space<vmem>>) dst(%dma_wait3A_209 : memref<512x128xf32, #tpu.memory_space<hbm>>)
        tpu.yield
      }) : () -> ()
      "tpu.region"() ({
        %run_scoped3A = tpu.sem_alloc : memref<!tpu.dma_semaphore, #tpu.memory_space<semaphore_mem>>
        %dma_start3A_202 = arith.constant 0 : i32
        %dma_start3A_203 = tpu.memref_slice %arg7[%add3A_43, %dma_start3A_202] : memref<819200x64xf32, #tpu.memory_space<hbm>> -> memref<512x64xf32, #tpu.memory_space<hbm>>
        %dma_start3A_204 = arith.constant 0 : i32
        %dma_start3A_205 = tpu.memref_slice %arg7[%add3A_43, %dma_start3A_204] : memref<819200x64xf32, #tpu.memory_space<hbm>> -> memref<512x64xf32, #tpu.memory_space<hbm>>
        tpu.enqueue_dma source(%arg11 : memref<512x64xf32, #tpu.memory_space<vmem>>) target(%dma_start3A_205 : memref<512x64xf32, #tpu.memory_space<hbm>>) target_semaphore(%run_scoped3A : memref<!tpu.dma_semaphore, #tpu.memory_space<semaphore_mem>>)
        %dma_wait3A_206 = arith.constant 0 : i32
        %dma_wait3A_207 = tpu.memref_slice %arg7[%add3A_43, %dma_wait3A_206] : memref<819200x64xf32, #tpu.memory_space<hbm>> -> memref<512x64xf32, #tpu.memory_space<hbm>>
        %dma_wait3A_208 = arith.constant 0 : i32
        %dma_wait3A_209 = tpu.memref_slice %arg7[%add3A_43, %dma_wait3A_208] : memref<819200x64xf32, #tpu.memory_space<hbm>> -> memref<512x64xf32, #tpu.memory_space<hbm>>
        tpu.wait_dma2 semaphore(%run_scoped3A : memref<!tpu.dma_semaphore, #tpu.memory_space<semaphore_mem>>) src(%arg11 : memref<512x64xf32, #tpu.memory_space<vmem>>) dst(%dma_wait3A_209 : memref<512x64xf32, #tpu.memory_space<hbm>>)
        tpu.yield
      }) : () -> ()
    }
    %while3A_36 = arith.constant 1 : i32
    scf.for %while3A_37 = %while3A_34 to %while3A_30 step %while3A_36  : i32 {
      %mul3A_38 = arith.constant 4 : i32
      %mul3A_39 = arith.muli %while3A_37, %mul3A_38 : i32
      %add3A_40 = arith.addi %select_n3A_27, %mul3A_39 : i32
      %mul3A_41 = arith.constant 512 : i32
      %mul3A_42 = arith.muli %while3A_37, %mul3A_41 : i32
      %add3A_43 = arith.addi %add3A, %mul3A_42 : i32
      "tpu.region"() ({
        %run_scoped3A = tpu.sem_alloc : memref<!tpu.dma_semaphore, #tpu.memory_space<semaphore_mem>>
        %dma_start3A_202 = arith.constant 0 : i32
        %dma_start3A_203 = tpu.memref_slice %arg4[%add3A_40, %dma_start3A_202] : memref<6400x128xi32, #tpu.memory_space<hbm>> -> memref<4x128xi32, #tpu.memory_space<hbm>>
        %dma_start3A_204 = arith.constant 0 : i32
        %dma_start3A_205 = tpu.memref_slice %arg4[%add3A_40, %dma_start3A_204] : memref<6400x128xi32, #tpu.memory_space<hbm>> -> memref<4x128xi32, #tpu.memory_space<hbm>>
        tpu.enqueue_dma source(%dma_start3A_205 : memref<4x128xi32, #tpu.memory_space<hbm>>) target(%arg8 : memref<4x128xi32, #tpu.memory_space<vmem>>) target_semaphore(%run_scoped3A : memref<!tpu.dma_semaphore, #tpu.memory_space<semaphore_mem>>)
        %dma_wait3A_206 = arith.constant 0 : i32
        %dma_wait3A_207 = tpu.memref_slice %arg4[%add3A_40, %dma_wait3A_206] : memref<6400x128xi32, #tpu.memory_space<hbm>> -> memref<4x128xi32, #tpu.memory_space<hbm>>
        %dma_wait3A_208 = arith.constant 0 : i32
        %dma_wait3A_209 = tpu.memref_slice %arg4[%add3A_40, %dma_wait3A_208] : memref<6400x128xi32, #tpu.memory_space<hbm>> -> memref<4x128xi32, #tpu.memory_space<hbm>>
        tpu.wait_dma2 semaphore(%run_scoped3A : memref<!tpu.dma_semaphore, #tpu.memory_space<semaphore_mem>>) src(%dma_wait3A_209 : memref<4x128xi32, #tpu.memory_space<hbm>>) dst(%arg8 : memref<4x128xi32, #tpu.memory_space<vmem>>)
        tpu.yield
      }) : () -> ()
      "tpu.region"() ({
        %run_scoped3A = tpu.sem_alloc : memref<!tpu.dma_semaphore, #tpu.memory_space<semaphore_mem>>
        %dma_start3A_202 = arith.constant 0 : i32
        %dma_start3A_203 = tpu.memref_slice %arg5[%add3A_40, %dma_start3A_202] : memref<6400x128xi32, #tpu.memory_space<hbm>> -> memref<4x128xi32, #tpu.memory_space<hbm>>
        %dma_start3A_204 = arith.constant 0 : i32
        %dma_start3A_205 = tpu.memref_slice %arg5[%add3A_40, %dma_start3A_204] : memref<6400x128xi32, #tpu.memory_space<hbm>> -> memref<4x128xi32, #tpu.memory_space<hbm>>
        tpu.enqueue_dma source(%dma_start3A_205 : memref<4x128xi32, #tpu.memory_space<hbm>>) target(%arg9 : memref<4x128xi32, #tpu.memory_space<vmem>>) target_semaphore(%run_scoped3A : memref<!tpu.dma_semaphore, #tpu.memory_space<semaphore_mem>>)
        %dma_wait3A_206 = arith.constant 0 : i32
        %dma_wait3A_207 = tpu.memref_slice %arg5[%add3A_40, %dma_wait3A_206] : memref<6400x128xi32, #tpu.memory_space<hbm>> -> memref<4x128xi32, #tpu.memory_space<hbm>>
        %dma_wait3A_208 = arith.constant 0 : i32
        %dma_wait3A_209 = tpu.memref_slice %arg5[%add3A_40, %dma_wait3A_208] : memref<6400x128xi32, #tpu.memory_space<hbm>> -> memref<4x128xi32, #tpu.memory_space<hbm>>
        tpu.wait_dma2 semaphore(%run_scoped3A : memref<!tpu.dma_semaphore, #tpu.memory_space<semaphore_mem>>) src(%dma_wait3A_209 : memref<4x128xi32, #tpu.memory_space<hbm>>) dst(%arg9 : memref<4x128xi32, #tpu.memory_space<vmem>>)
        tpu.yield
      }) : () -> ()
      %dma_start3A = arith.constant 0 : i32
      %dma_start3A_44 = arith.constant 0 : i32
      %dma_start3A_45 = arith.constant 0 : i32
      %dma_start3A_46 = tpu.memref_slice %arg10[%dma_start3A_44, %dma_start3A_45] : memref<512x128xf32, #tpu.memory_space<vmem>> -> memref<128x128xf32, #tpu.memory_space<vmem>>
      %dma_start3A_47 = arith.constant 0 : i32
      %dma_start3A_48 = tpu.memref_slice %arg8[%dma_start3A, %dma_start3A_47] : memref<4x128xi32, #tpu.memory_space<vmem>> -> memref<1x128xi32, #tpu.memory_space<vmem>>
      %dma_start3A_49 = tpu.memref_squeeze %dma_start3A_48 : memref<1x128xi32, #tpu.memory_space<vmem>> -> memref<128xi32, #tpu.memory_space<vmem>>
      %dma_start3A_50 = arith.constant 0 : i32
      %dma_start3A_51 = arith.constant 0 : i32
      %dma_start3A_52 = tpu.memref_slice %arg2[%dma_start3A_50, %dma_start3A_51] : memref<50176x128xf32, #tpu.memory_space<hbm>> -> memref<50176x128xf32, #tpu.memory_space<hbm>>
      tpu.enqueue_indirect_dma source(%dma_start3A_52 : memref<50176x128xf32, #tpu.memory_space<hbm>>) target(%dma_start3A_46 : memref<128x128xf32, #tpu.memory_space<vmem>>) offsets(%dma_start3A_49 : memref<128xi32, #tpu.memory_space<vmem>>) semaphore(%arg12 : memref<!tpu.dma_semaphore, #tpu.memory_space<semaphore_mem>>)
      %dma_start3A_53 = arith.constant 1 : i32
      %dma_start3A_54 = arith.constant 128 : i32
      %dma_start3A_55 = arith.constant 0 : i32
      %dma_start3A_56 = tpu.memref_slice %arg10[%dma_start3A_54, %dma_start3A_55] : memref<512x128xf32, #tpu.memory_space<vmem>> -> memref<128x128xf32, #tpu.memory_space<vmem>>
      %dma_start3A_57 = arith.constant 0 : i32
      %dma_start3A_58 = tpu.memref_slice %arg8[%dma_start3A_53, %dma_start3A_57] : memref<4x128xi32, #tpu.memory_space<vmem>> -> memref<1x128xi32, #tpu.memory_space<vmem>>
      %dma_start3A_59 = tpu.memref_squeeze %dma_start3A_58 : memref<1x128xi32, #tpu.memory_space<vmem>> -> memref<128xi32, #tpu.memory_space<vmem>>
      %dma_start3A_60 = arith.constant 0 : i32
      %dma_start3A_61 = arith.constant 0 : i32
      %dma_start3A_62 = tpu.memref_slice %arg2[%dma_start3A_60, %dma_start3A_61] : memref<50176x128xf32, #tpu.memory_space<hbm>> -> memref<50176x128xf32, #tpu.memory_space<hbm>>
      tpu.enqueue_indirect_dma source(%dma_start3A_62 : memref<50176x128xf32, #tpu.memory_space<hbm>>) target(%dma_start3A_56 : memref<128x128xf32, #tpu.memory_space<vmem>>) offsets(%dma_start3A_59 : memref<128xi32, #tpu.memory_space<vmem>>) semaphore(%arg12 : memref<!tpu.dma_semaphore, #tpu.memory_space<semaphore_mem>>)
      %dma_start3A_63 = arith.constant 2 : i32
      %dma_start3A_64 = arith.constant 256 : i32
      %dma_start3A_65 = arith.constant 0 : i32
      %dma_start3A_66 = tpu.memref_slice %arg10[%dma_start3A_64, %dma_start3A_65] : memref<512x128xf32, #tpu.memory_space<vmem>> -> memref<128x128xf32, #tpu.memory_space<vmem>>
      %dma_start3A_67 = arith.constant 0 : i32
      %dma_start3A_68 = tpu.memref_slice %arg8[%dma_start3A_63, %dma_start3A_67] : memref<4x128xi32, #tpu.memory_space<vmem>> -> memref<1x128xi32, #tpu.memory_space<vmem>>
      %dma_start3A_69 = tpu.memref_squeeze %dma_start3A_68 : memref<1x128xi32, #tpu.memory_space<vmem>> -> memref<128xi32, #tpu.memory_space<vmem>>
      %dma_start3A_70 = arith.constant 0 : i32
      %dma_start3A_71 = arith.constant 0 : i32
      %dma_start3A_72 = tpu.memref_slice %arg2[%dma_start3A_70, %dma_start3A_71] : memref<50176x128xf32, #tpu.memory_space<hbm>> -> memref<50176x128xf32, #tpu.memory_space<hbm>>
      tpu.enqueue_indirect_dma source(%dma_start3A_72 : memref<50176x128xf32, #tpu.memory_space<hbm>>) target(%dma_start3A_66 : memref<128x128xf32, #tpu.memory_space<vmem>>) offsets(%dma_start3A_69 : memref<128xi32, #tpu.memory_space<vmem>>) semaphore(%arg12 : memref<!tpu.dma_semaphore, #tpu.memory_space<semaphore_mem>>)
      %dma_start3A_73 = arith.constant 3 : i32
      %dma_start3A_74 = arith.constant 384 : i32
      %dma_start3A_75 = arith.constant 0 : i32
      %dma_start3A_76 = tpu.memref_slice %arg10[%dma_start3A_74, %dma_start3A_75] : memref<512x128xf32, #tpu.memory_space<vmem>> -> memref<128x128xf32, #tpu.memory_space<vmem>>
      %dma_start3A_77 = arith.constant 0 : i32
      %dma_start3A_78 = tpu.memref_slice %arg8[%dma_start3A_73, %dma_start3A_77] : memref<4x128xi32, #tpu.memory_space<vmem>> -> memref<1x128xi32, #tpu.memory_space<vmem>>
      %dma_start3A_79 = tpu.memref_squeeze %dma_start3A_78 : memref<1x128xi32, #tpu.memory_space<vmem>> -> memref<128xi32, #tpu.memory_space<vmem>>
      %dma_start3A_80 = arith.constant 0 : i32
      %dma_start3A_81 = arith.constant 0 : i32
      %dma_start3A_82 = tpu.memref_slice %arg2[%dma_start3A_80, %dma_start3A_81] : memref<50176x128xf32, #tpu.memory_space<hbm>> -> memref<50176x128xf32, #tpu.memory_space<hbm>>
      tpu.enqueue_indirect_dma source(%dma_start3A_82 : memref<50176x128xf32, #tpu.memory_space<hbm>>) target(%dma_start3A_76 : memref<128x128xf32, #tpu.memory_space<vmem>>) offsets(%dma_start3A_79 : memref<128xi32, #tpu.memory_space<vmem>>) semaphore(%arg12 : memref<!tpu.dma_semaphore, #tpu.memory_space<semaphore_mem>>)
      %dma_start3A_83 = arith.constant 0 : i32
      %dma_start3A_84 = arith.constant 0 : i32
      %dma_start3A_85 = arith.constant 0 : i32
      %dma_start3A_86 = tpu.memref_slice %arg11[%dma_start3A_84, %dma_start3A_85] : memref<512x64xf32, #tpu.memory_space<vmem>> -> memref<128x64xf32, #tpu.memory_space<vmem>>
      %dma_start3A_87 = arith.constant 0 : i32
      %dma_start3A_88 = tpu.memref_slice %arg9[%dma_start3A_83, %dma_start3A_87] : memref<4x128xi32, #tpu.memory_space<vmem>> -> memref<1x128xi32, #tpu.memory_space<vmem>>
      %dma_start3A_89 = tpu.memref_squeeze %dma_start3A_88 : memref<1x128xi32, #tpu.memory_space<vmem>> -> memref<128xi32, #tpu.memory_space<vmem>>
      %dma_start3A_90 = arith.constant 0 : i32
      %dma_start3A_91 = arith.constant 0 : i32
      %dma_start3A_92 = tpu.memref_slice %arg3[%dma_start3A_90, %dma_start3A_91] : memref<50176x64xf32, #tpu.memory_space<hbm>> -> memref<50176x64xf32, #tpu.memory_space<hbm>>
      tpu.enqueue_indirect_dma source(%dma_start3A_92 : memref<50176x64xf32, #tpu.memory_space<hbm>>) target(%dma_start3A_86 : memref<128x64xf32, #tpu.memory_space<vmem>>) offsets(%dma_start3A_89 : memref<128xi32, #tpu.memory_space<vmem>>) semaphore(%arg12 : memref<!tpu.dma_semaphore, #tpu.memory_space<semaphore_mem>>)
      %dma_start3A_93 = arith.constant 1 : i32
      %dma_start3A_94 = arith.constant 128 : i32
      %dma_start3A_95 = arith.constant 0 : i32
      %dma_start3A_96 = tpu.memref_slice %arg11[%dma_start3A_94, %dma_start3A_95] : memref<512x64xf32, #tpu.memory_space<vmem>> -> memref<128x64xf32, #tpu.memory_space<vmem>>
      %dma_start3A_97 = arith.constant 0 : i32
      %dma_start3A_98 = tpu.memref_slice %arg9[%dma_start3A_93, %dma_start3A_97] : memref<4x128xi32, #tpu.memory_space<vmem>> -> memref<1x128xi32, #tpu.memory_space<vmem>>
      %dma_start3A_99 = tpu.memref_squeeze %dma_start3A_98 : memref<1x128xi32, #tpu.memory_space<vmem>> -> memref<128xi32, #tpu.memory_space<vmem>>
      %dma_start3A_100 = arith.constant 0 : i32
      %dma_start3A_101 = arith.constant 0 : i32
      %dma_start3A_102 = tpu.memref_slice %arg3[%dma_start3A_100, %dma_start3A_101] : memref<50176x64xf32, #tpu.memory_space<hbm>> -> memref<50176x64xf32, #tpu.memory_space<hbm>>
      tpu.enqueue_indirect_dma source(%dma_start3A_102 : memref<50176x64xf32, #tpu.memory_space<hbm>>) target(%dma_start3A_96 : memref<128x64xf32, #tpu.memory_space<vmem>>) offsets(%dma_start3A_99 : memref<128xi32, #tpu.memory_space<vmem>>) semaphore(%arg12 : memref<!tpu.dma_semaphore, #tpu.memory_space<semaphore_mem>>)
      %dma_start3A_103 = arith.constant 2 : i32
      %dma_start3A_104 = arith.constant 256 : i32
      %dma_start3A_105 = arith.constant 0 : i32
      %dma_start3A_106 = tpu.memref_slice %arg11[%dma_start3A_104, %dma_start3A_105] : memref<512x64xf32, #tpu.memory_space<vmem>> -> memref<128x64xf32, #tpu.memory_space<vmem>>
      %dma_start3A_107 = arith.constant 0 : i32
      %dma_start3A_108 = tpu.memref_slice %arg9[%dma_start3A_103, %dma_start3A_107] : memref<4x128xi32, #tpu.memory_space<vmem>> -> memref<1x128xi32, #tpu.memory_space<vmem>>
      %dma_start3A_109 = tpu.memref_squeeze %dma_start3A_108 : memref<1x128xi32, #tpu.memory_space<vmem>> -> memref<128xi32, #tpu.memory_space<vmem>>
      %dma_start3A_110 = arith.constant 0 : i32
      %dma_start3A_111 = arith.constant 0 : i32
      %dma_start3A_112 = tpu.memref_slice %arg3[%dma_start3A_110, %dma_start3A_111] : memref<50176x64xf32, #tpu.memory_space<hbm>> -> memref<50176x64xf32, #tpu.memory_space<hbm>>
      tpu.enqueue_indirect_dma source(%dma_start3A_112 : memref<50176x64xf32, #tpu.memory_space<hbm>>) target(%dma_start3A_106 : memref<128x64xf32, #tpu.memory_space<vmem>>) offsets(%dma_start3A_109 : memref<128xi32, #tpu.memory_space<vmem>>) semaphore(%arg12 : memref<!tpu.dma_semaphore, #tpu.memory_space<semaphore_mem>>)
      %dma_start3A_113 = arith.constant 3 : i32
      %dma_start3A_114 = arith.constant 384 : i32
      %dma_start3A_115 = arith.constant 0 : i32
      %dma_start3A_116 = tpu.memref_slice %arg11[%dma_start3A_114, %dma_start3A_115] : memref<512x64xf32, #tpu.memory_space<vmem>> -> memref<128x64xf32, #tpu.memory_space<vmem>>
      %dma_start3A_117 = arith.constant 0 : i32
      %dma_start3A_118 = tpu.memref_slice %arg9[%dma_start3A_113, %dma_start3A_117] : memref<4x128xi32, #tpu.memory_space<vmem>> -> memref<1x128xi32, #tpu.memory_space<vmem>>
      %dma_start3A_119 = tpu.memref_squeeze %dma_start3A_118 : memref<1x128xi32, #tpu.memory_space<vmem>> -> memref<128xi32, #tpu.memory_space<vmem>>
      %dma_start3A_120 = arith.constant 0 : i32
      %dma_start3A_121 = arith.constant 0 : i32
      %dma_start3A_122 = tpu.memref_slice %arg3[%dma_start3A_120, %dma_start3A_121] : memref<50176x64xf32, #tpu.memory_space<hbm>> -> memref<50176x64xf32, #tpu.memory_space<hbm>>
      tpu.enqueue_indirect_dma source(%dma_start3A_122 : memref<50176x64xf32, #tpu.memory_space<hbm>>) target(%dma_start3A_116 : memref<128x64xf32, #tpu.memory_space<vmem>>) offsets(%dma_start3A_119 : memref<128xi32, #tpu.memory_space<vmem>>) semaphore(%arg12 : memref<!tpu.dma_semaphore, #tpu.memory_space<semaphore_mem>>)
      %dma_wait3A = arith.constant 0 : i32
      %dma_wait3A_123 = arith.constant 0 : i32
      %dma_wait3A_124 = arith.constant 0 : i32
      %dma_wait3A_125 = tpu.memref_slice %arg10[%dma_wait3A_123, %dma_wait3A_124] : memref<512x128xf32, #tpu.memory_space<vmem>> -> memref<128x128xf32, #tpu.memory_space<vmem>>
      %dma_wait3A_126 = arith.constant 0 : i32
      %dma_wait3A_127 = tpu.memref_slice %arg8[%dma_wait3A, %dma_wait3A_126] : memref<4x128xi32, #tpu.memory_space<vmem>> -> memref<1x128xi32, #tpu.memory_space<vmem>>
      %dma_wait3A_128 = tpu.memref_squeeze %dma_wait3A_127 : memref<1x128xi32, #tpu.memory_space<vmem>> -> memref<128xi32, #tpu.memory_space<vmem>>
      %dma_wait3A_129 = arith.constant 0 : i32
      %dma_wait3A_130 = arith.constant 0 : i32
      %dma_wait3A_131 = tpu.memref_slice %arg2[%dma_wait3A_129, %dma_wait3A_130] : memref<50176x128xf32, #tpu.memory_space<hbm>> -> memref<50176x128xf32, #tpu.memory_space<hbm>>
      tpu.wait_indirect_dma semaphore(%arg12 : memref<!tpu.dma_semaphore, #tpu.memory_space<semaphore_mem>>) src(%dma_wait3A_131 : memref<50176x128xf32, #tpu.memory_space<hbm>>) dst(%dma_wait3A_125 : memref<128x128xf32, #tpu.memory_space<vmem>>)
      %dma_wait3A_132 = arith.constant 1 : i32
      %dma_wait3A_133 = arith.constant 128 : i32
      %dma_wait3A_134 = arith.constant 0 : i32
      %dma_wait3A_135 = tpu.memref_slice %arg10[%dma_wait3A_133, %dma_wait3A_134] : memref<512x128xf32, #tpu.memory_space<vmem>> -> memref<128x128xf32, #tpu.memory_space<vmem>>
      %dma_wait3A_136 = arith.constant 0 : i32
      %dma_wait3A_137 = tpu.memref_slice %arg8[%dma_wait3A_132, %dma_wait3A_136] : memref<4x128xi32, #tpu.memory_space<vmem>> -> memref<1x128xi32, #tpu.memory_space<vmem>>
      %dma_wait3A_138 = tpu.memref_squeeze %dma_wait3A_137 : memref<1x128xi32, #tpu.memory_space<vmem>> -> memref<128xi32, #tpu.memory_space<vmem>>
      %dma_wait3A_139 = arith.constant 0 : i32
      %dma_wait3A_140 = arith.constant 0 : i32
      %dma_wait3A_141 = tpu.memref_slice %arg2[%dma_wait3A_139, %dma_wait3A_140] : memref<50176x128xf32, #tpu.memory_space<hbm>> -> memref<50176x128xf32, #tpu.memory_space<hbm>>
      tpu.wait_indirect_dma semaphore(%arg12 : memref<!tpu.dma_semaphore, #tpu.memory_space<semaphore_mem>>) src(%dma_wait3A_141 : memref<50176x128xf32, #tpu.memory_space<hbm>>) dst(%dma_wait3A_135 : memref<128x128xf32, #tpu.memory_space<vmem>>)
      %dma_wait3A_142 = arith.constant 2 : i32
      %dma_wait3A_143 = arith.constant 256 : i32
      %dma_wait3A_144 = arith.constant 0 : i32
      %dma_wait3A_145 = tpu.memref_slice %arg10[%dma_wait3A_143, %dma_wait3A_144] : memref<512x128xf32, #tpu.memory_space<vmem>> -> memref<128x128xf32, #tpu.memory_space<vmem>>
      %dma_wait3A_146 = arith.constant 0 : i32
      %dma_wait3A_147 = tpu.memref_slice %arg8[%dma_wait3A_142, %dma_wait3A_146] : memref<4x128xi32, #tpu.memory_space<vmem>> -> memref<1x128xi32, #tpu.memory_space<vmem>>
      %dma_wait3A_148 = tpu.memref_squeeze %dma_wait3A_147 : memref<1x128xi32, #tpu.memory_space<vmem>> -> memref<128xi32, #tpu.memory_space<vmem>>
      %dma_wait3A_149 = arith.constant 0 : i32
      %dma_wait3A_150 = arith.constant 0 : i32
      %dma_wait3A_151 = tpu.memref_slice %arg2[%dma_wait3A_149, %dma_wait3A_150] : memref<50176x128xf32, #tpu.memory_space<hbm>> -> memref<50176x128xf32, #tpu.memory_space<hbm>>
      tpu.wait_indirect_dma semaphore(%arg12 : memref<!tpu.dma_semaphore, #tpu.memory_space<semaphore_mem>>) src(%dma_wait3A_151 : memref<50176x128xf32, #tpu.memory_space<hbm>>) dst(%dma_wait3A_145 : memref<128x128xf32, #tpu.memory_space<vmem>>)
      %dma_wait3A_152 = arith.constant 3 : i32
      %dma_wait3A_153 = arith.constant 384 : i32
      %dma_wait3A_154 = arith.constant 0 : i32
      %dma_wait3A_155 = tpu.memref_slice %arg10[%dma_wait3A_153, %dma_wait3A_154] : memref<512x128xf32, #tpu.memory_space<vmem>> -> memref<128x128xf32, #tpu.memory_space<vmem>>
      %dma_wait3A_156 = arith.constant 0 : i32
      %dma_wait3A_157 = tpu.memref_slice %arg8[%dma_wait3A_152, %dma_wait3A_156] : memref<4x128xi32, #tpu.memory_space<vmem>> -> memref<1x128xi32, #tpu.memory_space<vmem>>
      %dma_wait3A_158 = tpu.memref_squeeze %dma_wait3A_157 : memref<1x128xi32, #tpu.memory_space<vmem>> -> memref<128xi32, #tpu.memory_space<vmem>>
      %dma_wait3A_159 = arith.constant 0 : i32
      %dma_wait3A_160 = arith.constant 0 : i32
      %dma_wait3A_161 = tpu.memref_slice %arg2[%dma_wait3A_159, %dma_wait3A_160] : memref<50176x128xf32, #tpu.memory_space<hbm>> -> memref<50176x128xf32, #tpu.memory_space<hbm>>
      tpu.wait_indirect_dma semaphore(%arg12 : memref<!tpu.dma_semaphore, #tpu.memory_space<semaphore_mem>>) src(%dma_wait3A_161 : memref<50176x128xf32, #tpu.memory_space<hbm>>) dst(%dma_wait3A_155 : memref<128x128xf32, #tpu.memory_space<vmem>>)
      %dma_wait3A_162 = arith.constant 0 : i32
      %dma_wait3A_163 = arith.constant 0 : i32
      %dma_wait3A_164 = arith.constant 0 : i32
      %dma_wait3A_165 = tpu.memref_slice %arg11[%dma_wait3A_163, %dma_wait3A_164] : memref<512x64xf32, #tpu.memory_space<vmem>> -> memref<128x64xf32, #tpu.memory_space<vmem>>
      %dma_wait3A_166 = arith.constant 0 : i32
      %dma_wait3A_167 = tpu.memref_slice %arg9[%dma_wait3A_162, %dma_wait3A_166] : memref<4x128xi32, #tpu.memory_space<vmem>> -> memref<1x128xi32, #tpu.memory_space<vmem>>
      %dma_wait3A_168 = tpu.memref_squeeze %dma_wait3A_167 : memref<1x128xi32, #tpu.memory_space<vmem>> -> memref<128xi32, #tpu.memory_space<vmem>>
      %dma_wait3A_169 = arith.constant 0 : i32
      %dma_wait3A_170 = arith.constant 0 : i32
      %dma_wait3A_171 = tpu.memref_slice %arg3[%dma_wait3A_169, %dma_wait3A_170] : memref<50176x64xf32, #tpu.memory_space<hbm>> -> memref<50176x64xf32, #tpu.memory_space<hbm>>
      tpu.wait_indirect_dma semaphore(%arg12 : memref<!tpu.dma_semaphore, #tpu.memory_space<semaphore_mem>>) src(%dma_wait3A_171 : memref<50176x64xf32, #tpu.memory_space<hbm>>) dst(%dma_wait3A_165 : memref<128x64xf32, #tpu.memory_space<vmem>>)
      %dma_wait3A_172 = arith.constant 1 : i32
      %dma_wait3A_173 = arith.constant 128 : i32
      %dma_wait3A_174 = arith.constant 0 : i32
      %dma_wait3A_175 = tpu.memref_slice %arg11[%dma_wait3A_173, %dma_wait3A_174] : memref<512x64xf32, #tpu.memory_space<vmem>> -> memref<128x64xf32, #tpu.memory_space<vmem>>
      %dma_wait3A_176 = arith.constant 0 : i32
      %dma_wait3A_177 = tpu.memref_slice %arg9[%dma_wait3A_172, %dma_wait3A_176] : memref<4x128xi32, #tpu.memory_space<vmem>> -> memref<1x128xi32, #tpu.memory_space<vmem>>
      %dma_wait3A_178 = tpu.memref_squeeze %dma_wait3A_177 : memref<1x128xi32, #tpu.memory_space<vmem>> -> memref<128xi32, #tpu.memory_space<vmem>>
      %dma_wait3A_179 = arith.constant 0 : i32
      %dma_wait3A_180 = arith.constant 0 : i32
      %dma_wait3A_181 = tpu.memref_slice %arg3[%dma_wait3A_179, %dma_wait3A_180] : memref<50176x64xf32, #tpu.memory_space<hbm>> -> memref<50176x64xf32, #tpu.memory_space<hbm>>
      tpu.wait_indirect_dma semaphore(%arg12 : memref<!tpu.dma_semaphore, #tpu.memory_space<semaphore_mem>>) src(%dma_wait3A_181 : memref<50176x64xf32, #tpu.memory_space<hbm>>) dst(%dma_wait3A_175 : memref<128x64xf32, #tpu.memory_space<vmem>>)
      %dma_wait3A_182 = arith.constant 2 : i32
      %dma_wait3A_183 = arith.constant 256 : i32
      %dma_wait3A_184 = arith.constant 0 : i32
      %dma_wait3A_185 = tpu.memref_slice %arg11[%dma_wait3A_183, %dma_wait3A_184] : memref<512x64xf32, #tpu.memory_space<vmem>> -> memref<128x64xf32, #tpu.memory_space<vmem>>
      %dma_wait3A_186 = arith.constant 0 : i32
      %dma_wait3A_187 = tpu.memref_slice %arg9[%dma_wait3A_182, %dma_wait3A_186] : memref<4x128xi32, #tpu.memory_space<vmem>> -> memref<1x128xi32, #tpu.memory_space<vmem>>
      %dma_wait3A_188 = tpu.memref_squeeze %dma_wait3A_187 : memref<1x128xi32, #tpu.memory_space<vmem>> -> memref<128xi32, #tpu.memory_space<vmem>>
      %dma_wait3A_189 = arith.constant 0 : i32
      %dma_wait3A_190 = arith.constant 0 : i32
      %dma_wait3A_191 = tpu.memref_slice %arg3[%dma_wait3A_189, %dma_wait3A_190] : memref<50176x64xf32, #tpu.memory_space<hbm>> -> memref<50176x64xf32, #tpu.memory_space<hbm>>
      tpu.wait_indirect_dma semaphore(%arg12 : memref<!tpu.dma_semaphore, #tpu.memory_space<semaphore_mem>>) src(%dma_wait3A_191 : memref<50176x64xf32, #tpu.memory_space<hbm>>) dst(%dma_wait3A_185 : memref<128x64xf32, #tpu.memory_space<vmem>>)
      %dma_wait3A_192 = arith.constant 3 : i32
      %dma_wait3A_193 = arith.constant 384 : i32
      %dma_wait3A_194 = arith.constant 0 : i32
      %dma_wait3A_195 = tpu.memref_slice %arg11[%dma_wait3A_193, %dma_wait3A_194] : memref<512x64xf32, #tpu.memory_space<vmem>> -> memref<128x64xf32, #tpu.memory_space<vmem>>
      %dma_wait3A_196 = arith.constant 0 : i32
      %dma_wait3A_197 = tpu.memref_slice %arg9[%dma_wait3A_192, %dma_wait3A_196] : memref<4x128xi32, #tpu.memory_space<vmem>> -> memref<1x128xi32, #tpu.memory_space<vmem>>
      %dma_wait3A_198 = tpu.memref_squeeze %dma_wait3A_197 : memref<1x128xi32, #tpu.memory_space<vmem>> -> memref<128xi32, #tpu.memory_space<vmem>>
      %dma_wait3A_199 = arith.constant 0 : i32
      %dma_wait3A_200 = arith.constant 0 : i32
      %dma_wait3A_201 = tpu.memref_slice %arg3[%dma_wait3A_199, %dma_wait3A_200] : memref<50176x64xf32, #tpu.memory_space<hbm>> -> memref<50176x64xf32, #tpu.memory_space<hbm>>
      tpu.wait_indirect_dma semaphore(%arg12 : memref<!tpu.dma_semaphore, #tpu.memory_space<semaphore_mem>>) src(%dma_wait3A_201 : memref<50176x64xf32, #tpu.memory_space<hbm>>) dst(%dma_wait3A_195 : memref<128x64xf32, #tpu.memory_space<vmem>>)
      "tpu.region"() ({
        %run_scoped3A = tpu.sem_alloc : memref<!tpu.dma_semaphore, #tpu.memory_space<semaphore_mem>>
        %dma_start3A_202 = arith.constant 0 : i32
        %dma_start3A_203 = tpu.memref_slice %arg6[%add3A_43, %dma_start3A_202] : memref<819200x128xf32, #tpu.memory_space<hbm>> -> memref<512x128xf32, #tpu.memory_space<hbm>>
        %dma_start3A_204 = arith.constant 0 : i32
        %dma_start3A_205 = tpu.memref_slice %arg6[%add3A_43, %dma_start3A_204] : memref<819200x128xf32, #tpu.memory_space<hbm>> -> memref<512x128xf32, #tpu.memory_space<hbm>>
        tpu.enqueue_dma source(%arg10 : memref<512x128xf32, #tpu.memory_space<vmem>>) target(%dma_start3A_205 : memref<512x128xf32, #tpu.memory_space<hbm>>) target_semaphore(%run_scoped3A : memref<!tpu.dma_semaphore, #tpu.memory_space<semaphore_mem>>)
        %dma_wait3A_206 = arith.constant 0 : i32
        %dma_wait3A_207 = tpu.memref_slice %arg6[%add3A_43, %dma_wait3A_206] : memref<819200x128xf32, #tpu.memory_space<hbm>> -> memref<512x128xf32, #tpu.memory_space<hbm>>
        %dma_wait3A_208 = arith.constant 0 : i32
        %dma_wait3A_209 = tpu.memref_slice %arg6[%add3A_43, %dma_wait3A_208] : memref<819200x128xf32, #tpu.memory_space<hbm>> -> memref<512x128xf32, #tpu.memory_space<hbm>>
        tpu.wait_dma2 semaphore(%run_scoped3A : memref<!tpu.dma_semaphore, #tpu.memory_space<semaphore_mem>>) src(%arg10 : memref<512x128xf32, #tpu.memory_space<vmem>>) dst(%dma_wait3A_209 : memref<512x128xf32, #tpu.memory_space<hbm>>)
        tpu.yield
      }) : () -> ()
      "tpu.region"() ({
        %run_scoped3A = tpu.sem_alloc : memref<!tpu.dma_semaphore, #tpu.memory_space<semaphore_mem>>
        %dma_start3A_202 = arith.constant 0 : i32
        %dma_start3A_203 = tpu.memref_slice %arg7[%add3A_43, %dma_start3A_202] : memref<819200x64xf32, #tpu.memory_space<hbm>> -> memref<512x64xf32, #tpu.memory_space<hbm>>
        %dma_start3A_204 = arith.constant 0 : i32
        %dma_start3A_205 = tpu.memref_slice %arg7[%add3A_43, %dma_start3A_204] : memref<819200x64xf32, #tpu.memory_space<hbm>> -> memref<512x64xf32, #tpu.memory_space<hbm>>
        tpu.enqueue_dma source(%arg11 : memref<512x64xf32, #tpu.memory_space<vmem>>) target(%dma_start3A_205 : memref<512x64xf32, #tpu.memory_space<hbm>>) target_semaphore(%run_scoped3A : memref<!tpu.dma_semaphore, #tpu.memory_space<semaphore_mem>>)
        %dma_wait3A_206 = arith.constant 0 : i32
        %dma_wait3A_207 = tpu.memref_slice %arg7[%add3A_43, %dma_wait3A_206] : memref<819200x64xf32, #tpu.memory_space<hbm>> -> memref<512x64xf32, #tpu.memory_space<hbm>>
        %dma_wait3A_208 = arith.constant 0 : i32
        %dma_wait3A_209 = tpu.memref_slice %arg7[%add3A_43, %dma_wait3A_208] : memref<819200x64xf32, #tpu.memory_space<hbm>> -> memref<512x64xf32, #tpu.memory_space<hbm>>
        tpu.wait_dma2 semaphore(%run_scoped3A : memref<!tpu.dma_semaphore, #tpu.memory_space<semaphore_mem>>) src(%arg11 : memref<512x64xf32, #tpu.memory_space<vmem>>) dst(%dma_wait3A_209 : memref<512x64xf32, #tpu.memory_space<hbm>>)
        tpu.yield
      }) : () -> ()
    }
    return
  }
}

module attributes {stable_mosaic.version = 14 : i64} {
  func.func @_tc1_body(%arg0: i32, %arg1: memref<4x2x512x32xf32, #tpu.memory_space<vmem>>, %arg2: memref<512x128xf32, #tpu.memory_space<vmem>>, %arg3: memref<64x64xf32, #tpu.memory_space<vmem>>, %arg4: memref<64x64xf32, #tpu.memory_space<vmem>>, %arg5: memref<1x64xf32, #tpu.memory_space<vmem>>, %arg6: memref<64x64xf32, #tpu.memory_space<vmem>>, %arg7: memref<1x64xf32, #tpu.memory_space<vmem>>, %arg8: memref<64x64xf32, #tpu.memory_space<vmem>>, %arg9: memref<1x64xf32, #tpu.memory_space<vmem>>, %arg10: memref<64x64xf32, #tpu.memory_space<vmem>>, %arg11: memref<1x64xf32, #tpu.memory_space<vmem>>, %arg12: memref<64x64xf32, #tpu.memory_space<vmem>>, %arg13: memref<1x64xf32, #tpu.memory_space<vmem>>, %arg14: memref<64x128xf32, #tpu.memory_space<vmem>>, %arg15: memref<512x128xf32, #tpu.memory_space<vmem>>, %arg16: memref<512x64xf32, #tpu.memory_space<vmem>>, %arg17: memref<512x64xf32, #tpu.memory_space<vmem>>) attributes {dimension_semantics = [#tpu.dimension_semantics<arbitrary>], iteration_bounds = array<i64: 98>, scalar_prefetch = 0 : i64, scratch_operands = 0 : i64, tpu.core_type = #tpu.core_type<tc>, window_params = [{transform_indices = @transform_0, window_bounds = array<i64: 4, 2, 512, 32>}, {transform_indices = @transform_1, window_bounds = array<i64: 512, 128>}, {pipeline_mode = #tpu.pipeline_mode<synchronous>, transform_indices = @transform_2, window_bounds = array<i64: 64, 64>}, {pipeline_mode = #tpu.pipeline_mode<synchronous>, transform_indices = @transform_3, window_bounds = array<i64: 64, 64>}, {pipeline_mode = #tpu.pipeline_mode<synchronous>, transform_indices = @transform_4, window_bounds = array<i64: 1, 64>}, {pipeline_mode = #tpu.pipeline_mode<synchronous>, transform_indices = @transform_5, window_bounds = array<i64: 64, 64>}, {pipeline_mode = #tpu.pipeline_mode<synchronous>, transform_indices = @transform_6, window_bounds = array<i64: 1, 64>}, {pipeline_mode = #tpu.pipeline_mode<synchronous>, transform_indices = @transform_7, window_bounds = array<i64: 64, 64>}, {pipeline_mode = #tpu.pipeline_mode<synchronous>, transform_indices = @transform_8, window_bounds = array<i64: 1, 64>}, {pipeline_mode = #tpu.pipeline_mode<synchronous>, transform_indices = @transform_9, window_bounds = array<i64: 64, 64>}, {pipeline_mode = #tpu.pipeline_mode<synchronous>, transform_indices = @transform_10, window_bounds = array<i64: 1, 64>}, {pipeline_mode = #tpu.pipeline_mode<synchronous>, transform_indices = @transform_11, window_bounds = array<i64: 64, 64>}, {pipeline_mode = #tpu.pipeline_mode<synchronous>, transform_indices = @transform_12, window_bounds = array<i64: 1, 64>}, {pipeline_mode = #tpu.pipeline_mode<synchronous>, transform_indices = @transform_13, window_bounds = array<i64: 64, 128>}, {transform_indices = @transform_14, window_bounds = array<i64: 512, 128>}, {transform_indices = @transform_15, window_bounds = array<i64: 512, 64>}, {transform_indices = @transform_16, window_bounds = array<i64: 512, 64>}]} {
    %get3A = arith.constant 0 : index
    %get3A_0 = arith.constant 0 : index
    %get3A_1 = arith.constant 0 : index
    %get3A_2 = arith.constant 0 : index
    %get3A_3 = vector.load %arg1[%get3A, %get3A_0, %get3A_1, %get3A_2] : memref<4x2x512x32xf32, #tpu.memory_space<vmem>>, vector<4x2x512x32xf32>
    %slice3A = vector.extract_strided_slice %get3A_3 {offsets = [0, 0, 0, 0], sizes = [4, 1, 512, 32], strides = [1, 1, 1, 1]} : vector<4x2x512x32xf32> to vector<4x1x512x32xf32>
    %squeeze3A = vector.shape_cast %slice3A : vector<4x1x512x32xf32> to vector<4x512x32xf32>
    %slice3A_4 = vector.extract_strided_slice %get3A_3 {offsets = [0, 1, 0, 0], sizes = [4, 1, 512, 32], strides = [1, 1, 1, 1]} : vector<4x2x512x32xf32> to vector<4x1x512x32xf32>
    %squeeze3A_5 = vector.shape_cast %slice3A_4 : vector<4x1x512x32xf32> to vector<4x512x32xf32>
    %add3A = arith.addf %squeeze3A, %squeeze3A_5 : vector<4x512x32xf32>
    %slice3A_6 = vector.extract_strided_slice %add3A {offsets = [0, 0, 0], sizes = [1, 512, 32], strides = [1, 1, 1]} : vector<4x512x32xf32> to vector<1x512x32xf32>
    %squeeze3A_7 = vector.shape_cast %slice3A_6 : vector<1x512x32xf32> to vector<512x32xf32>
    %slice3A_8 = vector.extract_strided_slice %add3A {offsets = [1, 0, 0], sizes = [1, 512, 32], strides = [1, 1, 1]} : vector<4x512x32xf32> to vector<1x512x32xf32>
    %squeeze3A_9 = vector.shape_cast %slice3A_8 : vector<1x512x32xf32> to vector<512x32xf32>
    %slice3A_10 = vector.extract_strided_slice %add3A {offsets = [2, 0, 0], sizes = [1, 512, 32], strides = [1, 1, 1]} : vector<4x512x32xf32> to vector<1x512x32xf32>
    %squeeze3A_11 = vector.shape_cast %slice3A_10 : vector<1x512x32xf32> to vector<512x32xf32>
    %slice3A_12 = vector.extract_strided_slice %add3A {offsets = [3, 0, 0], sizes = [1, 512, 32], strides = [1, 1, 1]} : vector<4x512x32xf32> to vector<1x512x32xf32>
    %squeeze3A_13 = vector.shape_cast %slice3A_12 : vector<1x512x32xf32> to vector<512x32xf32>
    %concatenate3A = tpu.concatenate %squeeze3A_7, %squeeze3A_9, %squeeze3A_11, %squeeze3A_13 in 1 : vector<512x32xf32>, vector<512x32xf32>, vector<512x32xf32>, vector<512x32xf32> -> vector<512x128xf32>
    %get3A_14 = arith.constant 0 : index
    %get3A_15 = arith.constant 0 : index
    %get3A_16 = vector.load %arg2[%get3A_14, %get3A_15] : memref<512x128xf32, #tpu.memory_space<vmem>>, vector<512x128xf32>
    %slice3A_17 = vector.extract_strided_slice %get3A_16 {offsets = [0, 0], sizes = [512, 64], strides = [1, 1]} : vector<512x128xf32> to vector<512x64xf32>
    %slice3A_18 = vector.extract_strided_slice %concatenate3A {offsets = [0, 64], sizes = [512, 64], strides = [1, 1]} : vector<512x128xf32> to vector<512x64xf32>
    %get3A_19 = arith.constant 0 : index
    %get3A_20 = arith.constant 0 : index
    %get3A_21 = vector.load %arg3[%get3A_19, %get3A_20] : memref<64x64xf32, #tpu.memory_space<vmem>>, vector<64x64xf32>
    %dot_general3A = arith.constant dense<0.000000e+00> : vector<512x64xf32>
    %dot_general3A_22 = tpu.matmul %slice3A_18, %get3A_21, %dot_general3A {dimension_numbers = #tpu.dot_dimension_numbers<[1], [1], [0], [0], [0, 0, 1, 0], [], []>, transpose_lhs_hint = false} : vector<512x64xf32>, vector<64x64xf32>, vector<512x64xf32> -> vector<512x64xf32>
    %get3A_23 = arith.constant 0 : index
    %get3A_24 = arith.constant 0 : index
    %get3A_25 = vector.load %arg4[%get3A_23, %get3A_24] : memref<64x64xf32, #tpu.memory_space<vmem>>, vector<64x64xf32>
    %dot_general3A_26 = arith.constant dense<0.000000e+00> : vector<512x64xf32>
    %dot_general3A_27 = tpu.matmul %dot_general3A_22, %get3A_25, %dot_general3A_26 {dimension_numbers = #tpu.dot_dimension_numbers<[1], [1], [0], [0], [0, 0, 1, 0], [], []>, transpose_lhs_hint = false} : vector<512x64xf32>, vector<64x64xf32>, vector<512x64xf32> -> vector<512x64xf32>
    %get3A_28 = arith.constant 0 : index
    %get3A_29 = arith.constant 0 : index
    %get3A_30 = vector.load %arg5[%get3A_28, %get3A_29] : memref<1x64xf32, #tpu.memory_space<vmem>>, vector<1x64xf32>
    %add3A_31 = vector.broadcast %get3A_30 : vector<1x64xf32> to vector<512x64xf32>
    %add3A_32 = arith.addf %dot_general3A_27, %add3A_31 : vector<512x64xf32>
    %tanh3A = math.tanh %add3A_32 : vector<512x64xf32>
    %get3A_33 = arith.constant 0 : index
    %get3A_34 = arith.constant 0 : index
    %get3A_35 = vector.load %arg6[%get3A_33, %get3A_34] : memref<64x64xf32, #tpu.memory_space<vmem>>, vector<64x64xf32>
    %dot_general3A_36 = arith.constant dense<0.000000e+00> : vector<512x64xf32>
    %dot_general3A_37 = tpu.matmul %tanh3A, %get3A_35, %dot_general3A_36 {dimension_numbers = #tpu.dot_dimension_numbers<[1], [1], [0], [0], [0, 0, 1, 0], [], []>, transpose_lhs_hint = false} : vector<512x64xf32>, vector<64x64xf32>, vector<512x64xf32> -> vector<512x64xf32>
    %get3A_38 = arith.constant 0 : index
    %get3A_39 = arith.constant 0 : index
    %get3A_40 = vector.load %arg7[%get3A_38, %get3A_39] : memref<1x64xf32, #tpu.memory_space<vmem>>, vector<1x64xf32>
    %add3A_41 = vector.broadcast %get3A_40 : vector<1x64xf32> to vector<512x64xf32>
    %add3A_42 = arith.addf %dot_general3A_37, %add3A_41 : vector<512x64xf32>
    %max3A = arith.constant 0.000000e+00 : f32
    %max3A_43 = vector.broadcast %max3A : f32 to vector<512x64xf32>
    %max3A_44 = arith.maximumf %add3A_42, %max3A_43 : vector<512x64xf32>
    %get3A_45 = arith.constant 0 : index
    %get3A_46 = arith.constant 0 : index
    %get3A_47 = vector.load %arg8[%get3A_45, %get3A_46] : memref<64x64xf32, #tpu.memory_space<vmem>>, vector<64x64xf32>
    %dot_general3A_48 = arith.constant dense<0.000000e+00> : vector<512x64xf32>
    %dot_general3A_49 = tpu.matmul %max3A_44, %get3A_47, %dot_general3A_48 {dimension_numbers = #tpu.dot_dimension_numbers<[1], [1], [0], [0], [0, 0, 1, 0], [], []>, transpose_lhs_hint = false} : vector<512x64xf32>, vector<64x64xf32>, vector<512x64xf32> -> vector<512x64xf32>
    %get3A_50 = arith.constant 0 : index
    %get3A_51 = arith.constant 0 : index
    %get3A_52 = vector.load %arg9[%get3A_50, %get3A_51] : memref<1x64xf32, #tpu.memory_space<vmem>>, vector<1x64xf32>
    %add3A_53 = vector.broadcast %get3A_52 : vector<1x64xf32> to vector<512x64xf32>
    %add3A_54 = arith.addf %dot_general3A_49, %add3A_53 : vector<512x64xf32>
    %get3A_55 = arith.constant 0 : index
    %get3A_56 = arith.constant 0 : index
    %get3A_57 = vector.load %arg10[%get3A_55, %get3A_56] : memref<64x64xf32, #tpu.memory_space<vmem>>, vector<64x64xf32>
    %dot_general3A_58 = arith.constant dense<0.000000e+00> : vector<512x64xf32>
    %dot_general3A_59 = tpu.matmul %slice3A_17, %get3A_57, %dot_general3A_58 {dimension_numbers = #tpu.dot_dimension_numbers<[1], [1], [0], [0], [0, 0, 1, 0], [], []>, transpose_lhs_hint = false} : vector<512x64xf32>, vector<64x64xf32>, vector<512x64xf32> -> vector<512x64xf32>
    %get3A_60 = arith.constant 0 : index
    %get3A_61 = arith.constant 0 : index
    %get3A_62 = vector.load %arg11[%get3A_60, %get3A_61] : memref<1x64xf32, #tpu.memory_space<vmem>>, vector<1x64xf32>
    %add3A_63 = vector.broadcast %get3A_62 : vector<1x64xf32> to vector<512x64xf32>
    %add3A_64 = arith.addf %dot_general3A_59, %add3A_63 : vector<512x64xf32>
    %get3A_65 = arith.constant 0 : index
    %get3A_66 = arith.constant 0 : index
    %get3A_67 = vector.load %arg12[%get3A_65, %get3A_66] : memref<64x64xf32, #tpu.memory_space<vmem>>, vector<64x64xf32>
    %dot_general3A_68 = arith.constant dense<0.000000e+00> : vector<512x64xf32>
    %dot_general3A_69 = tpu.matmul %slice3A_17, %get3A_67, %dot_general3A_68 {dimension_numbers = #tpu.dot_dimension_numbers<[1], [1], [0], [0], [0, 0, 1, 0], [], []>, transpose_lhs_hint = false} : vector<512x64xf32>, vector<64x64xf32>, vector<512x64xf32> -> vector<512x64xf32>
    %get3A_70 = arith.constant 0 : index
    %get3A_71 = arith.constant 0 : index
    %get3A_72 = vector.load %arg13[%get3A_70, %get3A_71] : memref<1x64xf32, #tpu.memory_space<vmem>>, vector<1x64xf32>
    %add3A_73 = vector.broadcast %get3A_72 : vector<1x64xf32> to vector<512x64xf32>
    %add3A_74 = arith.addf %dot_general3A_69, %add3A_73 : vector<512x64xf32>
    %concatenate3A_75 = tpu.concatenate %add3A_64, %add3A_54 in 1 : vector<512x64xf32>, vector<512x64xf32> -> vector<512x128xf32>
    %swap3A = arith.constant 0 : index
    %swap3A_76 = arith.constant 0 : index
    %swap3A_77 = vector.load %arg15[%swap3A, %swap3A_76] : memref<512x128xf32, #tpu.memory_space<vmem>>, vector<512x128xf32>
    tpu.vector_store %arg15[%swap3A, %swap3A_76], %concatenate3A_75 {strides = array<i32>} : memref<512x128xf32, #tpu.memory_space<vmem>>, vector<512x128xf32>,
    %swap3A_78 = arith.constant 0 : index
    %swap3A_79 = arith.constant 0 : index
    %swap3A_80 = vector.load %arg16[%swap3A_78, %swap3A_79] : memref<512x64xf32, #tpu.memory_space<vmem>>, vector<512x64xf32>
    tpu.vector_store %arg16[%swap3A_78, %swap3A_79], %add3A_74 {strides = array<i32>} : memref<512x64xf32, #tpu.memory_space<vmem>>, vector<512x64xf32>,
    %get3A_81 = arith.constant 0 : index
    %get3A_82 = arith.constant 0 : index
    %get3A_83 = vector.load %arg14[%get3A_81, %get3A_82] : memref<64x128xf32, #tpu.memory_space<vmem>>, vector<64x128xf32>
    %dot_general3A_84 = arith.constant dense<0.000000e+00> : vector<512x64xf32>
    %dot_general3A_85 = tpu.matmul %concatenate3A, %get3A_83, %dot_general3A_84 {dimension_numbers = #tpu.dot_dimension_numbers<[1], [1], [0], [0], [0, 0, 1, 0], [], []>, transpose_lhs_hint = false} : vector<512x128xf32>, vector<64x128xf32>, vector<512x64xf32> -> vector<512x64xf32>
    %swap3A_86 = arith.constant 0 : index
    %swap3A_87 = arith.constant 0 : index
    %swap3A_88 = vector.load %arg17[%swap3A_86, %swap3A_87] : memref<512x64xf32, #tpu.memory_space<vmem>>, vector<512x64xf32>
    tpu.vector_store %arg17[%swap3A_86, %swap3A_87], %dot_general3A_85 {strides = array<i32>} : memref<512x64xf32, #tpu.memory_space<vmem>>, vector<512x64xf32>,
    return
  }
  func.func @transform_0(%arg0: i32) -> (i32, i32, i32, i32) {
    %c0_i32 = arith.constant 0 : i32
    %c0_i32_0 = arith.constant 0 : i32
    %c0_i32_1 = arith.constant 0 : i32
    %c0_i32_2 = arith.constant 0 : i32
    return %c0_i32, %c0_i32_0, %arg0, %c0_i32_1 : i32, i32, i32, i32
  }
  func.func @transform_1(%arg0: i32) -> (i32, i32) {
    %c0_i32 = arith.constant 0 : i32
    %c0_i32_0 = arith.constant 0 : i32
    return %arg0, %c0_i32 : i32, i32
  }
  func.func @transform_2(%arg0: i32) -> (i32, i32) {
    %c0_i32 = arith.constant 0 : i32
    %c0_i32_0 = arith.constant 0 : i32
    %c0_i32_1 = arith.constant 0 : i32
    return %c0_i32, %c0_i32_0 : i32, i32
  }
  func.func @transform_3(%arg0: i32) -> (i32, i32) {
    %c0_i32 = arith.constant 0 : i32
    %c0_i32_0 = arith.constant 0 : i32
    %c0_i32_1 = arith.constant 0 : i32
    return %c0_i32, %c0_i32_0 : i32, i32
  }
  func.func @transform_4(%arg0: i32) -> (i32, i32) {
    %c0_i32 = arith.constant 0 : i32
    %c0_i32_0 = arith.constant 0 : i32
    %c0_i32_1 = arith.constant 0 : i32
    return %c0_i32, %c0_i32_0 : i32, i32
  }
  func.func @transform_5(%arg0: i32) -> (i32, i32) {
    %c0_i32 = arith.constant 0 : i32
    %c0_i32_0 = arith.constant 0 : i32
    %c0_i32_1 = arith.constant 0 : i32
    return %c0_i32, %c0_i32_0 : i32, i32
  }
  func.func @transform_6(%arg0: i32) -> (i32, i32) {
    %c0_i32 = arith.constant 0 : i32
    %c0_i32_0 = arith.constant 0 : i32
    %c0_i32_1 = arith.constant 0 : i32
    return %c0_i32, %c0_i32_0 : i32, i32
  }
  func.func @transform_7(%arg0: i32) -> (i32, i32) {
    %c0_i32 = arith.constant 0 : i32
    %c0_i32_0 = arith.constant 0 : i32
    %c0_i32_1 = arith.constant 0 : i32
    return %c0_i32, %c0_i32_0 : i32, i32
  }
  func.func @transform_8(%arg0: i32) -> (i32, i32) {
    %c0_i32 = arith.constant 0 : i32
    %c0_i32_0 = arith.constant 0 : i32
    %c0_i32_1 = arith.constant 0 : i32
    return %c0_i32, %c0_i32_0 : i32, i32
  }
  func.func @transform_9(%arg0: i32) -> (i32, i32) {
    %c0_i32 = arith.constant 0 : i32
    %c0_i32_0 = arith.constant 0 : i32
    %c0_i32_1 = arith.constant 0 : i32
    return %c0_i32, %c0_i32_0 : i32, i32
  }
  func.func @transform_10(%arg0: i32) -> (i32, i32) {
    %c0_i32 = arith.constant 0 : i32
    %c0_i32_0 = arith.constant 0 : i32
    %c0_i32_1 = arith.constant 0 : i32
    return %c0_i32, %c0_i32_0 : i32, i32
  }
  func.func @transform_11(%arg0: i32) -> (i32, i32) {
    %c0_i32 = arith.constant 0 : i32
    %c0_i32_0 = arith.constant 0 : i32
    %c0_i32_1 = arith.constant 0 : i32
    return %c0_i32, %c0_i32_0 : i32, i32
  }
  func.func @transform_12(%arg0: i32) -> (i32, i32) {
    %c0_i32 = arith.constant 0 : i32
    %c0_i32_0 = arith.constant 0 : i32
    %c0_i32_1 = arith.constant 0 : i32
    return %c0_i32, %c0_i32_0 : i32, i32
  }
  func.func @transform_13(%arg0: i32) -> (i32, i32) {
    %c0_i32 = arith.constant 0 : i32
    %c0_i32_0 = arith.constant 0 : i32
    %c0_i32_1 = arith.constant 0 : i32
    return %c0_i32, %c0_i32_0 : i32, i32
  }
  func.func @transform_14(%arg0: i32) -> (i32, i32) {
    %c0_i32 = arith.constant 0 : i32
    %c0_i32_0 = arith.constant 0 : i32
    return %arg0, %c0_i32 : i32, i32
  }
  func.func @transform_15(%arg0: i32) -> (i32, i32) {
    %c0_i32 = arith.constant 0 : i32
    %c0_i32_0 = arith.constant 0 : i32
    return %arg0, %c0_i32 : i32, i32
  }
  func.func @transform_16(%arg0: i32) -> (i32, i32) {
    %c0_i32 = arith.constant 0 : i32
    %c0_i32_0 = arith.constant 0 : i32
    return %arg0, %c0_i32 : i32, i32
  }
}

module attributes {stable_mosaic.version = 14 : i64} {
  func.func @_tc2_body(%arg0: i32, %arg1: memref<4096x128xf32, #tpu.memory_space<vmem>>, %arg2: memref<4096x64xf32, #tpu.memory_space<vmem>>, %arg3: memref<64x64xf32, #tpu.memory_space<vmem>>, %arg4: memref<1x64xf32, #tpu.memory_space<vmem>>, %arg5: memref<64x64xf32, #tpu.memory_space<vmem>>, %arg6: memref<1x64xf32, #tpu.memory_space<vmem>>, %arg7: memref<4096x32xf32, #tpu.memory_space<vmem>>, %arg8: memref<4096x32xf32, #tpu.memory_space<vmem>>) attributes {dimension_semantics = [#tpu.dimension_semantics<arbitrary>], iteration_bounds = array<i64: 200>, scalar_prefetch = 0 : i64, scratch_operands = 0 : i64, tpu.core_type = #tpu.core_type<tc>, window_params = [{transform_indices = @transform_0, window_bounds = array<i64: 4096, 128>}, {transform_indices = @transform_1, window_bounds = array<i64: 4096, 64>}, {pipeline_mode = #tpu.pipeline_mode<synchronous>, transform_indices = @transform_2, window_bounds = array<i64: 64, 64>}, {pipeline_mode = #tpu.pipeline_mode<synchronous>, transform_indices = @transform_3, window_bounds = array<i64: 1, 64>}, {pipeline_mode = #tpu.pipeline_mode<synchronous>, transform_indices = @transform_4, window_bounds = array<i64: 64, 64>}, {pipeline_mode = #tpu.pipeline_mode<synchronous>, transform_indices = @transform_5, window_bounds = array<i64: 1, 64>}, {transform_indices = @transform_6, window_bounds = array<i64: 4096, 32>}, {transform_indices = @transform_7, window_bounds = array<i64: 4096, 32>}]} {
    %get3A = arith.constant 0 : index
    %get3A_0 = arith.constant 0 : index
    %get3A_1 = vector.load %arg1[%get3A, %get3A_0] : memref<4096x128xf32, #tpu.memory_space<vmem>>, vector<4096x128xf32>
    %slice3A = vector.extract_strided_slice %get3A_1 {offsets = [0, 0], sizes = [4096, 64], strides = [1, 1]} : vector<4096x128xf32> to vector<4096x64xf32>
    %get3A_2 = arith.constant 0 : index
    %get3A_3 = arith.constant 0 : index
    %get3A_4 = vector.load %arg2[%get3A_2, %get3A_3] : memref<4096x64xf32, #tpu.memory_space<vmem>>, vector<4096x64xf32>
    %add3A = arith.addf %slice3A, %get3A_4 : vector<4096x64xf32>
    %tanh3A = math.tanh %add3A : vector<4096x64xf32>
    %get3A_5 = arith.constant 0 : index
    %get3A_6 = arith.constant 0 : index
    %get3A_7 = vector.load %arg3[%get3A_5, %get3A_6] : memref<64x64xf32, #tpu.memory_space<vmem>>, vector<64x64xf32>
    %dot_general3A = arith.constant dense<0.000000e+00> : vector<4096x64xf32>
    %dot_general3A_8 = tpu.matmul %tanh3A, %get3A_7, %dot_general3A {dimension_numbers = #tpu.dot_dimension_numbers<[1], [1], [0], [0], [0, 0, 1, 0], [], []>, transpose_lhs_hint = false} : vector<4096x64xf32>, vector<64x64xf32>, vector<4096x64xf32> -> vector<4096x64xf32>
    %get3A_9 = arith.constant 0 : index
    %get3A_10 = arith.constant 0 : index
    %get3A_11 = vector.load %arg4[%get3A_9, %get3A_10] : memref<1x64xf32, #tpu.memory_space<vmem>>, vector<1x64xf32>
    %add3A_12 = vector.broadcast %get3A_11 : vector<1x64xf32> to vector<4096x64xf32>
    %add3A_13 = arith.addf %dot_general3A_8, %add3A_12 : vector<4096x64xf32>
    %max3A = arith.constant 0.000000e+00 : f32
    %max3A_14 = vector.broadcast %max3A : f32 to vector<4096x64xf32>
    %max3A_15 = arith.maximumf %add3A_13, %max3A_14 : vector<4096x64xf32>
    %get3A_16 = arith.constant 0 : index
    %get3A_17 = arith.constant 0 : index
    %get3A_18 = vector.load %arg5[%get3A_16, %get3A_17] : memref<64x64xf32, #tpu.memory_space<vmem>>, vector<64x64xf32>
    %dot_general3A_19 = arith.constant dense<0.000000e+00> : vector<4096x64xf32>
    %dot_general3A_20 = tpu.matmul %max3A_15, %get3A_18, %dot_general3A_19 {dimension_numbers = #tpu.dot_dimension_numbers<[1], [1], [0], [0], [0, 0, 1, 0], [], []>, transpose_lhs_hint = false} : vector<4096x64xf32>, vector<64x64xf32>, vector<4096x64xf32> -> vector<4096x64xf32>
    %get3A_21 = arith.constant 0 : index
    %get3A_22 = arith.constant 0 : index
    %get3A_23 = vector.load %arg6[%get3A_21, %get3A_22] : memref<1x64xf32, #tpu.memory_space<vmem>>, vector<1x64xf32>
    %add3A_24 = vector.broadcast %get3A_23 : vector<1x64xf32> to vector<4096x64xf32>
    %add3A_25 = arith.addf %dot_general3A_20, %add3A_24 : vector<4096x64xf32>
    %slice3A_26 = vector.extract_strided_slice %get3A_1 {offsets = [0, 64], sizes = [4096, 64], strides = [1, 1]} : vector<4096x128xf32> to vector<4096x64xf32>
    %mul3A = arith.mulf %slice3A_26, %add3A_25 : vector<4096x64xf32>
    %slice3A_27 = vector.extract_strided_slice %mul3A {offsets = [0, 0], sizes = [4096, 32], strides = [1, 1]} : vector<4096x64xf32> to vector<4096x32xf32>
    %swap3A = arith.constant 0 : index
    %swap3A_28 = arith.constant 0 : index
    %swap3A_29 = vector.load %arg7[%swap3A, %swap3A_28] : memref<4096x32xf32, #tpu.memory_space<vmem>>, vector<4096x32xf32>
    tpu.vector_store %arg7[%swap3A, %swap3A_28], %slice3A_27 {strides = array<i32>} : memref<4096x32xf32, #tpu.memory_space<vmem>>, vector<4096x32xf32>,
    %slice3A_30 = vector.extract_strided_slice %mul3A {offsets = [0, 32], sizes = [4096, 32], strides = [1, 1]} : vector<4096x64xf32> to vector<4096x32xf32>
    %swap3A_31 = arith.constant 0 : index
    %swap3A_32 = arith.constant 0 : index
    %swap3A_33 = vector.load %arg8[%swap3A_31, %swap3A_32] : memref<4096x32xf32, #tpu.memory_space<vmem>>, vector<4096x32xf32>
    tpu.vector_store %arg8[%swap3A_31, %swap3A_32], %slice3A_30 {strides = array<i32>} : memref<4096x32xf32, #tpu.memory_space<vmem>>, vector<4096x32xf32>,
    return
  }
  func.func @transform_0(%arg0: i32) -> (i32, i32) {
    %c0_i32 = arith.constant 0 : i32
    %c0_i32_0 = arith.constant 0 : i32
    return %arg0, %c0_i32 : i32, i32
  }
  func.func @transform_1(%arg0: i32) -> (i32, i32) {
    %c0_i32 = arith.constant 0 : i32
    %c0_i32_0 = arith.constant 0 : i32
    return %arg0, %c0_i32 : i32, i32
  }
  func.func @transform_2(%arg0: i32) -> (i32, i32) {
    %c0_i32 = arith.constant 0 : i32
    %c0_i32_0 = arith.constant 0 : i32
    %c0_i32_1 = arith.constant 0 : i32
    return %c0_i32, %c0_i32_0 : i32, i32
  }
  func.func @transform_3(%arg0: i32) -> (i32, i32) {
    %c0_i32 = arith.constant 0 : i32
    %c0_i32_0 = arith.constant 0 : i32
    %c0_i32_1 = arith.constant 0 : i32
    return %c0_i32, %c0_i32_0 : i32, i32
  }
  func.func @transform_4(%arg0: i32) -> (i32, i32) {
    %c0_i32 = arith.constant 0 : i32
    %c0_i32_0 = arith.constant 0 : i32
    %c0_i32_1 = arith.constant 0 : i32
    return %c0_i32, %c0_i32_0 : i32, i32
  }
  func.func @transform_5(%arg0: i32) -> (i32, i32) {
    %c0_i32 = arith.constant 0 : i32
    %c0_i32_0 = arith.constant 0 : i32
    %c0_i32_1 = arith.constant 0 : i32
    return %c0_i32, %c0_i32_0 : i32, i32
  }
  func.func @transform_6(%arg0: i32) -> (i32, i32) {
    %c0_i32 = arith.constant 0 : i32
    %c0_i32_0 = arith.constant 0 : i32
    return %arg0, %c0_i32 : i32, i32
  }
  func.func @transform_7(%arg0: i32) -> (i32, i32) {
    %c0_i32 = arith.constant 0 : i32
    %c0_i32_0 = arith.constant 0 : i32
    return %arg0, %c0_i32 : i32, i32
  }
}

module attributes {stable_mosaic.version = 14 : i64} {
  func.func @_tc3_body(%arg0: i32, %arg1: memref<2x2x512x32xf32, #tpu.memory_space<vmem>>, %arg2: memref<512x64xf32, #tpu.memory_space<vmem>>, %arg3: memref<128x64xf32, #tpu.memory_space<vmem>>, %arg4: memref<1x128xf32, #tpu.memory_space<vmem>>, %arg5: memref<512x128xf32, #tpu.memory_space<vmem>>) attributes {dimension_semantics = [#tpu.dimension_semantics<arbitrary>], iteration_bounds = array<i64: 98>, scalar_prefetch = 0 : i64, scratch_operands = 0 : i64, tpu.core_type = #tpu.core_type<tc>, window_params = [{transform_indices = @transform_0, window_bounds = array<i64: 2, 2, 512, 32>}, {transform_indices = @transform_1, window_bounds = array<i64: 512, 64>}, {pipeline_mode = #tpu.pipeline_mode<synchronous>, transform_indices = @transform_2, window_bounds = array<i64: 128, 64>}, {pipeline_mode = #tpu.pipeline_mode<synchronous>, transform_indices = @transform_3, window_bounds = array<i64: 1, 128>}, {transform_indices = @transform_4, window_bounds = array<i64: 512, 128>}]} {
    %get3A = arith.constant 0 : index
    %get3A_0 = arith.constant 0 : index
    %get3A_1 = arith.constant 0 : index
    %get3A_2 = arith.constant 0 : index
    %get3A_3 = vector.load %arg1[%get3A, %get3A_0, %get3A_1, %get3A_2] : memref<2x2x512x32xf32, #tpu.memory_space<vmem>>, vector<2x2x512x32xf32>
    %slice3A = vector.extract_strided_slice %get3A_3 {offsets = [0, 0, 0, 0], sizes = [2, 1, 512, 32], strides = [1, 1, 1, 1]} : vector<2x2x512x32xf32> to vector<2x1x512x32xf32>
    %squeeze3A = vector.shape_cast %slice3A : vector<2x1x512x32xf32> to vector<2x512x32xf32>
    %slice3A_4 = vector.extract_strided_slice %get3A_3 {offsets = [0, 1, 0, 0], sizes = [2, 1, 512, 32], strides = [1, 1, 1, 1]} : vector<2x2x512x32xf32> to vector<2x1x512x32xf32>
    %squeeze3A_5 = vector.shape_cast %slice3A_4 : vector<2x1x512x32xf32> to vector<2x512x32xf32>
    %add3A = arith.addf %squeeze3A, %squeeze3A_5 : vector<2x512x32xf32>
    %slice3A_6 = vector.extract_strided_slice %add3A {offsets = [0, 0, 0], sizes = [1, 512, 32], strides = [1, 1, 1]} : vector<2x512x32xf32> to vector<1x512x32xf32>
    %squeeze3A_7 = vector.shape_cast %slice3A_6 : vector<1x512x32xf32> to vector<512x32xf32>
    %slice3A_8 = vector.extract_strided_slice %add3A {offsets = [1, 0, 0], sizes = [1, 512, 32], strides = [1, 1, 1]} : vector<2x512x32xf32> to vector<1x512x32xf32>
    %squeeze3A_9 = vector.shape_cast %slice3A_8 : vector<1x512x32xf32> to vector<512x32xf32>
    %concatenate3A = tpu.concatenate %squeeze3A_7, %squeeze3A_9 in 1 : vector<512x32xf32>, vector<512x32xf32> -> vector<512x64xf32>
    %get3A_10 = arith.constant 0 : index
    %get3A_11 = arith.constant 0 : index
    %get3A_12 = vector.load %arg3[%get3A_10, %get3A_11] : memref<128x64xf32, #tpu.memory_space<vmem>>, vector<128x64xf32>
    %dot_general3A = arith.constant dense<0.000000e+00> : vector<512x128xf32>
    %dot_general3A_13 = tpu.matmul %concatenate3A, %get3A_12, %dot_general3A {dimension_numbers = #tpu.dot_dimension_numbers<[1], [1], [0], [0], [0, 0, 1, 0], [], []>, transpose_lhs_hint = false} : vector<512x64xf32>, vector<128x64xf32>, vector<512x128xf32> -> vector<512x128xf32>
    %get3A_14 = arith.constant 0 : index
    %get3A_15 = arith.constant 0 : index
    %get3A_16 = vector.load %arg4[%get3A_14, %get3A_15] : memref<1x128xf32, #tpu.memory_space<vmem>>, vector<1x128xf32>
    %add3A_17 = vector.broadcast %get3A_16 : vector<1x128xf32> to vector<512x128xf32>
    %add3A_18 = arith.addf %dot_general3A_13, %add3A_17 : vector<512x128xf32>
    %slice3A_19 = vector.extract_strided_slice %add3A_18 {offsets = [0, 64], sizes = [512, 64], strides = [1, 1]} : vector<512x128xf32> to vector<512x64xf32>
    %slice3A_20 = vector.extract_strided_slice %add3A_18 {offsets = [0, 0], sizes = [512, 64], strides = [1, 1]} : vector<512x128xf32> to vector<512x64xf32>
    %neg3A = arith.constant 0.000000e+00 : f32
    %neg3A_21 = vector.broadcast %neg3A : f32 to vector<512x64xf32>
    %neg3A_22 = arith.subf %neg3A_21, %slice3A_20 : vector<512x64xf32>
    %get3A_23 = arith.constant 0 : index
    %get3A_24 = arith.constant 0 : index
    %get3A_25 = vector.load %arg2[%get3A_23, %get3A_24] : memref<512x64xf32, #tpu.memory_space<vmem>>, vector<512x64xf32>
    %sub3A = arith.subf %neg3A_22, %get3A_25 : vector<512x64xf32>
    %concatenate3A_26 = tpu.concatenate %slice3A_19, %sub3A in 1 : vector<512x64xf32>, vector<512x64xf32> -> vector<512x128xf32>
    %swap3A = arith.constant 0 : index
    %swap3A_27 = arith.constant 0 : index
    %swap3A_28 = vector.load %arg5[%swap3A, %swap3A_27] : memref<512x128xf32, #tpu.memory_space<vmem>>, vector<512x128xf32>
    tpu.vector_store %arg5[%swap3A, %swap3A_27], %concatenate3A_26 {strides = array<i32>} : memref<512x128xf32, #tpu.memory_space<vmem>>, vector<512x128xf32>,
    return
  }
  func.func @transform_0(%arg0: i32) -> (i32, i32, i32, i32) {
    %c0_i32 = arith.constant 0 : i32
    %c0_i32_0 = arith.constant 0 : i32
    %c0_i32_1 = arith.constant 0 : i32
    %c0_i32_2 = arith.constant 0 : i32
    return %c0_i32, %c0_i32_0, %arg0, %c0_i32_1 : i32, i32, i32, i32
  }
  func.func @transform_1(%arg0: i32) -> (i32, i32) {
    %c0_i32 = arith.constant 0 : i32
    %c0_i32_0 = arith.constant 0 : i32
    return %arg0, %c0_i32 : i32, i32
  }
  func.func @transform_2(%arg0: i32) -> (i32, i32) {
    %c0_i32 = arith.constant 0 : i32
    %c0_i32_0 = arith.constant 0 : i32
    %c0_i32_1 = arith.constant 0 : i32
    return %c0_i32, %c0_i32_0 : i32, i32
  }
  func.func @transform_3(%arg0: i32) -> (i32, i32) {
    %c0_i32 = arith.constant 0 : i32
    %c0_i32_0 = arith.constant 0 : i32
    %c0_i32_1 = arith.constant 0 : i32
    return %c0_i32, %c0_i32_0 : i32, i32
  }
  func.func @transform_4(%arg0: i32) -> (i32, i32) {
    %c0_i32 = arith.constant 0 : i32
    %c0_i32_0 = arith.constant 0 : i32
    return %arg0, %c0_i32 : i32, i32
  }
}

</mosaic_0001>

<sc_bundles>
// kernel: kernel.11.cloned.1.call-start
scs
__scs_entry_jumppad:
0x0: {  	(pc) =	sbr.rel $0x88, $3  }
0x1: {  	(tag) =	ssettag $0x0;
	lr =	simm.s32 $0x1  }
0x2: {  	[smem:$0x3F8B] =	sst lr;
	_ =	strace $0xD0000000  }
0x3: {  	_ = 	snop  }
0x4: {  	_ = 	snop  }
0x5: {  	_ = 	snop  }
0x6: {  	_ = 	snop  }
0x7: {  	_ = 	snop  }
__scs_overlays_trampoline_lowered:
0x8: {  	[smem:$0x3F9A] =	sst s0  }
0x9: {  	[smem:$0x3F9B] =	sst s1  }
0xa: {  	[smem:$0x3F9C] =	sst s2  }
0xb: {  	[smem:$0x3F9D] =	sst s3  }
0xc: {  	[smem:$0x3F9E] =	sst s4  }
0xd: {  	[smem:$0x3F9F] =	sst s5  }
0xe: {  	[smem:$0x3FA0] =	sst s6  }
0xf: {  	[smem:$0x3FA1] =	sst s7  }
0x10: {  	[smem:$0x3FA2] =	sst s8  }
0x11: {  	[smem:$0x3FA3] =	sst s9;
	s0 =	simm.s32 @!p0 $0x0  }
0x12: {  	s1 =	sld [smem:$0x3F89];
	s0 =	simm.s32 @p0 $0x1  }
0x13: {  	[smem:$0x3FA4] =	sst s0;
	s0 =	simm.s32 @!p1 $0x0  }
0x14: {  	s2 =	sld [smem:$0x3F88];
	s0 =	simm.s32 @p1 $0x1  }
0x15: {  	[smem:$0x3FA5] =	sst s0;
	s0 =	simm.s32 @!p2 $0x0  }
0x16: {  	s3 =	sld [smem:$0x3FDB];
	s0 =	simm.s32 @p2 $0x1  }
0x17: {  	s4 =	simm.s32 $0x1BF5;
	[smem:$0x3FA7] =	sst s0  }
0x18: {  	s0 =	sld [smem:$0x3F8A];
	_ =	swait.ge [sflag:s4], $0x0  }
0x19: {  	s7 =	sld [smem:$0x3F8B]  }
0x1a: {  	s8 =	sadd.s32 $0xFFFFE003, lr  }
0x1b: {  	s9 =	sadd.s32 $0xFFFFFEF7, lr;
	s5 =	simm.s32 $0xFFFFFFFF;
	p2 =	slt.u32 s8, $0xFFFFF086  }
0x1c: {  	p1 =	slt.u32 s9, $0xF7A;
	s5 =	simm.s32 @!p2 $0x0  }
0x1d: {  	s5 =	simm.s32 @p1 $0x1;
	p0 =	seq.s32 s7, s2  }
0x1e: {  	s7 =	smul.u32 @!p0 $0xF7A, s2;
	p2 =	seq.s32 @!p0 s5, $0x0  }
0x1f: {  	s9 =	smul.u32 $0xF7A, s1;
	s8 =	simm.s32 @!p0 $0x1BF5;
	p2 =	por !p2, p0  }
0x20: {  	[sflag:s8] =	ssyncset.s32 @!p0 $0xFFFFF086;
	s6 =	sadd.s32 @!p0 s3, s7;
	s7 =	simm.s32 @!p0 $0x108  }
0x21: {  	s3 =	sadd.s32 s3, s9;
	s6 =	sadd.s32 @!p0 $0x88, s6;
	s7 =	simm.s32 @p2 $0x1082  }
0x22: {  	[simem:s7], [sflag:s8] =	dma.local @!p0 [hbm:s6], $0xF7A  }
0x23: {  	s9 =	sor.u32 $0xD0000000, s2;
	s6 =	simm.s32 $0x108;
	_ =	swait.ge @!p0 [sflag:s8], $0x0  }
0x24: {  	s3 =	sadd.s32 $0x88, s3;
	s6 =	simm.s32 @!p1 $0x1082;
	[sflag:s4] =	ssyncset.s32 $0xFFFFF086  }
0x25: {  	[simem:s6], [sflag:s4] =	dma.local [hbm:s3], $0xF7A  }
0x26: {  	[smem:$0x3F8B] =	sst s1;
	(tag) =	ssettag s2;
	_ =	strace s9  }
0x27: {  	s1 =	sld [smem:$0x3F9B]  }
0x28: {  	s2 =	sld [smem:$0x3F9C]  }
0x29: {  	s4 =	sld [smem:$0x3F9E]  }
0x2a: {  	p0 =	seq.s32 s5, $0x0;
	s5 =	sld [smem:$0x3F9F]  }
0x2b: {  	s6 =	sld [smem:$0x3FA0]  }
0x2c: {  	s7 =	sld [smem:$0x3FA1]  }
0x2d: {  	s3 =	simm.s32 $0x108;
	s8 =	sld [smem:$0x3FA2]  }
0x2e: {  	s3 =	simm.s32 @!p0 $0x1082;
	s9 =	sld [smem:$0x3FA3]  }
0x2f: {  	lr =	sadd.s32 s0, s3;
	s0 =	sld [smem:$0x3F9A]  }
0x30: {  	s3 =	sld [smem:$0x3F9D]  }
0x31: {  	[smem:$0x3FA6] =	sst s10  }
0x32: {  	s10 =	sld [smem:$0x3FA4];
	_ =	sdelay $0x3  }
0x33: {  	p0 =	seq.s32 s10, $0x1;
	s10 =	sld [smem:$0x3FA6];
	_ =	sdelay $0x3  }
0x34: {  	[smem:$0x3FA6] =	sst s10  }
0x35: {  	s10 =	sld [smem:$0x3FA5];
	_ =	sdelay $0x3  }
0x36: {  	p1 =	seq.s32 s10, $0x1;
	s10 =	sld [smem:$0x3FA6];
	_ =	sdelay $0x3  }
0x37: {  	[smem:$0x3FA6] =	sst s10  }
0x38: {  	s10 =	sld [smem:$0x3FA7]  }
0x39: {  	_ = 	snop;
	(pc) =	sbr.ind lr, $3  }
0x3a: {  	_ = 	snop  }
0x3b: {  	_ = 	snop  }
0x3c: {  	p2 =	seq.s32 s10, $0x1;
	s10 =	sld [smem:$0x3FA6]  }
0x3d: {  	_ =	shalt  }
0x3e: {  	_ =	shalt  }
0x3f: {  	_ =	shalt  }
0x40: {  	_ =	shalt  }
0x41: {  	_ =	shalt  }
0x42: {  	_ =	shalt  }
0x43: {  	_ =	shalt  }
0x44: {  	_ =	shalt  }
0x45: {  	_ =	shalt  }
0x46: {  	_ =	shalt  }
0x47: {  	_ =	shalt  }
0x48: {  	_ =	shalt  }
0x49: {  	_ =	shalt  }
0x4a: {  	_ =	shalt  }
0x4b: {  	_ =	shalt  }
0x4c: {  	_ =	shalt  }
0x4d: {  	_ =	shalt  }
0x4e: {  	_ =	shalt  }
0x4f: {  	_ =	shalt  }
0x50: {  	_ =	shalt  }
0x51: {  	_ =	shalt  }
0x52: {  	_ =	shalt  }
0x53: {  	_ =	shalt  }
0x54: {  	_ =	shalt  }
0x55: {  	_ =	shalt  }
0x56: {  	_ =	shalt  }
0x57: {  	_ =	shalt  }
0x58: {  	_ =	shalt  }
0x59: {  	_ =	shalt  }
0x5a: {  	_ =	shalt  }
0x5b: {  	_ =	shalt  }
0x5c: {  	_ =	shalt  }
0x5d: {  	_ =	shalt  }
0x5e: {  	_ =	shalt  }
0x5f: {  	_ =	shalt  }
0x60: {  	_ =	shalt  }
0x61: {  	_ =	shalt  }
0x62: {  	_ =	shalt  }
0x63: {  	_ =	shalt  }
0x64: {  	_ =	shalt  }
0x65: {  	_ =	shalt  }
0x66: {  	_ =	shalt  }
0x67: {  	_ =	shalt  }
0x68: {  	_ =	shalt  }
0x69: {  	_ =	shalt  }
0x6a: {  	_ =	shalt  }
0x6b: {  	_ =	shalt  }
0x6c: {  	_ =	shalt  }
0x6d: {  	_ =	shalt  }
0x6e: {  	_ =	shalt  }
0x6f: {  	_ =	shalt  }
0x70: {  	_ =	shalt  }
0x71: {  	_ =	shalt  }
0x72: {  	_ =	shalt  }
0x73: {  	_ =	shalt  }
0x74: {  	_ =	shalt  }
0x75: {  	_ =	shalt  }
0x76: {  	_ =	shalt  }
0x77: {  	_ =	shalt  }
0x78: {  	_ =	shalt  }
0x79: {  	_ =	shalt  }
0x7a: {  	_ =	shalt  }
0x7b: {  	_ =	shalt  }
0x7c: {  	_ =	shalt  }
0x7d: {  	_ =	shalt  }
0x7e: {  	_ =	shalt  }
0x7f: {  	_ =	shalt  }
0x80: {  	_ =	shalt  }
0x81: {  	_ =	shalt  }
0x82: {  	_ =	shalt  }
0x83: {  	_ =	shalt  }
0x84: {  	_ =	shalt  }
0x85: {  	_ =	shalt  }
0x86: {  	_ =	shalt  }
0x87: {  	_ =	shalt  }
.Lfunc_end0:
.L_simem_size_0:
called_computation.1_lowered:
.L_overlay_start_0:
0x88: {  	s2 =	sld [smem:$0x3FD9]  }
0x89: {  	s3 =	sld [smem:$0x3FFE];
	_ =	sdelay $0x1  }
0x8a: {  	s1 =	srdreg.scid  }
0x8b: {  	s0 =	sand.u32 $0x1, s1  }
0x8c: {  	s17 =	sshll.u32 s0, $0xA;
	s2 =	sadd.s32 s3, s2  }
0x8d: {  	s2 =	sadd.s32 s2, s17  }
0x8e: {  	[smem:$0x3FB2] =	sst s2  }
0x8f: {  	_ = 	snop  }
0x90: {  	s2 =	sld [smem:$0x3FD0];
	(tm) =	ssettm $0x1  }
0x91: {  	s18 =	sld [smem:$0x3FFB];
	_ =	sdelay $0x3  }
0x92: {  	_ =	strace s18  }
0x93: {  	s3 =	sld [smem:$0x3FFC];
	_ =	sdelay $0x3  }
0x94: {  	_ =	strace s3  }
0x95: {  	s3 =	sld [smem:$0x3FFD];
	_ =	sdelay $0x3  }
0x96: {  	_ =	strace s3  }
0x97: {  	_ =	strace $0x8FFFFFFF  }
0x98: {  	s19 =	sld [smem:$0x3FDB];
	_ =	sdelay $0x1  }
0x99: {  	s4 =	simm.s32 $_scs_section_size  }
0x9a: {  	s5 =	simm.s32 $_size__tile_overlayer_lowered;
	s6 =	simm.s32 $_tile_overlayer_lowered  }
0x9b: {  	s22 =	simm.s32 $0x1BFF;
	s21 =	sshll.u32 s6, $0x1;
	s3 =	sadd.s32 s4, s19  }
0x9c: {  	s7 =	simm.s32 $0x0;
	s20 =	sshll.u32 s5, $0x1;
	s5 =	sadd.s32 s21, s3  }
0x9d: {  	[timem:s7], [sflag:s22] =	dma.local [hbm:s5], s20  }
0x9e: {  	_ =	swait.ge [sflag:s22], s20  }
0x9f: {  	s4 =	ssub.s32 $0x0, s20;
	[sflag:s22] =	ssyncset.done $0x0  }
0xa0: {  	[sflag:s22] =	ssyncadd.s32 s4;
	_ =	sdelay $0x1  }
0xa1: {  	s23 =	simm.s32 $0x1B8B  }
0xa2: {  	_ =	swait.ge [sflag:s23], $0x1  }
0xa3: {  	[sflag:s23] =	ssyncset.done $0x0  }
0xa4: {  	s25 =	simm.s32 $0x1B8E;
	s24 =	sld [smem:$0x3FFE];
	[sflag:s23] =	ssyncadd.s32 $0xFFFFFFFF  }
0xa5: {  	s26 =	simm.s32 $execute0_lowered;
	[smem:$0x3FD2] =	sst s25  }
0xa6: {  	s5 =	sshll.u32 s26, $0x1;
	_ =	strace $0x80000049;
	[dreg:$0x1] =	wrdreg $0xFFFFFFFF  }
0xa7: {  	s28 =	simm.s32 $_size_execute0_lowered;
	s3 =	sadd.s32 s3, s5;
	[dreg:$0x0] =	wrdreg $0x0  }
0xa8: {  	s5 =	sshll.u32 s28, $0x1;
	[dreg:$0x2] =	wrdreg s3  }
0xa9: {  	[dreg:$0x3] =	wrdreg s5  }
0xaa: {  	[dreg:$0x4] =	wrdreg $0xC0  }
0xab: {  	_ =	task [dreg:s7], $0x5FFFF  }
0xac: {  	[dreg:$0x1] =	wrdreg $0xFFFFFFFF  }
0xad: {  	[dreg:$0x0] =	wrdreg $0x60  }
0xae: {  	[dreg:$0x2] =	wrdreg s24  }
0xaf: {  	[dreg:$0x3] =	wrdreg s2  }
0xb0: {  	[dreg:$0x4] =	wrdreg $0x9  }
0xb1: {  	_ =	task.clear_ibuf [dreg:s7], $0x5FFFF;
	_ =	strace $0x90000049  }
0xb2: {  	s29 =	simm.s32 $0x9;
	_ =	strace $0x8000004B  }
0xb3: {  	_ =	swait.ge [sflag:s29], $0x1  }
0xb4: {  	[sflag:s29] =	ssyncadd.s32 $0xFFFFFFFF  }
0xb5: {  	_ =	strace $0x9000004B  }
0xb6: {  	_ =	sfence  }
0xb7: {  	s30 =	sld [smem:$0x0];
	_ =	sdelay $0x2  }
0xb8: {  	s31 =	sshll.u32 s1, $0xD;
	s1 =	sshrl.u32 s1, $0x2  }
0xb9: {  	s3 =	sand.u32 $0x4000, s31;
	s1 =	sadd.s32 s1, s30  }
0xba: {  	s0 =	sor.u32 s3, s0;
	s1 =	sshll.u32 s1, $0x11  }
0xbb: {  	s0 =	sor.u32 s1, s0  }
0xbc: {  	s0 =	sadd.s32 $0x8F2B, s0  }
0xbd: {  	[sflag:s0] =	ssyncadd.remote.s32 $0x1  }
0xbe: {  	_ =	sfence.sel $0xFFFF  }
0xbf: {  	[dreg:$0x0] =	wrdreg $0xFFFFFFFF;
	(pc) =	sbr.abs _section_cstart, $3  }
0xc0: {  	[dreg:$0x1] =	wrdreg $0xFFFFFFFF  }
0xc1: {  	_ =	task.clear_ibuf [dreg:s7], $0x2FFFF;
	_ =	strace $0x9FFFFFFF  }
0xc2: {  	(tm) =	ssettm $0x7FFFFFFF  }
0xc3: {  	_ =	shalt  }
tec
execute0_lowered:
.L_overlay_start_1:
0x0: {  	(tag) =	ssettag $0x1  }
0x1: {  	s0 =	srdreg.scid;
	s1 =	simm.s32 $0x54  }
0x2: {  	s3 =	stileid.u32;
	s2 =	rddreg [dreg:$0x0];
	s4 =	simm.s32 $0x0  }
0x3: {  	s13 =	simm.s32 $0x80;
	s14 =	simm.s32 $0x400;
	s15 =	simm.s32 $0x4400  }
0x4: {  	s16 =	simm.s32 $0x100;
	s17 =	simm.s32 $0x8400;
	s18 =	simm.s32 $0x180  }
0x5: {  	s19 =	simm.s32 $0xC400;
	s20 =	simm.s32 $0x10400;
	s21 =	simm.s32 $0x280  }
0x6: {  	s22 =	simm.s32 $0x12400;
	s23 =	simm.s32 $0x300;
	s24 =	simm.s32 $0x14400  }
0x7: {  	s25 =	simm.s32 $0x380;
	s26 =	simm.s32 $0x16400;
	s0 =	sand.u32 $0x1, s0  }
0x8: {  	s28 =	simm.s32 $0x1;
	s29 =	simm.s32 $0x0;
	s5 =	smul.u32 $0xA8000, s0  }
0x9: {  	[smem:$0x7FF] =	sst s4;
	p0 =	seq.s32 s0, $0x0;
	s10 =	smul.u32 $0xA80000, s0  }
0xa: {  	s9 =	ssub.s32 $0x2, s0;
	s12 =	smul.u32 $0x540000, s0;
	s1 =	simm.s32 @!p0 $0x10  }
0xb: {  	s11 =	sshrl.u32 s9, $0x1;
	s6 =	smul.u32 s3, s1;
	s3 =	rddreg [dreg:$0x1]  }
0xc: {  	_ =	strace $0x8000004A;
	s30 =	ssub.s32 s9, s11;
	s11 =	simm.s32 $0x2  }
0xd: {  	s0 =	smax.u32 s30, $0x1;
	s7 =	sshll.u32 s6, $0x9;
	s8 =	sshll.u32 s6, $0xD  }
0xe: {  	s6 =	sshll.u32 s6, $0xC;
	[dreg:$0x3] =	wrdreg s0;
	s5 =	sadd.s32 s5, s7  }
0xf: {  	s8 =	sadd.s32 s8, s2;
	s7 =	sshrl.u32 s5, $0x3;
	s5 =	sadd.s32 $0x160E00, s2  }
0x10: {  	s31 =	sadd.s32 s10, s8;
	s7 =	sadd.s32 s7, s2;
	s2 =	sadd.s32 s6, s2  }
0x11: {  	s0 =	sadd.s32 $0xA2AC00, s31;
	s2 =	sadd.s32 s12, s2;
	s9 =	sadd.s32 $0x67C00, s7  }
0x12: {  	s10 =	sadd.s32 $0x80C00, s7;
	s12 =	simm.s32 $0x200;
	s6 =	sadd.s32 $0x224E00, s2  }
.LBB2_1:
0x13: {  	[tilespmem:s4], [sflag:$0x2] =	stream.linear.gather [hbm4b:s10+s4], $0x200, $0x38;
	[tilespmem:$0x18400] =	vst v63  }
0x14: {  	_ =	swait.ge [sflag:s11], $0x200  }
0x15: {  	[sflag:s11] =	ssyncset.done $0x0  }
0x16: {  	[sflag:s11] =	ssyncadd.s32 $0xFFFFFE00  }
0x17: {  	[tilespmem:s12], [sflag:$0x2] =	stream.linear.gather [hbm4b:s9+s4], $0x200, $0x38;
	[tilespmem:$0x18400] =	vst v63  }
0x18: {  	_ =	swait.ge [sflag:s11], $0x200  }
0x19: {  	[sflag:s11] =	ssyncset.done $0x0  }
0x1a: {  	[sflag:s11] =	ssyncadd.s32 $0xFFFFFE00  }
0x1b: {  	[tilespmem:s14], [sflag:$0x1] =	stream.indirect.gather [hbm4b:s5+s13], $0x80, s4, s13, $0xb8;
	[tilespmem:$0x18400] =	vst v63  }
0x1c: {  	_ = 	snop  }
0x1d: {  	[tilespmem:s15], [sflag:$0x1] =	stream.indirect.gather [hbm4b:s5+s13], $0x80, s13, s13, $0xb8;
	[tilespmem:$0x18400] =	vst v63  }
0x1e: {  	_ = 	snop  }
0x1f: {  	[tilespmem:s17], [sflag:$0x1] =	stream.indirect.gather [hbm4b:s5+s13], $0x80, s16, s13, $0xb8;
	[tilespmem:$0x18400] =	vst v63  }
0x20: {  	_ = 	snop  }
0x21: {  	[tilespmem:s19], [sflag:$0x1] =	stream.indirect.gather [hbm4b:s5+s13], $0x80, s18, s13, $0xb8;
	[tilespmem:$0x18400] =	vst v63  }
0x22: {  	_ = 	snop  }
0x23: {  	[tilespmem:s20], [sflag:$0x1] =	stream.indirect.gather [hbm4b:s3+s13], $0x40, s12, s13, $0xb8;
	[tilespmem:$0x18400] =	vst v63  }
0x24: {  	_ = 	snop  }
0x25: {  	[tilespmem:s22], [sflag:$0x1] =	stream.indirect.gather [hbm4b:s3+s13], $0x40, s21, s13, $0xb8;
	[tilespmem:$0x18400] =	vst v63  }
0x26: {  	_ = 	snop  }
0x27: {  	[tilespmem:s24], [sflag:$0x1] =	stream.indirect.gather [hbm4b:s3+s13], $0x40, s23, s13, $0xb8;
	[tilespmem:$0x18400] =	vst v63  }
0x28: {  	_ = 	snop  }
0x29: {  	[tilespmem:s26], [sflag:$0x1] =	stream.indirect.gather [hbm4b:s3+s13], $0x40, s25, s13, $0xb8;
	[tilespmem:$0x18400] =	vst v63  }
0x2a: {  	_ =	swait.ge [sflag:s28], $0x4000  }
0x2b: {  	[sflag:s28] =	ssyncset.done $0x0  }
0x2c: {  	[sflag:s28] =	ssyncadd.s32 $0xFFFFC000  }
0x2d: {  	_ =	swait.ge [sflag:s28], $0x4000  }
0x2e: {  	[sflag:s28] =	ssyncset.done $0x0  }
0x2f: {  	[sflag:s28] =	ssyncadd.s32 $0xFFFFC000  }
0x30: {  	_ =	swait.ge [sflag:s28], $0x4000  }
0x31: {  	[sflag:s28] =	ssyncset.done $0x0  }
0x32: {  	[sflag:s28] =	ssyncadd.s32 $0xFFFFC000  }
0x33: {  	_ =	swait.ge [sflag:s28], $0x4000  }
0x34: {  	[sflag:s28] =	ssyncset.done $0x0  }
0x35: {  	[sflag:s28] =	ssyncadd.s32 $0xFFFFC000  }
0x36: {  	_ =	swait.ge [sflag:s28], $0x2000  }
0x37: {  	[sflag:s28] =	ssyncset.done $0x0  }
0x38: {  	[sflag:s28] =	ssyncadd.s32 $0xFFFFE000  }
0x39: {  	_ =	swait.ge [sflag:s28], $0x2000  }
0x3a: {  	[sflag:s28] =	ssyncset.done $0x0  }
0x3b: {  	[sflag:s28] =	ssyncadd.s32 $0xFFFFE000  }
0x3c: {  	_ =	swait.ge [sflag:s28], $0x2000  }
0x3d: {  	[sflag:s28] =	ssyncset.done $0x0  }
0x3e: {  	[sflag:s28] =	ssyncadd.s32 $0xFFFFE000  }
0x3f: {  	_ =	swait.ge [sflag:s28], $0x2000  }
0x40: {  	[sflag:s28] =	ssyncset.done $0x0  }
0x41: {  	[sflag:s28] =	ssyncadd.s32 $0xFFFFE000  }
0x42: {  	[hbm4b:s0+s4] =	stream.linear.scatter [tilespmem:s14], [sflag:$0x2], $0x10000, $0x38;
	[tilespmem:$0x18400] =	vst v63  }
0x43: {  	p0 =	sne.s32 s1, $0x1;
	_ =	swait.ge [sflag:s11], $0x10000  }
.Ltmp0:
0x44: {  	[sflag:s11] =	ssyncset.done $0x0;
	(pc) =	sbr.rel @!p0 .LBB2_3-.Ltmp0, $4  }
0x45: {  	s30 =	sadd.s32 $0xFFFFFFFF, s1;
	[sflag:s11] =	ssyncadd.s32 $0xFFFF0000  }
0x46: {  	[hbm4b:s6+s4] =	stream.linear.scatter [tilespmem:s20], [sflag:$0x2], $0x8000, $0x38;
	[tilespmem:$0x18400] =	vst v63  }
0x47: {  	s31 =	sadd.s32 $0x40, s9;
	s2 =	sadd.s32 $0x40, s10;
	_ =	swait.ge [sflag:s11], $0x8000  }
0x48: {  	s7 =	smov.u32 s0;
	s8 =	smov.u32 s6;
	[sflag:s11] =	ssyncset.done $0x0  }
.LBB2_2:
0x49: {  	[sflag:s11] =	ssyncadd.s32 $0xFFFF8000;
	s7 =	sadd.s32 $0x2000, s7;
	s8 =	sadd.s32 $0x1000, s8  }
0x4a: {  	[tilespmem:s4], [sflag:$0x2] =	stream.linear.gather [hbm4b:s2+s4], $0x200, $0x38;
	[tilespmem:$0x18400] =	vst v63  }
0x4b: {  	p0 =	sne.s32 s30, $0x1;
	s30 =	sadd.s32 $0xFFFFFFFF, s30;
	_ =	swait.ge [sflag:s11], $0x200  }
0x4c: {  	[sflag:s11] =	ssyncset.done $0x0  }
0x4d: {  	[sflag:s11] =	ssyncadd.s32 $0xFFFFFE00  }
0x4e: {  	[tilespmem:s12], [sflag:$0x2] =	stream.linear.gather [hbm4b:s31+s4], $0x200, $0x38;
	[tilespmem:$0x18400] =	vst v63  }
0x4f: {  	_ =	swait.ge [sflag:s11], $0x200  }
0x50: {  	[sflag:s11] =	ssyncset.done $0x0  }
0x51: {  	[sflag:s11] =	ssyncadd.s32 $0xFFFFFE00  }
0x52: {  	[tilespmem:s14], [sflag:$0x1] =	stream.indirect.gather [hbm4b:s5+s13], $0x80, s4, s13, $0xb8;
	[tilespmem:$0x18400] =	vst v63  }
0x53: {  	_ = 	snop  }
0x54: {  	[tilespmem:s15], [sflag:$0x1] =	stream.indirect.gather [hbm4b:s5+s13], $0x80, s13, s13, $0xb8;
	[tilespmem:$0x18400] =	vst v63  }
0x55: {  	_ = 	snop  }
0x56: {  	[tilespmem:s17], [sflag:$0x1] =	stream.indirect.gather [hbm4b:s5+s13], $0x80, s16, s13, $0xb8;
	[tilespmem:$0x18400] =	vst v63  }
0x57: {  	_ = 	snop  }
0x58: {  	[tilespmem:s19], [sflag:$0x1] =	stream.indirect.gather [hbm4b:s5+s13], $0x80, s18, s13, $0xb8;
	[tilespmem:$0x18400] =	vst v63  }
0x59: {  	_ = 	snop  }
0x5a: {  	[tilespmem:s20], [sflag:$0x1] =	stream.indirect.gather [hbm4b:s3+s13], $0x40, s12, s13, $0xb8;
	[tilespmem:$0x18400] =	vst v63  }
0x5b: {  	_ = 	snop  }
0x5c: {  	[tilespmem:s22], [sflag:$0x1] =	stream.indirect.gather [hbm4b:s3+s13], $0x40, s21, s13, $0xb8;
	[tilespmem:$0x18400] =	vst v63  }
0x5d: {  	_ = 	snop  }
0x5e: {  	[tilespmem:s24], [sflag:$0x1] =	stream.indirect.gather [hbm4b:s3+s13], $0x40, s23, s13, $0xb8;
	[tilespmem:$0x18400] =	vst v63  }
0x5f: {  	_ = 	snop  }
0x60: {  	[tilespmem:s26], [sflag:$0x1] =	stream.indirect.gather [hbm4b:s3+s13], $0x40, s25, s13, $0xb8;
	[tilespmem:$0x18400] =	vst v63  }
0x61: {  	_ =	swait.ge [sflag:s28], $0x4000  }
0x62: {  	[sflag:s28] =	ssyncset.done $0x0  }
0x63: {  	[sflag:s28] =	ssyncadd.s32 $0xFFFFC000  }
0x64: {  	_ =	swait.ge [sflag:s28], $0x4000  }
0x65: {  	[sflag:s28] =	ssyncset.done $0x0  }
0x66: {  	[sflag:s28] =	ssyncadd.s32 $0xFFFFC000  }
0x67: {  	_ =	swait.ge [sflag:s28], $0x4000  }
0x68: {  	[sflag:s28] =	ssyncset.done $0x0  }
0x69: {  	[sflag:s28] =	ssyncadd.s32 $0xFFFFC000  }
0x6a: {  	_ =	swait.ge [sflag:s28], $0x4000  }
0x6b: {  	[sflag:s28] =	ssyncset.done $0x0  }
0x6c: {  	[sflag:s28] =	ssyncadd.s32 $0xFFFFC000  }
0x6d: {  	_ =	swait.ge [sflag:s28], $0x2000  }
0x6e: {  	[sflag:s28] =	ssyncset.done $0x0  }
0x6f: {  	[sflag:s28] =	ssyncadd.s32 $0xFFFFE000  }
0x70: {  	_ =	swait.ge [sflag:s28], $0x2000  }
0x71: {  	[sflag:s28] =	ssyncset.done $0x0  }
0x72: {  	[sflag:s28] =	ssyncadd.s32 $0xFFFFE000  }
0x73: {  	_ =	swait.ge [sflag:s28], $0x2000  }
0x74: {  	[sflag:s28] =	ssyncset.done $0x0  }
0x75: {  	[sflag:s28] =	ssyncadd.s32 $0xFFFFE000  }
0x76: {  	_ =	swait.ge [sflag:s28], $0x2000  }
0x77: {  	[sflag:s28] =	ssyncset.done $0x0  }
0x78: {  	[sflag:s28] =	ssyncadd.s32 $0xFFFFE000  }
0x79: {  	[hbm4b:s7+s4] =	stream.linear.scatter [tilespmem:s14], [sflag:$0x2], $0x10000, $0x38;
	[tilespmem:$0x18400] =	vst v63  }
0x7a: {  	_ =	swait.ge [sflag:s11], $0x10000  }
.Ltmp1:
0x7b: {  	[sflag:s11] =	ssyncset.done $0x0;
	(pc) =	sbr.rel @p0 .LBB2_2-.Ltmp1, $4  }
0x7c: {  	[sflag:s11] =	ssyncadd.s32 $0xFFFF0000  }
0x7d: {  	[hbm4b:s8+s4] =	stream.linear.scatter [tilespmem:s20], [sflag:$0x2], $0x8000, $0x38;
	[tilespmem:$0x18400] =	vst v63  }
0x7e: {  	_ =	swait.ge [sflag:s11], $0x8000  }
0x7f: {  	s2 =	sadd.s32 $0x40, s2;
	s31 =	sadd.s32 $0x40, s31;
	[sflag:s11] =	ssyncset.done $0x0  }
.LBB2_3:
0x80: {  	s29 =	sadd.s32 $0x1, s29;
	s2 =	rddreg [dreg:$0x3]  }
0x81: {  	p0 =	sne.s32 s29, s2  }
.Ltmp2:
0x82: {  	_ = 	snop;
	(pc) =	sbr.rel @p0 .LBB2_1-.Ltmp2, $2  }
0x83: {  	_ =	sdelay $0x2  }
0x84: {  	[sflag:s11] =	ssyncadd.s32 $0xFFFF8000  }
0x85: {  	_ =	sfence.sel $0x180000  }
0x86: {  	[bflag:$0x0] =	sbarrier.arrive $0xFFFF  }
0x87: {  	_ =	strace $0x9000004A  }
0x88: {  	s0 =	stileid.u32;
	[bflag:$0x2] =	sbarrier.arrive $0xFFFF  }
0x89: {  	p0 =	sne.s32 s0, $0x0;
	s0 =	rddreg [dreg:$0x2]  }
0x8a: {  	s0 =	sadd.s32 @!p0 $0x100000, s0  }
0x8b: {  	[sflag:s0] =	ssyncadd.tile.s32 @!p0 $0x1;
	_ =	shalt  }
.Lfunc_end2:
_tile_overlayer_lowered:
.L_overlay_start_2:
0x8c: {  	(tag) =	ssettag $0x2  }
0x8d: {  	s0 =	rddreg [dreg:$0x0];
	s2 =	stileid.u32  }
0x8e: {  	s1 =	rddreg [dreg:$0x1];
	p0 =	sne.s32 s2, $0x0  }
0x8f: {  	s3 =	rddreg [dreg:$0x2];
	[bflag:$0x3] =	sbarrier.arrive $0xFFFF;
	s2 =	simm.s32 @!p0 $0x1C02  }
0x90: {  	[timem:s3], [sflag:s2] =	dma.local @!p0 [hbm:s0], s1  }
0x91: {  	s0 =	simm.s32 @!p0 $0x2  }
0x92: {  	_ =	swait.ge @!p0 [sflag:s0], s1  }
0x93: {  	s1 =	ssub.s32 @!p0 $0x0, s1;
	[sflag:s0] =	ssyncset.done @!p0 $0x0  }
0x94: {  	[sflag:s0] =	ssyncadd.s32 @!p0 s1  }
0x95: {  	[bflag:$0x3] =	sbarrier.arrive $0xFFFF  }
0x96: {  	_ =	shalt  }

// kernel: kernel.14.cloned.1.call-start
scs
__scs_entry_jumppad:
0x0: {  	(pc) =	sbr.rel $0x88, $3  }
0x1: {  	(tag) =	ssettag $0x0;
	lr =	simm.s32 $0x1  }
0x2: {  	[smem:$0x3F8B] =	sst lr;
	_ =	strace $0xD0000000  }
0x3: {  	_ = 	snop  }
0x4: {  	_ = 	snop  }
0x5: {  	_ = 	snop  }
0x6: {  	_ = 	snop  }
0x7: {  	_ = 	snop  }
__scs_overlays_trampoline_lowered:
0x8: {  	[smem:$0x3F9A] =	sst s0  }
0x9: {  	[smem:$0x3F9B] =	sst s1  }
0xa: {  	[smem:$0x3F9C] =	sst s2  }
0xb: {  	[smem:$0x3F9D] =	sst s3  }
0xc: {  	[smem:$0x3F9E] =	sst s4  }
0xd: {  	[smem:$0x3F9F] =	sst s5  }
0xe: {  	[smem:$0x3FA0] =	sst s6  }
0xf: {  	[smem:$0x3FA1] =	sst s7  }
0x10: {  	[smem:$0x3FA2] =	sst s8  }
0x11: {  	[smem:$0x3FA3] =	sst s9;
	s0 =	simm.s32 @!p0 $0x0  }
0x12: {  	s1 =	sld [smem:$0x3F89];
	s0 =	simm.s32 @p0 $0x1  }
0x13: {  	[smem:$0x3FA4] =	sst s0;
	s0 =	simm.s32 @!p1 $0x0  }
0x14: {  	s2 =	sld [smem:$0x3F88];
	s0 =	simm.s32 @p1 $0x1  }
0x15: {  	[smem:$0x3FA5] =	sst s0;
	s0 =	simm.s32 @!p2 $0x0  }
0x16: {  	s3 =	sld [smem:$0x3FDB];
	s0 =	simm.s32 @p2 $0x1  }
0x17: {  	s4 =	simm.s32 $0x1BF5;
	[smem:$0x3FA7] =	sst s0  }
0x18: {  	s0 =	sld [smem:$0x3F8A];
	_ =	swait.ge [sflag:s4], $0x0  }
0x19: {  	s7 =	sld [smem:$0x3F8B]  }
0x1a: {  	s8 =	sadd.s32 $0xFFFFE003, lr  }
0x1b: {  	s9 =	sadd.s32 $0xFFFFFEF7, lr;
	s5 =	simm.s32 $0xFFFFFFFF;
	p2 =	slt.u32 s8, $0xFFFFF086  }
0x1c: {  	p1 =	slt.u32 s9, $0xF7A;
	s5 =	simm.s32 @!p2 $0x0  }
0x1d: {  	s5 =	simm.s32 @p1 $0x1;
	p0 =	seq.s32 s7, s2  }
0x1e: {  	s7 =	smul.u32 @!p0 $0xF7A, s2;
	p2 =	seq.s32 @!p0 s5, $0x0  }
0x1f: {  	s9 =	smul.u32 $0xF7A, s1;
	s8 =	simm.s32 @!p0 $0x1BF5;
	p2 =	por !p2, p0  }
0x20: {  	[sflag:s8] =	ssyncset.s32 @!p0 $0xFFFFF086;
	s6 =	sadd.s32 @!p0 s3, s7;
	s7 =	simm.s32 @!p0 $0x108  }
0x21: {  	s3 =	sadd.s32 s3, s9;
	s6 =	sadd.s32 @!p0 $0x88, s6;
	s7 =	simm.s32 @p2 $0x1082  }
0x22: {  	[simem:s7], [sflag:s8] =	dma.local @!p0 [hbm:s6], $0xF7A  }
0x23: {  	s9 =	sor.u32 $0xD0000000, s2;
	s6 =	simm.s32 $0x108;
	_ =	swait.ge @!p0 [sflag:s8], $0x0  }
0x24: {  	s3 =	sadd.s32 $0x88, s3;
	s6 =	simm.s32 @!p1 $0x1082;
	[sflag:s4] =	ssyncset.s32 $0xFFFFF086  }
0x25: {  	[simem:s6], [sflag:s4] =	dma.local [hbm:s3], $0xF7A  }
0x26: {  	[smem:$0x3F8B] =	sst s1;
	(tag) =	ssettag s2;
	_ =	strace s9  }
0x27: {  	s1 =	sld [smem:$0x3F9B]  }
0x28: {  	s2 =	sld [smem:$0x3F9C]  }
0x29: {  	s4 =	sld [smem:$0x3F9E]  }
0x2a: {  	p0 =	seq.s32 s5, $0x0;
	s5 =	sld [smem:$0x3F9F]  }
0x2b: {  	s6 =	sld [smem:$0x3FA0]  }
0x2c: {  	s7 =	sld [smem:$0x3FA1]  }
0x2d: {  	s3 =	simm.s32 $0x108;
	s8 =	sld [smem:$0x3FA2]  }
0x2e: {  	s3 =	simm.s32 @!p0 $0x1082;
	s9 =	sld [smem:$0x3FA3]  }
0x2f: {  	lr =	sadd.s32 s0, s3;
	s0 =	sld [smem:$0x3F9A]  }
0x30: {  	s3 =	sld [smem:$0x3F9D]  }
0x31: {  	[smem:$0x3FA6] =	sst s10  }
0x32: {  	s10 =	sld [smem:$0x3FA4];
	_ =	sdelay $0x3  }
0x33: {  	p0 =	seq.s32 s10, $0x1;
	s10 =	sld [smem:$0x3FA6];
	_ =	sdelay $0x3  }
0x34: {  	[smem:$0x3FA6] =	sst s10  }
0x35: {  	s10 =	sld [smem:$0x3FA5];
	_ =	sdelay $0x3  }
0x36: {  	p1 =	seq.s32 s10, $0x1;
	s10 =	sld [smem:$0x3FA6];
	_ =	sdelay $0x3  }
0x37: {  	[smem:$0x3FA6] =	sst s10  }
0x38: {  	s10 =	sld [smem:$0x3FA7]  }
0x39: {  	_ = 	snop;
	(pc) =	sbr.ind lr, $3  }
0x3a: {  	_ = 	snop  }
0x3b: {  	_ = 	snop  }
0x3c: {  	p2 =	seq.s32 s10, $0x1;
	s10 =	sld [smem:$0x3FA6]  }
0x3d: {  	_ =	shalt  }
0x3e: {  	_ =	shalt  }
0x3f: {  	_ =	shalt  }
0x40: {  	_ =	shalt  }
0x41: {  	_ =	shalt  }
0x42: {  	_ =	shalt  }
0x43: {  	_ =	shalt  }
0x44: {  	_ =	shalt  }
0x45: {  	_ =	shalt  }
0x46: {  	_ =	shalt  }
0x47: {  	_ =	shalt  }
0x48: {  	_ =	shalt  }
0x49: {  	_ =	shalt  }
0x4a: {  	_ =	shalt  }
0x4b: {  	_ =	shalt  }
0x4c: {  	_ =	shalt  }
0x4d: {  	_ =	shalt  }
0x4e: {  	_ =	shalt  }
0x4f: {  	_ =	shalt  }
0x50: {  	_ =	shalt  }
0x51: {  	_ =	shalt  }
0x52: {  	_ =	shalt  }
0x53: {  	_ =	shalt  }
0x54: {  	_ =	shalt  }
0x55: {  	_ =	shalt  }
0x56: {  	_ =	shalt  }
0x57: {  	_ =	shalt  }
0x58: {  	_ =	shalt  }
0x59: {  	_ =	shalt  }
0x5a: {  	_ =	shalt  }
0x5b: {  	_ =	shalt  }
0x5c: {  	_ =	shalt  }
0x5d: {  	_ =	shalt  }
0x5e: {  	_ =	shalt  }
0x5f: {  	_ =	shalt  }
0x60: {  	_ =	shalt  }
0x61: {  	_ =	shalt  }
0x62: {  	_ =	shalt  }
0x63: {  	_ =	shalt  }
0x64: {  	_ =	shalt  }
0x65: {  	_ =	shalt  }
0x66: {  	_ =	shalt  }
0x67: {  	_ =	shalt  }
0x68: {  	_ =	shalt  }
0x69: {  	_ =	shalt  }
0x6a: {  	_ =	shalt  }
0x6b: {  	_ =	shalt  }
0x6c: {  	_ =	shalt  }
0x6d: {  	_ =	shalt  }
0x6e: {  	_ =	shalt  }
0x6f: {  	_ =	shalt  }
0x70: {  	_ =	shalt  }
0x71: {  	_ =	shalt  }
0x72: {  	_ =	shalt  }
0x73: {  	_ =	shalt  }
0x74: {  	_ =	shalt  }
0x75: {  	_ =	shalt  }
0x76: {  	_ =	shalt  }
0x77: {  	_ =	shalt  }
0x78: {  	_ =	shalt  }
0x79: {  	_ =	shalt  }
0x7a: {  	_ =	shalt  }
0x7b: {  	_ =	shalt  }
0x7c: {  	_ =	shalt  }
0x7d: {  	_ =	shalt  }
0x7e: {  	_ =	shalt  }
0x7f: {  	_ =	shalt  }
0x80: {  	_ =	shalt  }
0x81: {  	_ =	shalt  }
0x82: {  	_ =	shalt  }
0x83: {  	_ =	shalt  }
0x84: {  	_ =	shalt  }
0x85: {  	_ =	shalt  }
0x86: {  	_ =	shalt  }
0x87: {  	_ =	shalt  }
.Lfunc_end0:
.L_simem_size_0:
called_computation.2_lowered:
.L_overlay_start_0:
0x88: {  	s2 =	sld [smem:$0x3FD9]  }
0x89: {  	s3 =	sld [smem:$0x3FFE];
	_ =	sdelay $0x1  }
0x8a: {  	s1 =	srdreg.scid  }
0x8b: {  	s0 =	sand.u32 $0x1, s1  }
0x8c: {  	s16 =	sshll.u32 s0, $0xA;
	s2 =	sadd.s32 s3, s2  }
0x8d: {  	s2 =	sadd.s32 s2, s16  }
0x8e: {  	[smem:$0x3FB2] =	sst s2  }
0x8f: {  	_ = 	snop  }
0x90: {  	(tm) =	ssettm $0x1  }
0x91: {  	s17 =	sld [smem:$0x3FFB];
	_ =	sdelay $0x3  }
0x92: {  	_ =	strace s17  }
0x93: {  	s2 =	sld [smem:$0x3FFC];
	_ =	sdelay $0x3  }
0x94: {  	_ =	strace s2  }
0x95: {  	s2 =	sld [smem:$0x3FFD];
	_ =	sdelay $0x3  }
0x96: {  	_ =	strace s2  }
0x97: {  	_ =	strace $0x8FFFFFFF  }
0x98: {  	s18 =	sld [smem:$0x3FDB];
	_ =	sdelay $0x1  }
0x99: {  	s19 =	simm.s32 $_scs_section_size  }
0x9a: {  	s4 =	simm.s32 $_size__tile_overlayer_lowered;
	s5 =	simm.s32 $_tile_overlayer_lowered  }
0x9b: {  	s22 =	simm.s32 $0x1BFF;
	s21 =	sshll.u32 s5, $0x1;
	s2 =	sadd.s32 s19, s18  }
0x9c: {  	s6 =	simm.s32 $0x0;
	s20 =	sshll.u32 s4, $0x1;
	s4 =	sadd.s32 s21, s2  }
0x9d: {  	[timem:s6], [sflag:s22] =	dma.local [hbm:s4], s20  }
0x9e: {  	_ =	swait.ge [sflag:s22], s20  }
0x9f: {  	s3 =	ssub.s32 $0x0, s20;
	[sflag:s22] =	ssyncset.done $0x0  }
0xa0: {  	[sflag:s22] =	ssyncadd.s32 s3;
	_ =	sdelay $0x1  }
0xa1: {  	s23 =	simm.s32 $0x1B8B  }
0xa2: {  	_ =	swait.ge [sflag:s23], $0x1  }
0xa3: {  	[sflag:s23] =	ssyncset.done $0x0  }
0xa4: {  	s25 =	simm.s32 $0x1B8E;
	s24 =	sld [smem:$0x3FFE];
	[sflag:s23] =	ssyncadd.s32 $0xFFFFFFFF  }
0xa5: {  	s26 =	simm.s32 $execute0_lowered;
	[smem:$0x3FD2] =	sst s25  }
0xa6: {  	s4 =	sshll.u32 s26, $0x1;
	_ =	strace $0x8000004C;
	[dreg:$0x1] =	wrdreg $0xFFFFFFFF  }
0xa7: {  	s28 =	simm.s32 $_size_execute0_lowered;
	s2 =	sadd.s32 s2, s4;
	[dreg:$0x0] =	wrdreg $0x0  }
0xa8: {  	s4 =	sshll.u32 s28, $0x1;
	[dreg:$0x2] =	wrdreg s2  }
0xa9: {  	[dreg:$0x3] =	wrdreg s4  }
0xaa: {  	[dreg:$0x4] =	wrdreg $0xC0  }
0xab: {  	_ =	task [dreg:s6], $0x5FFFF  }
0xac: {  	[dreg:$0x1] =	wrdreg $0xFFFFFFFF  }
0xad: {  	[dreg:$0x0] =	wrdreg $0x60  }
0xae: {  	[dreg:$0x2] =	wrdreg s24  }
0xaf: {  	[dreg:$0x3] =	wrdreg $0x0  }
0xb0: {  	[dreg:$0x4] =	wrdreg $0x9  }
0xb1: {  	_ =	task.clear_ibuf [dreg:s6], $0x5FFFF;
	_ =	strace $0x9000004C  }
0xb2: {  	s29 =	simm.s32 $0x9;
	_ =	strace $0x8000004E  }
0xb3: {  	_ =	swait.ge [sflag:s29], $0x1  }
0xb4: {  	[sflag:s29] =	ssyncadd.s32 $0xFFFFFFFF  }
0xb5: {  	_ =	strace $0x9000004E  }
0xb6: {  	_ =	sfence  }
0xb7: {  	s30 =	sld [smem:$0x0];
	_ =	sdelay $0x2  }
0xb8: {  	s31 =	sshll.u32 s1, $0xD;
	s1 =	sshrl.u32 s1, $0x2  }
0xb9: {  	s3 =	sand.u32 $0x4000, s31;
	s1 =	sadd.s32 s1, s30  }
0xba: {  	s0 =	sor.u32 s3, s0;
	s1 =	sshll.u32 s1, $0x11  }
0xbb: {  	s0 =	sor.u32 s1, s0  }
0xbc: {  	s0 =	sadd.s32 $0x8F2B, s0  }
0xbd: {  	[sflag:s0] =	ssyncadd.remote.s32 $0x1  }
0xbe: {  	_ =	sfence.sel $0xFFFF  }
0xbf: {  	[dreg:$0x0] =	wrdreg $0xFFFFFFFF;
	(pc) =	sbr.abs _section_cstart, $3  }
0xc0: {  	[dreg:$0x1] =	wrdreg $0xFFFFFFFF  }
0xc1: {  	_ =	task.clear_ibuf [dreg:s6], $0x2FFFF;
	_ =	strace $0x9FFFFFFF  }
0xc2: {  	(tm) =	ssettm $0x7FFFFFFF  }
0xc3: {  	_ =	shalt  }
tec
execute0_lowered:
.L_overlay_start_1:
0x0: {  	(tag) =	ssettag $0x1  }
0x1: {  	s6 =	rddreg [dreg:$0x0]  }
0x2: {  	s2 =	rddreg [dreg:$0x1]  }
0x3: {  	s0 =	srdreg.scid;
	s1 =	rddreg [dreg:$0x2]  }
0x4: {  	s3 =	simm.s32 $0x0;
	s14 =	simm.s32 $0x18800;
	s5 =	sand.u32 $0x1, s0  }
0x5: {  	s15 =	simm.s32 $0x18A00;
	s0 =	stileid.u32;
	s4 =	smul.u32 $0xC80000, s5  }
0x6: {  	s16 =	simm.s32 $0x80;
	s17 =	simm.s32 $0x18880;
	s7 =	smul.u32 $0xC8000, s0  }
0x7: {  	s18 =	simm.s32 $0x19A00;
	s19 =	simm.s32 $0x18900;
	s8 =	smul.u32 $0x64000, s5  }
0x8: {  	s20 =	simm.s32 $0x1AA00;
	s21 =	simm.s32 $0x18980;
	s9 =	smul.u32 $0x6400, s0  }
0x9: {  	s22 =	simm.s32 $0x1BA00;
	s23 =	simm.s32 $0x0;
	s10 =	smul.u32 $0x18800, s0  }
0xa: {  	[smem:$0x7FF] =	sst s3;
	s26 =	smul.u32 $0x188000, s5;
	s5 =	ssub.s32 $0x2, s5  }
0xb: {  	_ =	strace $0x8000004D;
	s30 =	sshll.u32 s0, $0x6;
	s29 =	sshrl.u32 s5, $0x1  }
0xc: {  	s4 =	sadd.s32 s7, s4;
	s25 =	sadd.s32 s9, s8;
	s28 =	sadd.s32 s10, s26  }
0xd: {  	s31 =	ssub.s32 s5, s29;
	s13 =	sadd.s32 s10, s2;
	s5 =	sor.u32 $0x1C01, s30  }
0xe: {  	s4 =	sshrl.u32 s4, $0x3;
	s7 =	sshrl.u32 s25, $0x3;
	s8 =	smax.u32 s31, $0x1  }
0xf: {  	s11 =	sadd.s32 s4, s6;
	s12 =	sadd.s32 s7, s6;
	s7 =	sshrl.u32 s28, $0x3  }
0x10: {  	s4 =	sadd.s32 $0x99C00, s6;
	s7 =	sadd.s32 s7, s6;
	s9 =	sadd.s32 $0x3BCE00, s11  }
0x11: {  	s10 =	sadd.s32 $0x67C00, s12;
	s11 =	sadd.s32 $0x9CE00, s11;
	s12 =	sshrl.u32 s13, $0x3  }
0x12: {  	s13 =	simm.s32 $0x1;
	s6 =	sadd.s32 $0x6DCE00, s7;
	s7 =	sadd.s32 $0x73EE00, s7  }
.LBB2_1:
0x13: {  	[spmem:s12], [sflag:s5] =	dma.local [hbm:s4], $0x3100  }
0x14: {  	_ =	swait.ge [sflag:s13], $0x3100  }
0x15: {  	[sflag:s13] =	ssyncset.done $0x0  }
0x16: {  	[sflag:s13] =	ssyncadd.s32 $0xFFFFCF00  }
0x17: {  	s24 =	sadd.s32 $0x0, s10;
	[bflag:$0x0] =	sbarrier.arrive $0xFFFF  }
0x18: {  	[tilespmem:s14], [sflag:$0x1] =	stream.linear.gather [hbm4b:s24+s3], $0x200, $0x38;
	[tilespmem:$0x1CA00] =	vst v63  }
0x19: {  	_ =	swait.ge [sflag:s13], $0x200  }
0x1a: {  	[sflag:s13] =	ssyncset.done $0x0  }
0x1b: {  	[sflag:s13] =	ssyncadd.s32 $0xFFFFFE00  }
0x1c: {  	[tilespmem:s15], [sflag:$0x1] =	stream.linear.gather [hbm4b:s9+s3], $0x4000, $0x38;
	[tilespmem:$0x1CA00] =	vst v63  }
0x1d: {  	_ =	swait.ge [sflag:s13], $0x4000  }
0x1e: {  	[sflag:s13] =	ssyncset.done $0x0  }
0x1f: {  	[sflag:s13] =	ssyncadd.s32 $0xFFFFC000  }
0x20: {  	[spmem:s2] =	stream.indirect.scatter.add.f32 [tilespmem:s15], [sflag:$0x1], $0x20, s14, s16, $0xb8;
	[tilespmem:$0x1CA00] =	vst v63  }
0x21: {  	_ =	swait.ge [sflag:s13], $0x1000  }
0x22: {  	[sflag:s13] =	ssyncset.done $0x0  }
0x23: {  	[sflag:s13] =	ssyncadd.s32 $0xFFFFF000  }
0x24: {  	[spmem:s2] =	stream.indirect.scatter.add.f32 [tilespmem:s18], [sflag:$0x1], $0x20, s17, s16, $0xb8;
	[tilespmem:$0x1CA00] =	vst v63  }
0x25: {  	_ =	swait.ge [sflag:s13], $0x1000  }
0x26: {  	[sflag:s13] =	ssyncset.done $0x0  }
0x27: {  	[sflag:s13] =	ssyncadd.s32 $0xFFFFF000  }
0x28: {  	[spmem:s2] =	stream.indirect.scatter.add.f32 [tilespmem:s20], [sflag:$0x1], $0x20, s19, s16, $0xb8;
	[tilespmem:$0x1CA00] =	vst v63  }
0x29: {  	_ =	swait.ge [sflag:s13], $0x1000  }
0x2a: {  	[sflag:s13] =	ssyncset.done $0x0  }
0x2b: {  	[sflag:s13] =	ssyncadd.s32 $0xFFFFF000  }
0x2c: {  	[spmem:s2] =	stream.indirect.scatter.add.f32 [tilespmem:s22], [sflag:$0x1], $0x20, s21, s16, $0xb8;
	[tilespmem:$0x1CA00] =	vst v63  }
0x2d: {  	s25 =	simm.s32 $0x40;
	_ =	swait.ge [sflag:s13], $0x1000  }
0x2e: {  	s26 =	simm.s32 $0x80;
	s24 =	sadd.s32 $0x800, s9;
	[sflag:s13] =	ssyncset.done $0x0  }
.LBB2_2:
0x2f: {  	s28 =	sadd.s32 s25, s10  }
0x30: {  	[sflag:s13] =	ssyncadd.s32 $0xFFFFF000;
	s25 =	smov.u32 s26;
	s29 =	sadd.s32 $0x40, s26  }
0x31: {  	[tilespmem:s14], [sflag:$0x1] =	stream.linear.gather [hbm4b:s28+s3], $0x200, $0x38;
	[tilespmem:$0x1CA00] =	vst v63  }
0x32: {  	p0 =	sne.s32 s26, $0xC40;
	_ =	swait.ge [sflag:s13], $0x200  }
0x33: {  	[sflag:s13] =	ssyncset.done $0x0  }
0x34: {  	[sflag:s13] =	ssyncadd.s32 $0xFFFFFE00  }
0x35: {  	[tilespmem:s15], [sflag:$0x1] =	stream.linear.gather [hbm4b:s24+s3], $0x4000, $0x38;
	[tilespmem:$0x1CA00] =	vst v63  }
0x36: {  	_ =	swait.ge [sflag:s13], $0x4000  }
0x37: {  	[sflag:s13] =	ssyncset.done $0x0  }
0x38: {  	[sflag:s13] =	ssyncadd.s32 $0xFFFFC000  }
0x39: {  	[spmem:s2] =	stream.indirect.scatter.add.f32 [tilespmem:s15], [sflag:$0x1], $0x20, s14, s16, $0xb8;
	[tilespmem:$0x1CA00] =	vst v63  }
0x3a: {  	_ =	swait.ge [sflag:s13], $0x1000  }
0x3b: {  	[sflag:s13] =	ssyncset.done $0x0  }
0x3c: {  	[sflag:s13] =	ssyncadd.s32 $0xFFFFF000  }
0x3d: {  	[spmem:s2] =	stream.indirect.scatter.add.f32 [tilespmem:s18], [sflag:$0x1], $0x20, s17, s16, $0xb8;
	[tilespmem:$0x1CA00] =	vst v63  }
0x3e: {  	_ =	swait.ge [sflag:s13], $0x1000  }
0x3f: {  	[sflag:s13] =	ssyncset.done $0x0  }
0x40: {  	[sflag:s13] =	ssyncadd.s32 $0xFFFFF000  }
0x41: {  	[spmem:s2] =	stream.indirect.scatter.add.f32 [tilespmem:s20], [sflag:$0x1], $0x20, s19, s16, $0xb8;
	[tilespmem:$0x1CA00] =	vst v63  }
0x42: {  	_ =	swait.ge [sflag:s13], $0x1000  }
.Ltmp0:
0x43: {  	[sflag:s13] =	ssyncset.done $0x0;
	(pc) =	sbr.rel @p0 .LBB2_2-.Ltmp0, $4  }
0x44: {  	[sflag:s13] =	ssyncadd.s32 $0xFFFFF000  }
0x45: {  	[spmem:s2] =	stream.indirect.scatter.add.f32 [tilespmem:s22], [sflag:$0x1], $0x20, s21, s16, $0xb8;
	[tilespmem:$0x1CA00] =	vst v63  }
0x46: {  	_ =	swait.ge [sflag:s13], $0x1000  }
0x47: {  	s26 =	smov.u32 s29;
	s24 =	sadd.s32 $0x800, s24;
	[sflag:s13] =	ssyncset.done $0x0  }
0x48: {  	s25 =	sadd.s32 s25, s10;
	[sflag:s13] =	ssyncadd.s32 $0xFFFFF000  }
0x49: {  	[tilespmem:s14], [sflag:$0x1] =	stream.linear.gather [hbm4b:s25+s3], $0x200, $0x38;
	[tilespmem:$0x1CA00] =	vst v63  }
0x4a: {  	_ =	swait.ge [sflag:s13], $0x200  }
0x4b: {  	[sflag:s13] =	ssyncset.done $0x0  }
0x4c: {  	[sflag:s13] =	ssyncadd.s32 $0xFFFFFE00  }
0x4d: {  	[tilespmem:s15], [sflag:$0x1] =	stream.linear.gather [hbm4b:s24+s3], $0x4000, $0x38;
	[tilespmem:$0x1CA00] =	vst v63  }
0x4e: {  	_ =	swait.ge [sflag:s13], $0x4000  }
0x4f: {  	[sflag:s13] =	ssyncset.done $0x0  }
0x50: {  	[sflag:s13] =	ssyncadd.s32 $0xFFFFC000  }
0x51: {  	[spmem:s2] =	stream.indirect.scatter.add.f32 [tilespmem:s15], [sflag:$0x1], $0x20, s14, s16, $0xb8;
	[tilespmem:$0x1CA00] =	vst v63  }
0x52: {  	_ =	swait.ge [sflag:s13], $0x1000  }
0x53: {  	[sflag:s13] =	ssyncset.done $0x0  }
0x54: {  	[sflag:s13] =	ssyncadd.s32 $0xFFFFF000  }
0x55: {  	[spmem:s2] =	stream.indirect.scatter.add.f32 [tilespmem:s18], [sflag:$0x1], $0x20, s17, s16, $0xb8;
	[tilespmem:$0x1CA00] =	vst v63  }
0x56: {  	_ =	swait.ge [sflag:s13], $0x1000  }
0x57: {  	[sflag:s13] =	ssyncset.done $0x0  }
0x58: {  	[sflag:s13] =	ssyncadd.s32 $0xFFFFF000  }
0x59: {  	[spmem:s2] =	stream.indirect.scatter.add.f32 [tilespmem:s20], [sflag:$0x1], $0x20, s19, s16, $0xb8;
	[tilespmem:$0x1CA00] =	vst v63  }
0x5a: {  	_ =	swait.ge [sflag:s13], $0x1000  }
0x5b: {  	[sflag:s13] =	ssyncset.done $0x0  }
0x5c: {  	[sflag:s13] =	ssyncadd.s32 $0xFFFFF000  }
0x5d: {  	[spmem:s2] =	stream.indirect.scatter.add.f32 [tilespmem:s22], [sflag:$0x1], $0x20, s21, s16, $0xb8;
	[tilespmem:$0x1CA00] =	vst v63  }
0x5e: {  	_ =	swait.ge [sflag:s13], $0x1000  }
0x5f: {  	[sflag:s13] =	ssyncset.done $0x0  }
0x60: {  	[sflag:s13] =	ssyncadd.s32 $0xFFFFF000  }
0x61: {  	[bflag:$0x0] =	sbarrier.arrive $0xFFFF  }
0x62: {  	[hbm:s6], [sflag:s5] =	dma.local [spmem:s12], $0x3100  }
0x63: {  	_ =	swait.ge [sflag:s13], $0x3100  }
0x64: {  	[sflag:s13] =	ssyncset.done $0x0  }
0x65: {  	[sflag:s13] =	ssyncadd.s32 $0xFFFFCF00  }
0x66: {  	[spmem:s12], [sflag:s5] =	dma.local [hbm:s4], $0x3100  }
0x67: {  	_ =	swait.ge [sflag:s13], $0x3100  }
0x68: {  	[sflag:s13] =	ssyncset.done $0x0  }
0x69: {  	[sflag:s13] =	ssyncadd.s32 $0xFFFFCF00  }
0x6a: {  	s31 =	sadd.s32 $0x0, s10;
	[bflag:$0x0] =	sbarrier.arrive $0xFFFF  }
0x6b: {  	[tilespmem:s14], [sflag:$0x1] =	stream.linear.gather [hbm4b:s31+s3], $0x200, $0x38;
	[tilespmem:$0x1CA00] =	vst v63  }
0x6c: {  	_ =	swait.ge [sflag:s13], $0x200  }
0x6d: {  	[sflag:s13] =	ssyncset.done $0x0  }
0x6e: {  	[sflag:s13] =	ssyncadd.s32 $0xFFFFFE00  }
0x6f: {  	[tilespmem:s15], [sflag:$0x1] =	stream.linear.gather [hbm4b:s11+s3], $0x4000, $0x38;
	[tilespmem:$0x1CA00] =	vst v63  }
0x70: {  	_ =	swait.ge [sflag:s13], $0x4000  }
0x71: {  	[sflag:s13] =	ssyncset.done $0x0  }
0x72: {  	[sflag:s13] =	ssyncadd.s32 $0xFFFFC000  }
0x73: {  	[spmem:s2] =	stream.indirect.scatter.add.f32 [tilespmem:s15], [sflag:$0x1], $0x20, s14, s16, $0xb8;
	[tilespmem:$0x1CA00] =	vst v63  }
0x74: {  	_ =	swait.ge [sflag:s13], $0x1000  }
0x75: {  	[sflag:s13] =	ssyncset.done $0x0  }
0x76: {  	[sflag:s13] =	ssyncadd.s32 $0xFFFFF000  }
0x77: {  	[spmem:s2] =	stream.indirect.scatter.add.f32 [tilespmem:s18], [sflag:$0x1], $0x20, s17, s16, $0xb8;
	[tilespmem:$0x1CA00] =	vst v63  }
0x78: {  	_ =	swait.ge [sflag:s13], $0x1000  }
0x79: {  	[sflag:s13] =	ssyncset.done $0x0  }
0x7a: {  	[sflag:s13] =	ssyncadd.s32 $0xFFFFF000  }
0x7b: {  	[spmem:s2] =	stream.indirect.scatter.add.f32 [tilespmem:s20], [sflag:$0x1], $0x20, s19, s16, $0xb8;
	[tilespmem:$0x1CA00] =	vst v63  }
0x7c: {  	_ =	swait.ge [sflag:s13], $0x1000  }
0x7d: {  	[sflag:s13] =	ssyncset.done $0x0  }
0x7e: {  	[sflag:s13] =	ssyncadd.s32 $0xFFFFF000  }
0x7f: {  	[spmem:s2] =	stream.indirect.scatter.add.f32 [tilespmem:s22], [sflag:$0x1], $0x20, s21, s16, $0xb8;
	[tilespmem:$0x1CA00] =	vst v63  }
0x80: {  	s26 =	simm.s32 $0x80;
	_ =	swait.ge [sflag:s13], $0x1000  }
0x81: {  	s25 =	simm.s32 $0x40;
	s24 =	sadd.s32 $0x800, s11;
	[sflag:s13] =	ssyncset.done $0x0  }
.LBB2_4:
0x82: {  	s28 =	sadd.s32 s25, s10  }
0x83: {  	[sflag:s13] =	ssyncadd.s32 $0xFFFFF000;
	s25 =	smov.u32 s26;
	s29 =	sadd.s32 $0x40, s26  }
0x84: {  	[tilespmem:s14], [sflag:$0x1] =	stream.linear.gather [hbm4b:s28+s3], $0x200, $0x38;
	[tilespmem:$0x1CA00] =	vst v63  }
0x85: {  	p0 =	sne.s32 s26, $0xC40;
	_ =	swait.ge [sflag:s13], $0x200  }
0x86: {  	[sflag:s13] =	ssyncset.done $0x0  }
0x87: {  	[sflag:s13] =	ssyncadd.s32 $0xFFFFFE00  }
0x88: {  	[tilespmem:s15], [sflag:$0x1] =	stream.linear.gather [hbm4b:s24+s3], $0x4000, $0x38;
	[tilespmem:$0x1CA00] =	vst v63  }
0x89: {  	_ =	swait.ge [sflag:s13], $0x4000  }
0x8a: {  	[sflag:s13] =	ssyncset.done $0x0  }
0x8b: {  	[sflag:s13] =	ssyncadd.s32 $0xFFFFC000  }
0x8c: {  	[spmem:s2] =	stream.indirect.scatter.add.f32 [tilespmem:s15], [sflag:$0x1], $0x20, s14, s16, $0xb8;
	[tilespmem:$0x1CA00] =	vst v63  }
0x8d: {  	_ =	swait.ge [sflag:s13], $0x1000  }
0x8e: {  	[sflag:s13] =	ssyncset.done $0x0  }
0x8f: {  	[sflag:s13] =	ssyncadd.s32 $0xFFFFF000  }
0x90: {  	[spmem:s2] =	stream.indirect.scatter.add.f32 [tilespmem:s18], [sflag:$0x1], $0x20, s17, s16, $0xb8;
	[tilespmem:$0x1CA00] =	vst v63  }
0x91: {  	_ =	swait.ge [sflag:s13], $0x1000  }
0x92: {  	[sflag:s13] =	ssyncset.done $0x0  }
0x93: {  	[sflag:s13] =	ssyncadd.s32 $0xFFFFF000  }
0x94: {  	[spmem:s2] =	stream.indirect.scatter.add.f32 [tilespmem:s20], [sflag:$0x1], $0x20, s19, s16, $0xb8;
	[tilespmem:$0x1CA00] =	vst v63  }
0x95: {  	_ =	swait.ge [sflag:s13], $0x1000  }
.Ltmp1:
0x96: {  	[sflag:s13] =	ssyncset.done $0x0;
	(pc) =	sbr.rel @p0 .LBB2_4-.Ltmp1, $4  }
0x97: {  	[sflag:s13] =	ssyncadd.s32 $0xFFFFF000  }
0x98: {  	[spmem:s2] =	stream.indirect.scatter.add.f32 [tilespmem:s22], [sflag:$0x1], $0x20, s21, s16, $0xb8;
	[tilespmem:$0x1CA00] =	vst v63  }
0x99: {  	_ =	swait.ge [sflag:s13], $0x1000  }
0x9a: {  	s26 =	smov.u32 s29;
	s24 =	sadd.s32 $0x800, s24;
	[sflag:s13] =	ssyncset.done $0x0  }
0x9b: {  	s25 =	sadd.s32 s25, s10;
	[sflag:s13] =	ssyncadd.s32 $0xFFFFF000  }
0x9c: {  	[tilespmem:s14], [sflag:$0x1] =	stream.linear.gather [hbm4b:s25+s3], $0x200, $0x38;
	[tilespmem:$0x1CA00] =	vst v63  }
0x9d: {  	_ =	swait.ge [sflag:s13], $0x200  }
0x9e: {  	[sflag:s13] =	ssyncset.done $0x0  }
0x9f: {  	[sflag:s13] =	ssyncadd.s32 $0xFFFFFE00  }
0xa0: {  	[tilespmem:s15], [sflag:$0x1] =	stream.linear.gather [hbm4b:s24+s3], $0x4000, $0x38;
	[tilespmem:$0x1CA00] =	vst v63  }
0xa1: {  	_ =	swait.ge [sflag:s13], $0x4000  }
0xa2: {  	[sflag:s13] =	ssyncset.done $0x0  }
0xa3: {  	[sflag:s13] =	ssyncadd.s32 $0xFFFFC000  }
0xa4: {  	[spmem:s2] =	stream.indirect.scatter.add.f32 [tilespmem:s15], [sflag:$0x1], $0x20, s14, s16, $0xb8;
	[tilespmem:$0x1CA00] =	vst v63  }
0xa5: {  	_ =	swait.ge [sflag:s13], $0x1000  }
0xa6: {  	[sflag:s13] =	ssyncset.done $0x0  }
0xa7: {  	[sflag:s13] =	ssyncadd.s32 $0xFFFFF000  }
0xa8: {  	[spmem:s2] =	stream.indirect.scatter.add.f32 [tilespmem:s18], [sflag:$0x1], $0x20, s17, s16, $0xb8;
	[tilespmem:$0x1CA00] =	vst v63  }
0xa9: {  	_ =	swait.ge [sflag:s13], $0x1000  }
0xaa: {  	[sflag:s13] =	ssyncset.done $0x0  }
0xab: {  	[sflag:s13] =	ssyncadd.s32 $0xFFFFF000  }
0xac: {  	[spmem:s2] =	stream.indirect.scatter.add.f32 [tilespmem:s20], [sflag:$0x1], $0x20, s19, s16, $0xb8;
	[tilespmem:$0x1CA00] =	vst v63  }
0xad: {  	_ =	swait.ge [sflag:s13], $0x1000  }
0xae: {  	[sflag:s13] =	ssyncset.done $0x0  }
0xaf: {  	[sflag:s13] =	ssyncadd.s32 $0xFFFFF000  }
0xb0: {  	[spmem:s2] =	stream.indirect.scatter.add.f32 [tilespmem:s22], [sflag:$0x1], $0x20, s21, s16, $0xb8;
	[tilespmem:$0x1CA00] =	vst v63  }
0xb1: {  	_ =	swait.ge [sflag:s13], $0x1000  }
0xb2: {  	s23 =	sadd.s32 $0x1, s23;
	[sflag:s13] =	ssyncset.done $0x0  }
0xb3: {  	p0 =	sne.s32 s23, s8;
	[sflag:s13] =	ssyncadd.s32 $0xFFFFF000  }
.Ltmp2:
0xb4: {  	[bflag:$0x0] =	sbarrier.arrive $0xFFFF;
	(pc) =	sbr.rel @p0 .LBB2_1-.Ltmp2, $4  }
0xb5: {  	[hbm:s7], [sflag:s5] =	dma.local [spmem:s12], $0x3100  }
0xb6: {  	_ =	swait.ge [sflag:s13], $0x3100  }
0xb7: {  	[sflag:s13] =	ssyncset.done $0x0  }
0xb8: {  	[sflag:s13] =	ssyncadd.s32 $0xFFFFCF00  }
0xb9: {  	_ =	sfence.sel $0x180000  }
0xba: {  	[bflag:$0x0] =	sbarrier.arrive $0xFFFF  }
0xbb: {  	p0 =	sne.s32 s0, $0x0;
	_ =	strace $0x9000004D  }
0xbc: {  	s0 =	sadd.s32 @!p0 $0x100000, s1;
	[bflag:$0x2] =	sbarrier.arrive $0xFFFF  }
0xbd: {  	[sflag:s0] =	ssyncadd.tile.s32 @!p0 $0x1;
	_ =	shalt  }
.Lfunc_end2:
_tile_overlayer_lowered:
.L_overlay_start_2:
0xbe: {  	(tag) =	ssettag $0x2  }
0xbf: {  	s0 =	rddreg [dreg:$0x0];
	s2 =	stileid.u32  }
0xc0: {  	s1 =	rddreg [dreg:$0x1];
	p0 =	sne.s32 s2, $0x0  }
0xc1: {  	s3 =	rddreg [dreg:$0x2];
	[bflag:$0x3] =	sbarrier.arrive $0xFFFF;
	s2 =	simm.s32 @!p0 $0x1C01  }
0xc2: {  	[timem:s3], [sflag:s2] =	dma.local @!p0 [hbm:s0], s1  }
0xc3: {  	s0 =	simm.s32 @!p0 $0x1  }
0xc4: {  	_ =	swait.ge @!p0 [sflag:s0], s1  }
0xc5: {  	s1 =	ssub.s32 @!p0 $0x0, s1;
	[sflag:s0] =	ssyncset.done @!p0 $0x0  }
0xc6: {  	[sflag:s0] =	ssyncadd.s32 @!p0 s1  }
0xc7: {  	[bflag:$0x3] =	sbarrier.arrive $0xFFFF  }
0xc8: {  	_ =	shalt  }

// kernel: kernel.8.cloned.1.call-start
scs
__scs_entry_jumppad:
0x0: {  	(pc) =	sbr.rel $0x88, $3  }
0x1: {  	(tag) =	ssettag $0x0;
	lr =	simm.s32 $0x1  }
0x2: {  	[smem:$0x3F8B] =	sst lr;
	_ =	strace $0xD0000000  }
0x3: {  	_ = 	snop  }
0x4: {  	_ = 	snop  }
0x5: {  	_ = 	snop  }
0x6: {  	_ = 	snop  }
0x7: {  	_ = 	snop  }
__scs_overlays_trampoline_lowered:
0x8: {  	[smem:$0x3F9A] =	sst s0  }
0x9: {  	[smem:$0x3F9B] =	sst s1  }
0xa: {  	[smem:$0x3F9C] =	sst s2  }
0xb: {  	[smem:$0x3F9D] =	sst s3  }
0xc: {  	[smem:$0x3F9E] =	sst s4  }
0xd: {  	[smem:$0x3F9F] =	sst s5  }
0xe: {  	[smem:$0x3FA0] =	sst s6  }
0xf: {  	[smem:$0x3FA1] =	sst s7  }
0x10: {  	[smem:$0x3FA2] =	sst s8  }
0x11: {  	[smem:$0x3FA3] =	sst s9;
	s0 =	simm.s32 @!p0 $0x0  }
0x12: {  	s1 =	sld [smem:$0x3F89];
	s0 =	simm.s32 @p0 $0x1  }
0x13: {  	[smem:$0x3FA4] =	sst s0;
	s0 =	simm.s32 @!p1 $0x0  }
0x14: {  	s2 =	sld [smem:$0x3F88];
	s0 =	simm.s32 @p1 $0x1  }
0x15: {  	[smem:$0x3FA5] =	sst s0;
	s0 =	simm.s32 @!p2 $0x0  }
0x16: {  	s3 =	sld [smem:$0x3FDB];
	s0 =	simm.s32 @p2 $0x1  }
0x17: {  	s4 =	simm.s32 $0x1BF5;
	[smem:$0x3FA7] =	sst s0  }
0x18: {  	s0 =	sld [smem:$0x3F8A];
	_ =	swait.ge [sflag:s4], $0x0  }
0x19: {  	s7 =	sld [smem:$0x3F8B]  }
0x1a: {  	s8 =	sadd.s32 $0xFFFFE003, lr  }
0x1b: {  	s9 =	sadd.s32 $0xFFFFFEF7, lr;
	s5 =	simm.s32 $0xFFFFFFFF;
	p2 =	slt.u32 s8, $0xFFFFF086  }
0x1c: {  	p1 =	slt.u32 s9, $0xF7A;
	s5 =	simm.s32 @!p2 $0x0  }
0x1d: {  	s5 =	simm.s32 @p1 $0x1;
	p0 =	seq.s32 s7, s2  }
0x1e: {  	s7 =	smul.u32 @!p0 $0xF7A, s2;
	p2 =	seq.s32 @!p0 s5, $0x0  }
0x1f: {  	s9 =	smul.u32 $0xF7A, s1;
	s8 =	simm.s32 @!p0 $0x1BF5;
	p2 =	por !p2, p0  }
0x20: {  	[sflag:s8] =	ssyncset.s32 @!p0 $0xFFFFF086;
	s6 =	sadd.s32 @!p0 s3, s7;
	s7 =	simm.s32 @!p0 $0x108  }
0x21: {  	s3 =	sadd.s32 s3, s9;
	s6 =	sadd.s32 @!p0 $0x88, s6;
	s7 =	simm.s32 @p2 $0x1082  }
0x22: {  	[simem:s7], [sflag:s8] =	dma.local @!p0 [hbm:s6], $0xF7A  }
0x23: {  	s9 =	sor.u32 $0xD0000000, s2;
	s6 =	simm.s32 $0x108;
	_ =	swait.ge @!p0 [sflag:s8], $0x0  }
0x24: {  	s3 =	sadd.s32 $0x88, s3;
	s6 =	simm.s32 @!p1 $0x1082;
	[sflag:s4] =	ssyncset.s32 $0xFFFFF086  }
0x25: {  	[simem:s6], [sflag:s4] =	dma.local [hbm:s3], $0xF7A  }
0x26: {  	[smem:$0x3F8B] =	sst s1;
	(tag) =	ssettag s2;
	_ =	strace s9  }
0x27: {  	s1 =	sld [smem:$0x3F9B]  }
0x28: {  	s2 =	sld [smem:$0x3F9C]  }
0x29: {  	s4 =	sld [smem:$0x3F9E]  }
0x2a: {  	p0 =	seq.s32 s5, $0x0;
	s5 =	sld [smem:$0x3F9F]  }
0x2b: {  	s6 =	sld [smem:$0x3FA0]  }
0x2c: {  	s7 =	sld [smem:$0x3FA1]  }
0x2d: {  	s3 =	simm.s32 $0x108;
	s8 =	sld [smem:$0x3FA2]  }
0x2e: {  	s3 =	simm.s32 @!p0 $0x1082;
	s9 =	sld [smem:$0x3FA3]  }
0x2f: {  	lr =	sadd.s32 s0, s3;
	s0 =	sld [smem:$0x3F9A]  }
0x30: {  	s3 =	sld [smem:$0x3F9D]  }
0x31: {  	[smem:$0x3FA6] =	sst s10  }
0x32: {  	s10 =	sld [smem:$0x3FA4];
	_ =	sdelay $0x3  }
0x33: {  	p0 =	seq.s32 s10, $0x1;
	s10 =	sld [smem:$0x3FA6];
	_ =	sdelay $0x3  }
0x34: {  	[smem:$0x3FA6] =	sst s10  }
0x35: {  	s10 =	sld [smem:$0x3FA5];
	_ =	sdelay $0x3  }
0x36: {  	p1 =	seq.s32 s10, $0x1;
	s10 =	sld [smem:$0x3FA6];
	_ =	sdelay $0x3  }
0x37: {  	[smem:$0x3FA6] =	sst s10  }
0x38: {  	s10 =	sld [smem:$0x3FA7]  }
0x39: {  	_ = 	snop;
	(pc) =	sbr.ind lr, $3  }
0x3a: {  	_ = 	snop  }
0x3b: {  	_ = 	snop  }
0x3c: {  	p2 =	seq.s32 s10, $0x1;
	s10 =	sld [smem:$0x3FA6]  }
0x3d: {  	_ =	shalt  }
0x3e: {  	_ =	shalt  }
0x3f: {  	_ =	shalt  }
0x40: {  	_ =	shalt  }
0x41: {  	_ =	shalt  }
0x42: {  	_ =	shalt  }
0x43: {  	_ =	shalt  }
0x44: {  	_ =	shalt  }
0x45: {  	_ =	shalt  }
0x46: {  	_ =	shalt  }
0x47: {  	_ =	shalt  }
0x48: {  	_ =	shalt  }
0x49: {  	_ =	shalt  }
0x4a: {  	_ =	shalt  }
0x4b: {  	_ =	shalt  }
0x4c: {  	_ =	shalt  }
0x4d: {  	_ =	shalt  }
0x4e: {  	_ =	shalt  }
0x4f: {  	_ =	shalt  }
0x50: {  	_ =	shalt  }
0x51: {  	_ =	shalt  }
0x52: {  	_ =	shalt  }
0x53: {  	_ =	shalt  }
0x54: {  	_ =	shalt  }
0x55: {  	_ =	shalt  }
0x56: {  	_ =	shalt  }
0x57: {  	_ =	shalt  }
0x58: {  	_ =	shalt  }
0x59: {  	_ =	shalt  }
0x5a: {  	_ =	shalt  }
0x5b: {  	_ =	shalt  }
0x5c: {  	_ =	shalt  }
0x5d: {  	_ =	shalt  }
0x5e: {  	_ =	shalt  }
0x5f: {  	_ =	shalt  }
0x60: {  	_ =	shalt  }
0x61: {  	_ =	shalt  }
0x62: {  	_ =	shalt  }
0x63: {  	_ =	shalt  }
0x64: {  	_ =	shalt  }
0x65: {  	_ =	shalt  }
0x66: {  	_ =	shalt  }
0x67: {  	_ =	shalt  }
0x68: {  	_ =	shalt  }
0x69: {  	_ =	shalt  }
0x6a: {  	_ =	shalt  }
0x6b: {  	_ =	shalt  }
0x6c: {  	_ =	shalt  }
0x6d: {  	_ =	shalt  }
0x6e: {  	_ =	shalt  }
0x6f: {  	_ =	shalt  }
0x70: {  	_ =	shalt  }
0x71: {  	_ =	shalt  }
0x72: {  	_ =	shalt  }
0x73: {  	_ =	shalt  }
0x74: {  	_ =	shalt  }
0x75: {  	_ =	shalt  }
0x76: {  	_ =	shalt  }
0x77: {  	_ =	shalt  }
0x78: {  	_ =	shalt  }
0x79: {  	_ =	shalt  }
0x7a: {  	_ =	shalt  }
0x7b: {  	_ =	shalt  }
0x7c: {  	_ =	shalt  }
0x7d: {  	_ =	shalt  }
0x7e: {  	_ =	shalt  }
0x7f: {  	_ =	shalt  }
0x80: {  	_ =	shalt  }
0x81: {  	_ =	shalt  }
0x82: {  	_ =	shalt  }
0x83: {  	_ =	shalt  }
0x84: {  	_ =	shalt  }
0x85: {  	_ =	shalt  }
0x86: {  	_ =	shalt  }
0x87: {  	_ =	shalt  }
.Lfunc_end0:
.L_simem_size_0:
called_computation_lowered:
.L_overlay_start_0:
0x88: {  	s2 =	sld [smem:$0x3FD9]  }
0x89: {  	s3 =	sld [smem:$0x3FFE];
	_ =	sdelay $0x1  }
0x8a: {  	s1 =	srdreg.scid  }
0x8b: {  	s0 =	sand.u32 $0x1, s1  }
0x8c: {  	s17 =	sshll.u32 s0, $0xA;
	s2 =	sadd.s32 s3, s2  }
0x8d: {  	s2 =	sadd.s32 s2, s17  }
0x8e: {  	[smem:$0x3FB2] =	sst s2  }
0x8f: {  	_ = 	snop  }
0x90: {  	s2 =	sld [smem:$0x3FD0];
	(tm) =	ssettm $0x1  }
0x91: {  	s18 =	sld [smem:$0x3FFB];
	_ =	sdelay $0x3  }
0x92: {  	_ =	strace s18  }
0x93: {  	s3 =	sld [smem:$0x3FFC];
	_ =	sdelay $0x3  }
0x94: {  	_ =	strace s3  }
0x95: {  	s3 =	sld [smem:$0x3FFD];
	_ =	sdelay $0x3  }
0x96: {  	_ =	strace s3  }
0x97: {  	_ =	strace $0x8FFFFFFF  }
0x98: {  	s19 =	sld [smem:$0x3FDB];
	_ =	sdelay $0x1  }
0x99: {  	s4 =	simm.s32 $_scs_section_size  }
0x9a: {  	s5 =	simm.s32 $_size__tile_overlayer_lowered;
	s6 =	simm.s32 $_tile_overlayer_lowered  }
0x9b: {  	s22 =	simm.s32 $0x1BFF;
	s21 =	sshll.u32 s6, $0x1;
	s3 =	sadd.s32 s4, s19  }
0x9c: {  	s7 =	simm.s32 $0x0;
	s20 =	sshll.u32 s5, $0x1;
	s5 =	sadd.s32 s21, s3  }
0x9d: {  	[timem:s7], [sflag:s22] =	dma.local [hbm:s5], s20  }
0x9e: {  	_ =	swait.ge [sflag:s22], s20  }
0x9f: {  	s4 =	ssub.s32 $0x0, s20;
	[sflag:s22] =	ssyncset.done $0x0  }
0xa0: {  	[sflag:s22] =	ssyncadd.s32 s4;
	_ =	sdelay $0x1  }
0xa1: {  	s23 =	simm.s32 $0x1B8B  }
0xa2: {  	_ =	swait.ge [sflag:s23], $0x1  }
0xa3: {  	[sflag:s23] =	ssyncset.done $0x0  }
0xa4: {  	s25 =	simm.s32 $0x1B8E;
	s24 =	sld [smem:$0x3FFE];
	[sflag:s23] =	ssyncadd.s32 $0xFFFFFFFF  }
0xa5: {  	s26 =	simm.s32 $execute0_lowered;
	[smem:$0x3FD2] =	sst s25  }
0xa6: {  	s5 =	sshll.u32 s26, $0x1;
	_ =	strace $0x80000046;
	[dreg:$0x1] =	wrdreg $0xFFFFFFFF  }
0xa7: {  	s28 =	simm.s32 $_size_execute0_lowered;
	s3 =	sadd.s32 s3, s5;
	[dreg:$0x0] =	wrdreg $0x0  }
0xa8: {  	s5 =	sshll.u32 s28, $0x1;
	[dreg:$0x2] =	wrdreg s3  }
0xa9: {  	[dreg:$0x3] =	wrdreg s5  }
0xaa: {  	[dreg:$0x4] =	wrdreg $0xC0  }
0xab: {  	_ =	task [dreg:s7], $0x5FFFF  }
0xac: {  	[dreg:$0x1] =	wrdreg $0xFFFFFFFF  }
0xad: {  	[dreg:$0x0] =	wrdreg $0x60  }
0xae: {  	[dreg:$0x2] =	wrdreg s2  }
0xaf: {  	[dreg:$0x3] =	wrdreg s24  }
0xb0: {  	[dreg:$0x4] =	wrdreg $0x0  }
0xb1: {  	[dreg:$0x5] =	wrdreg $0x9  }
0xb2: {  	_ =	task.clear_ibuf [dreg:s7], $0x6FFFF;
	_ =	strace $0x90000046  }
0xb3: {  	s29 =	simm.s32 $0x9;
	_ =	strace $0x80000048  }
0xb4: {  	_ =	swait.ge [sflag:s29], $0x1  }
0xb5: {  	[sflag:s29] =	ssyncadd.s32 $0xFFFFFFFF  }
0xb6: {  	_ =	strace $0x90000048  }
0xb7: {  	_ =	sfence  }
0xb8: {  	s30 =	sld [smem:$0x0];
	_ =	sdelay $0x2  }
0xb9: {  	s31 =	sshll.u32 s1, $0xD;
	s1 =	sshrl.u32 s1, $0x2  }
0xba: {  	s3 =	sand.u32 $0x4000, s31;
	s1 =	sadd.s32 s1, s30  }
0xbb: {  	s0 =	sor.u32 s3, s0;
	s1 =	sshll.u32 s1, $0x11  }
0xbc: {  	s0 =	sor.u32 s1, s0  }
0xbd: {  	s0 =	sadd.s32 $0x8F2B, s0  }
0xbe: {  	[sflag:s0] =	ssyncadd.remote.s32 $0x1  }
0xbf: {  	_ =	sfence.sel $0xFFFF  }
0xc0: {  	[dreg:$0x0] =	wrdreg $0xFFFFFFFF;
	(pc) =	sbr.abs _section_cstart, $3  }
0xc1: {  	[dreg:$0x1] =	wrdreg $0xFFFFFFFF  }
0xc2: {  	_ =	task.clear_ibuf [dreg:s7], $0x2FFFF;
	_ =	strace $0x9FFFFFFF  }
0xc3: {  	(tm) =	ssettm $0x7FFFFFFF  }
tec
execute0_lowered:
.L_overlay_start_1:
0x0: {  	(tag) =	ssettag $0x1  }
0x1: {  	s1 =	srdreg.scid;
	s0 =	rddreg [dreg:$0x0]  }
0x2: {  	s2 =	rddreg [dreg:$0x1];
	s3 =	simm.s32 $0x4C;
	s13 =	stileid.u32  }
0x3: {  	s4 =	rddreg [dreg:$0x2];
	s5 =	simm.s32 $0x0;
	s19 =	simm.s32 $0x2  }
0x4: {  	s20 =	simm.s32 $0x18800;
	s21 =	simm.s32 $0x18A00;
	s28 =	simm.s32 $0x1AC00  }
0x5: {  	s29 =	simm.s32 $0x18980;
	s30 =	simm.s32 $0x1BC00;
	s31 =	simm.s32 $0x1  }
0x6: {  	s1 =	sand.u32 $0x1, s1;
	[smem:$0x7FF] =	sst s5;
	s10 =	smul.u32 $0x18800, s13  }
0x7: {  	p0 =	seq.s32 s1, $0x0;
	s7 =	smul.u32 $0x98000, s1;
	_ =	strace $0x80000047  }
0x8: {  	s9 =	smul.u32 $0x188000, s1;
	s1 =	ssub.s32 $0x2, s1;
	s3 =	simm.s32 @!p0 $0x18  }
0x9: {  	s22 =	sshrl.u32 s1, $0x1;
	s23 =	sadd.s32 s10, s4;
	s6 =	smul.u32 s3, s13  }
0xa: {  	s12 =	sadd.s32 s10, s9;
	s9 =	sadd.s32 $0x99C00, s2;
	s13 =	sshll.u32 s13, $0x6  }
0xb: {  	s1 =	ssub.s32 s1, s22;
	s18 =	sshrl.u32 s23, $0x3;
	s22 =	simm.s32 $0x80  }
0xc: {  	s23 =	simm.s32 $0x18C00;
	s12 =	sshrl.u32 s12, $0x3;
	s6 =	sshll.u32 s6, $0x9  }
0xd: {  	s10 =	sor.u32 $0x1C02, s13;
	s1 =	smax.u32 s1, $0x1;
	s8 =	sadd.s32 s7, s6  }
0xe: {  	s6 =	sadd.s32 $0x36C00, s2;
	s7 =	sadd.s32 $0x5C00, s2;
	s11 =	sshrl.u32 s8, $0x3  }
0xf: {  	s8 =	sadd.s32 $0x251C00, s2;
	s11 =	sadd.s32 s11, s2;
	s2 =	sadd.s32 s12, s2  }
0x10: {  	[dreg:$0x8] =	wrdreg s1;
	s1 =	simm.s32 $0x18B00;
	s24 =	sadd.s32 $0x9CE00, s2  }
0x11: {  	s12 =	simm.s32 $0x0;
	s25 =	sadd.s32 $0xFEE00, s2;
	[dreg:$0x4] =	wrdreg s24  }
0x12: {  	s26 =	sadd.s32 $0x160E00, s2;
	s2 =	sadd.s32 $0x1C2E00, s2;
	[dreg:$0x5] =	wrdreg s25  }
0x13: {  	s14 =	sadd.s32 $0x67C00, s11;
	s15 =	sadd.s32 $0x80C00, s11;
	[dreg:$0x6] =	wrdreg s26  }
0x14: {  	s11 =	simm.s32 $0x18B80;
	[dreg:$0x7] =	wrdreg s2;
	s24 =	simm.s32 $0x18880  }
0x15: {  	s25 =	simm.s32 $0x19C00;
	s26 =	simm.s32 $0x18900;
	s2 =	simm.s32 $0x18A80  }
.LBB2_1:
0x16: {  	[spmem:s18], [sflag:s10] =	dma.local [hbm:s9], $0x3100  }
0x17: {  	_ =	swait.ge [sflag:s19], $0x3100  }
0x18: {  	[sflag:s19] =	ssyncset.done $0x0  }
0x19: {  	[sflag:s19] =	ssyncadd.s32 $0xFFFFCF00  }
0x1a: {  	[bflag:$0x0] =	sbarrier.arrive $0xFFFF  }
0x1b: {  	[tilespmem:s20], [sflag:$0x2] =	stream.linear.gather [hbm4b:s15+s5], $0x200, $0x38;
	[tilespmem:$0x1CC00] =	vst v63  }
0x1c: {  	_ =	swait.ge [sflag:s19], $0x200  }
0x1d: {  	[sflag:s19] =	ssyncset.done $0x0  }
0x1e: {  	[sflag:s19] =	ssyncadd.s32 $0xFFFFFE00  }
0x1f: {  	[tilespmem:s21], [sflag:$0x2] =	stream.linear.gather [hbm4b:s14+s5], $0x200, $0x38;
	[tilespmem:$0x1CC00] =	vst v63  }
0x20: {  	_ =	swait.ge [sflag:s19], $0x200  }
0x21: {  	[sflag:s19] =	ssyncset.done $0x0  }
0x22: {  	[sflag:s19] =	ssyncadd.s32 $0xFFFFFE00  }
0x23: {  	[tilespmem:s23], [sflag:$0x1] =	stream.indirect.gather [hbm4b:s0+s22], $0x20, s20, s22, $0xb8;
	[tilespmem:$0x1CC00] =	vst v63  }
0x24: {  	_ = 	snop  }
0x25: {  	[tilespmem:s25], [sflag:$0x1] =	stream.indirect.gather [hbm4b:s0+s22], $0x20, s24, s22, $0xb8;
	[tilespmem:$0x1CC00] =	vst v63  }
0x26: {  	_ = 	snop  }
0x27: {  	[tilespmem:s28], [sflag:$0x1] =	stream.indirect.gather [hbm4b:s0+s22], $0x20, s26, s22, $0xb8;
	[tilespmem:$0x1CC00] =	vst v63  }
0x28: {  	_ = 	snop  }
0x29: {  	[tilespmem:s30], [sflag:$0x1] =	stream.indirect.gather [hbm4b:s0+s22], $0x20, s29, s22, $0xb8;
	[tilespmem:$0x1CC00] =	vst v63  }
0x2a: {  	_ =	swait.ge [sflag:s31], $0x1000  }
0x2b: {  	[sflag:s31] =	ssyncset.done $0x0  }
0x2c: {  	[sflag:s31] =	ssyncadd.s32 $0xFFFFF000  }
0x2d: {  	_ =	swait.ge [sflag:s31], $0x1000  }
0x2e: {  	[sflag:s31] =	ssyncset.done $0x0  }
0x2f: {  	[sflag:s31] =	ssyncadd.s32 $0xFFFFF000  }
0x30: {  	_ =	swait.ge [sflag:s31], $0x1000  }
0x31: {  	[sflag:s31] =	ssyncset.done $0x0  }
0x32: {  	[sflag:s31] =	ssyncadd.s32 $0xFFFFF000  }
0x33: {  	_ =	swait.ge [sflag:s31], $0x1000  }
0x34: {  	[sflag:s31] =	ssyncset.done $0x0  }
0x35: {  	[sflag:s31] =	ssyncadd.s32 $0xFFFFF000  }
0x36: {  	[spmem:s4] =	stream.indirect.scatter.add.f32 [tilespmem:s23], [sflag:$0x2], $0x20, s21, s22, $0xb8;
	[tilespmem:$0x1CC00] =	vst v63  }
0x37: {  	_ =	swait.ge [sflag:s19], $0x1000  }
0x38: {  	[sflag:s19] =	ssyncset.done $0x0  }
0x39: {  	[sflag:s19] =	ssyncadd.s32 $0xFFFFF000  }
0x3a: {  	[spmem:s4] =	stream.indirect.scatter.add.f32 [tilespmem:s25], [sflag:$0x2], $0x20, s2, s22, $0xb8;
	[tilespmem:$0x1CC00] =	vst v63  }
0x3b: {  	_ =	swait.ge [sflag:s19], $0x1000  }
0x3c: {  	[sflag:s19] =	ssyncset.done $0x0  }
0x3d: {  	[sflag:s19] =	ssyncadd.s32 $0xFFFFF000  }
0x3e: {  	[spmem:s4] =	stream.indirect.scatter.add.f32 [tilespmem:s28], [sflag:$0x2], $0x20, s1, s22, $0xb8;
	[tilespmem:$0x1CC00] =	vst v63  }
0x3f: {  	p0 =	sne.s32 s3, $0x1;
	_ =	swait.ge [sflag:s19], $0x1000  }
.Ltmp0:
0x40: {  	[sflag:s19] =	ssyncset.done $0x0;
	(pc) =	sbr.rel @!p0 .LBB2_3-.Ltmp0, $4  }
0x41: {  	[sflag:s19] =	ssyncadd.s32 $0xFFFFF000  }
0x42: {  	[spmem:s4] =	stream.indirect.scatter.add.f32 [tilespmem:s30], [sflag:$0x2], $0x20, s11, s22, $0xb8;
	[tilespmem:$0x1CC00] =	vst v63  }
0x43: {  	s13 =	sadd.s32 $0xFFFFFFFF, s3;
	_ =	swait.ge [sflag:s19], $0x1000  }
0x44: {  	s16 =	smov.u32 s14;
	s17 =	smov.u32 s15;
	[sflag:s19] =	ssyncset.done $0x0  }
.LBB2_2:
0x45: {  	[sflag:s19] =	ssyncadd.s32 $0xFFFFF000;
	s16 =	sadd.s32 $0x40, s16;
	s17 =	sadd.s32 $0x40, s17  }
0x46: {  	[tilespmem:s20], [sflag:$0x2] =	stream.linear.gather [hbm4b:s17+s5], $0x200, $0x38;
	[tilespmem:$0x1CC00] =	vst v63  }
0x47: {  	p1 =	sne.s32 s13, $0x1;
	s13 =	sadd.s32 $0xFFFFFFFF, s13;
	_ =	swait.ge [sflag:s19], $0x200  }
0x48: {  	[sflag:s19] =	ssyncset.done $0x0  }
0x49: {  	[sflag:s19] =	ssyncadd.s32 $0xFFFFFE00  }
0x4a: {  	[tilespmem:s21], [sflag:$0x2] =	stream.linear.gather [hbm4b:s16+s5], $0x200, $0x38;
	[tilespmem:$0x1CC00] =	vst v63  }
0x4b: {  	_ =	swait.ge [sflag:s19], $0x200  }
0x4c: {  	[sflag:s19] =	ssyncset.done $0x0  }
0x4d: {  	[sflag:s19] =	ssyncadd.s32 $0xFFFFFE00  }
0x4e: {  	[tilespmem:s23], [sflag:$0x1] =	stream.indirect.gather [hbm4b:s0+s22], $0x20, s20, s22, $0xb8;
	[tilespmem:$0x1CC00] =	vst v63  }
0x4f: {  	_ = 	snop  }
0x50: {  	[tilespmem:s25], [sflag:$0x1] =	stream.indirect.gather [hbm4b:s0+s22], $0x20, s24, s22, $0xb8;
	[tilespmem:$0x1CC00] =	vst v63  }
0x51: {  	_ = 	snop  }
0x52: {  	[tilespmem:s28], [sflag:$0x1] =	stream.indirect.gather [hbm4b:s0+s22], $0x20, s26, s22, $0xb8;
	[tilespmem:$0x1CC00] =	vst v63  }
0x53: {  	_ = 	snop  }
0x54: {  	[tilespmem:s30], [sflag:$0x1] =	stream.indirect.gather [hbm4b:s0+s22], $0x20, s29, s22, $0xb8;
	[tilespmem:$0x1CC00] =	vst v63  }
0x55: {  	_ =	swait.ge [sflag:s31], $0x1000  }
0x56: {  	[sflag:s31] =	ssyncset.done $0x0  }
0x57: {  	[sflag:s31] =	ssyncadd.s32 $0xFFFFF000  }
0x58: {  	_ =	swait.ge [sflag:s31], $0x1000  }
0x59: {  	[sflag:s31] =	ssyncset.done $0x0  }
0x5a: {  	[sflag:s31] =	ssyncadd.s32 $0xFFFFF000  }
0x5b: {  	_ =	swait.ge [sflag:s31], $0x1000  }
0x5c: {  	[sflag:s31] =	ssyncset.done $0x0  }
0x5d: {  	[sflag:s31] =	ssyncadd.s32 $0xFFFFF000  }
0x5e: {  	_ =	swait.ge [sflag:s31], $0x1000  }
0x5f: {  	[sflag:s31] =	ssyncset.done $0x0  }
0x60: {  	[sflag:s31] =	ssyncadd.s32 $0xFFFFF000  }
0x61: {  	[spmem:s4] =	stream.indirect.scatter.add.f32 [tilespmem:s23], [sflag:$0x2], $0x20, s21, s22, $0xb8;
	[tilespmem:$0x1CC00] =	vst v63  }
0x62: {  	_ =	swait.ge [sflag:s19], $0x1000  }
0x63: {  	[sflag:s19] =	ssyncset.done $0x0  }
0x64: {  	[sflag:s19] =	ssyncadd.s32 $0xFFFFF000  }
0x65: {  	[spmem:s4] =	stream.indirect.scatter.add.f32 [tilespmem:s25], [sflag:$0x2], $0x20, s2, s22, $0xb8;
	[tilespmem:$0x1CC00] =	vst v63  }
0x66: {  	_ =	swait.ge [sflag:s19], $0x1000  }
0x67: {  	[sflag:s19] =	ssyncset.done $0x0  }
0x68: {  	[sflag:s19] =	ssyncadd.s32 $0xFFFFF000  }
0x69: {  	[spmem:s4] =	stream.indirect.scatter.add.f32 [tilespmem:s28], [sflag:$0x2], $0x20, s1, s22, $0xb8;
	[tilespmem:$0x1CC00] =	vst v63  }
0x6a: {  	_ =	swait.ge [sflag:s19], $0x1000  }
.Ltmp1:
0x6b: {  	[sflag:s19] =	ssyncset.done $0x0;
	(pc) =	sbr.rel @p1 .LBB2_2-.Ltmp1, $4  }
0x6c: {  	[sflag:s19] =	ssyncadd.s32 $0xFFFFF000  }
0x6d: {  	[spmem:s4] =	stream.indirect.scatter.add.f32 [tilespmem:s30], [sflag:$0x2], $0x20, s11, s22, $0xb8;
	[tilespmem:$0x1CC00] =	vst v63  }
0x6e: {  	_ =	swait.ge [sflag:s19], $0x1000  }
0x6f: {  	[sflag:s19] =	ssyncset.done $0x0  }
.LBB2_3:
0x70: {  	[sflag:s19] =	ssyncadd.s32 $0xFFFFF000  }
0x71: {  	[bflag:$0x0] =	sbarrier.arrive $0xFFFF  }
0x72: {  	s13 =	rddreg [dreg:$0x4]  }
0x73: {  	[hbm:s13], [sflag:s10] =	dma.local [spmem:s18], $0x3100  }
0x74: {  	_ =	swait.ge [sflag:s19], $0x3100  }
0x75: {  	[sflag:s19] =	ssyncset.done $0x0  }
0x76: {  	[sflag:s19] =	ssyncadd.s32 $0xFFFFCF00  }
0x77: {  	[spmem:s18], [sflag:s10] =	dma.local [hbm:s9], $0x3100  }
0x78: {  	_ =	swait.ge [sflag:s19], $0x3100  }
0x79: {  	[sflag:s19] =	ssyncset.done $0x0  }
0x7a: {  	[sflag:s19] =	ssyncadd.s32 $0xFFFFCF00  }
0x7b: {  	[bflag:$0x0] =	sbarrier.arrive $0xFFFF  }
0x7c: {  	[tilespmem:s20], [sflag:$0x2] =	stream.linear.gather [hbm4b:s15+s5], $0x200, $0x38;
	[tilespmem:$0x1CC00] =	vst v63  }
0x7d: {  	_ =	swait.ge [sflag:s19], $0x200  }
0x7e: {  	[sflag:s19] =	ssyncset.done $0x0  }
0x7f: {  	[sflag:s19] =	ssyncadd.s32 $0xFFFFFE00  }
0x80: {  	[tilespmem:s21], [sflag:$0x2] =	stream.linear.gather [hbm4b:s14+s5], $0x200, $0x38;
	[tilespmem:$0x1CC00] =	vst v63  }
0x81: {  	_ =	swait.ge [sflag:s19], $0x200  }
0x82: {  	[sflag:s19] =	ssyncset.done $0x0  }
0x83: {  	[sflag:s19] =	ssyncadd.s32 $0xFFFFFE00  }
0x84: {  	[tilespmem:s23], [sflag:$0x1] =	stream.indirect.gather [hbm4b:s6+s22], $0x20, s20, s22, $0xb8;
	[tilespmem:$0x1CC00] =	vst v63  }
0x85: {  	_ = 	snop  }
0x86: {  	[tilespmem:s25], [sflag:$0x1] =	stream.indirect.gather [hbm4b:s6+s22], $0x20, s24, s22, $0xb8;
	[tilespmem:$0x1CC00] =	vst v63  }
0x87: {  	_ = 	snop  }
0x88: {  	[tilespmem:s28], [sflag:$0x1] =	stream.indirect.gather [hbm4b:s6+s22], $0x20, s26, s22, $0xb8;
	[tilespmem:$0x1CC00] =	vst v63  }
0x89: {  	_ = 	snop  }
0x8a: {  	[tilespmem:s30], [sflag:$0x1] =	stream.indirect.gather [hbm4b:s6+s22], $0x20, s29, s22, $0xb8;
	[tilespmem:$0x1CC00] =	vst v63  }
0x8b: {  	_ =	swait.ge [sflag:s31], $0x1000  }
0x8c: {  	[sflag:s31] =	ssyncset.done $0x0  }
0x8d: {  	[sflag:s31] =	ssyncadd.s32 $0xFFFFF000  }
0x8e: {  	_ =	swait.ge [sflag:s31], $0x1000  }
0x8f: {  	[sflag:s31] =	ssyncset.done $0x0  }
0x90: {  	[sflag:s31] =	ssyncadd.s32 $0xFFFFF000  }
0x91: {  	_ =	swait.ge [sflag:s31], $0x1000  }
0x92: {  	[sflag:s31] =	ssyncset.done $0x0  }
0x93: {  	[sflag:s31] =	ssyncadd.s32 $0xFFFFF000  }
0x94: {  	_ =	swait.ge [sflag:s31], $0x1000  }
0x95: {  	[sflag:s31] =	ssyncset.done $0x0  }
0x96: {  	[sflag:s31] =	ssyncadd.s32 $0xFFFFF000  }
0x97: {  	[spmem:s4] =	stream.indirect.scatter.add.f32 [tilespmem:s23], [sflag:$0x2], $0x20, s21, s22, $0xb8;
	[tilespmem:$0x1CC00] =	vst v63  }
0x98: {  	_ =	swait.ge [sflag:s19], $0x1000  }
0x99: {  	[sflag:s19] =	ssyncset.done $0x0  }
0x9a: {  	[sflag:s19] =	ssyncadd.s32 $0xFFFFF000  }
0x9b: {  	[spmem:s4] =	stream.indirect.scatter.add.f32 [tilespmem:s25], [sflag:$0x2], $0x20, s2, s22, $0xb8;
	[tilespmem:$0x1CC00] =	vst v63  }
0x9c: {  	_ =	swait.ge [sflag:s19], $0x1000  }
0x9d: {  	[sflag:s19] =	ssyncset.done $0x0  }
0x9e: {  	[sflag:s19] =	ssyncadd.s32 $0xFFFFF000  }
0x9f: {  	[spmem:s4] =	stream.indirect.scatter.add.f32 [tilespmem:s28], [sflag:$0x2], $0x20, s1, s22, $0xb8;
	[tilespmem:$0x1CC00] =	vst v63  }
0xa0: {  	_ =	swait.ge [sflag:s19], $0x1000  }
.Ltmp2:
0xa1: {  	[sflag:s19] =	ssyncset.done $0x0;
	(pc) =	sbr.rel @!p0 .LBB2_5-.Ltmp2, $4  }
0xa2: {  	[sflag:s19] =	ssyncadd.s32 $0xFFFFF000  }
0xa3: {  	[spmem:s4] =	stream.indirect.scatter.add.f32 [tilespmem:s30], [sflag:$0x2], $0x20, s11, s22, $0xb8;
	[tilespmem:$0x1CC00] =	vst v63  }
0xa4: {  	s16 =	smov.u32 s14;
	_ =	swait.ge [sflag:s19], $0x1000  }
0xa5: {  	s17 =	smov.u32 s15;
	s13 =	sadd.s32 $0xFFFFFFFF, s3;
	[sflag:s19] =	ssyncset.done $0x0  }
.LBB2_4:
0xa6: {  	[sflag:s19] =	ssyncadd.s32 $0xFFFFF000;
	s16 =	sadd.s32 $0x40, s16;
	s17 =	sadd.s32 $0x40, s17  }
0xa7: {  	[tilespmem:s20], [sflag:$0x2] =	stream.linear.gather [hbm4b:s17+s5], $0x200, $0x38;
	[tilespmem:$0x1CC00] =	vst v63  }
0xa8: {  	p1 =	sne.s32 s13, $0x1;
	s13 =	sadd.s32 $0xFFFFFFFF, s13;
	_ =	swait.ge [sflag:s19], $0x200  }
0xa9: {  	[sflag:s19] =	ssyncset.done $0x0  }
0xaa: {  	[sflag:s19] =	ssyncadd.s32 $0xFFFFFE00  }
0xab: {  	[tilespmem:s21], [sflag:$0x2] =	stream.linear.gather [hbm4b:s16+s5], $0x200, $0x38;
	[tilespmem:$0x1CC00] =	vst v63  }
0xac: {  	_ =	swait.ge [sflag:s19], $0x200  }
0xad: {  	[sflag:s19] =	ssyncset.done $0x0  }
0xae: {  	[sflag:s19] =	ssyncadd.s32 $0xFFFFFE00  }
0xaf: {  	[tilespmem:s23], [sflag:$0x1] =	stream.indirect.gather [hbm4b:s6+s22], $0x20, s20, s22, $0xb8;
	[tilespmem:$0x1CC00] =	vst v63  }
0xb0: {  	_ = 	snop  }
0xb1: {  	[tilespmem:s25], [sflag:$0x1] =	stream.indirect.gather [hbm4b:s6+s22], $0x20, s24, s22, $0xb8;
	[tilespmem:$0x1CC00] =	vst v63  }
0xb2: {  	_ = 	snop  }
0xb3: {  	[tilespmem:s28], [sflag:$0x1] =	stream.indirect.gather [hbm4b:s6+s22], $0x20, s26, s22, $0xb8;
	[tilespmem:$0x1CC00] =	vst v63  }
0xb4: {  	_ = 	snop  }
0xb5: {  	[tilespmem:s30], [sflag:$0x1] =	stream.indirect.gather [hbm4b:s6+s22], $0x20, s29, s22, $0xb8;
	[tilespmem:$0x1CC00] =	vst v63  }
0xb6: {  	_ =	swait.ge [sflag:s31], $0x1000  }
0xb7: {  	[sflag:s31] =	ssyncset.done $0x0  }
0xb8: {  	[sflag:s31] =	ssyncadd.s32 $0xFFFFF000  }
0xb9: {  	_ =	swait.ge [sflag:s31], $0x1000  }
0xba: {  	[sflag:s31] =	ssyncset.done $0x0  }
0xbb: {  	[sflag:s31] =	ssyncadd.s32 $0xFFFFF000  }
0xbc: {  	_ =	swait.ge [sflag:s31], $0x1000  }
0xbd: {  	[sflag:s31] =	ssyncset.done $0x0  }
0xbe: {  	[sflag:s31] =	ssyncadd.s32 $0xFFFFF000  }
0xbf: {  	_ =	swait.ge [sflag:s31], $0x1000  }
0xc0: {  	[sflag:s31] =	ssyncset.done $0x0  }
0xc1: {  	[sflag:s31] =	ssyncadd.s32 $0xFFFFF000  }
0xc2: {  	[spmem:s4] =	stream.indirect.scatter.add.f32 [tilespmem:s23], [sflag:$0x2], $0x20, s21, s22, $0xb8;
	[tilespmem:$0x1CC00] =	vst v63  }
0xc3: {  	_ =	swait.ge [sflag:s19], $0x1000  }
0xc4: {  	[sflag:s19] =	ssyncset.done $0x0  }
0xc5: {  	[sflag:s19] =	ssyncadd.s32 $0xFFFFF000  }
0xc6: {  	[spmem:s4] =	stream.indirect.scatter.add.f32 [tilespmem:s25], [sflag:$0x2], $0x20, s2, s22, $0xb8;
	[tilespmem:$0x1CC00] =	vst v63  }
0xc7: {  	_ =	swait.ge [sflag:s19], $0x1000  }
0xc8: {  	[sflag:s19] =	ssyncset.done $0x0  }
0xc9: {  	[sflag:s19] =	ssyncadd.s32 $0xFFFFF000  }
0xca: {  	[spmem:s4] =	stream.indirect.scatter.add.f32 [tilespmem:s28], [sflag:$0x2], $0x20, s1, s22, $0xb8;
	[tilespmem:$0x1CC00] =	vst v63  }
0xcb: {  	_ =	swait.ge [sflag:s19], $0x1000  }
.Ltmp3:
0xcc: {  	[sflag:s19] =	ssyncset.done $0x0;
	(pc) =	sbr.rel @p1 .LBB2_4-.Ltmp3, $4  }
0xcd: {  	[sflag:s19] =	ssyncadd.s32 $0xFFFFF000  }
0xce: {  	[spmem:s4] =	stream.indirect.scatter.add.f32 [tilespmem:s30], [sflag:$0x2], $0x20, s11, s22, $0xb8;
	[tilespmem:$0x1CC00] =	vst v63  }
0xcf: {  	_ =	swait.ge [sflag:s19], $0x1000  }
0xd0: {  	[sflag:s19] =	ssyncset.done $0x0  }
.LBB2_5:
0xd1: {  	[sflag:s19] =	ssyncadd.s32 $0xFFFFF000  }
0xd2: {  	[bflag:$0x0] =	sbarrier.arrive $0xFFFF  }
0xd3: {  	s13 =	rddreg [dreg:$0x5]  }
0xd4: {  	[hbm:s13], [sflag:s10] =	dma.local [spmem:s18], $0x3100  }
0xd5: {  	_ =	swait.ge [sflag:s19], $0x3100  }
0xd6: {  	[sflag:s19] =	ssyncset.done $0x0  }
0xd7: {  	[sflag:s19] =	ssyncadd.s32 $0xFFFFCF00  }
0xd8: {  	[spmem:s18], [sflag:s10] =	dma.local [hbm:s9], $0x3100  }
0xd9: {  	_ =	swait.ge [sflag:s19], $0x3100  }
0xda: {  	[sflag:s19] =	ssyncset.done $0x0  }
0xdb: {  	[sflag:s19] =	ssyncadd.s32 $0xFFFFCF00  }
0xdc: {  	[bflag:$0x0] =	sbarrier.arrive $0xFFFF  }
0xdd: {  	[tilespmem:s20], [sflag:$0x2] =	stream.linear.gather [hbm4b:s15+s5], $0x200, $0x38;
	[tilespmem:$0x1CC00] =	vst v63  }
0xde: {  	_ =	swait.ge [sflag:s19], $0x200  }
0xdf: {  	[sflag:s19] =	ssyncset.done $0x0  }
0xe0: {  	[sflag:s19] =	ssyncadd.s32 $0xFFFFFE00  }
0xe1: {  	[tilespmem:s21], [sflag:$0x2] =	stream.linear.gather [hbm4b:s14+s5], $0x200, $0x38;
	[tilespmem:$0x1CC00] =	vst v63  }
0xe2: {  	_ =	swait.ge [sflag:s19], $0x200  }
0xe3: {  	[sflag:s19] =	ssyncset.done $0x0  }
0xe4: {  	[sflag:s19] =	ssyncadd.s32 $0xFFFFFE00  }
0xe5: {  	[tilespmem:s23], [sflag:$0x1] =	stream.indirect.gather [hbm4b:s7+s22], $0x20, s20, s22, $0xb8;
	[tilespmem:$0x1CC00] =	vst v63  }
0xe6: {  	_ = 	snop  }
0xe7: {  	[tilespmem:s25], [sflag:$0x1] =	stream.indirect.gather [hbm4b:s7+s22], $0x20, s24, s22, $0xb8;
	[tilespmem:$0x1CC00] =	vst v63  }
0xe8: {  	_ = 	snop  }
0xe9: {  	[tilespmem:s28], [sflag:$0x1] =	stream.indirect.gather [hbm4b:s7+s22], $0x20, s26, s22, $0xb8;
	[tilespmem:$0x1CC00] =	vst v63  }
0xea: {  	_ = 	snop  }
0xeb: {  	[tilespmem:s30], [sflag:$0x1] =	stream.indirect.gather [hbm4b:s7+s22], $0x20, s29, s22, $0xb8;
	[tilespmem:$0x1CC00] =	vst v63  }
0xec: {  	_ =	swait.ge [sflag:s31], $0x1000  }
0xed: {  	[sflag:s31] =	ssyncset.done $0x0  }
0xee: {  	[sflag:s31] =	ssyncadd.s32 $0xFFFFF000  }
0xef: {  	_ =	swait.ge [sflag:s31], $0x1000  }
0xf0: {  	[sflag:s31] =	ssyncset.done $0x0  }
0xf1: {  	[sflag:s31] =	ssyncadd.s32 $0xFFFFF000  }
0xf2: {  	_ =	swait.ge [sflag:s31], $0x1000  }
0xf3: {  	[sflag:s31] =	ssyncset.done $0x0  }
0xf4: {  	[sflag:s31] =	ssyncadd.s32 $0xFFFFF000  }
0xf5: {  	_ =	swait.ge [sflag:s31], $0x1000  }
0xf6: {  	[sflag:s31] =	ssyncset.done $0x0  }
0xf7: {  	[sflag:s31] =	ssyncadd.s32 $0xFFFFF000  }
0xf8: {  	[spmem:s4] =	stream.indirect.scatter.add.f32 [tilespmem:s23], [sflag:$0x2], $0x20, s21, s22, $0xb8;
	[tilespmem:$0x1CC00] =	vst v63  }
0xf9: {  	_ =	swait.ge [sflag:s19], $0x1000  }
0xfa: {  	[sflag:s19] =	ssyncset.done $0x0  }
0xfb: {  	[sflag:s19] =	ssyncadd.s32 $0xFFFFF000  }
0xfc: {  	[spmem:s4] =	stream.indirect.scatter.add.f32 [tilespmem:s25], [sflag:$0x2], $0x20, s2, s22, $0xb8;
	[tilespmem:$0x1CC00] =	vst v63  }
0xfd: {  	_ =	swait.ge [sflag:s19], $0x1000  }
0xfe: {  	[sflag:s19] =	ssyncset.done $0x0  }
0xff: {  	[sflag:s19] =	ssyncadd.s32 $0xFFFFF000  }
0x100: {  	[spmem:s4] =	stream.indirect.scatter.add.f32 [tilespmem:s28], [sflag:$0x2], $0x20, s1, s22, $0xb8;
	[tilespmem:$0x1CC00] =	vst v63  }
0x101: {  	_ =	swait.ge [sflag:s19], $0x1000  }
.Ltmp4:
0x102: {  	[sflag:s19] =	ssyncset.done $0x0;
	(pc) =	sbr.rel @!p0 .LBB2_7-.Ltmp4, $4  }
0x103: {  	[sflag:s19] =	ssyncadd.s32 $0xFFFFF000  }
0x104: {  	[spmem:s4] =	stream.indirect.scatter.add.f32 [tilespmem:s30], [sflag:$0x2], $0x20, s11, s22, $0xb8;
	[tilespmem:$0x1CC00] =	vst v63  }
0x105: {  	s16 =	smov.u32 s14;
	_ =	swait.ge [sflag:s19], $0x1000  }
0x106: {  	s17 =	smov.u32 s15;
	s13 =	sadd.s32 $0xFFFFFFFF, s3;
	[sflag:s19] =	ssyncset.done $0x0  }
.LBB2_6:
0x107: {  	[sflag:s19] =	ssyncadd.s32 $0xFFFFF000;
	s16 =	sadd.s32 $0x40, s16;
	s17 =	sadd.s32 $0x40, s17  }
0x108: {  	[tilespmem:s20], [sflag:$0x2] =	stream.linear.gather [hbm4b:s17+s5], $0x200, $0x38;
	[tilespmem:$0x1CC00] =	vst v63  }
0x109: {  	p1 =	sne.s32 s13, $0x1;
	s13 =	sadd.s32 $0xFFFFFFFF, s13;
	_ =	swait.ge [sflag:s19], $0x200  }
0x10a: {  	[sflag:s19] =	ssyncset.done $0x0  }
0x10b: {  	[sflag:s19] =	ssyncadd.s32 $0xFFFFFE00  }
0x10c: {  	[tilespmem:s21], [sflag:$0x2] =	stream.linear.gather [hbm4b:s16+s5], $0x200, $0x38;
	[tilespmem:$0x1CC00] =	vst v63  }
0x10d: {  	_ =	swait.ge [sflag:s19], $0x200  }
0x10e: {  	[sflag:s19] =	ssyncset.done $0x0  }
0x10f: {  	[sflag:s19] =	ssyncadd.s32 $0xFFFFFE00  }
0x110: {  	[tilespmem:s23], [sflag:$0x1] =	stream.indirect.gather [hbm4b:s7+s22], $0x20, s20, s22, $0xb8;
	[tilespmem:$0x1CC00] =	vst v63  }
0x111: {  	_ = 	snop  }
0x112: {  	[tilespmem:s25], [sflag:$0x1] =	stream.indirect.gather [hbm4b:s7+s22], $0x20, s24, s22, $0xb8;
	[tilespmem:$0x1CC00] =	vst v63  }
0x113: {  	_ = 	snop  }
0x114: {  	[tilespmem:s28], [sflag:$0x1] =	stream.indirect.gather [hbm4b:s7+s22], $0x20, s26, s22, $0xb8;
	[tilespmem:$0x1CC00] =	vst v63  }
0x115: {  	_ = 	snop  }
0x116: {  	[tilespmem:s30], [sflag:$0x1] =	stream.indirect.gather [hbm4b:s7+s22], $0x20, s29, s22, $0xb8;
	[tilespmem:$0x1CC00] =	vst v63  }
0x117: {  	_ =	swait.ge [sflag:s31], $0x1000  }
0x118: {  	[sflag:s31] =	ssyncset.done $0x0  }
0x119: {  	[sflag:s31] =	ssyncadd.s32 $0xFFFFF000  }
0x11a: {  	_ =	swait.ge [sflag:s31], $0x1000  }
0x11b: {  	[sflag:s31] =	ssyncset.done $0x0  }
0x11c: {  	[sflag:s31] =	ssyncadd.s32 $0xFFFFF000  }
0x11d: {  	_ =	swait.ge [sflag:s31], $0x1000  }
0x11e: {  	[sflag:s31] =	ssyncset.done $0x0  }
0x11f: {  	[sflag:s31] =	ssyncadd.s32 $0xFFFFF000  }
0x120: {  	_ =	swait.ge [sflag:s31], $0x1000  }
0x121: {  	[sflag:s31] =	ssyncset.done $0x0  }
0x122: {  	[sflag:s31] =	ssyncadd.s32 $0xFFFFF000  }
0x123: {  	[spmem:s4] =	stream.indirect.scatter.add.f32 [tilespmem:s23], [sflag:$0x2], $0x20, s21, s22, $0xb8;
	[tilespmem:$0x1CC00] =	vst v63  }
0x124: {  	_ =	swait.ge [sflag:s19], $0x1000  }
0x125: {  	[sflag:s19] =	ssyncset.done $0x0  }
0x126: {  	[sflag:s19] =	ssyncadd.s32 $0xFFFFF000  }
0x127: {  	[spmem:s4] =	stream.indirect.scatter.add.f32 [tilespmem:s25], [sflag:$0x2], $0x20, s2, s22, $0xb8;
	[tilespmem:$0x1CC00] =	vst v63  }
0x128: {  	_ =	swait.ge [sflag:s19], $0x1000  }
0x129: {  	[sflag:s19] =	ssyncset.done $0x0  }
0x12a: {  	[sflag:s19] =	ssyncadd.s32 $0xFFFFF000  }
0x12b: {  	[spmem:s4] =	stream.indirect.scatter.add.f32 [tilespmem:s28], [sflag:$0x2], $0x20, s1, s22, $0xb8;
	[tilespmem:$0x1CC00] =	vst v63  }
0x12c: {  	_ =	swait.ge [sflag:s19], $0x1000  }
.Ltmp5:
0x12d: {  	[sflag:s19] =	ssyncset.done $0x0;
	(pc) =	sbr.rel @p1 .LBB2_6-.Ltmp5, $4  }
0x12e: {  	[sflag:s19] =	ssyncadd.s32 $0xFFFFF000  }
0x12f: {  	[spmem:s4] =	stream.indirect.scatter.add.f32 [tilespmem:s30], [sflag:$0x2], $0x20, s11, s22, $0xb8;
	[tilespmem:$0x1CC00] =	vst v63  }
0x130: {  	_ =	swait.ge [sflag:s19], $0x1000  }
0x131: {  	[sflag:s19] =	ssyncset.done $0x0  }
.LBB2_7:
0x132: {  	[sflag:s19] =	ssyncadd.s32 $0xFFFFF000  }
0x133: {  	[bflag:$0x0] =	sbarrier.arrive $0xFFFF  }
0x134: {  	s13 =	rddreg [dreg:$0x6]  }
0x135: {  	[hbm:s13], [sflag:s10] =	dma.local [spmem:s18], $0x3100  }
0x136: {  	_ =	swait.ge [sflag:s19], $0x3100  }
0x137: {  	[sflag:s19] =	ssyncset.done $0x0  }
0x138: {  	[sflag:s19] =	ssyncadd.s32 $0xFFFFCF00  }
0x139: {  	[spmem:s18], [sflag:s10] =	dma.local [hbm:s9], $0x3100  }
0x13a: {  	_ =	swait.ge [sflag:s19], $0x3100  }
0x13b: {  	[sflag:s19] =	ssyncset.done $0x0  }
0x13c: {  	[sflag:s19] =	ssyncadd.s32 $0xFFFFCF00  }
0x13d: {  	[bflag:$0x0] =	sbarrier.arrive $0xFFFF  }
0x13e: {  	[tilespmem:s20], [sflag:$0x2] =	stream.linear.gather [hbm4b:s15+s5], $0x200, $0x38;
	[tilespmem:$0x1CC00] =	vst v63  }
0x13f: {  	_ =	swait.ge [sflag:s19], $0x200  }
0x140: {  	[sflag:s19] =	ssyncset.done $0x0  }
0x141: {  	[sflag:s19] =	ssyncadd.s32 $0xFFFFFE00  }
0x142: {  	[tilespmem:s21], [sflag:$0x2] =	stream.linear.gather [hbm4b:s14+s5], $0x200, $0x38;
	[tilespmem:$0x1CC00] =	vst v63  }
0x143: {  	_ =	swait.ge [sflag:s19], $0x200  }
0x144: {  	[sflag:s19] =	ssyncset.done $0x0  }
0x145: {  	[sflag:s19] =	ssyncadd.s32 $0xFFFFFE00  }
0x146: {  	[tilespmem:s23], [sflag:$0x1] =	stream.indirect.gather [hbm4b:s8+s22], $0x20, s20, s22, $0xb8;
	[tilespmem:$0x1CC00] =	vst v63  }
0x147: {  	_ = 	snop  }
0x148: {  	[tilespmem:s25], [sflag:$0x1] =	stream.indirect.gather [hbm4b:s8+s22], $0x20, s24, s22, $0xb8;
	[tilespmem:$0x1CC00] =	vst v63  }
0x149: {  	_ = 	snop  }
0x14a: {  	[tilespmem:s28], [sflag:$0x1] =	stream.indirect.gather [hbm4b:s8+s22], $0x20, s26, s22, $0xb8;
	[tilespmem:$0x1CC00] =	vst v63  }
0x14b: {  	_ = 	snop  }
0x14c: {  	[tilespmem:s30], [sflag:$0x1] =	stream.indirect.gather [hbm4b:s8+s22], $0x20, s29, s22, $0xb8;
	[tilespmem:$0x1CC00] =	vst v63  }
0x14d: {  	_ =	swait.ge [sflag:s31], $0x1000  }
0x14e: {  	[sflag:s31] =	ssyncset.done $0x0  }
0x14f: {  	[sflag:s31] =	ssyncadd.s32 $0xFFFFF000  }
0x150: {  	_ =	swait.ge [sflag:s31], $0x1000  }
0x151: {  	[sflag:s31] =	ssyncset.done $0x0  }
0x152: {  	[sflag:s31] =	ssyncadd.s32 $0xFFFFF000  }
0x153: {  	_ =	swait.ge [sflag:s31], $0x1000  }
0x154: {  	[sflag:s31] =	ssyncset.done $0x0  }
0x155: {  	[sflag:s31] =	ssyncadd.s32 $0xFFFFF000  }
0x156: {  	_ =	swait.ge [sflag:s31], $0x1000  }
0x157: {  	[sflag:s31] =	ssyncset.done $0x0  }
0x158: {  	[sflag:s31] =	ssyncadd.s32 $0xFFFFF000  }
0x159: {  	[spmem:s4] =	stream.indirect.scatter.add.f32 [tilespmem:s23], [sflag:$0x2], $0x20, s21, s22, $0xb8;
	[tilespmem:$0x1CC00] =	vst v63  }
0x15a: {  	_ =	swait.ge [sflag:s19], $0x1000  }
0x15b: {  	[sflag:s19] =	ssyncset.done $0x0  }
0x15c: {  	[sflag:s19] =	ssyncadd.s32 $0xFFFFF000  }
0x15d: {  	[spmem:s4] =	stream.indirect.scatter.add.f32 [tilespmem:s25], [sflag:$0x2], $0x20, s2, s22, $0xb8;
	[tilespmem:$0x1CC00] =	vst v63  }
0x15e: {  	_ =	swait.ge [sflag:s19], $0x1000  }
0x15f: {  	[sflag:s19] =	ssyncset.done $0x0  }
0x160: {  	[sflag:s19] =	ssyncadd.s32 $0xFFFFF000  }
0x161: {  	[spmem:s4] =	stream.indirect.scatter.add.f32 [tilespmem:s28], [sflag:$0x2], $0x20, s1, s22, $0xb8;
	[tilespmem:$0x1CC00] =	vst v63  }
0x162: {  	_ =	swait.ge [sflag:s19], $0x1000  }
.Ltmp6:
0x163: {  	[sflag:s19] =	ssyncset.done $0x0;
	(pc) =	sbr.rel @!p0 .LBB2_9-.Ltmp6, $4  }
0x164: {  	[sflag:s19] =	ssyncadd.s32 $0xFFFFF000  }
0x165: {  	[spmem:s4] =	stream.indirect.scatter.add.f32 [tilespmem:s30], [sflag:$0x2], $0x20, s11, s22, $0xb8;
	[tilespmem:$0x1CC00] =	vst v63  }
0x166: {  	s16 =	smov.u32 s14;
	_ =	swait.ge [sflag:s19], $0x1000  }
0x167: {  	s17 =	smov.u32 s15;
	s13 =	sadd.s32 $0xFFFFFFFF, s3;
	[sflag:s19] =	ssyncset.done $0x0  }
.LBB2_8:
0x168: {  	[sflag:s19] =	ssyncadd.s32 $0xFFFFF000;
	s16 =	sadd.s32 $0x40, s16;
	s17 =	sadd.s32 $0x40, s17  }
0x169: {  	[tilespmem:s20], [sflag:$0x2] =	stream.linear.gather [hbm4b:s17+s5], $0x200, $0x38;
	[tilespmem:$0x1CC00] =	vst v63  }
0x16a: {  	p0 =	sne.s32 s13, $0x1;
	s13 =	sadd.s32 $0xFFFFFFFF, s13;
	_ =	swait.ge [sflag:s19], $0x200  }
0x16b: {  	[sflag:s19] =	ssyncset.done $0x0  }
0x16c: {  	[sflag:s19] =	ssyncadd.s32 $0xFFFFFE00  }
0x16d: {  	[tilespmem:s21], [sflag:$0x2] =	stream.linear.gather [hbm4b:s16+s5], $0x200, $0x38;
	[tilespmem:$0x1CC00] =	vst v63  }
0x16e: {  	_ =	swait.ge [sflag:s19], $0x200  }
0x16f: {  	[sflag:s19] =	ssyncset.done $0x0  }
0x170: {  	[sflag:s19] =	ssyncadd.s32 $0xFFFFFE00  }
0x171: {  	[tilespmem:s23], [sflag:$0x1] =	stream.indirect.gather [hbm4b:s8+s22], $0x20, s20, s22, $0xb8;
	[tilespmem:$0x1CC00] =	vst v63  }
0x172: {  	_ = 	snop  }
0x173: {  	[tilespmem:s25], [sflag:$0x1] =	stream.indirect.gather [hbm4b:s8+s22], $0x20, s24, s22, $0xb8;
	[tilespmem:$0x1CC00] =	vst v63  }
0x174: {  	_ = 	snop  }
0x175: {  	[tilespmem:s28], [sflag:$0x1] =	stream.indirect.gather [hbm4b:s8+s22], $0x20, s26, s22, $0xb8;
	[tilespmem:$0x1CC00] =	vst v63  }
0x176: {  	_ = 	snop  }
0x177: {  	[tilespmem:s30], [sflag:$0x1] =	stream.indirect.gather [hbm4b:s8+s22], $0x20, s29, s22, $0xb8;
	[tilespmem:$0x1CC00] =	vst v63  }
0x178: {  	_ =	swait.ge [sflag:s31], $0x1000  }
0x179: {  	[sflag:s31] =	ssyncset.done $0x0  }
0x17a: {  	[sflag:s31] =	ssyncadd.s32 $0xFFFFF000  }
0x17b: {  	_ =	swait.ge [sflag:s31], $0x1000  }
0x17c: {  	[sflag:s31] =	ssyncset.done $0x0  }
0x17d: {  	[sflag:s31] =	ssyncadd.s32 $0xFFFFF000  }
0x17e: {  	_ =	swait.ge [sflag:s31], $0x1000  }
0x17f: {  	[sflag:s31] =	ssyncset.done $0x0  }
0x180: {  	[sflag:s31] =	ssyncadd.s32 $0xFFFFF000  }
0x181: {  	_ =	swait.ge [sflag:s31], $0x1000  }
0x182: {  	[sflag:s31] =	ssyncset.done $0x0  }
0x183: {  	[sflag:s31] =	ssyncadd.s32 $0xFFFFF000  }
0x184: {  	[spmem:s4] =	stream.indirect.scatter.add.f32 [tilespmem:s23], [sflag:$0x2], $0x20, s21, s22, $0xb8;
	[tilespmem:$0x1CC00] =	vst v63  }
0x185: {  	_ =	swait.ge [sflag:s19], $0x1000  }
0x186: {  	[sflag:s19] =	ssyncset.done $0x0  }
0x187: {  	[sflag:s19] =	ssyncadd.s32 $0xFFFFF000  }
0x188: {  	[spmem:s4] =	stream.indirect.scatter.add.f32 [tilespmem:s25], [sflag:$0x2], $0x20, s2, s22, $0xb8;
	[tilespmem:$0x1CC00] =	vst v63  }
0x189: {  	_ =	swait.ge [sflag:s19], $0x1000  }
0x18a: {  	[sflag:s19] =	ssyncset.done $0x0  }
0x18b: {  	[sflag:s19] =	ssyncadd.s32 $0xFFFFF000  }
0x18c: {  	[spmem:s4] =	stream.indirect.scatter.add.f32 [tilespmem:s28], [sflag:$0x2], $0x20, s1, s22, $0xb8;
	[tilespmem:$0x1CC00] =	vst v63  }
0x18d: {  	_ =	swait.ge [sflag:s19], $0x1000  }
.Ltmp7:
0x18e: {  	[sflag:s19] =	ssyncset.done $0x0;
	(pc) =	sbr.rel @p0 .LBB2_8-.Ltmp7, $4  }
0x18f: {  	[sflag:s19] =	ssyncadd.s32 $0xFFFFF000  }
0x190: {  	[spmem:s4] =	stream.indirect.scatter.add.f32 [tilespmem:s30], [sflag:$0x2], $0x20, s11, s22, $0xb8;
	[tilespmem:$0x1CC00] =	vst v63  }
0x191: {  	_ =	swait.ge [sflag:s19], $0x1000  }
0x192: {  	[sflag:s19] =	ssyncset.done $0x0  }
.LBB2_9:
0x193: {  	[sflag:s19] =	ssyncadd.s32 $0xFFFFF000  }
0x194: {  	[bflag:$0x0] =	sbarrier.arrive $0xFFFF  }
0x195: {  	s13 =	rddreg [dreg:$0x7]  }
0x196: {  	[hbm:s13], [sflag:s10] =	dma.local [spmem:s18], $0x3100  }
0x197: {  	_ =	swait.ge [sflag:s19], $0x3100  }
0x198: {  	s12 =	sadd.s32 $0x1, s12;
	s17 =	rddreg [dreg:$0x8]  }
0x199: {  	p0 =	sne.s32 s12, s17  }
.Ltmp8:
0x19a: {  	_ = 	snop;
	(pc) =	sbr.rel @p0 .LBB2_1-.Ltmp8, $3  }
0x19b: {  	_ =	sdelay $0x1  }
0x19c: {  	[sflag:s19] =	ssyncset.done $0x0  }
0x19d: {  	[sflag:s19] =	ssyncadd.s32 $0xFFFFCF00  }
0x19e: {  	_ =	sfence.sel $0x180000  }
0x19f: {  	[bflag:$0x0] =	sbarrier.arrive $0xFFFF  }
0x1a0: {  	_ =	strace $0x90000047  }
0x1a1: {  	s0 =	stileid.u32;
	[bflag:$0x2] =	sbarrier.arrive $0xFFFF  }
0x1a2: {  	p0 =	sne.s32 s0, $0x0;
	s0 =	rddreg [dreg:$0x3]  }
0x1a3: {  	s0 =	sadd.s32 @!p0 $0x100000, s0  }
0x1a4: {  	[sflag:s0] =	ssyncadd.tile.s32 @!p0 $0x1;
	_ =	shalt  }
.Lfunc_end2:
_tile_overlayer_lowered:
.L_overlay_start_2:
0x1a5: {  	(tag) =	ssettag $0x2  }
0x1a6: {  	s0 =	rddreg [dreg:$0x0];
	s2 =	stileid.u32  }
0x1a7: {  	s1 =	rddreg [dreg:$0x1];
	p0 =	sne.s32 s2, $0x0  }
0x1a8: {  	s3 =	rddreg [dreg:$0x2];
	[bflag:$0x3] =	sbarrier.arrive $0xFFFF;
	s2 =	simm.s32 @!p0 $0x1C02  }
0x1a9: {  	[timem:s3], [sflag:s2] =	dma.local @!p0 [hbm:s0], s1  }
0x1aa: {  	s0 =	simm.s32 @!p0 $0x2  }
0x1ab: {  	_ =	swait.ge @!p0 [sflag:s0], s1  }
0x1ac: {  	s1 =	ssub.s32 @!p0 $0x0, s1;
	[sflag:s0] =	ssyncset.done @!p0 $0x0  }
0x1ad: {  	[sflag:s0] =	ssyncadd.s32 @!p0 s1  }
0x1ae: {  	[bflag:$0x3] =	sbarrier.arrive $0xFFFF  }
0x1af: {  	_ =	shalt  }

</sc_bundles>
